<compile_context>
chip_gen: v7x
topology: tpu7x:2x2x1
jax: 0.10.2.dev20260603
libtpu: 0.0.44.dev20260713+nightly
codegen_flags: <defaults>
</compile_context>

<pallas_src>
import jax
import jax.numpy as jnp
from jax import lax
from jax.experimental import pallas as pl
from jax.experimental.pallas import tpu as pltpu
from jax.experimental.pallas import tpu_sc as plsc

D = 64
SCALE = 8.0
NC = 2
NS = 16
NW = NC * NS
L = 16

B_TOTAL = 4096 * 200
B_PER_W = B_TOTAL // NW
CHUNK = 400
N_CHUNKS = B_PER_W // CHUNK
N_PAIRS = N_CHUNKS // 2
ROWS_PER_IT = 8
ROW_VECS = D // L


def _emb_body(x_hbm, lut_hbm, out_hbm,
              idx0, idx1, rin0, rin1, rout0, rout1,
              gsem0, gsem1, osem0, osem1):
    wid = lax.axis_index("s") * NC + lax.axis_index("c")
    base = wid * B_PER_W
    idx = (idx0, idx1)
    rin = (rin0, rin1)
    rout = (rout0, rout1)
    gsem = (gsem0, gsem1)
    osem = (osem0, osem1)

    def start_gather(g, b):
        off = base + g * CHUNK
        pltpu.sync_copy(x_hbm.at[pl.ds(off, CHUNK)], idx[b])
        pltpu.async_copy(lut_hbm.at[idx[b]], rin[b], gsem[b])

    def wait_gather(b):
        pltpu.make_async_copy(lut_hbm.at[idx[b]], rin[b], gsem[b]).wait()

    def start_out(g, b):
        off = base + g * CHUNK
        pltpu.async_copy(rout[b], out_hbm.at[pl.ds(off, CHUNK)], osem[b])

    def wait_out(b):
        pltpu.make_async_copy(
            rout[b], out_hbm.at[pl.ds(base, CHUNK)], osem[b]).wait()

    def scale(b):
        def body(r, c):
            for u in range(ROWS_PER_IT):
                row = r * ROWS_PER_IT + u
                for j in range(ROW_VECS):
                    sl = pl.ds(j * L, L)
                    rout[b][row, sl] = rin[b][row, sl] * SCALE
            return c
        lax.fori_loop(0, CHUNK // ROWS_PER_IT, body, 0)

    def phase(g, b, first, last):
        if not last:
            start_gather(g + 1, 1 - b)
        wait_gather(b)
        if not first:
            wait_out(b)
        scale(b)
        start_out(g, b)

    start_gather(0, 0)
    phase(0, 0, True, False)
    phase(1, 1, True, False)

    def pair(i, c):
        g = i * 2
        phase(g, 0, False, False)
        phase(g + 1, 1, False, False)
        return c

    lax.fori_loop(1, N_PAIRS - 1, pair, 0)
    phase(N_CHUNKS - 2, 0, False, False)
    phase(N_CHUNKS - 1, 1, False, True)
    wait_out(0)
    wait_out(1)


@jax.jit
def kernel(x, lut):
    xf = x.reshape(-1).astype(jnp.int32)
    call = pl.kernel(
        _emb_body,
        out_type=jax.ShapeDtypeStruct((B_TOTAL, D), jnp.float32),
        mesh=plsc.VectorSubcoreMesh(core_axis_name="c", subcore_axis_name="s"),
        scratch_types=[
            pltpu.VMEM((CHUNK,), jnp.int32),
            pltpu.VMEM((CHUNK,), jnp.int32),
            pltpu.VMEM((CHUNK, D), jnp.float32),
            pltpu.VMEM((CHUNK, D), jnp.float32),
            pltpu.VMEM((CHUNK, D), jnp.float32),
            pltpu.VMEM((CHUNK, D), jnp.float32),
            pltpu.SemaphoreType.DMA,
            pltpu.SemaphoreType.DMA,
            pltpu.SemaphoreType.DMA,
            pltpu.SemaphoreType.DMA,
        ],
        compiler_params=pltpu.CompilerParams(use_tc_tiling_on_sc=False),
    )
    out = call(xf, lut)
    return out.reshape(x.shape[0], x.shape[1], D)

# --- scband reference (transcript-rebuilt; emitter-appended) ---
"""Pipeline reference for scband-embeddings-60722247631008 (READ-ONLY COPY).

The authoritative reference and input builder live on the scoring server;
editing this copy changes nothing except your own understanding.
"""

import jax, jax.numpy as jnp
import numpy as np
import math

D_MODEL = 64
VOCAB = 1000000

def setup_inputs(seed: int = 0) -> dict:
    key = jax.random.key(seed)
    k1, k2 = jax.random.split(key)
    x = jax.random.randint(k1, (4096, 200), 0, VOCAB, dtype=jnp.int64)
    lut = jax.random.normal(k2, (VOCAB, D_MODEL), dtype=jnp.float32)
    return {"x": x, "lut": lut}

def reference(x, lut):
    # Embeddings.forward: self.lut(x) * math.sqrt(self.d_model)
    emb = jnp.take(lut, x, axis=0)
    return emb * math.sqrt(D_MODEL)

if __name__ == "__main__":
    import jax
    _d = setup_inputs()
    print(jax.jit(kernel)(*tuple(_d.values())))

</pallas_src>

<mosaic_0001>
#map = affine_map<(d0, d1) -> (0)>
#map1 = affine_map<(d0, d1) -> (0, 0)>
module attributes {stable_mosaic.version = 14 : i64} {
  func.func @_emb_body(%arg0: i32, %arg1: i32, %arg2: memref<819200xi32, #tpu.memory_space<hbm>>, %arg3: memref<1000000x64xf32, #tpu.memory_space<hbm>>, %arg4: memref<819200x64xf32, #tpu.memory_space<hbm>>, %arg5: memref<400xi32, #tpu.memory_space<vmem>>, %arg6: memref<400xi32, #tpu.memory_space<vmem>>, %arg7: memref<400x64xf32, #tpu.memory_space<vmem>>, %arg8: memref<400x64xf32, #tpu.memory_space<vmem>>, %arg9: memref<400x64xf32, #tpu.memory_space<vmem>>, %arg10: memref<400x64xf32, #tpu.memory_space<vmem>>, %arg11: memref<!tpu.dma_semaphore, #tpu.memory_space<semaphore_mem>>, %arg12: memref<!tpu.dma_semaphore, #tpu.memory_space<semaphore_mem>>, %arg13: memref<!tpu.dma_semaphore, #tpu.memory_space<semaphore_mem>>, %arg14: memref<!tpu.dma_semaphore, #tpu.memory_space<semaphore_mem>>) attributes {dimension_semantics = [#tpu.dimension_semantics<core_parallel>, #tpu.dimension_semantics<subcore_parallel>], iteration_bounds = array<i64: 2, 16>, scalar_prefetch = 0 : i64, scratch_operands = 10 : i64, tpu.core_type = #tpu.core_type<sc_vector_subcore>, window_params = [{transform_indices = #map}, {transform_indices = #map1}, {transform_indices = #map1}]} {
    %mul3A = arith.constant 2 : i32
    %mul3A_0 = arith.muli %arg1, %mul3A : i32
    %add3A = arith.addi %mul3A_0, %arg0 : i32
    %mul3A_1 = arith.constant 25600 : i32
    %mul3A_2 = arith.muli %add3A, %mul3A_1 : i32
    %add3A_3 = arith.constant 0 : i32
    %add3A_4 = arith.addi %mul3A_2, %add3A_3 : i32
    "tpu.region"() ({
      %run_scoped3A = tpu.sem_alloc : memref<!tpu.dma_semaphore, #tpu.memory_space<semaphore_mem>>
      %dma_start3A_102 = tpu.memref_slice %arg2[%add3A_4] : memref<819200xi32, #tpu.memory_space<hbm>> -> memref<400xi32, #tpu.memory_space<hbm>>
      %dma_start3A_103 = tpu.memref_slice %arg2[%add3A_4] : memref<819200xi32, #tpu.memory_space<hbm>> -> memref<400xi32, #tpu.memory_space<hbm>>
      tpu.enqueue_dma source(%dma_start3A_103 : memref<400xi32, #tpu.memory_space<hbm>>) target(%arg5 : memref<400xi32, #tpu.memory_space<vmem>>) target_semaphore(%run_scoped3A : memref<!tpu.dma_semaphore, #tpu.memory_space<semaphore_mem>>)
      %dma_wait3A_104 = tpu.memref_slice %arg2[%add3A_4] : memref<819200xi32, #tpu.memory_space<hbm>> -> memref<400xi32, #tpu.memory_space<hbm>>
      %dma_wait3A_105 = tpu.memref_slice %arg2[%add3A_4] : memref<819200xi32, #tpu.memory_space<hbm>> -> memref<400xi32, #tpu.memory_space<hbm>>
      tpu.wait_dma2 semaphore(%run_scoped3A : memref<!tpu.dma_semaphore, #tpu.memory_space<semaphore_mem>>) src(%dma_wait3A_105 : memref<400xi32, #tpu.memory_space<hbm>>) dst(%arg5 : memref<400xi32, #tpu.memory_space<vmem>>)
      tpu.yield
    }) : () -> ()
    %dma_start3A = arith.constant 0 : i32
    %dma_start3A_5 = arith.constant 0 : i32
    %dma_start3A_6 = tpu.memref_slice %arg3[%dma_start3A, %dma_start3A_5] : memref<1000000x64xf32, #tpu.memory_space<hbm>> -> memref<1000000x64xf32, #tpu.memory_space<hbm>>
    tpu.enqueue_indirect_dma source(%dma_start3A_6 : memref<1000000x64xf32, #tpu.memory_space<hbm>>) target(%arg7 : memref<400x64xf32, #tpu.memory_space<vmem>>) offsets(%arg5 : memref<400xi32, #tpu.memory_space<vmem>>) semaphore(%arg11 : memref<!tpu.dma_semaphore, #tpu.memory_space<semaphore_mem>>)
    %add3A_7 = arith.constant 400 : i32
    %add3A_8 = arith.addi %mul3A_2, %add3A_7 : i32
    "tpu.region"() ({
      %run_scoped3A = tpu.sem_alloc : memref<!tpu.dma_semaphore, #tpu.memory_space<semaphore_mem>>
      %dma_start3A_102 = tpu.memref_slice %arg2[%add3A_8] : memref<819200xi32, #tpu.memory_space<hbm>> -> memref<400xi32, #tpu.memory_space<hbm>>
      %dma_start3A_103 = tpu.memref_slice %arg2[%add3A_8] : memref<819200xi32, #tpu.memory_space<hbm>> -> memref<400xi32, #tpu.memory_space<hbm>>
      tpu.enqueue_dma source(%dma_start3A_103 : memref<400xi32, #tpu.memory_space<hbm>>) target(%arg6 : memref<400xi32, #tpu.memory_space<vmem>>) target_semaphore(%run_scoped3A : memref<!tpu.dma_semaphore, #tpu.memory_space<semaphore_mem>>)
      %dma_wait3A_104 = tpu.memref_slice %arg2[%add3A_8] : memref<819200xi32, #tpu.memory_space<hbm>> -> memref<400xi32, #tpu.memory_space<hbm>>
      %dma_wait3A_105 = tpu.memref_slice %arg2[%add3A_8] : memref<819200xi32, #tpu.memory_space<hbm>> -> memref<400xi32, #tpu.memory_space<hbm>>
      tpu.wait_dma2 semaphore(%run_scoped3A : memref<!tpu.dma_semaphore, #tpu.memory_space<semaphore_mem>>) src(%dma_wait3A_105 : memref<400xi32, #tpu.memory_space<hbm>>) dst(%arg6 : memref<400xi32, #tpu.memory_space<vmem>>)
      tpu.yield
    }) : () -> ()
    %dma_start3A_9 = arith.constant 0 : i32
    %dma_start3A_10 = arith.constant 0 : i32
    %dma_start3A_11 = tpu.memref_slice %arg3[%dma_start3A_9, %dma_start3A_10] : memref<1000000x64xf32, #tpu.memory_space<hbm>> -> memref<1000000x64xf32, #tpu.memory_space<hbm>>
    tpu.enqueue_indirect_dma source(%dma_start3A_11 : memref<1000000x64xf32, #tpu.memory_space<hbm>>) target(%arg8 : memref<400x64xf32, #tpu.memory_space<vmem>>) offsets(%arg6 : memref<400xi32, #tpu.memory_space<vmem>>) semaphore(%arg12 : memref<!tpu.dma_semaphore, #tpu.memory_space<semaphore_mem>>)
    %dma_wait3A = arith.constant 0 : i32
    %dma_wait3A_12 = arith.constant 0 : i32
    %dma_wait3A_13 = tpu.memref_slice %arg3[%dma_wait3A, %dma_wait3A_12] : memref<1000000x64xf32, #tpu.memory_space<hbm>> -> memref<1000000x64xf32, #tpu.memory_space<hbm>>
    tpu.wait_indirect_dma semaphore(%arg11 : memref<!tpu.dma_semaphore, #tpu.memory_space<semaphore_mem>>) src(%dma_wait3A_13 : memref<1000000x64xf32, #tpu.memory_space<hbm>>) dst(%arg7 : memref<400x64xf32, #tpu.memory_space<vmem>>)
    %scan3A = arith.constant 0 : i32
    %scan3A_14 = arith.constant 0 : i32
    %scan3A_15 = arith.constant 50 : i32
    %scan3A_16 = arith.addi %scan3A_14, %scan3A_15 : i32
    %scan3A_17 = arith.constant 1 : i32
    scf.for %scan3A_102 = %scan3A_14 to %scan3A_16 step %scan3A_17  : i32 {
      %mul3A_103 = arith.constant 8 : i32
      %mul3A_104 = arith.muli %scan3A_102, %mul3A_103 : i32
      %add3A_105 = arith.constant 0 : i32
      %add3A_106 = arith.addi %mul3A_104, %add3A_105 : i32
      %get3A = arith.index_cast %add3A_106 : i32 to index
      %get3A_107 = arith.constant 0 : index
      %get3A_108 = tpu.vector_load %arg7[%get3A, %get3A_107] {strides = array<i32>} : memref<400x64xf32, #tpu.memory_space<vmem>>, vector<1x16xf32>,
      %get3A_109 = vector.shape_cast %get3A_108 : vector<1x16xf32> to vector<16xf32>
      %mul3A_110 = arith.constant 8.000000e+00 : f32
      %mul3A_111 = vector.broadcast %mul3A_110 : f32 to vector<16xf32>
      %mul3A_112 = arith.mulf %get3A_109, %mul3A_111 : vector<16xf32>
      %swap3A = arith.index_cast %add3A_106 : i32 to index
      %swap3A_113 = arith.constant 0 : index
      %swap3A_114 = tpu.vector_load %arg9[%swap3A, %swap3A_113] {strides = array<i32>} : memref<400x64xf32, #tpu.memory_space<vmem>>, vector<1x16xf32>,
      %swap3A_115 = vector.shape_cast %swap3A_114 : vector<1x16xf32> to vector<16xf32>
      %swap3A_116 = vector.shape_cast %mul3A_112 : vector<16xf32> to vector<1x16xf32>
      tpu.vector_store %arg9[%swap3A, %swap3A_113], %swap3A_116 {strides = array<i32>} : memref<400x64xf32, #tpu.memory_space<vmem>>, vector<1x16xf32>,
      %get3A_117 = arith.index_cast %add3A_106 : i32 to index
      %get3A_118 = arith.constant 16 : index
      %get3A_119 = tpu.vector_load %arg7[%get3A_117, %get3A_118] {strides = array<i32>} : memref<400x64xf32, #tpu.memory_space<vmem>>, vector<1x16xf32>,
      %get3A_120 = vector.shape_cast %get3A_119 : vector<1x16xf32> to vector<16xf32>
      %mul3A_121 = arith.constant 8.000000e+00 : f32
      %mul3A_122 = vector.broadcast %mul3A_121 : f32 to vector<16xf32>
      %mul3A_123 = arith.mulf %get3A_120, %mul3A_122 : vector<16xf32>
      %swap3A_124 = arith.index_cast %add3A_106 : i32 to index
      %swap3A_125 = arith.constant 16 : index
      %swap3A_126 = tpu.vector_load %arg9[%swap3A_124, %swap3A_125] {strides = array<i32>} : memref<400x64xf32, #tpu.memory_space<vmem>>, vector<1x16xf32>,
      %swap3A_127 = vector.shape_cast %swap3A_126 : vector<1x16xf32> to vector<16xf32>
      %swap3A_128 = vector.shape_cast %mul3A_123 : vector<16xf32> to vector<1x16xf32>
      tpu.vector_store %arg9[%swap3A_124, %swap3A_125], %swap3A_128 {strides = array<i32>} : memref<400x64xf32, #tpu.memory_space<vmem>>, vector<1x16xf32>,
      %get3A_129 = arith.index_cast %add3A_106 : i32 to index
      %get3A_130 = arith.constant 32 : index
      %get3A_131 = tpu.vector_load %arg7[%get3A_129, %get3A_130] {strides = array<i32>} : memref<400x64xf32, #tpu.memory_space<vmem>>, vector<1x16xf32>,
      %get3A_132 = vector.shape_cast %get3A_131 : vector<1x16xf32> to vector<16xf32>
      %mul3A_133 = arith.constant 8.000000e+00 : f32
      %mul3A_134 = vector.broadcast %mul3A_133 : f32 to vector<16xf32>
      %mul3A_135 = arith.mulf %get3A_132, %mul3A_134 : vector<16xf32>
      %swap3A_136 = arith.index_cast %add3A_106 : i32 to index
      %swap3A_137 = arith.constant 32 : index
      %swap3A_138 = tpu.vector_load %arg9[%swap3A_136, %swap3A_137] {strides = array<i32>} : memref<400x64xf32, #tpu.memory_space<vmem>>, vector<1x16xf32>,
      %swap3A_139 = vector.shape_cast %swap3A_138 : vector<1x16xf32> to vector<16xf32>
      %swap3A_140 = vector.shape_cast %mul3A_135 : vector<16xf32> to vector<1x16xf32>
      tpu.vector_store %arg9[%swap3A_136, %swap3A_137], %swap3A_140 {strides = array<i32>} : memref<400x64xf32, #tpu.memory_space<vmem>>, vector<1x16xf32>,
      %get3A_141 = arith.index_cast %add3A_106 : i32 to index
      %get3A_142 = arith.constant 48 : index
      %get3A_143 = tpu.vector_load %arg7[%get3A_141, %get3A_142] {strides = array<i32>} : memref<400x64xf32, #tpu.memory_space<vmem>>, vector<1x16xf32>,
      %get3A_144 = vector.shape_cast %get3A_143 : vector<1x16xf32> to vector<16xf32>
      %mul3A_145 = arith.constant 8.000000e+00 : f32
      %mul3A_146 = vector.broadcast %mul3A_145 : f32 to vector<16xf32>
      %mul3A_147 = arith.mulf %get3A_144, %mul3A_146 : vector<16xf32>
      %swap3A_148 = arith.index_cast %add3A_106 : i32 to index
      %swap3A_149 = arith.constant 48 : index
      %swap3A_150 = tpu.vector_load %arg9[%swap3A_148, %swap3A_149] {strides = array<i32>} : memref<400x64xf32, #tpu.memory_space<vmem>>, vector<1x16xf32>,
      %swap3A_151 = vector.shape_cast %swap3A_150 : vector<1x16xf32> to vector<16xf32>
      %swap3A_152 = vector.shape_cast %mul3A_147 : vector<16xf32> to vector<1x16xf32>
      tpu.vector_store %arg9[%swap3A_148, %swap3A_149], %swap3A_152 {strides = array<i32>} : memref<400x64xf32, #tpu.memory_space<vmem>>, vector<1x16xf32>,
      %mul3A_153 = arith.constant 8 : i32
      %mul3A_154 = arith.muli %scan3A_102, %mul3A_153 : i32
      %add3A_155 = arith.constant 1 : i32
      %add3A_156 = arith.addi %mul3A_154, %add3A_155 : i32
      %get3A_157 = arith.index_cast %add3A_156 : i32 to index
      %get3A_158 = arith.constant 0 : index
      %get3A_159 = tpu.vector_load %arg7[%get3A_157, %get3A_158] {strides = array<i32>} : memref<400x64xf32, #tpu.memory_space<vmem>>, vector<1x16xf32>,
      %get3A_160 = vector.shape_cast %get3A_159 : vector<1x16xf32> to vector<16xf32>
      %mul3A_161 = arith.constant 8.000000e+00 : f32
      %mul3A_162 = vector.broadcast %mul3A_161 : f32 to vector<16xf32>
      %mul3A_163 = arith.mulf %get3A_160, %mul3A_162 : vector<16xf32>
      %swap3A_164 = arith.index_cast %add3A_156 : i32 to index
      %swap3A_165 = arith.constant 0 : index
      %swap3A_166 = tpu.vector_load %arg9[%swap3A_164, %swap3A_165] {strides = array<i32>} : memref<400x64xf32, #tpu.memory_space<vmem>>, vector<1x16xf32>,
      %swap3A_167 = vector.shape_cast %swap3A_166 : vector<1x16xf32> to vector<16xf32>
      %swap3A_168 = vector.shape_cast %mul3A_163 : vector<16xf32> to vector<1x16xf32>
      tpu.vector_store %arg9[%swap3A_164, %swap3A_165], %swap3A_168 {strides = array<i32>} : memref<400x64xf32, #tpu.memory_space<vmem>>, vector<1x16xf32>,
      %get3A_169 = arith.index_cast %add3A_156 : i32 to index
      %get3A_170 = arith.constant 16 : index
      %get3A_171 = tpu.vector_load %arg7[%get3A_169, %get3A_170] {strides = array<i32>} : memref<400x64xf32, #tpu.memory_space<vmem>>, vector<1x16xf32>,
      %get3A_172 = vector.shape_cast %get3A_171 : vector<1x16xf32> to vector<16xf32>
      %mul3A_173 = arith.constant 8.000000e+00 : f32
      %mul3A_174 = vector.broadcast %mul3A_173 : f32 to vector<16xf32>
      %mul3A_175 = arith.mulf %get3A_172, %mul3A_174 : vector<16xf32>
      %swap3A_176 = arith.index_cast %add3A_156 : i32 to index
      %swap3A_177 = arith.constant 16 : index
      %swap3A_178 = tpu.vector_load %arg9[%swap3A_176, %swap3A_177] {strides = array<i32>} : memref<400x64xf32, #tpu.memory_space<vmem>>, vector<1x16xf32>,
      %swap3A_179 = vector.shape_cast %swap3A_178 : vector<1x16xf32> to vector<16xf32>
      %swap3A_180 = vector.shape_cast %mul3A_175 : vector<16xf32> to vector<1x16xf32>
      tpu.vector_store %arg9[%swap3A_176, %swap3A_177], %swap3A_180 {strides = array<i32>} : memref<400x64xf32, #tpu.memory_space<vmem>>, vector<1x16xf32>,
      %get3A_181 = arith.index_cast %add3A_156 : i32 to index
      %get3A_182 = arith.constant 32 : index
      %get3A_183 = tpu.vector_load %arg7[%get3A_181, %get3A_182] {strides = array<i32>} : memref<400x64xf32, #tpu.memory_space<vmem>>, vector<1x16xf32>,
      %get3A_184 = vector.shape_cast %get3A_183 : vector<1x16xf32> to vector<16xf32>
      %mul3A_185 = arith.constant 8.000000e+00 : f32
      %mul3A_186 = vector.broadcast %mul3A_185 : f32 to vector<16xf32>
      %mul3A_187 = arith.mulf %get3A_184, %mul3A_186 : vector<16xf32>
      %swap3A_188 = arith.index_cast %add3A_156 : i32 to index
      %swap3A_189 = arith.constant 32 : index
      %swap3A_190 = tpu.vector_load %arg9[%swap3A_188, %swap3A_189] {strides = array<i32>} : memref<400x64xf32, #tpu.memory_space<vmem>>, vector<1x16xf32>,
      %swap3A_191 = vector.shape_cast %swap3A_190 : vector<1x16xf32> to vector<16xf32>
      %swap3A_192 = vector.shape_cast %mul3A_187 : vector<16xf32> to vector<1x16xf32>
      tpu.vector_store %arg9[%swap3A_188, %swap3A_189], %swap3A_192 {strides = array<i32>} : memref<400x64xf32, #tpu.memory_space<vmem>>, vector<1x16xf32>,
      %get3A_193 = arith.index_cast %add3A_156 : i32 to index
      %get3A_194 = arith.constant 48 : index
      %get3A_195 = tpu.vector_load %arg7[%get3A_193, %get3A_194] {strides = array<i32>} : memref<400x64xf32, #tpu.memory_space<vmem>>, vector<1x16xf32>,
      %get3A_196 = vector.shape_cast %get3A_195 : vector<1x16xf32> to vector<16xf32>
      %mul3A_197 = arith.constant 8.000000e+00 : f32
      %mul3A_198 = vector.broadcast %mul3A_197 : f32 to vector<16xf32>
      %mul3A_199 = arith.mulf %get3A_196, %mul3A_198 : vector<16xf32>
      %swap3A_200 = arith.index_cast %add3A_156 : i32 to index
      %swap3A_201 = arith.constant 48 : index
      %swap3A_202 = tpu.vector_load %arg9[%swap3A_200, %swap3A_201] {strides = array<i32>} : memref<400x64xf32, #tpu.memory_space<vmem>>, vector<1x16xf32>,
      %swap3A_203 = vector.shape_cast %swap3A_202 : vector<1x16xf32> to vector<16xf32>
      %swap3A_204 = vector.shape_cast %mul3A_199 : vector<16xf32> to vector<1x16xf32>
      tpu.vector_store %arg9[%swap3A_200, %swap3A_201], %swap3A_204 {strides = array<i32>} : memref<400x64xf32, #tpu.memory_space<vmem>>, vector<1x16xf32>,
      %mul3A_205 = arith.constant 8 : i32
      %mul3A_206 = arith.muli %scan3A_102, %mul3A_205 : i32
      %add3A_207 = arith.constant 2 : i32
      %add3A_208 = arith.addi %mul3A_206, %add3A_207 : i32
      %get3A_209 = arith.index_cast %add3A_208 : i32 to index
      %get3A_210 = arith.constant 0 : index
      %get3A_211 = tpu.vector_load %arg7[%get3A_209, %get3A_210] {strides = array<i32>} : memref<400x64xf32, #tpu.memory_space<vmem>>, vector<1x16xf32>,
      %get3A_212 = vector.shape_cast %get3A_211 : vector<1x16xf32> to vector<16xf32>
      %mul3A_213 = arith.constant 8.000000e+00 : f32
      %mul3A_214 = vector.broadcast %mul3A_213 : f32 to vector<16xf32>
      %mul3A_215 = arith.mulf %get3A_212, %mul3A_214 : vector<16xf32>
      %swap3A_216 = arith.index_cast %add3A_208 : i32 to index
      %swap3A_217 = arith.constant 0 : index
      %swap3A_218 = tpu.vector_load %arg9[%swap3A_216, %swap3A_217] {strides = array<i32>} : memref<400x64xf32, #tpu.memory_space<vmem>>, vector<1x16xf32>,
      %swap3A_219 = vector.shape_cast %swap3A_218 : vector<1x16xf32> to vector<16xf32>
      %swap3A_220 = vector.shape_cast %mul3A_215 : vector<16xf32> to vector<1x16xf32>
      tpu.vector_store %arg9[%swap3A_216, %swap3A_217], %swap3A_220 {strides = array<i32>} : memref<400x64xf32, #tpu.memory_space<vmem>>, vector<1x16xf32>,
      %get3A_221 = arith.index_cast %add3A_208 : i32 to index
      %get3A_222 = arith.constant 16 : index
      %get3A_223 = tpu.vector_load %arg7[%get3A_221, %get3A_222] {strides = array<i32>} : memref<400x64xf32, #tpu.memory_space<vmem>>, vector<1x16xf32>,
      %get3A_224 = vector.shape_cast %get3A_223 : vector<1x16xf32> to vector<16xf32>
      %mul3A_225 = arith.constant 8.000000e+00 : f32
      %mul3A_226 = vector.broadcast %mul3A_225 : f32 to vector<16xf32>
      %mul3A_227 = arith.mulf %get3A_224, %mul3A_226 : vector<16xf32>
      %swap3A_228 = arith.index_cast %add3A_208 : i32 to index
      %swap3A_229 = arith.constant 16 : index
      %swap3A_230 = tpu.vector_load %arg9[%swap3A_228, %swap3A_229] {strides = array<i32>} : memref<400x64xf32, #tpu.memory_space<vmem>>, vector<1x16xf32>,
      %swap3A_231 = vector.shape_cast %swap3A_230 : vector<1x16xf32> to vector<16xf32>
      %swap3A_232 = vector.shape_cast %mul3A_227 : vector<16xf32> to vector<1x16xf32>
      tpu.vector_store %arg9[%swap3A_228, %swap3A_229], %swap3A_232 {strides = array<i32>} : memref<400x64xf32, #tpu.memory_space<vmem>>, vector<1x16xf32>,
      %get3A_233 = arith.index_cast %add3A_208 : i32 to index
      %get3A_234 = arith.constant 32 : index
      %get3A_235 = tpu.vector_load %arg7[%get3A_233, %get3A_234] {strides = array<i32>} : memref<400x64xf32, #tpu.memory_space<vmem>>, vector<1x16xf32>,
      %get3A_236 = vector.shape_cast %get3A_235 : vector<1x16xf32> to vector<16xf32>
      %mul3A_237 = arith.constant 8.000000e+00 : f32
      %mul3A_238 = vector.broadcast %mul3A_237 : f32 to vector<16xf32>
      %mul3A_239 = arith.mulf %get3A_236, %mul3A_238 : vector<16xf32>
      %swap3A_240 = arith.index_cast %add3A_208 : i32 to index
      %swap3A_241 = arith.constant 32 : index
      %swap3A_242 = tpu.vector_load %arg9[%swap3A_240, %swap3A_241] {strides = array<i32>} : memref<400x64xf32, #tpu.memory_space<vmem>>, vector<1x16xf32>,
      %swap3A_243 = vector.shape_cast %swap3A_242 : vector<1x16xf32> to vector<16xf32>
      %swap3A_244 = vector.shape_cast %mul3A_239 : vector<16xf32> to vector<1x16xf32>
      tpu.vector_store %arg9[%swap3A_240, %swap3A_241], %swap3A_244 {strides = array<i32>} : memref<400x64xf32, #tpu.memory_space<vmem>>, vector<1x16xf32>,
      %get3A_245 = arith.index_cast %add3A_208 : i32 to index
      %get3A_246 = arith.constant 48 : index
      %get3A_247 = tpu.vector_load %arg7[%get3A_245, %get3A_246] {strides = array<i32>} : memref<400x64xf32, #tpu.memory_space<vmem>>, vector<1x16xf32>,
      %get3A_248 = vector.shape_cast %get3A_247 : vector<1x16xf32> to vector<16xf32>
      %mul3A_249 = arith.constant 8.000000e+00 : f32
      %mul3A_250 = vector.broadcast %mul3A_249 : f32 to vector<16xf32>
      %mul3A_251 = arith.mulf %get3A_248, %mul3A_250 : vector<16xf32>
      %swap3A_252 = arith.index_cast %add3A_208 : i32 to index
      %swap3A_253 = arith.constant 48 : index
      %swap3A_254 = tpu.vector_load %arg9[%swap3A_252, %swap3A_253] {strides = array<i32>} : memref<400x64xf32, #tpu.memory_space<vmem>>, vector<1x16xf32>,
      %swap3A_255 = vector.shape_cast %swap3A_254 : vector<1x16xf32> to vector<16xf32>
      %swap3A_256 = vector.shape_cast %mul3A_251 : vector<16xf32> to vector<1x16xf32>
      tpu.vector_store %arg9[%swap3A_252, %swap3A_253], %swap3A_256 {strides = array<i32>} : memref<400x64xf32, #tpu.memory_space<vmem>>, vector<1x16xf32>,
      %mul3A_257 = arith.constant 8 : i32
      %mul3A_258 = arith.muli %scan3A_102, %mul3A_257 : i32
      %add3A_259 = arith.constant 3 : i32
      %add3A_260 = arith.addi %mul3A_258, %add3A_259 : i32
      %get3A_261 = arith.index_cast %add3A_260 : i32 to index
      %get3A_262 = arith.constant 0 : index
      %get3A_263 = tpu.vector_load %arg7[%get3A_261, %get3A_262] {strides = array<i32>} : memref<400x64xf32, #tpu.memory_space<vmem>>, vector<1x16xf32>,
      %get3A_264 = vector.shape_cast %get3A_263 : vector<1x16xf32> to vector<16xf32>
      %mul3A_265 = arith.constant 8.000000e+00 : f32
      %mul3A_266 = vector.broadcast %mul3A_265 : f32 to vector<16xf32>
      %mul3A_267 = arith.mulf %get3A_264, %mul3A_266 : vector<16xf32>
      %swap3A_268 = arith.index_cast %add3A_260 : i32 to index
      %swap3A_269 = arith.constant 0 : index
      %swap3A_270 = tpu.vector_load %arg9[%swap3A_268, %swap3A_269] {strides = array<i32>} : memref<400x64xf32, #tpu.memory_space<vmem>>, vector<1x16xf32>,
      %swap3A_271 = vector.shape_cast %swap3A_270 : vector<1x16xf32> to vector<16xf32>
      %swap3A_272 = vector.shape_cast %mul3A_267 : vector<16xf32> to vector<1x16xf32>
      tpu.vector_store %arg9[%swap3A_268, %swap3A_269], %swap3A_272 {strides = array<i32>} : memref<400x64xf32, #tpu.memory_space<vmem>>, vector<1x16xf32>,
      %get3A_273 = arith.index_cast %add3A_260 : i32 to index
      %get3A_274 = arith.constant 16 : index
      %get3A_275 = tpu.vector_load %arg7[%get3A_273, %get3A_274] {strides = array<i32>} : memref<400x64xf32, #tpu.memory_space<vmem>>, vector<1x16xf32>,
      %get3A_276 = vector.shape_cast %get3A_275 : vector<1x16xf32> to vector<16xf32>
      %mul3A_277 = arith.constant 8.000000e+00 : f32
      %mul3A_278 = vector.broadcast %mul3A_277 : f32 to vector<16xf32>
      %mul3A_279 = arith.mulf %get3A_276, %mul3A_278 : vector<16xf32>
      %swap3A_280 = arith.index_cast %add3A_260 : i32 to index
      %swap3A_281 = arith.constant 16 : index
      %swap3A_282 = tpu.vector_load %arg9[%swap3A_280, %swap3A_281] {strides = array<i32>} : memref<400x64xf32, #tpu.memory_space<vmem>>, vector<1x16xf32>,
      %swap3A_283 = vector.shape_cast %swap3A_282 : vector<1x16xf32> to vector<16xf32>
      %swap3A_284 = vector.shape_cast %mul3A_279 : vector<16xf32> to vector<1x16xf32>
      tpu.vector_store %arg9[%swap3A_280, %swap3A_281], %swap3A_284 {strides = array<i32>} : memref<400x64xf32, #tpu.memory_space<vmem>>, vector<1x16xf32>,
      %get3A_285 = arith.index_cast %add3A_260 : i32 to index
      %get3A_286 = arith.constant 32 : index
      %get3A_287 = tpu.vector_load %arg7[%get3A_285, %get3A_286] {strides = array<i32>} : memref<400x64xf32, #tpu.memory_space<vmem>>, vector<1x16xf32>,
      %get3A_288 = vector.shape_cast %get3A_287 : vector<1x16xf32> to vector<16xf32>
      %mul3A_289 = arith.constant 8.000000e+00 : f32
      %mul3A_290 = vector.broadcast %mul3A_289 : f32 to vector<16xf32>
      %mul3A_291 = arith.mulf %get3A_288, %mul3A_290 : vector<16xf32>
      %swap3A_292 = arith.index_cast %add3A_260 : i32 to index
      %swap3A_293 = arith.constant 32 : index
      %swap3A_294 = tpu.vector_load %arg9[%swap3A_292, %swap3A_293] {strides = array<i32>} : memref<400x64xf32, #tpu.memory_space<vmem>>, vector<1x16xf32>,
      %swap3A_295 = vector.shape_cast %swap3A_294 : vector<1x16xf32> to vector<16xf32>
      %swap3A_296 = vector.shape_cast %mul3A_291 : vector<16xf32> to vector<1x16xf32>
      tpu.vector_store %arg9[%swap3A_292, %swap3A_293], %swap3A_296 {strides = array<i32>} : memref<400x64xf32, #tpu.memory_space<vmem>>, vector<1x16xf32>,
      %get3A_297 = arith.index_cast %add3A_260 : i32 to index
      %get3A_298 = arith.constant 48 : index
      %get3A_299 = tpu.vector_load %arg7[%get3A_297, %get3A_298] {strides = array<i32>} : memref<400x64xf32, #tpu.memory_space<vmem>>, vector<1x16xf32>,
      %get3A_300 = vector.shape_cast %get3A_299 : vector<1x16xf32> to vector<16xf32>
      %mul3A_301 = arith.constant 8.000000e+00 : f32
      %mul3A_302 = vector.broadcast %mul3A_301 : f32 to vector<16xf32>
      %mul3A_303 = arith.mulf %get3A_300, %mul3A_302 : vector<16xf32>
      %swap3A_304 = arith.index_cast %add3A_260 : i32 to index
      %swap3A_305 = arith.constant 48 : index
      %swap3A_306 = tpu.vector_load %arg9[%swap3A_304, %swap3A_305] {strides = array<i32>} : memref<400x64xf32, #tpu.memory_space<vmem>>, vector<1x16xf32>,
      %swap3A_307 = vector.shape_cast %swap3A_306 : vector<1x16xf32> to vector<16xf32>
      %swap3A_308 = vector.shape_cast %mul3A_303 : vector<16xf32> to vector<1x16xf32>
      tpu.vector_store %arg9[%swap3A_304, %swap3A_305], %swap3A_308 {strides = array<i32>} : memref<400x64xf32, #tpu.memory_space<vmem>>, vector<1x16xf32>,
      %mul3A_309 = arith.constant 8 : i32
      %mul3A_310 = arith.muli %scan3A_102, %mul3A_309 : i32
      %add3A_311 = arith.constant 4 : i32
      %add3A_312 = arith.addi %mul3A_310, %add3A_311 : i32
      %get3A_313 = arith.index_cast %add3A_312 : i32 to index
      %get3A_314 = arith.constant 0 : index
      %get3A_315 = tpu.vector_load %arg7[%get3A_313, %get3A_314] {strides = array<i32>} : memref<400x64xf32, #tpu.memory_space<vmem>>, vector<1x16xf32>,
      %get3A_316 = vector.shape_cast %get3A_315 : vector<1x16xf32> to vector<16xf32>
      %mul3A_317 = arith.constant 8.000000e+00 : f32
      %mul3A_318 = vector.broadcast %mul3A_317 : f32 to vector<16xf32>
      %mul3A_319 = arith.mulf %get3A_316, %mul3A_318 : vector<16xf32>
      %swap3A_320 = arith.index_cast %add3A_312 : i32 to index
      %swap3A_321 = arith.constant 0 : index
      %swap3A_322 = tpu.vector_load %arg9[%swap3A_320, %swap3A_321] {strides = array<i32>} : memref<400x64xf32, #tpu.memory_space<vmem>>, vector<1x16xf32>,
      %swap3A_323 = vector.shape_cast %swap3A_322 : vector<1x16xf32> to vector<16xf32>
      %swap3A_324 = vector.shape_cast %mul3A_319 : vector<16xf32> to vector<1x16xf32>
      tpu.vector_store %arg9[%swap3A_320, %swap3A_321], %swap3A_324 {strides = array<i32>} : memref<400x64xf32, #tpu.memory_space<vmem>>, vector<1x16xf32>,
      %get3A_325 = arith.index_cast %add3A_312 : i32 to index
      %get3A_326 = arith.constant 16 : index
      %get3A_327 = tpu.vector_load %arg7[%get3A_325, %get3A_326] {strides = array<i32>} : memref<400x64xf32, #tpu.memory_space<vmem>>, vector<1x16xf32>,
      %get3A_328 = vector.shape_cast %get3A_327 : vector<1x16xf32> to vector<16xf32>
      %mul3A_329 = arith.constant 8.000000e+00 : f32
      %mul3A_330 = vector.broadcast %mul3A_329 : f32 to vector<16xf32>
      %mul3A_331 = arith.mulf %get3A_328, %mul3A_330 : vector<16xf32>
      %swap3A_332 = arith.index_cast %add3A_312 : i32 to index
      %swap3A_333 = arith.constant 16 : index
      %swap3A_334 = tpu.vector_load %arg9[%swap3A_332, %swap3A_333] {strides = array<i32>} : memref<400x64xf32, #tpu.memory_space<vmem>>, vector<1x16xf32>,
      %swap3A_335 = vector.shape_cast %swap3A_334 : vector<1x16xf32> to vector<16xf32>
      %swap3A_336 = vector.shape_cast %mul3A_331 : vector<16xf32> to vector<1x16xf32>
      tpu.vector_store %arg9[%swap3A_332, %swap3A_333], %swap3A_336 {strides = array<i32>} : memref<400x64xf32, #tpu.memory_space<vmem>>, vector<1x16xf32>,
      %get3A_337 = arith.index_cast %add3A_312 : i32 to index
      %get3A_338 = arith.constant 32 : index
      %get3A_339 = tpu.vector_load %arg7[%get3A_337, %get3A_338] {strides = array<i32>} : memref<400x64xf32, #tpu.memory_space<vmem>>, vector<1x16xf32>,
      %get3A_340 = vector.shape_cast %get3A_339 : vector<1x16xf32> to vector<16xf32>
      %mul3A_341 = arith.constant 8.000000e+00 : f32
      %mul3A_342 = vector.broadcast %mul3A_341 : f32 to vector<16xf32>
      %mul3A_343 = arith.mulf %get3A_340, %mul3A_342 : vector<16xf32>
      %swap3A_344 = arith.index_cast %add3A_312 : i32 to index
      %swap3A_345 = arith.constant 32 : index
      %swap3A_346 = tpu.vector_load %arg9[%swap3A_344, %swap3A_345] {strides = array<i32>} : memref<400x64xf32, #tpu.memory_space<vmem>>, vector<1x16xf32>,
      %swap3A_347 = vector.shape_cast %swap3A_346 : vector<1x16xf32> to vector<16xf32>
      %swap3A_348 = vector.shape_cast %mul3A_343 : vector<16xf32> to vector<1x16xf32>
      tpu.vector_store %arg9[%swap3A_344, %swap3A_345], %swap3A_348 {strides = array<i32>} : memref<400x64xf32, #tpu.memory_space<vmem>>, vector<1x16xf32>,
      %get3A_349 = arith.index_cast %add3A_312 : i32 to index
      %get3A_350 = arith.constant 48 : index
      %get3A_351 = tpu.vector_load %arg7[%get3A_349, %get3A_350] {strides = array<i32>} : memref<400x64xf32, #tpu.memory_space<vmem>>, vector<1x16xf32>,
      %get3A_352 = vector.shape_cast %get3A_351 : vector<1x16xf32> to vector<16xf32>
      %mul3A_353 = arith.constant 8.000000e+00 : f32
      %mul3A_354 = vector.broadcast %mul3A_353 : f32 to vector<16xf32>
      %mul3A_355 = arith.mulf %get3A_352, %mul3A_354 : vector<16xf32>
      %swap3A_356 = arith.index_cast %add3A_312 : i32 to index
      %swap3A_357 = arith.constant 48 : index
      %swap3A_358 = tpu.vector_load %arg9[%swap3A_356, %swap3A_357] {strides = array<i32>} : memref<400x64xf32, #tpu.memory_space<vmem>>, vector<1x16xf32>,
      %swap3A_359 = vector.shape_cast %swap3A_358 : vector<1x16xf32> to vector<16xf32>
      %swap3A_360 = vector.shape_cast %mul3A_355 : vector<16xf32> to vector<1x16xf32>
      tpu.vector_store %arg9[%swap3A_356, %swap3A_357], %swap3A_360 {strides = array<i32>} : memref<400x64xf32, #tpu.memory_space<vmem>>, vector<1x16xf32>,
      %mul3A_361 = arith.constant 8 : i32
      %mul3A_362 = arith.muli %scan3A_102, %mul3A_361 : i32
      %add3A_363 = arith.constant 5 : i32
      %add3A_364 = arith.addi %mul3A_362, %add3A_363 : i32
      %get3A_365 = arith.index_cast %add3A_364 : i32 to index
      %get3A_366 = arith.constant 0 : index
      %get3A_367 = tpu.vector_load %arg7[%get3A_365, %get3A_366] {strides = array<i32>} : memref<400x64xf32, #tpu.memory_space<vmem>>, vector<1x16xf32>,
      %get3A_368 = vector.shape_cast %get3A_367 : vector<1x16xf32> to vector<16xf32>
      %mul3A_369 = arith.constant 8.000000e+00 : f32
      %mul3A_370 = vector.broadcast %mul3A_369 : f32 to vector<16xf32>
      %mul3A_371 = arith.mulf %get3A_368, %mul3A_370 : vector<16xf32>
      %swap3A_372 = arith.index_cast %add3A_364 : i32 to index
      %swap3A_373 = arith.constant 0 : index
      %swap3A_374 = tpu.vector_load %arg9[%swap3A_372, %swap3A_373] {strides = array<i32>} : memref<400x64xf32, #tpu.memory_space<vmem>>, vector<1x16xf32>,
      %swap3A_375 = vector.shape_cast %swap3A_374 : vector<1x16xf32> to vector<16xf32>
      %swap3A_376 = vector.shape_cast %mul3A_371 : vector<16xf32> to vector<1x16xf32>
      tpu.vector_store %arg9[%swap3A_372, %swap3A_373], %swap3A_376 {strides = array<i32>} : memref<400x64xf32, #tpu.memory_space<vmem>>, vector<1x16xf32>,
      %get3A_377 = arith.index_cast %add3A_364 : i32 to index
      %get3A_378 = arith.constant 16 : index
      %get3A_379 = tpu.vector_load %arg7[%get3A_377, %get3A_378] {strides = array<i32>} : memref<400x64xf32, #tpu.memory_space<vmem>>, vector<1x16xf32>,
      %get3A_380 = vector.shape_cast %get3A_379 : vector<1x16xf32> to vector<16xf32>
      %mul3A_381 = arith.constant 8.000000e+00 : f32
      %mul3A_382 = vector.broadcast %mul3A_381 : f32 to vector<16xf32>
      %mul3A_383 = arith.mulf %get3A_380, %mul3A_382 : vector<16xf32>
      %swap3A_384 = arith.index_cast %add3A_364 : i32 to index
      %swap3A_385 = arith.constant 16 : index
      %swap3A_386 = tpu.vector_load %arg9[%swap3A_384, %swap3A_385] {strides = array<i32>} : memref<400x64xf32, #tpu.memory_space<vmem>>, vector<1x16xf32>,
      %swap3A_387 = vector.shape_cast %swap3A_386 : vector<1x16xf32> to vector<16xf32>
      %swap3A_388 = vector.shape_cast %mul3A_383 : vector<16xf32> to vector<1x16xf32>
      tpu.vector_store %arg9[%swap3A_384, %swap3A_385], %swap3A_388 {strides = array<i32>} : memref<400x64xf32, #tpu.memory_space<vmem>>, vector<1x16xf32>,
      %get3A_389 = arith.index_cast %add3A_364 : i32 to index
      %get3A_390 = arith.constant 32 : index
      %get3A_391 = tpu.vector_load %arg7[%get3A_389, %get3A_390] {strides = array<i32>} : memref<400x64xf32, #tpu.memory_space<vmem>>, vector<1x16xf32>,
      %get3A_392 = vector.shape_cast %get3A_391 : vector<1x16xf32> to vector<16xf32>
      %mul3A_393 = arith.constant 8.000000e+00 : f32
      %mul3A_394 = vector.broadcast %mul3A_393 : f32 to vector<16xf32>
      %mul3A_395 = arith.mulf %get3A_392, %mul3A_394 : vector<16xf32>
      %swap3A_396 = arith.index_cast %add3A_364 : i32 to index
      %swap3A_397 = arith.constant 32 : index
      %swap3A_398 = tpu.vector_load %arg9[%swap3A_396, %swap3A_397] {strides = array<i32>} : memref<400x64xf32, #tpu.memory_space<vmem>>, vector<1x16xf32>,
      %swap3A_399 = vector.shape_cast %swap3A_398 : vector<1x16xf32> to vector<16xf32>
      %swap3A_400 = vector.shape_cast %mul3A_395 : vector<16xf32> to vector<1x16xf32>
      tpu.vector_store %arg9[%swap3A_396, %swap3A_397], %swap3A_400 {strides = array<i32>} : memref<400x64xf32, #tpu.memory_space<vmem>>, vector<1x16xf32>,
      %get3A_401 = arith.index_cast %add3A_364 : i32 to index
      %get3A_402 = arith.constant 48 : index
      %get3A_403 = tpu.vector_load %arg7[%get3A_401, %get3A_402] {strides = array<i32>} : memref<400x64xf32, #tpu.memory_space<vmem>>, vector<1x16xf32>,
      %get3A_404 = vector.shape_cast %get3A_403 : vector<1x16xf32> to vector<16xf32>
      %mul3A_405 = arith.constant 8.000000e+00 : f32
      %mul3A_406 = vector.broadcast %mul3A_405 : f32 to vector<16xf32>
      %mul3A_407 = arith.mulf %get3A_404, %mul3A_406 : vector<16xf32>
      %swap3A_408 = arith.index_cast %add3A_364 : i32 to index
      %swap3A_409 = arith.constant 48 : index
      %swap3A_410 = tpu.vector_load %arg9[%swap3A_408, %swap3A_409] {strides = array<i32>} : memref<400x64xf32, #tpu.memory_space<vmem>>, vector<1x16xf32>,
      %swap3A_411 = vector.shape_cast %swap3A_410 : vector<1x16xf32> to vector<16xf32>
      %swap3A_412 = vector.shape_cast %mul3A_407 : vector<16xf32> to vector<1x16xf32>
      tpu.vector_store %arg9[%swap3A_408, %swap3A_409], %swap3A_412 {strides = array<i32>} : memref<400x64xf32, #tpu.memory_space<vmem>>, vector<1x16xf32>,
      %mul3A_413 = arith.constant 8 : i32
      %mul3A_414 = arith.muli %scan3A_102, %mul3A_413 : i32
      %add3A_415 = arith.constant 6 : i32
      %add3A_416 = arith.addi %mul3A_414, %add3A_415 : i32
      %get3A_417 = arith.index_cast %add3A_416 : i32 to index
      %get3A_418 = arith.constant 0 : index
      %get3A_419 = tpu.vector_load %arg7[%get3A_417, %get3A_418] {strides = array<i32>} : memref<400x64xf32, #tpu.memory_space<vmem>>, vector<1x16xf32>,
      %get3A_420 = vector.shape_cast %get3A_419 : vector<1x16xf32> to vector<16xf32>
      %mul3A_421 = arith.constant 8.000000e+00 : f32
      %mul3A_422 = vector.broadcast %mul3A_421 : f32 to vector<16xf32>
      %mul3A_423 = arith.mulf %get3A_420, %mul3A_422 : vector<16xf32>
      %swap3A_424 = arith.index_cast %add3A_416 : i32 to index
      %swap3A_425 = arith.constant 0 : index
      %swap3A_426 = tpu.vector_load %arg9[%swap3A_424, %swap3A_425] {strides = array<i32>} : memref<400x64xf32, #tpu.memory_space<vmem>>, vector<1x16xf32>,
      %swap3A_427 = vector.shape_cast %swap3A_426 : vector<1x16xf32> to vector<16xf32>
      %swap3A_428 = vector.shape_cast %mul3A_423 : vector<16xf32> to vector<1x16xf32>
      tpu.vector_store %arg9[%swap3A_424, %swap3A_425], %swap3A_428 {strides = array<i32>} : memref<400x64xf32, #tpu.memory_space<vmem>>, vector<1x16xf32>,
      %get3A_429 = arith.index_cast %add3A_416 : i32 to index
      %get3A_430 = arith.constant 16 : index
      %get3A_431 = tpu.vector_load %arg7[%get3A_429, %get3A_430] {strides = array<i32>} : memref<400x64xf32, #tpu.memory_space<vmem>>, vector<1x16xf32>,
      %get3A_432 = vector.shape_cast %get3A_431 : vector<1x16xf32> to vector<16xf32>
      %mul3A_433 = arith.constant 8.000000e+00 : f32
      %mul3A_434 = vector.broadcast %mul3A_433 : f32 to vector<16xf32>
      %mul3A_435 = arith.mulf %get3A_432, %mul3A_434 : vector<16xf32>
      %swap3A_436 = arith.index_cast %add3A_416 : i32 to index
      %swap3A_437 = arith.constant 16 : index
      %swap3A_438 = tpu.vector_load %arg9[%swap3A_436, %swap3A_437] {strides = array<i32>} : memref<400x64xf32, #tpu.memory_space<vmem>>, vector<1x16xf32>,
      %swap3A_439 = vector.shape_cast %swap3A_438 : vector<1x16xf32> to vector<16xf32>
      %swap3A_440 = vector.shape_cast %mul3A_435 : vector<16xf32> to vector<1x16xf32>
      tpu.vector_store %arg9[%swap3A_436, %swap3A_437], %swap3A_440 {strides = array<i32>} : memref<400x64xf32, #tpu.memory_space<vmem>>, vector<1x16xf32>,
      %get3A_441 = arith.index_cast %add3A_416 : i32 to index
      %get3A_442 = arith.constant 32 : index
      %get3A_443 = tpu.vector_load %arg7[%get3A_441, %get3A_442] {strides = array<i32>} : memref<400x64xf32, #tpu.memory_space<vmem>>, vector<1x16xf32>,
      %get3A_444 = vector.shape_cast %get3A_443 : vector<1x16xf32> to vector<16xf32>
      %mul3A_445 = arith.constant 8.000000e+00 : f32
      %mul3A_446 = vector.broadcast %mul3A_445 : f32 to vector<16xf32>
      %mul3A_447 = arith.mulf %get3A_444, %mul3A_446 : vector<16xf32>
      %swap3A_448 = arith.index_cast %add3A_416 : i32 to index
      %swap3A_449 = arith.constant 32 : index
      %swap3A_450 = tpu.vector_load %arg9[%swap3A_448, %swap3A_449] {strides = array<i32>} : memref<400x64xf32, #tpu.memory_space<vmem>>, vector<1x16xf32>,
      %swap3A_451 = vector.shape_cast %swap3A_450 : vector<1x16xf32> to vector<16xf32>
      %swap3A_452 = vector.shape_cast %mul3A_447 : vector<16xf32> to vector<1x16xf32>
      tpu.vector_store %arg9[%swap3A_448, %swap3A_449], %swap3A_452 {strides = array<i32>} : memref<400x64xf32, #tpu.memory_space<vmem>>, vector<1x16xf32>,
      %get3A_453 = arith.index_cast %add3A_416 : i32 to index
      %get3A_454 = arith.constant 48 : index
      %get3A_455 = tpu.vector_load %arg7[%get3A_453, %get3A_454] {strides = array<i32>} : memref<400x64xf32, #tpu.memory_space<vmem>>, vector<1x16xf32>,
      %get3A_456 = vector.shape_cast %get3A_455 : vector<1x16xf32> to vector<16xf32>
      %mul3A_457 = arith.constant 8.000000e+00 : f32
      %mul3A_458 = vector.broadcast %mul3A_457 : f32 to vector<16xf32>
      %mul3A_459 = arith.mulf %get3A_456, %mul3A_458 : vector<16xf32>
      %swap3A_460 = arith.index_cast %add3A_416 : i32 to index
      %swap3A_461 = arith.constant 48 : index
      %swap3A_462 = tpu.vector_load %arg9[%swap3A_460, %swap3A_461] {strides = array<i32>} : memref<400x64xf32, #tpu.memory_space<vmem>>, vector<1x16xf32>,
      %swap3A_463 = vector.shape_cast %swap3A_462 : vector<1x16xf32> to vector<16xf32>
      %swap3A_464 = vector.shape_cast %mul3A_459 : vector<16xf32> to vector<1x16xf32>
      tpu.vector_store %arg9[%swap3A_460, %swap3A_461], %swap3A_464 {strides = array<i32>} : memref<400x64xf32, #tpu.memory_space<vmem>>, vector<1x16xf32>,
      %mul3A_465 = arith.constant 8 : i32
      %mul3A_466 = arith.muli %scan3A_102, %mul3A_465 : i32
      %add3A_467 = arith.constant 7 : i32
      %add3A_468 = arith.addi %mul3A_466, %add3A_467 : i32
      %get3A_469 = arith.index_cast %add3A_468 : i32 to index
      %get3A_470 = arith.constant 0 : index
      %get3A_471 = tpu.vector_load %arg7[%get3A_469, %get3A_470] {strides = array<i32>} : memref<400x64xf32, #tpu.memory_space<vmem>>, vector<1x16xf32>,
      %get3A_472 = vector.shape_cast %get3A_471 : vector<1x16xf32> to vector<16xf32>
      %mul3A_473 = arith.constant 8.000000e+00 : f32
      %mul3A_474 = vector.broadcast %mul3A_473 : f32 to vector<16xf32>
      %mul3A_475 = arith.mulf %get3A_472, %mul3A_474 : vector<16xf32>
      %swap3A_476 = arith.index_cast %add3A_468 : i32 to index
      %swap3A_477 = arith.constant 0 : index
      %swap3A_478 = tpu.vector_load %arg9[%swap3A_476, %swap3A_477] {strides = array<i32>} : memref<400x64xf32, #tpu.memory_space<vmem>>, vector<1x16xf32>,
      %swap3A_479 = vector.shape_cast %swap3A_478 : vector<1x16xf32> to vector<16xf32>
      %swap3A_480 = vector.shape_cast %mul3A_475 : vector<16xf32> to vector<1x16xf32>
      tpu.vector_store %arg9[%swap3A_476, %swap3A_477], %swap3A_480 {strides = array<i32>} : memref<400x64xf32, #tpu.memory_space<vmem>>, vector<1x16xf32>,
      %get3A_481 = arith.index_cast %add3A_468 : i32 to index
      %get3A_482 = arith.constant 16 : index
      %get3A_483 = tpu.vector_load %arg7[%get3A_481, %get3A_482] {strides = array<i32>} : memref<400x64xf32, #tpu.memory_space<vmem>>, vector<1x16xf32>,
      %get3A_484 = vector.shape_cast %get3A_483 : vector<1x16xf32> to vector<16xf32>
      %mul3A_485 = arith.constant 8.000000e+00 : f32
      %mul3A_486 = vector.broadcast %mul3A_485 : f32 to vector<16xf32>
      %mul3A_487 = arith.mulf %get3A_484, %mul3A_486 : vector<16xf32>
      %swap3A_488 = arith.index_cast %add3A_468 : i32 to index
      %swap3A_489 = arith.constant 16 : index
      %swap3A_490 = tpu.vector_load %arg9[%swap3A_488, %swap3A_489] {strides = array<i32>} : memref<400x64xf32, #tpu.memory_space<vmem>>, vector<1x16xf32>,
      %swap3A_491 = vector.shape_cast %swap3A_490 : vector<1x16xf32> to vector<16xf32>
      %swap3A_492 = vector.shape_cast %mul3A_487 : vector<16xf32> to vector<1x16xf32>
      tpu.vector_store %arg9[%swap3A_488, %swap3A_489], %swap3A_492 {strides = array<i32>} : memref<400x64xf32, #tpu.memory_space<vmem>>, vector<1x16xf32>,
      %get3A_493 = arith.index_cast %add3A_468 : i32 to index
      %get3A_494 = arith.constant 32 : index
      %get3A_495 = tpu.vector_load %arg7[%get3A_493, %get3A_494] {strides = array<i32>} : memref<400x64xf32, #tpu.memory_space<vmem>>, vector<1x16xf32>,
      %get3A_496 = vector.shape_cast %get3A_495 : vector<1x16xf32> to vector<16xf32>
      %mul3A_497 = arith.constant 8.000000e+00 : f32
      %mul3A_498 = vector.broadcast %mul3A_497 : f32 to vector<16xf32>
      %mul3A_499 = arith.mulf %get3A_496, %mul3A_498 : vector<16xf32>
      %swap3A_500 = arith.index_cast %add3A_468 : i32 to index
      %swap3A_501 = arith.constant 32 : index
      %swap3A_502 = tpu.vector_load %arg9[%swap3A_500, %swap3A_501] {strides = array<i32>} : memref<400x64xf32, #tpu.memory_space<vmem>>, vector<1x16xf32>,
      %swap3A_503 = vector.shape_cast %swap3A_502 : vector<1x16xf32> to vector<16xf32>
      %swap3A_504 = vector.shape_cast %mul3A_499 : vector<16xf32> to vector<1x16xf32>
      tpu.vector_store %arg9[%swap3A_500, %swap3A_501], %swap3A_504 {strides = array<i32>} : memref<400x64xf32, #tpu.memory_space<vmem>>, vector<1x16xf32>,
      %get3A_505 = arith.index_cast %add3A_468 : i32 to index
      %get3A_506 = arith.constant 48 : index
      %get3A_507 = tpu.vector_load %arg7[%get3A_505, %get3A_506] {strides = array<i32>} : memref<400x64xf32, #tpu.memory_space<vmem>>, vector<1x16xf32>,
      %get3A_508 = vector.shape_cast %get3A_507 : vector<1x16xf32> to vector<16xf32>
      %mul3A_509 = arith.constant 8.000000e+00 : f32
      %mul3A_510 = vector.broadcast %mul3A_509 : f32 to vector<16xf32>
      %mul3A_511 = arith.mulf %get3A_508, %mul3A_510 : vector<16xf32>
      %swap3A_512 = arith.index_cast %add3A_468 : i32 to index
      %swap3A_513 = arith.constant 48 : index
      %swap3A_514 = tpu.vector_load %arg9[%swap3A_512, %swap3A_513] {strides = array<i32>} : memref<400x64xf32, #tpu.memory_space<vmem>>, vector<1x16xf32>,
      %swap3A_515 = vector.shape_cast %swap3A_514 : vector<1x16xf32> to vector<16xf32>
      %swap3A_516 = vector.shape_cast %mul3A_511 : vector<16xf32> to vector<1x16xf32>
      tpu.vector_store %arg9[%swap3A_512, %swap3A_513], %swap3A_516 {strides = array<i32>} : memref<400x64xf32, #tpu.memory_space<vmem>>, vector<1x16xf32>,
    }
    %scan3A_18 = arith.constant 50 : i32
    %add3A_19 = arith.constant 0 : i32
    %add3A_20 = arith.addi %mul3A_2, %add3A_19 : i32
    %dma_start3A_21 = arith.constant 0 : i32
    %dma_start3A_22 = tpu.memref_slice %arg4[%add3A_20, %dma_start3A_21] : memref<819200x64xf32, #tpu.memory_space<hbm>> -> memref<400x64xf32, #tpu.memory_space<hbm>>
    %dma_start3A_23 = arith.constant 0 : i32
    %dma_start3A_24 = tpu.memref_slice %arg4[%add3A_20, %dma_start3A_23] : memref<819200x64xf32, #tpu.memory_space<hbm>> -> memref<400x64xf32, #tpu.memory_space<hbm>>
    tpu.enqueue_dma source(%arg9 : memref<400x64xf32, #tpu.memory_space<vmem>>) target(%dma_start3A_24 : memref<400x64xf32, #tpu.memory_space<hbm>>) target_semaphore(%arg13 : memref<!tpu.dma_semaphore, #tpu.memory_space<semaphore_mem>>)
    %add3A_25 = arith.constant 800 : i32
    %add3A_26 = arith.addi %mul3A_2, %add3A_25 : i32
    "tpu.region"() ({
      %run_scoped3A = tpu.sem_alloc : memref<!tpu.dma_semaphore, #tpu.memory_space<semaphore_mem>>
      %dma_start3A_102 = tpu.memref_slice %arg2[%add3A_26] : memref<819200xi32, #tpu.memory_space<hbm>> -> memref<400xi32, #tpu.memory_space<hbm>>
      %dma_start3A_103 = tpu.memref_slice %arg2[%add3A_26] : memref<819200xi32, #tpu.memory_space<hbm>> -> memref<400xi32, #tpu.memory_space<hbm>>
      tpu.enqueue_dma source(%dma_start3A_103 : memref<400xi32, #tpu.memory_space<hbm>>) target(%arg5 : memref<400xi32, #tpu.memory_space<vmem>>) target_semaphore(%run_scoped3A : memref<!tpu.dma_semaphore, #tpu.memory_space<semaphore_mem>>)
      %dma_wait3A_104 = tpu.memref_slice %arg2[%add3A_26] : memref<819200xi32, #tpu.memory_space<hbm>> -> memref<400xi32, #tpu.memory_space<hbm>>
      %dma_wait3A_105 = tpu.memref_slice %arg2[%add3A_26] : memref<819200xi32, #tpu.memory_space<hbm>> -> memref<400xi32, #tpu.memory_space<hbm>>
      tpu.wait_dma2 semaphore(%run_scoped3A : memref<!tpu.dma_semaphore, #tpu.memory_space<semaphore_mem>>) src(%dma_wait3A_105 : memref<400xi32, #tpu.memory_space<hbm>>) dst(%arg5 : memref<400xi32, #tpu.memory_space<vmem>>)
      tpu.yield
    }) : () -> ()
    %dma_start3A_27 = arith.constant 0 : i32
    %dma_start3A_28 = arith.constant 0 : i32
    %dma_start3A_29 = tpu.memref_slice %arg3[%dma_start3A_27, %dma_start3A_28] : memref<1000000x64xf32, #tpu.memory_space<hbm>> -> memref<1000000x64xf32, #tpu.memory_space<hbm>>
    tpu.enqueue_indirect_dma source(%dma_start3A_29 : memref<1000000x64xf32, #tpu.memory_space<hbm>>) target(%arg7 : memref<400x64xf32, #tpu.memory_space<vmem>>) offsets(%arg5 : memref<400xi32, #tpu.memory_space<vmem>>) semaphore(%arg11 : memref<!tpu.dma_semaphore, #tpu.memory_space<semaphore_mem>>)
    %dma_wait3A_30 = arith.constant 0 : i32
    %dma_wait3A_31 = arith.constant 0 : i32
    %dma_wait3A_32 = tpu.memref_slice %arg3[%dma_wait3A_30, %dma_wait3A_31] : memref<1000000x64xf32, #tpu.memory_space<hbm>> -> memref<1000000x64xf32, #tpu.memory_space<hbm>>
    tpu.wait_indirect_dma semaphore(%arg12 : memref<!tpu.dma_semaphore, #tpu.memory_space<semaphore_mem>>) src(%dma_wait3A_32 : memref<1000000x64xf32, #tpu.memory_space<hbm>>) dst(%arg8 : memref<400x64xf32, #tpu.memory_space<vmem>>)
    %scan3A_33 = arith.constant 0 : i32
    %scan3A_34 = arith.constant 0 : i32
    %scan3A_35 = arith.constant 50 : i32
    %scan3A_36 = arith.addi %scan3A_34, %scan3A_35 : i32
    %scan3A_37 = arith.constant 1 : i32
    scf.for %scan3A_102 = %scan3A_34 to %scan3A_36 step %scan3A_37  : i32 {
      %mul3A_103 = arith.constant 8 : i32
      %mul3A_104 = arith.muli %scan3A_102, %mul3A_103 : i32
      %add3A_105 = arith.constant 0 : i32
      %add3A_106 = arith.addi %mul3A_104, %add3A_105 : i32
      %get3A = arith.index_cast %add3A_106 : i32 to index
      %get3A_107 = arith.constant 0 : index
      %get3A_108 = tpu.vector_load %arg8[%get3A, %get3A_107] {strides = array<i32>} : memref<400x64xf32, #tpu.memory_space<vmem>>, vector<1x16xf32>,
      %get3A_109 = vector.shape_cast %get3A_108 : vector<1x16xf32> to vector<16xf32>
      %mul3A_110 = arith.constant 8.000000e+00 : f32
      %mul3A_111 = vector.broadcast %mul3A_110 : f32 to vector<16xf32>
      %mul3A_112 = arith.mulf %get3A_109, %mul3A_111 : vector<16xf32>
      %swap3A = arith.index_cast %add3A_106 : i32 to index
      %swap3A_113 = arith.constant 0 : index
      %swap3A_114 = tpu.vector_load %arg10[%swap3A, %swap3A_113] {strides = array<i32>} : memref<400x64xf32, #tpu.memory_space<vmem>>, vector<1x16xf32>,
      %swap3A_115 = vector.shape_cast %swap3A_114 : vector<1x16xf32> to vector<16xf32>
      %swap3A_116 = vector.shape_cast %mul3A_112 : vector<16xf32> to vector<1x16xf32>
      tpu.vector_store %arg10[%swap3A, %swap3A_113], %swap3A_116 {strides = array<i32>} : memref<400x64xf32, #tpu.memory_space<vmem>>, vector<1x16xf32>,
      %get3A_117 = arith.index_cast %add3A_106 : i32 to index
      %get3A_118 = arith.constant 16 : index
      %get3A_119 = tpu.vector_load %arg8[%get3A_117, %get3A_118] {strides = array<i32>} : memref<400x64xf32, #tpu.memory_space<vmem>>, vector<1x16xf32>,
      %get3A_120 = vector.shape_cast %get3A_119 : vector<1x16xf32> to vector<16xf32>
      %mul3A_121 = arith.constant 8.000000e+00 : f32
      %mul3A_122 = vector.broadcast %mul3A_121 : f32 to vector<16xf32>
      %mul3A_123 = arith.mulf %get3A_120, %mul3A_122 : vector<16xf32>
      %swap3A_124 = arith.index_cast %add3A_106 : i32 to index
      %swap3A_125 = arith.constant 16 : index
      %swap3A_126 = tpu.vector_load %arg10[%swap3A_124, %swap3A_125] {strides = array<i32>} : memref<400x64xf32, #tpu.memory_space<vmem>>, vector<1x16xf32>,
      %swap3A_127 = vector.shape_cast %swap3A_126 : vector<1x16xf32> to vector<16xf32>
      %swap3A_128 = vector.shape_cast %mul3A_123 : vector<16xf32> to vector<1x16xf32>
      tpu.vector_store %arg10[%swap3A_124, %swap3A_125], %swap3A_128 {strides = array<i32>} : memref<400x64xf32, #tpu.memory_space<vmem>>, vector<1x16xf32>,
      %get3A_129 = arith.index_cast %add3A_106 : i32 to index
      %get3A_130 = arith.constant 32 : index
      %get3A_131 = tpu.vector_load %arg8[%get3A_129, %get3A_130] {strides = array<i32>} : memref<400x64xf32, #tpu.memory_space<vmem>>, vector<1x16xf32>,
      %get3A_132 = vector.shape_cast %get3A_131 : vector<1x16xf32> to vector<16xf32>
      %mul3A_133 = arith.constant 8.000000e+00 : f32
      %mul3A_134 = vector.broadcast %mul3A_133 : f32 to vector<16xf32>
      %mul3A_135 = arith.mulf %get3A_132, %mul3A_134 : vector<16xf32>
      %swap3A_136 = arith.index_cast %add3A_106 : i32 to index
      %swap3A_137 = arith.constant 32 : index
      %swap3A_138 = tpu.vector_load %arg10[%swap3A_136, %swap3A_137] {strides = array<i32>} : memref<400x64xf32, #tpu.memory_space<vmem>>, vector<1x16xf32>,
      %swap3A_139 = vector.shape_cast %swap3A_138 : vector<1x16xf32> to vector<16xf32>
      %swap3A_140 = vector.shape_cast %mul3A_135 : vector<16xf32> to vector<1x16xf32>
      tpu.vector_store %arg10[%swap3A_136, %swap3A_137], %swap3A_140 {strides = array<i32>} : memref<400x64xf32, #tpu.memory_space<vmem>>, vector<1x16xf32>,
      %get3A_141 = arith.index_cast %add3A_106 : i32 to index
      %get3A_142 = arith.constant 48 : index
      %get3A_143 = tpu.vector_load %arg8[%get3A_141, %get3A_142] {strides = array<i32>} : memref<400x64xf32, #tpu.memory_space<vmem>>, vector<1x16xf32>,
      %get3A_144 = vector.shape_cast %get3A_143 : vector<1x16xf32> to vector<16xf32>
      %mul3A_145 = arith.constant 8.000000e+00 : f32
      %mul3A_146 = vector.broadcast %mul3A_145 : f32 to vector<16xf32>
      %mul3A_147 = arith.mulf %get3A_144, %mul3A_146 : vector<16xf32>
      %swap3A_148 = arith.index_cast %add3A_106 : i32 to index
      %swap3A_149 = arith.constant 48 : index
      %swap3A_150 = tpu.vector_load %arg10[%swap3A_148, %swap3A_149] {strides = array<i32>} : memref<400x64xf32, #tpu.memory_space<vmem>>, vector<1x16xf32>,
      %swap3A_151 = vector.shape_cast %swap3A_150 : vector<1x16xf32> to vector<16xf32>
      %swap3A_152 = vector.shape_cast %mul3A_147 : vector<16xf32> to vector<1x16xf32>
      tpu.vector_store %arg10[%swap3A_148, %swap3A_149], %swap3A_152 {strides = array<i32>} : memref<400x64xf32, #tpu.memory_space<vmem>>, vector<1x16xf32>,
      %mul3A_153 = arith.constant 8 : i32
      %mul3A_154 = arith.muli %scan3A_102, %mul3A_153 : i32
      %add3A_155 = arith.constant 1 : i32
      %add3A_156 = arith.addi %mul3A_154, %add3A_155 : i32
      %get3A_157 = arith.index_cast %add3A_156 : i32 to index
      %get3A_158 = arith.constant 0 : index
      %get3A_159 = tpu.vector_load %arg8[%get3A_157, %get3A_158] {strides = array<i32>} : memref<400x64xf32, #tpu.memory_space<vmem>>, vector<1x16xf32>,
      %get3A_160 = vector.shape_cast %get3A_159 : vector<1x16xf32> to vector<16xf32>
      %mul3A_161 = arith.constant 8.000000e+00 : f32
      %mul3A_162 = vector.broadcast %mul3A_161 : f32 to vector<16xf32>
      %mul3A_163 = arith.mulf %get3A_160, %mul3A_162 : vector<16xf32>
      %swap3A_164 = arith.index_cast %add3A_156 : i32 to index
      %swap3A_165 = arith.constant 0 : index
      %swap3A_166 = tpu.vector_load %arg10[%swap3A_164, %swap3A_165] {strides = array<i32>} : memref<400x64xf32, #tpu.memory_space<vmem>>, vector<1x16xf32>,
      %swap3A_167 = vector.shape_cast %swap3A_166 : vector<1x16xf32> to vector<16xf32>
      %swap3A_168 = vector.shape_cast %mul3A_163 : vector<16xf32> to vector<1x16xf32>
      tpu.vector_store %arg10[%swap3A_164, %swap3A_165], %swap3A_168 {strides = array<i32>} : memref<400x64xf32, #tpu.memory_space<vmem>>, vector<1x16xf32>,
      %get3A_169 = arith.index_cast %add3A_156 : i32 to index
      %get3A_170 = arith.constant 16 : index
      %get3A_171 = tpu.vector_load %arg8[%get3A_169, %get3A_170] {strides = array<i32>} : memref<400x64xf32, #tpu.memory_space<vmem>>, vector<1x16xf32>,
      %get3A_172 = vector.shape_cast %get3A_171 : vector<1x16xf32> to vector<16xf32>
      %mul3A_173 = arith.constant 8.000000e+00 : f32
      %mul3A_174 = vector.broadcast %mul3A_173 : f32 to vector<16xf32>
      %mul3A_175 = arith.mulf %get3A_172, %mul3A_174 : vector<16xf32>
      %swap3A_176 = arith.index_cast %add3A_156 : i32 to index
      %swap3A_177 = arith.constant 16 : index
      %swap3A_178 = tpu.vector_load %arg10[%swap3A_176, %swap3A_177] {strides = array<i32>} : memref<400x64xf32, #tpu.memory_space<vmem>>, vector<1x16xf32>,
      %swap3A_179 = vector.shape_cast %swap3A_178 : vector<1x16xf32> to vector<16xf32>
      %swap3A_180 = vector.shape_cast %mul3A_175 : vector<16xf32> to vector<1x16xf32>
      tpu.vector_store %arg10[%swap3A_176, %swap3A_177], %swap3A_180 {strides = array<i32>} : memref<400x64xf32, #tpu.memory_space<vmem>>, vector<1x16xf32>,
      %get3A_181 = arith.index_cast %add3A_156 : i32 to index
      %get3A_182 = arith.constant 32 : index
      %get3A_183 = tpu.vector_load %arg8[%get3A_181, %get3A_182] {strides = array<i32>} : memref<400x64xf32, #tpu.memory_space<vmem>>, vector<1x16xf32>,
      %get3A_184 = vector.shape_cast %get3A_183 : vector<1x16xf32> to vector<16xf32>
      %mul3A_185 = arith.constant 8.000000e+00 : f32
      %mul3A_186 = vector.broadcast %mul3A_185 : f32 to vector<16xf32>
      %mul3A_187 = arith.mulf %get3A_184, %mul3A_186 : vector<16xf32>
      %swap3A_188 = arith.index_cast %add3A_156 : i32 to index
      %swap3A_189 = arith.constant 32 : index
      %swap3A_190 = tpu.vector_load %arg10[%swap3A_188, %swap3A_189] {strides = array<i32>} : memref<400x64xf32, #tpu.memory_space<vmem>>, vector<1x16xf32>,
      %swap3A_191 = vector.shape_cast %swap3A_190 : vector<1x16xf32> to vector<16xf32>
      %swap3A_192 = vector.shape_cast %mul3A_187 : vector<16xf32> to vector<1x16xf32>
      tpu.vector_store %arg10[%swap3A_188, %swap3A_189], %swap3A_192 {strides = array<i32>} : memref<400x64xf32, #tpu.memory_space<vmem>>, vector<1x16xf32>,
      %get3A_193 = arith.index_cast %add3A_156 : i32 to index
      %get3A_194 = arith.constant 48 : index
      %get3A_195 = tpu.vector_load %arg8[%get3A_193, %get3A_194] {strides = array<i32>} : memref<400x64xf32, #tpu.memory_space<vmem>>, vector<1x16xf32>,
      %get3A_196 = vector.shape_cast %get3A_195 : vector<1x16xf32> to vector<16xf32>
      %mul3A_197 = arith.constant 8.000000e+00 : f32
      %mul3A_198 = vector.broadcast %mul3A_197 : f32 to vector<16xf32>
      %mul3A_199 = arith.mulf %get3A_196, %mul3A_198 : vector<16xf32>
      %swap3A_200 = arith.index_cast %add3A_156 : i32 to index
      %swap3A_201 = arith.constant 48 : index
      %swap3A_202 = tpu.vector_load %arg10[%swap3A_200, %swap3A_201] {strides = array<i32>} : memref<400x64xf32, #tpu.memory_space<vmem>>, vector<1x16xf32>,
      %swap3A_203 = vector.shape_cast %swap3A_202 : vector<1x16xf32> to vector<16xf32>
      %swap3A_204 = vector.shape_cast %mul3A_199 : vector<16xf32> to vector<1x16xf32>
      tpu.vector_store %arg10[%swap3A_200, %swap3A_201], %swap3A_204 {strides = array<i32>} : memref<400x64xf32, #tpu.memory_space<vmem>>, vector<1x16xf32>,
      %mul3A_205 = arith.constant 8 : i32
      %mul3A_206 = arith.muli %scan3A_102, %mul3A_205 : i32
      %add3A_207 = arith.constant 2 : i32
      %add3A_208 = arith.addi %mul3A_206, %add3A_207 : i32
      %get3A_209 = arith.index_cast %add3A_208 : i32 to index
      %get3A_210 = arith.constant 0 : index
      %get3A_211 = tpu.vector_load %arg8[%get3A_209, %get3A_210] {strides = array<i32>} : memref<400x64xf32, #tpu.memory_space<vmem>>, vector<1x16xf32>,
      %get3A_212 = vector.shape_cast %get3A_211 : vector<1x16xf32> to vector<16xf32>
      %mul3A_213 = arith.constant 8.000000e+00 : f32
      %mul3A_214 = vector.broadcast %mul3A_213 : f32 to vector<16xf32>
      %mul3A_215 = arith.mulf %get3A_212, %mul3A_214 : vector<16xf32>
      %swap3A_216 = arith.index_cast %add3A_208 : i32 to index
      %swap3A_217 = arith.constant 0 : index
      %swap3A_218 = tpu.vector_load %arg10[%swap3A_216, %swap3A_217] {strides = array<i32>} : memref<400x64xf32, #tpu.memory_space<vmem>>, vector<1x16xf32>,
      %swap3A_219 = vector.shape_cast %swap3A_218 : vector<1x16xf32> to vector<16xf32>
      %swap3A_220 = vector.shape_cast %mul3A_215 : vector<16xf32> to vector<1x16xf32>
      tpu.vector_store %arg10[%swap3A_216, %swap3A_217], %swap3A_220 {strides = array<i32>} : memref<400x64xf32, #tpu.memory_space<vmem>>, vector<1x16xf32>,
      %get3A_221 = arith.index_cast %add3A_208 : i32 to index
      %get3A_222 = arith.constant 16 : index
      %get3A_223 = tpu.vector_load %arg8[%get3A_221, %get3A_222] {strides = array<i32>} : memref<400x64xf32, #tpu.memory_space<vmem>>, vector<1x16xf32>,
      %get3A_224 = vector.shape_cast %get3A_223 : vector<1x16xf32> to vector<16xf32>
      %mul3A_225 = arith.constant 8.000000e+00 : f32
      %mul3A_226 = vector.broadcast %mul3A_225 : f32 to vector<16xf32>
      %mul3A_227 = arith.mulf %get3A_224, %mul3A_226 : vector<16xf32>
      %swap3A_228 = arith.index_cast %add3A_208 : i32 to index
      %swap3A_229 = arith.constant 16 : index
      %swap3A_230 = tpu.vector_load %arg10[%swap3A_228, %swap3A_229] {strides = array<i32>} : memref<400x64xf32, #tpu.memory_space<vmem>>, vector<1x16xf32>,
      %swap3A_231 = vector.shape_cast %swap3A_230 : vector<1x16xf32> to vector<16xf32>
      %swap3A_232 = vector.shape_cast %mul3A_227 : vector<16xf32> to vector<1x16xf32>
      tpu.vector_store %arg10[%swap3A_228, %swap3A_229], %swap3A_232 {strides = array<i32>} : memref<400x64xf32, #tpu.memory_space<vmem>>, vector<1x16xf32>,
      %get3A_233 = arith.index_cast %add3A_208 : i32 to index
      %get3A_234 = arith.constant 32 : index
      %get3A_235 = tpu.vector_load %arg8[%get3A_233, %get3A_234] {strides = array<i32>} : memref<400x64xf32, #tpu.memory_space<vmem>>, vector<1x16xf32>,
      %get3A_236 = vector.shape_cast %get3A_235 : vector<1x16xf32> to vector<16xf32>
      %mul3A_237 = arith.constant 8.000000e+00 : f32
      %mul3A_238 = vector.broadcast %mul3A_237 : f32 to vector<16xf32>
      %mul3A_239 = arith.mulf %get3A_236, %mul3A_238 : vector<16xf32>
      %swap3A_240 = arith.index_cast %add3A_208 : i32 to index
      %swap3A_241 = arith.constant 32 : index
      %swap3A_242 = tpu.vector_load %arg10[%swap3A_240, %swap3A_241] {strides = array<i32>} : memref<400x64xf32, #tpu.memory_space<vmem>>, vector<1x16xf32>,
      %swap3A_243 = vector.shape_cast %swap3A_242 : vector<1x16xf32> to vector<16xf32>
      %swap3A_244 = vector.shape_cast %mul3A_239 : vector<16xf32> to vector<1x16xf32>
      tpu.vector_store %arg10[%swap3A_240, %swap3A_241], %swap3A_244 {strides = array<i32>} : memref<400x64xf32, #tpu.memory_space<vmem>>, vector<1x16xf32>,
      %get3A_245 = arith.index_cast %add3A_208 : i32 to index
      %get3A_246 = arith.constant 48 : index
      %get3A_247 = tpu.vector_load %arg8[%get3A_245, %get3A_246] {strides = array<i32>} : memref<400x64xf32, #tpu.memory_space<vmem>>, vector<1x16xf32>,
      %get3A_248 = vector.shape_cast %get3A_247 : vector<1x16xf32> to vector<16xf32>
      %mul3A_249 = arith.constant 8.000000e+00 : f32
      %mul3A_250 = vector.broadcast %mul3A_249 : f32 to vector<16xf32>
      %mul3A_251 = arith.mulf %get3A_248, %mul3A_250 : vector<16xf32>
      %swap3A_252 = arith.index_cast %add3A_208 : i32 to index
      %swap3A_253 = arith.constant 48 : index
      %swap3A_254 = tpu.vector_load %arg10[%swap3A_252, %swap3A_253] {strides = array<i32>} : memref<400x64xf32, #tpu.memory_space<vmem>>, vector<1x16xf32>,
      %swap3A_255 = vector.shape_cast %swap3A_254 : vector<1x16xf32> to vector<16xf32>
      %swap3A_256 = vector.shape_cast %mul3A_251 : vector<16xf32> to vector<1x16xf32>
      tpu.vector_store %arg10[%swap3A_252, %swap3A_253], %swap3A_256 {strides = array<i32>} : memref<400x64xf32, #tpu.memory_space<vmem>>, vector<1x16xf32>,
      %mul3A_257 = arith.constant 8 : i32
      %mul3A_258 = arith.muli %scan3A_102, %mul3A_257 : i32
      %add3A_259 = arith.constant 3 : i32
      %add3A_260 = arith.addi %mul3A_258, %add3A_259 : i32
      %get3A_261 = arith.index_cast %add3A_260 : i32 to index
      %get3A_262 = arith.constant 0 : index
      %get3A_263 = tpu.vector_load %arg8[%get3A_261, %get3A_262] {strides = array<i32>} : memref<400x64xf32, #tpu.memory_space<vmem>>, vector<1x16xf32>,
      %get3A_264 = vector.shape_cast %get3A_263 : vector<1x16xf32> to vector<16xf32>
      %mul3A_265 = arith.constant 8.000000e+00 : f32
      %mul3A_266 = vector.broadcast %mul3A_265 : f32 to vector<16xf32>
      %mul3A_267 = arith.mulf %get3A_264, %mul3A_266 : vector<16xf32>
      %swap3A_268 = arith.index_cast %add3A_260 : i32 to index
      %swap3A_269 = arith.constant 0 : index
      %swap3A_270 = tpu.vector_load %arg10[%swap3A_268, %swap3A_269] {strides = array<i32>} : memref<400x64xf32, #tpu.memory_space<vmem>>, vector<1x16xf32>,
      %swap3A_271 = vector.shape_cast %swap3A_270 : vector<1x16xf32> to vector<16xf32>
      %swap3A_272 = vector.shape_cast %mul3A_267 : vector<16xf32> to vector<1x16xf32>
      tpu.vector_store %arg10[%swap3A_268, %swap3A_269], %swap3A_272 {strides = array<i32>} : memref<400x64xf32, #tpu.memory_space<vmem>>, vector<1x16xf32>,
      %get3A_273 = arith.index_cast %add3A_260 : i32 to index
      %get3A_274 = arith.constant 16 : index
      %get3A_275 = tpu.vector_load %arg8[%get3A_273, %get3A_274] {strides = array<i32>} : memref<400x64xf32, #tpu.memory_space<vmem>>, vector<1x16xf32>,
      %get3A_276 = vector.shape_cast %get3A_275 : vector<1x16xf32> to vector<16xf32>
      %mul3A_277 = arith.constant 8.000000e+00 : f32
      %mul3A_278 = vector.broadcast %mul3A_277 : f32 to vector<16xf32>
      %mul3A_279 = arith.mulf %get3A_276, %mul3A_278 : vector<16xf32>
      %swap3A_280 = arith.index_cast %add3A_260 : i32 to index
      %swap3A_281 = arith.constant 16 : index
      %swap3A_282 = tpu.vector_load %arg10[%swap3A_280, %swap3A_281] {strides = array<i32>} : memref<400x64xf32, #tpu.memory_space<vmem>>, vector<1x16xf32>,
      %swap3A_283 = vector.shape_cast %swap3A_282 : vector<1x16xf32> to vector<16xf32>
      %swap3A_284 = vector.shape_cast %mul3A_279 : vector<16xf32> to vector<1x16xf32>
      tpu.vector_store %arg10[%swap3A_280, %swap3A_281], %swap3A_284 {strides = array<i32>} : memref<400x64xf32, #tpu.memory_space<vmem>>, vector<1x16xf32>,
      %get3A_285 = arith.index_cast %add3A_260 : i32 to index
      %get3A_286 = arith.constant 32 : index
      %get3A_287 = tpu.vector_load %arg8[%get3A_285, %get3A_286] {strides = array<i32>} : memref<400x64xf32, #tpu.memory_space<vmem>>, vector<1x16xf32>,
      %get3A_288 = vector.shape_cast %get3A_287 : vector<1x16xf32> to vector<16xf32>
      %mul3A_289 = arith.constant 8.000000e+00 : f32
      %mul3A_290 = vector.broadcast %mul3A_289 : f32 to vector<16xf32>
      %mul3A_291 = arith.mulf %get3A_288, %mul3A_290 : vector<16xf32>
      %swap3A_292 = arith.index_cast %add3A_260 : i32 to index
      %swap3A_293 = arith.constant 32 : index
      %swap3A_294 = tpu.vector_load %arg10[%swap3A_292, %swap3A_293] {strides = array<i32>} : memref<400x64xf32, #tpu.memory_space<vmem>>, vector<1x16xf32>,
      %swap3A_295 = vector.shape_cast %swap3A_294 : vector<1x16xf32> to vector<16xf32>
      %swap3A_296 = vector.shape_cast %mul3A_291 : vector<16xf32> to vector<1x16xf32>
      tpu.vector_store %arg10[%swap3A_292, %swap3A_293], %swap3A_296 {strides = array<i32>} : memref<400x64xf32, #tpu.memory_space<vmem>>, vector<1x16xf32>,
      %get3A_297 = arith.index_cast %add3A_260 : i32 to index
      %get3A_298 = arith.constant 48 : index
      %get3A_299 = tpu.vector_load %arg8[%get3A_297, %get3A_298] {strides = array<i32>} : memref<400x64xf32, #tpu.memory_space<vmem>>, vector<1x16xf32>,
      %get3A_300 = vector.shape_cast %get3A_299 : vector<1x16xf32> to vector<16xf32>
      %mul3A_301 = arith.constant 8.000000e+00 : f32
      %mul3A_302 = vector.broadcast %mul3A_301 : f32 to vector<16xf32>
      %mul3A_303 = arith.mulf %get3A_300, %mul3A_302 : vector<16xf32>
      %swap3A_304 = arith.index_cast %add3A_260 : i32 to index
      %swap3A_305 = arith.constant 48 : index
      %swap3A_306 = tpu.vector_load %arg10[%swap3A_304, %swap3A_305] {strides = array<i32>} : memref<400x64xf32, #tpu.memory_space<vmem>>, vector<1x16xf32>,
      %swap3A_307 = vector.shape_cast %swap3A_306 : vector<1x16xf32> to vector<16xf32>
      %swap3A_308 = vector.shape_cast %mul3A_303 : vector<16xf32> to vector<1x16xf32>
      tpu.vector_store %arg10[%swap3A_304, %swap3A_305], %swap3A_308 {strides = array<i32>} : memref<400x64xf32, #tpu.memory_space<vmem>>, vector<1x16xf32>,
      %mul3A_309 = arith.constant 8 : i32
      %mul3A_310 = arith.muli %scan3A_102, %mul3A_309 : i32
      %add3A_311 = arith.constant 4 : i32
      %add3A_312 = arith.addi %mul3A_310, %add3A_311 : i32
      %get3A_313 = arith.index_cast %add3A_312 : i32 to index
      %get3A_314 = arith.constant 0 : index
      %get3A_315 = tpu.vector_load %arg8[%get3A_313, %get3A_314] {strides = array<i32>} : memref<400x64xf32, #tpu.memory_space<vmem>>, vector<1x16xf32>,
      %get3A_316 = vector.shape_cast %get3A_315 : vector<1x16xf32> to vector<16xf32>
      %mul3A_317 = arith.constant 8.000000e+00 : f32
      %mul3A_318 = vector.broadcast %mul3A_317 : f32 to vector<16xf32>
      %mul3A_319 = arith.mulf %get3A_316, %mul3A_318 : vector<16xf32>
      %swap3A_320 = arith.index_cast %add3A_312 : i32 to index
      %swap3A_321 = arith.constant 0 : index
      %swap3A_322 = tpu.vector_load %arg10[%swap3A_320, %swap3A_321] {strides = array<i32>} : memref<400x64xf32, #tpu.memory_space<vmem>>, vector<1x16xf32>,
      %swap3A_323 = vector.shape_cast %swap3A_322 : vector<1x16xf32> to vector<16xf32>
      %swap3A_324 = vector.shape_cast %mul3A_319 : vector<16xf32> to vector<1x16xf32>
      tpu.vector_store %arg10[%swap3A_320, %swap3A_321], %swap3A_324 {strides = array<i32>} : memref<400x64xf32, #tpu.memory_space<vmem>>, vector<1x16xf32>,
      %get3A_325 = arith.index_cast %add3A_312 : i32 to index
      %get3A_326 = arith.constant 16 : index
      %get3A_327 = tpu.vector_load %arg8[%get3A_325, %get3A_326] {strides = array<i32>} : memref<400x64xf32, #tpu.memory_space<vmem>>, vector<1x16xf32>,
      %get3A_328 = vector.shape_cast %get3A_327 : vector<1x16xf32> to vector<16xf32>
      %mul3A_329 = arith.constant 8.000000e+00 : f32
      %mul3A_330 = vector.broadcast %mul3A_329 : f32 to vector<16xf32>
      %mul3A_331 = arith.mulf %get3A_328, %mul3A_330 : vector<16xf32>
      %swap3A_332 = arith.index_cast %add3A_312 : i32 to index
      %swap3A_333 = arith.constant 16 : index
      %swap3A_334 = tpu.vector_load %arg10[%swap3A_332, %swap3A_333] {strides = array<i32>} : memref<400x64xf32, #tpu.memory_space<vmem>>, vector<1x16xf32>,
      %swap3A_335 = vector.shape_cast %swap3A_334 : vector<1x16xf32> to vector<16xf32>
      %swap3A_336 = vector.shape_cast %mul3A_331 : vector<16xf32> to vector<1x16xf32>
      tpu.vector_store %arg10[%swap3A_332, %swap3A_333], %swap3A_336 {strides = array<i32>} : memref<400x64xf32, #tpu.memory_space<vmem>>, vector<1x16xf32>,
      %get3A_337 = arith.index_cast %add3A_312 : i32 to index
      %get3A_338 = arith.constant 32 : index
      %get3A_339 = tpu.vector_load %arg8[%get3A_337, %get3A_338] {strides = array<i32>} : memref<400x64xf32, #tpu.memory_space<vmem>>, vector<1x16xf32>,
      %get3A_340 = vector.shape_cast %get3A_339 : vector<1x16xf32> to vector<16xf32>
      %mul3A_341 = arith.constant 8.000000e+00 : f32
      %mul3A_342 = vector.broadcast %mul3A_341 : f32 to vector<16xf32>
      %mul3A_343 = arith.mulf %get3A_340, %mul3A_342 : vector<16xf32>
      %swap3A_344 = arith.index_cast %add3A_312 : i32 to index
      %swap3A_345 = arith.constant 32 : index
      %swap3A_346 = tpu.vector_load %arg10[%swap3A_344, %swap3A_345] {strides = array<i32>} : memref<400x64xf32, #tpu.memory_space<vmem>>, vector<1x16xf32>,
      %swap3A_347 = vector.shape_cast %swap3A_346 : vector<1x16xf32> to vector<16xf32>
      %swap3A_348 = vector.shape_cast %mul3A_343 : vector<16xf32> to vector<1x16xf32>
      tpu.vector_store %arg10[%swap3A_344, %swap3A_345], %swap3A_348 {strides = array<i32>} : memref<400x64xf32, #tpu.memory_space<vmem>>, vector<1x16xf32>,
      %get3A_349 = arith.index_cast %add3A_312 : i32 to index
      %get3A_350 = arith.constant 48 : index
      %get3A_351 = tpu.vector_load %arg8[%get3A_349, %get3A_350] {strides = array<i32>} : memref<400x64xf32, #tpu.memory_space<vmem>>, vector<1x16xf32>,
      %get3A_352 = vector.shape_cast %get3A_351 : vector<1x16xf32> to vector<16xf32>
      %mul3A_353 = arith.constant 8.000000e+00 : f32
      %mul3A_354 = vector.broadcast %mul3A_353 : f32 to vector<16xf32>
      %mul3A_355 = arith.mulf %get3A_352, %mul3A_354 : vector<16xf32>
      %swap3A_356 = arith.index_cast %add3A_312 : i32 to index
      %swap3A_357 = arith.constant 48 : index
      %swap3A_358 = tpu.vector_load %arg10[%swap3A_356, %swap3A_357] {strides = array<i32>} : memref<400x64xf32, #tpu.memory_space<vmem>>, vector<1x16xf32>,
      %swap3A_359 = vector.shape_cast %swap3A_358 : vector<1x16xf32> to vector<16xf32>
      %swap3A_360 = vector.shape_cast %mul3A_355 : vector<16xf32> to vector<1x16xf32>
      tpu.vector_store %arg10[%swap3A_356, %swap3A_357], %swap3A_360 {strides = array<i32>} : memref<400x64xf32, #tpu.memory_space<vmem>>, vector<1x16xf32>,
      %mul3A_361 = arith.constant 8 : i32
      %mul3A_362 = arith.muli %scan3A_102, %mul3A_361 : i32
      %add3A_363 = arith.constant 5 : i32
      %add3A_364 = arith.addi %mul3A_362, %add3A_363 : i32
      %get3A_365 = arith.index_cast %add3A_364 : i32 to index
      %get3A_366 = arith.constant 0 : index
      %get3A_367 = tpu.vector_load %arg8[%get3A_365, %get3A_366] {strides = array<i32>} : memref<400x64xf32, #tpu.memory_space<vmem>>, vector<1x16xf32>,
      %get3A_368 = vector.shape_cast %get3A_367 : vector<1x16xf32> to vector<16xf32>
      %mul3A_369 = arith.constant 8.000000e+00 : f32
      %mul3A_370 = vector.broadcast %mul3A_369 : f32 to vector<16xf32>
      %mul3A_371 = arith.mulf %get3A_368, %mul3A_370 : vector<16xf32>
      %swap3A_372 = arith.index_cast %add3A_364 : i32 to index
      %swap3A_373 = arith.constant 0 : index
      %swap3A_374 = tpu.vector_load %arg10[%swap3A_372, %swap3A_373] {strides = array<i32>} : memref<400x64xf32, #tpu.memory_space<vmem>>, vector<1x16xf32>,
      %swap3A_375 = vector.shape_cast %swap3A_374 : vector<1x16xf32> to vector<16xf32>
      %swap3A_376 = vector.shape_cast %mul3A_371 : vector<16xf32> to vector<1x16xf32>
      tpu.vector_store %arg10[%swap3A_372, %swap3A_373], %swap3A_376 {strides = array<i32>} : memref<400x64xf32, #tpu.memory_space<vmem>>, vector<1x16xf32>,
      %get3A_377 = arith.index_cast %add3A_364 : i32 to index
      %get3A_378 = arith.constant 16 : index
      %get3A_379 = tpu.vector_load %arg8[%get3A_377, %get3A_378] {strides = array<i32>} : memref<400x64xf32, #tpu.memory_space<vmem>>, vector<1x16xf32>,
      %get3A_380 = vector.shape_cast %get3A_379 : vector<1x16xf32> to vector<16xf32>
      %mul3A_381 = arith.constant 8.000000e+00 : f32
      %mul3A_382 = vector.broadcast %mul3A_381 : f32 to vector<16xf32>
      %mul3A_383 = arith.mulf %get3A_380, %mul3A_382 : vector<16xf32>
      %swap3A_384 = arith.index_cast %add3A_364 : i32 to index
      %swap3A_385 = arith.constant 16 : index
      %swap3A_386 = tpu.vector_load %arg10[%swap3A_384, %swap3A_385] {strides = array<i32>} : memref<400x64xf32, #tpu.memory_space<vmem>>, vector<1x16xf32>,
      %swap3A_387 = vector.shape_cast %swap3A_386 : vector<1x16xf32> to vector<16xf32>
      %swap3A_388 = vector.shape_cast %mul3A_383 : vector<16xf32> to vector<1x16xf32>
      tpu.vector_store %arg10[%swap3A_384, %swap3A_385], %swap3A_388 {strides = array<i32>} : memref<400x64xf32, #tpu.memory_space<vmem>>, vector<1x16xf32>,
      %get3A_389 = arith.index_cast %add3A_364 : i32 to index
      %get3A_390 = arith.constant 32 : index
      %get3A_391 = tpu.vector_load %arg8[%get3A_389, %get3A_390] {strides = array<i32>} : memref<400x64xf32, #tpu.memory_space<vmem>>, vector<1x16xf32>,
      %get3A_392 = vector.shape_cast %get3A_391 : vector<1x16xf32> to vector<16xf32>
      %mul3A_393 = arith.constant 8.000000e+00 : f32
      %mul3A_394 = vector.broadcast %mul3A_393 : f32 to vector<16xf32>
      %mul3A_395 = arith.mulf %get3A_392, %mul3A_394 : vector<16xf32>
      %swap3A_396 = arith.index_cast %add3A_364 : i32 to index
      %swap3A_397 = arith.constant 32 : index
      %swap3A_398 = tpu.vector_load %arg10[%swap3A_396, %swap3A_397] {strides = array<i32>} : memref<400x64xf32, #tpu.memory_space<vmem>>, vector<1x16xf32>,
      %swap3A_399 = vector.shape_cast %swap3A_398 : vector<1x16xf32> to vector<16xf32>
      %swap3A_400 = vector.shape_cast %mul3A_395 : vector<16xf32> to vector<1x16xf32>
      tpu.vector_store %arg10[%swap3A_396, %swap3A_397], %swap3A_400 {strides = array<i32>} : memref<400x64xf32, #tpu.memory_space<vmem>>, vector<1x16xf32>,
      %get3A_401 = arith.index_cast %add3A_364 : i32 to index
      %get3A_402 = arith.constant 48 : index
      %get3A_403 = tpu.vector_load %arg8[%get3A_401, %get3A_402] {strides = array<i32>} : memref<400x64xf32, #tpu.memory_space<vmem>>, vector<1x16xf32>,
      %get3A_404 = vector.shape_cast %get3A_403 : vector<1x16xf32> to vector<16xf32>
      %mul3A_405 = arith.constant 8.000000e+00 : f32
      %mul3A_406 = vector.broadcast %mul3A_405 : f32 to vector<16xf32>
      %mul3A_407 = arith.mulf %get3A_404, %mul3A_406 : vector<16xf32>
      %swap3A_408 = arith.index_cast %add3A_364 : i32 to index
      %swap3A_409 = arith.constant 48 : index
      %swap3A_410 = tpu.vector_load %arg10[%swap3A_408, %swap3A_409] {strides = array<i32>} : memref<400x64xf32, #tpu.memory_space<vmem>>, vector<1x16xf32>,
      %swap3A_411 = vector.shape_cast %swap3A_410 : vector<1x16xf32> to vector<16xf32>
      %swap3A_412 = vector.shape_cast %mul3A_407 : vector<16xf32> to vector<1x16xf32>
      tpu.vector_store %arg10[%swap3A_408, %swap3A_409], %swap3A_412 {strides = array<i32>} : memref<400x64xf32, #tpu.memory_space<vmem>>, vector<1x16xf32>,
      %mul3A_413 = arith.constant 8 : i32
      %mul3A_414 = arith.muli %scan3A_102, %mul3A_413 : i32
      %add3A_415 = arith.constant 6 : i32
      %add3A_416 = arith.addi %mul3A_414, %add3A_415 : i32
      %get3A_417 = arith.index_cast %add3A_416 : i32 to index
      %get3A_418 = arith.constant 0 : index
      %get3A_419 = tpu.vector_load %arg8[%get3A_417, %get3A_418] {strides = array<i32>} : memref<400x64xf32, #tpu.memory_space<vmem>>, vector<1x16xf32>,
      %get3A_420 = vector.shape_cast %get3A_419 : vector<1x16xf32> to vector<16xf32>
      %mul3A_421 = arith.constant 8.000000e+00 : f32
      %mul3A_422 = vector.broadcast %mul3A_421 : f32 to vector<16xf32>
      %mul3A_423 = arith.mulf %get3A_420, %mul3A_422 : vector<16xf32>
      %swap3A_424 = arith.index_cast %add3A_416 : i32 to index
      %swap3A_425 = arith.constant 0 : index
      %swap3A_426 = tpu.vector_load %arg10[%swap3A_424, %swap3A_425] {strides = array<i32>} : memref<400x64xf32, #tpu.memory_space<vmem>>, vector<1x16xf32>,
      %swap3A_427 = vector.shape_cast %swap3A_426 : vector<1x16xf32> to vector<16xf32>
      %swap3A_428 = vector.shape_cast %mul3A_423 : vector<16xf32> to vector<1x16xf32>
      tpu.vector_store %arg10[%swap3A_424, %swap3A_425], %swap3A_428 {strides = array<i32>} : memref<400x64xf32, #tpu.memory_space<vmem>>, vector<1x16xf32>,
      %get3A_429 = arith.index_cast %add3A_416 : i32 to index
      %get3A_430 = arith.constant 16 : index
      %get3A_431 = tpu.vector_load %arg8[%get3A_429, %get3A_430] {strides = array<i32>} : memref<400x64xf32, #tpu.memory_space<vmem>>, vector<1x16xf32>,
      %get3A_432 = vector.shape_cast %get3A_431 : vector<1x16xf32> to vector<16xf32>
      %mul3A_433 = arith.constant 8.000000e+00 : f32
      %mul3A_434 = vector.broadcast %mul3A_433 : f32 to vector<16xf32>
      %mul3A_435 = arith.mulf %get3A_432, %mul3A_434 : vector<16xf32>
      %swap3A_436 = arith.index_cast %add3A_416 : i32 to index
      %swap3A_437 = arith.constant 16 : index
      %swap3A_438 = tpu.vector_load %arg10[%swap3A_436, %swap3A_437] {strides = array<i32>} : memref<400x64xf32, #tpu.memory_space<vmem>>, vector<1x16xf32>,
      %swap3A_439 = vector.shape_cast %swap3A_438 : vector<1x16xf32> to vector<16xf32>
      %swap3A_440 = vector.shape_cast %mul3A_435 : vector<16xf32> to vector<1x16xf32>
      tpu.vector_store %arg10[%swap3A_436, %swap3A_437], %swap3A_440 {strides = array<i32>} : memref<400x64xf32, #tpu.memory_space<vmem>>, vector<1x16xf32>,
      %get3A_441 = arith.index_cast %add3A_416 : i32 to index
      %get3A_442 = arith.constant 32 : index
      %get3A_443 = tpu.vector_load %arg8[%get3A_441, %get3A_442] {strides = array<i32>} : memref<400x64xf32, #tpu.memory_space<vmem>>, vector<1x16xf32>,
      %get3A_444 = vector.shape_cast %get3A_443 : vector<1x16xf32> to vector<16xf32>
      %mul3A_445 = arith.constant 8.000000e+00 : f32
      %mul3A_446 = vector.broadcast %mul3A_445 : f32 to vector<16xf32>
      %mul3A_447 = arith.mulf %get3A_444, %mul3A_446 : vector<16xf32>
      %swap3A_448 = arith.index_cast %add3A_416 : i32 to index
      %swap3A_449 = arith.constant 32 : index
      %swap3A_450 = tpu.vector_load %arg10[%swap3A_448, %swap3A_449] {strides = array<i32>} : memref<400x64xf32, #tpu.memory_space<vmem>>, vector<1x16xf32>,
      %swap3A_451 = vector.shape_cast %swap3A_450 : vector<1x16xf32> to vector<16xf32>
      %swap3A_452 = vector.shape_cast %mul3A_447 : vector<16xf32> to vector<1x16xf32>
      tpu.vector_store %arg10[%swap3A_448, %swap3A_449], %swap3A_452 {strides = array<i32>} : memref<400x64xf32, #tpu.memory_space<vmem>>, vector<1x16xf32>,
      %get3A_453 = arith.index_cast %add3A_416 : i32 to index
      %get3A_454 = arith.constant 48 : index
      %get3A_455 = tpu.vector_load %arg8[%get3A_453, %get3A_454] {strides = array<i32>} : memref<400x64xf32, #tpu.memory_space<vmem>>, vector<1x16xf32>,
      %get3A_456 = vector.shape_cast %get3A_455 : vector<1x16xf32> to vector<16xf32>
      %mul3A_457 = arith.constant 8.000000e+00 : f32
      %mul3A_458 = vector.broadcast %mul3A_457 : f32 to vector<16xf32>
      %mul3A_459 = arith.mulf %get3A_456, %mul3A_458 : vector<16xf32>
      %swap3A_460 = arith.index_cast %add3A_416 : i32 to index
      %swap3A_461 = arith.constant 48 : index
      %swap3A_462 = tpu.vector_load %arg10[%swap3A_460, %swap3A_461] {strides = array<i32>} : memref<400x64xf32, #tpu.memory_space<vmem>>, vector<1x16xf32>,
      %swap3A_463 = vector.shape_cast %swap3A_462 : vector<1x16xf32> to vector<16xf32>
      %swap3A_464 = vector.shape_cast %mul3A_459 : vector<16xf32> to vector<1x16xf32>
      tpu.vector_store %arg10[%swap3A_460, %swap3A_461], %swap3A_464 {strides = array<i32>} : memref<400x64xf32, #tpu.memory_space<vmem>>, vector<1x16xf32>,
      %mul3A_465 = arith.constant 8 : i32
      %mul3A_466 = arith.muli %scan3A_102, %mul3A_465 : i32
      %add3A_467 = arith.constant 7 : i32
      %add3A_468 = arith.addi %mul3A_466, %add3A_467 : i32
      %get3A_469 = arith.index_cast %add3A_468 : i32 to index
      %get3A_470 = arith.constant 0 : index
      %get3A_471 = tpu.vector_load %arg8[%get3A_469, %get3A_470] {strides = array<i32>} : memref<400x64xf32, #tpu.memory_space<vmem>>, vector<1x16xf32>,
      %get3A_472 = vector.shape_cast %get3A_471 : vector<1x16xf32> to vector<16xf32>
      %mul3A_473 = arith.constant 8.000000e+00 : f32
      %mul3A_474 = vector.broadcast %mul3A_473 : f32 to vector<16xf32>
      %mul3A_475 = arith.mulf %get3A_472, %mul3A_474 : vector<16xf32>
      %swap3A_476 = arith.index_cast %add3A_468 : i32 to index
      %swap3A_477 = arith.constant 0 : index
      %swap3A_478 = tpu.vector_load %arg10[%swap3A_476, %swap3A_477] {strides = array<i32>} : memref<400x64xf32, #tpu.memory_space<vmem>>, vector<1x16xf32>,
      %swap3A_479 = vector.shape_cast %swap3A_478 : vector<1x16xf32> to vector<16xf32>
      %swap3A_480 = vector.shape_cast %mul3A_475 : vector<16xf32> to vector<1x16xf32>
      tpu.vector_store %arg10[%swap3A_476, %swap3A_477], %swap3A_480 {strides = array<i32>} : memref<400x64xf32, #tpu.memory_space<vmem>>, vector<1x16xf32>,
      %get3A_481 = arith.index_cast %add3A_468 : i32 to index
      %get3A_482 = arith.constant 16 : index
      %get3A_483 = tpu.vector_load %arg8[%get3A_481, %get3A_482] {strides = array<i32>} : memref<400x64xf32, #tpu.memory_space<vmem>>, vector<1x16xf32>,
      %get3A_484 = vector.shape_cast %get3A_483 : vector<1x16xf32> to vector<16xf32>
      %mul3A_485 = arith.constant 8.000000e+00 : f32
      %mul3A_486 = vector.broadcast %mul3A_485 : f32 to vector<16xf32>
      %mul3A_487 = arith.mulf %get3A_484, %mul3A_486 : vector<16xf32>
      %swap3A_488 = arith.index_cast %add3A_468 : i32 to index
      %swap3A_489 = arith.constant 16 : index
      %swap3A_490 = tpu.vector_load %arg10[%swap3A_488, %swap3A_489] {strides = array<i32>} : memref<400x64xf32, #tpu.memory_space<vmem>>, vector<1x16xf32>,
      %swap3A_491 = vector.shape_cast %swap3A_490 : vector<1x16xf32> to vector<16xf32>
      %swap3A_492 = vector.shape_cast %mul3A_487 : vector<16xf32> to vector<1x16xf32>
      tpu.vector_store %arg10[%swap3A_488, %swap3A_489], %swap3A_492 {strides = array<i32>} : memref<400x64xf32, #tpu.memory_space<vmem>>, vector<1x16xf32>,
      %get3A_493 = arith.index_cast %add3A_468 : i32 to index
      %get3A_494 = arith.constant 32 : index
      %get3A_495 = tpu.vector_load %arg8[%get3A_493, %get3A_494] {strides = array<i32>} : memref<400x64xf32, #tpu.memory_space<vmem>>, vector<1x16xf32>,
      %get3A_496 = vector.shape_cast %get3A_495 : vector<1x16xf32> to vector<16xf32>
      %mul3A_497 = arith.constant 8.000000e+00 : f32
      %mul3A_498 = vector.broadcast %mul3A_497 : f32 to vector<16xf32>
      %mul3A_499 = arith.mulf %get3A_496, %mul3A_498 : vector<16xf32>
      %swap3A_500 = arith.index_cast %add3A_468 : i32 to index
      %swap3A_501 = arith.constant 32 : index
      %swap3A_502 = tpu.vector_load %arg10[%swap3A_500, %swap3A_501] {strides = array<i32>} : memref<400x64xf32, #tpu.memory_space<vmem>>, vector<1x16xf32>,
      %swap3A_503 = vector.shape_cast %swap3A_502 : vector<1x16xf32> to vector<16xf32>
      %swap3A_504 = vector.shape_cast %mul3A_499 : vector<16xf32> to vector<1x16xf32>
      tpu.vector_store %arg10[%swap3A_500, %swap3A_501], %swap3A_504 {strides = array<i32>} : memref<400x64xf32, #tpu.memory_space<vmem>>, vector<1x16xf32>,
      %get3A_505 = arith.index_cast %add3A_468 : i32 to index
      %get3A_506 = arith.constant 48 : index
      %get3A_507 = tpu.vector_load %arg8[%get3A_505, %get3A_506] {strides = array<i32>} : memref<400x64xf32, #tpu.memory_space<vmem>>, vector<1x16xf32>,
      %get3A_508 = vector.shape_cast %get3A_507 : vector<1x16xf32> to vector<16xf32>
      %mul3A_509 = arith.constant 8.000000e+00 : f32
      %mul3A_510 = vector.broadcast %mul3A_509 : f32 to vector<16xf32>
      %mul3A_511 = arith.mulf %get3A_508, %mul3A_510 : vector<16xf32>
      %swap3A_512 = arith.index_cast %add3A_468 : i32 to index
      %swap3A_513 = arith.constant 48 : index
      %swap3A_514 = tpu.vector_load %arg10[%swap3A_512, %swap3A_513] {strides = array<i32>} : memref<400x64xf32, #tpu.memory_space<vmem>>, vector<1x16xf32>,
      %swap3A_515 = vector.shape_cast %swap3A_514 : vector<1x16xf32> to vector<16xf32>
      %swap3A_516 = vector.shape_cast %mul3A_511 : vector<16xf32> to vector<1x16xf32>
      tpu.vector_store %arg10[%swap3A_512, %swap3A_513], %swap3A_516 {strides = array<i32>} : memref<400x64xf32, #tpu.memory_space<vmem>>, vector<1x16xf32>,
    }
    %scan3A_38 = arith.constant 50 : i32
    %add3A_39 = arith.constant 400 : i32
    %add3A_40 = arith.addi %mul3A_2, %add3A_39 : i32
    %dma_start3A_41 = arith.constant 0 : i32
    %dma_start3A_42 = tpu.memref_slice %arg4[%add3A_40, %dma_start3A_41] : memref<819200x64xf32, #tpu.memory_space<hbm>> -> memref<400x64xf32, #tpu.memory_space<hbm>>
    %dma_start3A_43 = arith.constant 0 : i32
    %dma_start3A_44 = tpu.memref_slice %arg4[%add3A_40, %dma_start3A_43] : memref<819200x64xf32, #tpu.memory_space<hbm>> -> memref<400x64xf32, #tpu.memory_space<hbm>>
    tpu.enqueue_dma source(%arg10 : memref<400x64xf32, #tpu.memory_space<vmem>>) target(%dma_start3A_44 : memref<400x64xf32, #tpu.memory_space<hbm>>) target_semaphore(%arg14 : memref<!tpu.dma_semaphore, #tpu.memory_space<semaphore_mem>>)
    %scan3A_45 = arith.constant 0 : i32
    %scan3A_46 = arith.constant 1 : i32
    %scan3A_47 = arith.constant 30 : i32
    %scan3A_48 = arith.addi %scan3A_46, %scan3A_47 : i32
    %scan3A_49 = arith.constant 1 : i32
    scf.for %scan3A_102 = %scan3A_46 to %scan3A_48 step %scan3A_49  : i32 {
      %mul3A_103 = arith.constant 2 : i32
      %mul3A_104 = arith.muli %scan3A_102, %mul3A_103 : i32
      %add3A_105 = arith.constant 1 : i32
      %add3A_106 = arith.addi %mul3A_104, %add3A_105 : i32
      %mul3A_107 = arith.constant 400 : i32
      %mul3A_108 = arith.muli %add3A_106, %mul3A_107 : i32
      %add3A_109 = arith.addi %mul3A_2, %mul3A_108 : i32
      "tpu.region"() ({
        %run_scoped3A = tpu.sem_alloc : memref<!tpu.dma_semaphore, #tpu.memory_space<semaphore_mem>>
        %dma_start3A_163 = tpu.memref_slice %arg2[%add3A_109] : memref<819200xi32, #tpu.memory_space<hbm>> -> memref<400xi32, #tpu.memory_space<hbm>>
        %dma_start3A_164 = tpu.memref_slice %arg2[%add3A_109] : memref<819200xi32, #tpu.memory_space<hbm>> -> memref<400xi32, #tpu.memory_space<hbm>>
        tpu.enqueue_dma source(%dma_start3A_164 : memref<400xi32, #tpu.memory_space<hbm>>) target(%arg6 : memref<400xi32, #tpu.memory_space<vmem>>) target_semaphore(%run_scoped3A : memref<!tpu.dma_semaphore, #tpu.memory_space<semaphore_mem>>)
        %dma_wait3A_165 = tpu.memref_slice %arg2[%add3A_109] : memref<819200xi32, #tpu.memory_space<hbm>> -> memref<400xi32, #tpu.memory_space<hbm>>
        %dma_wait3A_166 = tpu.memref_slice %arg2[%add3A_109] : memref<819200xi32, #tpu.memory_space<hbm>> -> memref<400xi32, #tpu.memory_space<hbm>>
        tpu.wait_dma2 semaphore(%run_scoped3A : memref<!tpu.dma_semaphore, #tpu.memory_space<semaphore_mem>>) src(%dma_wait3A_166 : memref<400xi32, #tpu.memory_space<hbm>>) dst(%arg6 : memref<400xi32, #tpu.memory_space<vmem>>)
        tpu.yield
      }) : () -> ()
      %dma_start3A_110 = arith.constant 0 : i32
      %dma_start3A_111 = arith.constant 0 : i32
      %dma_start3A_112 = tpu.memref_slice %arg3[%dma_start3A_110, %dma_start3A_111] : memref<1000000x64xf32, #tpu.memory_space<hbm>> -> memref<1000000x64xf32, #tpu.memory_space<hbm>>
      tpu.enqueue_indirect_dma source(%dma_start3A_112 : memref<1000000x64xf32, #tpu.memory_space<hbm>>) target(%arg8 : memref<400x64xf32, #tpu.memory_space<vmem>>) offsets(%arg6 : memref<400xi32, #tpu.memory_space<vmem>>) semaphore(%arg12 : memref<!tpu.dma_semaphore, #tpu.memory_space<semaphore_mem>>)
      %dma_wait3A_113 = arith.constant 0 : i32
      %dma_wait3A_114 = arith.constant 0 : i32
      %dma_wait3A_115 = tpu.memref_slice %arg3[%dma_wait3A_113, %dma_wait3A_114] : memref<1000000x64xf32, #tpu.memory_space<hbm>> -> memref<1000000x64xf32, #tpu.memory_space<hbm>>
      tpu.wait_indirect_dma semaphore(%arg11 : memref<!tpu.dma_semaphore, #tpu.memory_space<semaphore_mem>>) src(%dma_wait3A_115 : memref<1000000x64xf32, #tpu.memory_space<hbm>>) dst(%arg7 : memref<400x64xf32, #tpu.memory_space<vmem>>)
      %dma_wait3A_116 = arith.constant 0 : i32
      %dma_wait3A_117 = tpu.memref_slice %arg4[%mul3A_2, %dma_wait3A_116] : memref<819200x64xf32, #tpu.memory_space<hbm>> -> memref<400x64xf32, #tpu.memory_space<hbm>>
      %dma_wait3A_118 = arith.constant 0 : i32
      %dma_wait3A_119 = tpu.memref_slice %arg4[%mul3A_2, %dma_wait3A_118] : memref<819200x64xf32, #tpu.memory_space<hbm>> -> memref<400x64xf32, #tpu.memory_space<hbm>>
      tpu.wait_dma2 semaphore(%arg13 : memref<!tpu.dma_semaphore, #tpu.memory_space<semaphore_mem>>) src(%arg9 : memref<400x64xf32, #tpu.memory_space<vmem>>) dst(%dma_wait3A_119 : memref<400x64xf32, #tpu.memory_space<hbm>>)
      %scan3A_120 = arith.constant 0 : i32
      %scan3A_121 = arith.constant 0 : i32
      %scan3A_122 = arith.constant 50 : i32
      %scan3A_123 = arith.addi %scan3A_121, %scan3A_122 : i32
      %scan3A_124 = arith.constant 1 : i32
      scf.for %scan3A_163 = %scan3A_121 to %scan3A_123 step %scan3A_124  : i32 {
        %mul3A_164 = arith.constant 8 : i32
        %mul3A_165 = arith.muli %scan3A_163, %mul3A_164 : i32
        %add3A_166 = arith.constant 0 : i32
        %add3A_167 = arith.addi %mul3A_165, %add3A_166 : i32
        %get3A = arith.index_cast %add3A_167 : i32 to index
        %get3A_168 = arith.constant 0 : index
        %get3A_169 = tpu.vector_load %arg7[%get3A, %get3A_168] {strides = array<i32>} : memref<400x64xf32, #tpu.memory_space<vmem>>, vector<1x16xf32>,
        %get3A_170 = vector.shape_cast %get3A_169 : vector<1x16xf32> to vector<16xf32>
        %mul3A_171 = arith.constant 8.000000e+00 : f32
        %mul3A_172 = vector.broadcast %mul3A_171 : f32 to vector<16xf32>
        %mul3A_173 = arith.mulf %get3A_170, %mul3A_172 : vector<16xf32>
        %swap3A = arith.index_cast %add3A_167 : i32 to index
        %swap3A_174 = arith.constant 0 : index
        %swap3A_175 = tpu.vector_load %arg9[%swap3A, %swap3A_174] {strides = array<i32>} : memref<400x64xf32, #tpu.memory_space<vmem>>, vector<1x16xf32>,
        %swap3A_176 = vector.shape_cast %swap3A_175 : vector<1x16xf32> to vector<16xf32>
        %swap3A_177 = vector.shape_cast %mul3A_173 : vector<16xf32> to vector<1x16xf32>
        tpu.vector_store %arg9[%swap3A, %swap3A_174], %swap3A_177 {strides = array<i32>} : memref<400x64xf32, #tpu.memory_space<vmem>>, vector<1x16xf32>,
        %get3A_178 = arith.index_cast %add3A_167 : i32 to index
        %get3A_179 = arith.constant 16 : index
        %get3A_180 = tpu.vector_load %arg7[%get3A_178, %get3A_179] {strides = array<i32>} : memref<400x64xf32, #tpu.memory_space<vmem>>, vector<1x16xf32>,
        %get3A_181 = vector.shape_cast %get3A_180 : vector<1x16xf32> to vector<16xf32>
        %mul3A_182 = arith.constant 8.000000e+00 : f32
        %mul3A_183 = vector.broadcast %mul3A_182 : f32 to vector<16xf32>
        %mul3A_184 = arith.mulf %get3A_181, %mul3A_183 : vector<16xf32>
        %swap3A_185 = arith.index_cast %add3A_167 : i32 to index
        %swap3A_186 = arith.constant 16 : index
        %swap3A_187 = tpu.vector_load %arg9[%swap3A_185, %swap3A_186] {strides = array<i32>} : memref<400x64xf32, #tpu.memory_space<vmem>>, vector<1x16xf32>,
        %swap3A_188 = vector.shape_cast %swap3A_187 : vector<1x16xf32> to vector<16xf32>
        %swap3A_189 = vector.shape_cast %mul3A_184 : vector<16xf32> to vector<1x16xf32>
        tpu.vector_store %arg9[%swap3A_185, %swap3A_186], %swap3A_189 {strides = array<i32>} : memref<400x64xf32, #tpu.memory_space<vmem>>, vector<1x16xf32>,
        %get3A_190 = arith.index_cast %add3A_167 : i32 to index
        %get3A_191 = arith.constant 32 : index
        %get3A_192 = tpu.vector_load %arg7[%get3A_190, %get3A_191] {strides = array<i32>} : memref<400x64xf32, #tpu.memory_space<vmem>>, vector<1x16xf32>,
        %get3A_193 = vector.shape_cast %get3A_192 : vector<1x16xf32> to vector<16xf32>
        %mul3A_194 = arith.constant 8.000000e+00 : f32
        %mul3A_195 = vector.broadcast %mul3A_194 : f32 to vector<16xf32>
        %mul3A_196 = arith.mulf %get3A_193, %mul3A_195 : vector<16xf32>
        %swap3A_197 = arith.index_cast %add3A_167 : i32 to index
        %swap3A_198 = arith.constant 32 : index
        %swap3A_199 = tpu.vector_load %arg9[%swap3A_197, %swap3A_198] {strides = array<i32>} : memref<400x64xf32, #tpu.memory_space<vmem>>, vector<1x16xf32>,
        %swap3A_200 = vector.shape_cast %swap3A_199 : vector<1x16xf32> to vector<16xf32>
        %swap3A_201 = vector.shape_cast %mul3A_196 : vector<16xf32> to vector<1x16xf32>
        tpu.vector_store %arg9[%swap3A_197, %swap3A_198], %swap3A_201 {strides = array<i32>} : memref<400x64xf32, #tpu.memory_space<vmem>>, vector<1x16xf32>,
        %get3A_202 = arith.index_cast %add3A_167 : i32 to index
        %get3A_203 = arith.constant 48 : index
        %get3A_204 = tpu.vector_load %arg7[%get3A_202, %get3A_203] {strides = array<i32>} : memref<400x64xf32, #tpu.memory_space<vmem>>, vector<1x16xf32>,
        %get3A_205 = vector.shape_cast %get3A_204 : vector<1x16xf32> to vector<16xf32>
        %mul3A_206 = arith.constant 8.000000e+00 : f32
        %mul3A_207 = vector.broadcast %mul3A_206 : f32 to vector<16xf32>
        %mul3A_208 = arith.mulf %get3A_205, %mul3A_207 : vector<16xf32>
        %swap3A_209 = arith.index_cast %add3A_167 : i32 to index
        %swap3A_210 = arith.constant 48 : index
        %swap3A_211 = tpu.vector_load %arg9[%swap3A_209, %swap3A_210] {strides = array<i32>} : memref<400x64xf32, #tpu.memory_space<vmem>>, vector<1x16xf32>,
        %swap3A_212 = vector.shape_cast %swap3A_211 : vector<1x16xf32> to vector<16xf32>
        %swap3A_213 = vector.shape_cast %mul3A_208 : vector<16xf32> to vector<1x16xf32>
        tpu.vector_store %arg9[%swap3A_209, %swap3A_210], %swap3A_213 {strides = array<i32>} : memref<400x64xf32, #tpu.memory_space<vmem>>, vector<1x16xf32>,
        %mul3A_214 = arith.constant 8 : i32
        %mul3A_215 = arith.muli %scan3A_163, %mul3A_214 : i32
        %add3A_216 = arith.constant 1 : i32
        %add3A_217 = arith.addi %mul3A_215, %add3A_216 : i32
        %get3A_218 = arith.index_cast %add3A_217 : i32 to index
        %get3A_219 = arith.constant 0 : index
        %get3A_220 = tpu.vector_load %arg7[%get3A_218, %get3A_219] {strides = array<i32>} : memref<400x64xf32, #tpu.memory_space<vmem>>, vector<1x16xf32>,
        %get3A_221 = vector.shape_cast %get3A_220 : vector<1x16xf32> to vector<16xf32>
        %mul3A_222 = arith.constant 8.000000e+00 : f32
        %mul3A_223 = vector.broadcast %mul3A_222 : f32 to vector<16xf32>
        %mul3A_224 = arith.mulf %get3A_221, %mul3A_223 : vector<16xf32>
        %swap3A_225 = arith.index_cast %add3A_217 : i32 to index
        %swap3A_226 = arith.constant 0 : index
        %swap3A_227 = tpu.vector_load %arg9[%swap3A_225, %swap3A_226] {strides = array<i32>} : memref<400x64xf32, #tpu.memory_space<vmem>>, vector<1x16xf32>,
        %swap3A_228 = vector.shape_cast %swap3A_227 : vector<1x16xf32> to vector<16xf32>
        %swap3A_229 = vector.shape_cast %mul3A_224 : vector<16xf32> to vector<1x16xf32>
        tpu.vector_store %arg9[%swap3A_225, %swap3A_226], %swap3A_229 {strides = array<i32>} : memref<400x64xf32, #tpu.memory_space<vmem>>, vector<1x16xf32>,
        %get3A_230 = arith.index_cast %add3A_217 : i32 to index
        %get3A_231 = arith.constant 16 : index
        %get3A_232 = tpu.vector_load %arg7[%get3A_230, %get3A_231] {strides = array<i32>} : memref<400x64xf32, #tpu.memory_space<vmem>>, vector<1x16xf32>,
        %get3A_233 = vector.shape_cast %get3A_232 : vector<1x16xf32> to vector<16xf32>
        %mul3A_234 = arith.constant 8.000000e+00 : f32
        %mul3A_235 = vector.broadcast %mul3A_234 : f32 to vector<16xf32>
        %mul3A_236 = arith.mulf %get3A_233, %mul3A_235 : vector<16xf32>
        %swap3A_237 = arith.index_cast %add3A_217 : i32 to index
        %swap3A_238 = arith.constant 16 : index
        %swap3A_239 = tpu.vector_load %arg9[%swap3A_237, %swap3A_238] {strides = array<i32>} : memref<400x64xf32, #tpu.memory_space<vmem>>, vector<1x16xf32>,
        %swap3A_240 = vector.shape_cast %swap3A_239 : vector<1x16xf32> to vector<16xf32>
        %swap3A_241 = vector.shape_cast %mul3A_236 : vector<16xf32> to vector<1x16xf32>
        tpu.vector_store %arg9[%swap3A_237, %swap3A_238], %swap3A_241 {strides = array<i32>} : memref<400x64xf32, #tpu.memory_space<vmem>>, vector<1x16xf32>,
        %get3A_242 = arith.index_cast %add3A_217 : i32 to index
        %get3A_243 = arith.constant 32 : index
        %get3A_244 = tpu.vector_load %arg7[%get3A_242, %get3A_243] {strides = array<i32>} : memref<400x64xf32, #tpu.memory_space<vmem>>, vector<1x16xf32>,
        %get3A_245 = vector.shape_cast %get3A_244 : vector<1x16xf32> to vector<16xf32>
        %mul3A_246 = arith.constant 8.000000e+00 : f32
        %mul3A_247 = vector.broadcast %mul3A_246 : f32 to vector<16xf32>
        %mul3A_248 = arith.mulf %get3A_245, %mul3A_247 : vector<16xf32>
        %swap3A_249 = arith.index_cast %add3A_217 : i32 to index
        %swap3A_250 = arith.constant 32 : index
        %swap3A_251 = tpu.vector_load %arg9[%swap3A_249, %swap3A_250] {strides = array<i32>} : memref<400x64xf32, #tpu.memory_space<vmem>>, vector<1x16xf32>,
        %swap3A_252 = vector.shape_cast %swap3A_251 : vector<1x16xf32> to vector<16xf32>
        %swap3A_253 = vector.shape_cast %mul3A_248 : vector<16xf32> to vector<1x16xf32>
        tpu.vector_store %arg9[%swap3A_249, %swap3A_250], %swap3A_253 {strides = array<i32>} : memref<400x64xf32, #tpu.memory_space<vmem>>, vector<1x16xf32>,
        %get3A_254 = arith.index_cast %add3A_217 : i32 to index
        %get3A_255 = arith.constant 48 : index
        %get3A_256 = tpu.vector_load %arg7[%get3A_254, %get3A_255] {strides = array<i32>} : memref<400x64xf32, #tpu.memory_space<vmem>>, vector<1x16xf32>,
        %get3A_257 = vector.shape_cast %get3A_256 : vector<1x16xf32> to vector<16xf32>
        %mul3A_258 = arith.constant 8.000000e+00 : f32
        %mul3A_259 = vector.broadcast %mul3A_258 : f32 to vector<16xf32>
        %mul3A_260 = arith.mulf %get3A_257, %mul3A_259 : vector<16xf32>
        %swap3A_261 = arith.index_cast %add3A_217 : i32 to index
        %swap3A_262 = arith.constant 48 : index
        %swap3A_263 = tpu.vector_load %arg9[%swap3A_261, %swap3A_262] {strides = array<i32>} : memref<400x64xf32, #tpu.memory_space<vmem>>, vector<1x16xf32>,
        %swap3A_264 = vector.shape_cast %swap3A_263 : vector<1x16xf32> to vector<16xf32>
        %swap3A_265 = vector.shape_cast %mul3A_260 : vector<16xf32> to vector<1x16xf32>
        tpu.vector_store %arg9[%swap3A_261, %swap3A_262], %swap3A_265 {strides = array<i32>} : memref<400x64xf32, #tpu.memory_space<vmem>>, vector<1x16xf32>,
        %mul3A_266 = arith.constant 8 : i32
        %mul3A_267 = arith.muli %scan3A_163, %mul3A_266 : i32
        %add3A_268 = arith.constant 2 : i32
        %add3A_269 = arith.addi %mul3A_267, %add3A_268 : i32
        %get3A_270 = arith.index_cast %add3A_269 : i32 to index
        %get3A_271 = arith.constant 0 : index
        %get3A_272 = tpu.vector_load %arg7[%get3A_270, %get3A_271] {strides = array<i32>} : memref<400x64xf32, #tpu.memory_space<vmem>>, vector<1x16xf32>,
        %get3A_273 = vector.shape_cast %get3A_272 : vector<1x16xf32> to vector<16xf32>
        %mul3A_274 = arith.constant 8.000000e+00 : f32
        %mul3A_275 = vector.broadcast %mul3A_274 : f32 to vector<16xf32>
        %mul3A_276 = arith.mulf %get3A_273, %mul3A_275 : vector<16xf32>
        %swap3A_277 = arith.index_cast %add3A_269 : i32 to index
        %swap3A_278 = arith.constant 0 : index
        %swap3A_279 = tpu.vector_load %arg9[%swap3A_277, %swap3A_278] {strides = array<i32>} : memref<400x64xf32, #tpu.memory_space<vmem>>, vector<1x16xf32>,
        %swap3A_280 = vector.shape_cast %swap3A_279 : vector<1x16xf32> to vector<16xf32>
        %swap3A_281 = vector.shape_cast %mul3A_276 : vector<16xf32> to vector<1x16xf32>
        tpu.vector_store %arg9[%swap3A_277, %swap3A_278], %swap3A_281 {strides = array<i32>} : memref<400x64xf32, #tpu.memory_space<vmem>>, vector<1x16xf32>,
        %get3A_282 = arith.index_cast %add3A_269 : i32 to index
        %get3A_283 = arith.constant 16 : index
        %get3A_284 = tpu.vector_load %arg7[%get3A_282, %get3A_283] {strides = array<i32>} : memref<400x64xf32, #tpu.memory_space<vmem>>, vector<1x16xf32>,
        %get3A_285 = vector.shape_cast %get3A_284 : vector<1x16xf32> to vector<16xf32>
        %mul3A_286 = arith.constant 8.000000e+00 : f32
        %mul3A_287 = vector.broadcast %mul3A_286 : f32 to vector<16xf32>
        %mul3A_288 = arith.mulf %get3A_285, %mul3A_287 : vector<16xf32>
        %swap3A_289 = arith.index_cast %add3A_269 : i32 to index
        %swap3A_290 = arith.constant 16 : index
        %swap3A_291 = tpu.vector_load %arg9[%swap3A_289, %swap3A_290] {strides = array<i32>} : memref<400x64xf32, #tpu.memory_space<vmem>>, vector<1x16xf32>,
        %swap3A_292 = vector.shape_cast %swap3A_291 : vector<1x16xf32> to vector<16xf32>
        %swap3A_293 = vector.shape_cast %mul3A_288 : vector<16xf32> to vector<1x16xf32>
        tpu.vector_store %arg9[%swap3A_289, %swap3A_290], %swap3A_293 {strides = array<i32>} : memref<400x64xf32, #tpu.memory_space<vmem>>, vector<1x16xf32>,
        %get3A_294 = arith.index_cast %add3A_269 : i32 to index
        %get3A_295 = arith.constant 32 : index
        %get3A_296 = tpu.vector_load %arg7[%get3A_294, %get3A_295] {strides = array<i32>} : memref<400x64xf32, #tpu.memory_space<vmem>>, vector<1x16xf32>,
        %get3A_297 = vector.shape_cast %get3A_296 : vector<1x16xf32> to vector<16xf32>
        %mul3A_298 = arith.constant 8.000000e+00 : f32
        %mul3A_299 = vector.broadcast %mul3A_298 : f32 to vector<16xf32>
        %mul3A_300 = arith.mulf %get3A_297, %mul3A_299 : vector<16xf32>
        %swap3A_301 = arith.index_cast %add3A_269 : i32 to index
        %swap3A_302 = arith.constant 32 : index
        %swap3A_303 = tpu.vector_load %arg9[%swap3A_301, %swap3A_302] {strides = array<i32>} : memref<400x64xf32, #tpu.memory_space<vmem>>, vector<1x16xf32>,
        %swap3A_304 = vector.shape_cast %swap3A_303 : vector<1x16xf32> to vector<16xf32>
        %swap3A_305 = vector.shape_cast %mul3A_300 : vector<16xf32> to vector<1x16xf32>
        tpu.vector_store %arg9[%swap3A_301, %swap3A_302], %swap3A_305 {strides = array<i32>} : memref<400x64xf32, #tpu.memory_space<vmem>>, vector<1x16xf32>,
        %get3A_306 = arith.index_cast %add3A_269 : i32 to index
        %get3A_307 = arith.constant 48 : index
        %get3A_308 = tpu.vector_load %arg7[%get3A_306, %get3A_307] {strides = array<i32>} : memref<400x64xf32, #tpu.memory_space<vmem>>, vector<1x16xf32>,
        %get3A_309 = vector.shape_cast %get3A_308 : vector<1x16xf32> to vector<16xf32>
        %mul3A_310 = arith.constant 8.000000e+00 : f32
        %mul3A_311 = vector.broadcast %mul3A_310 : f32 to vector<16xf32>
        %mul3A_312 = arith.mulf %get3A_309, %mul3A_311 : vector<16xf32>
        %swap3A_313 = arith.index_cast %add3A_269 : i32 to index
        %swap3A_314 = arith.constant 48 : index
        %swap3A_315 = tpu.vector_load %arg9[%swap3A_313, %swap3A_314] {strides = array<i32>} : memref<400x64xf32, #tpu.memory_space<vmem>>, vector<1x16xf32>,
        %swap3A_316 = vector.shape_cast %swap3A_315 : vector<1x16xf32> to vector<16xf32>
        %swap3A_317 = vector.shape_cast %mul3A_312 : vector<16xf32> to vector<1x16xf32>
        tpu.vector_store %arg9[%swap3A_313, %swap3A_314], %swap3A_317 {strides = array<i32>} : memref<400x64xf32, #tpu.memory_space<vmem>>, vector<1x16xf32>,
        %mul3A_318 = arith.constant 8 : i32
        %mul3A_319 = arith.muli %scan3A_163, %mul3A_318 : i32
        %add3A_320 = arith.constant 3 : i32
        %add3A_321 = arith.addi %mul3A_319, %add3A_320 : i32
        %get3A_322 = arith.index_cast %add3A_321 : i32 to index
        %get3A_323 = arith.constant 0 : index
        %get3A_324 = tpu.vector_load %arg7[%get3A_322, %get3A_323] {strides = array<i32>} : memref<400x64xf32, #tpu.memory_space<vmem>>, vector<1x16xf32>,
        %get3A_325 = vector.shape_cast %get3A_324 : vector<1x16xf32> to vector<16xf32>
        %mul3A_326 = arith.constant 8.000000e+00 : f32
        %mul3A_327 = vector.broadcast %mul3A_326 : f32 to vector<16xf32>
        %mul3A_328 = arith.mulf %get3A_325, %mul3A_327 : vector<16xf32>
        %swap3A_329 = arith.index_cast %add3A_321 : i32 to index
        %swap3A_330 = arith.constant 0 : index
        %swap3A_331 = tpu.vector_load %arg9[%swap3A_329, %swap3A_330] {strides = array<i32>} : memref<400x64xf32, #tpu.memory_space<vmem>>, vector<1x16xf32>,
        %swap3A_332 = vector.shape_cast %swap3A_331 : vector<1x16xf32> to vector<16xf32>
        %swap3A_333 = vector.shape_cast %mul3A_328 : vector<16xf32> to vector<1x16xf32>
        tpu.vector_store %arg9[%swap3A_329, %swap3A_330], %swap3A_333 {strides = array<i32>} : memref<400x64xf32, #tpu.memory_space<vmem>>, vector<1x16xf32>,
        %get3A_334 = arith.index_cast %add3A_321 : i32 to index
        %get3A_335 = arith.constant 16 : index
        %get3A_336 = tpu.vector_load %arg7[%get3A_334, %get3A_335] {strides = array<i32>} : memref<400x64xf32, #tpu.memory_space<vmem>>, vector<1x16xf32>,
        %get3A_337 = vector.shape_cast %get3A_336 : vector<1x16xf32> to vector<16xf32>
        %mul3A_338 = arith.constant 8.000000e+00 : f32
        %mul3A_339 = vector.broadcast %mul3A_338 : f32 to vector<16xf32>
        %mul3A_340 = arith.mulf %get3A_337, %mul3A_339 : vector<16xf32>
        %swap3A_341 = arith.index_cast %add3A_321 : i32 to index
        %swap3A_342 = arith.constant 16 : index
        %swap3A_343 = tpu.vector_load %arg9[%swap3A_341, %swap3A_342] {strides = array<i32>} : memref<400x64xf32, #tpu.memory_space<vmem>>, vector<1x16xf32>,
        %swap3A_344 = vector.shape_cast %swap3A_343 : vector<1x16xf32> to vector<16xf32>
        %swap3A_345 = vector.shape_cast %mul3A_340 : vector<16xf32> to vector<1x16xf32>
        tpu.vector_store %arg9[%swap3A_341, %swap3A_342], %swap3A_345 {strides = array<i32>} : memref<400x64xf32, #tpu.memory_space<vmem>>, vector<1x16xf32>,
        %get3A_346 = arith.index_cast %add3A_321 : i32 to index
        %get3A_347 = arith.constant 32 : index
        %get3A_348 = tpu.vector_load %arg7[%get3A_346, %get3A_347] {strides = array<i32>} : memref<400x64xf32, #tpu.memory_space<vmem>>, vector<1x16xf32>,
        %get3A_349 = vector.shape_cast %get3A_348 : vector<1x16xf32> to vector<16xf32>
        %mul3A_350 = arith.constant 8.000000e+00 : f32
        %mul3A_351 = vector.broadcast %mul3A_350 : f32 to vector<16xf32>
        %mul3A_352 = arith.mulf %get3A_349, %mul3A_351 : vector<16xf32>
        %swap3A_353 = arith.index_cast %add3A_321 : i32 to index
        %swap3A_354 = arith.constant 32 : index
        %swap3A_355 = tpu.vector_load %arg9[%swap3A_353, %swap3A_354] {strides = array<i32>} : memref<400x64xf32, #tpu.memory_space<vmem>>, vector<1x16xf32>,
        %swap3A_356 = vector.shape_cast %swap3A_355 : vector<1x16xf32> to vector<16xf32>
        %swap3A_357 = vector.shape_cast %mul3A_352 : vector<16xf32> to vector<1x16xf32>
        tpu.vector_store %arg9[%swap3A_353, %swap3A_354], %swap3A_357 {strides = array<i32>} : memref<400x64xf32, #tpu.memory_space<vmem>>, vector<1x16xf32>,
        %get3A_358 = arith.index_cast %add3A_321 : i32 to index
        %get3A_359 = arith.constant 48 : index
        %get3A_360 = tpu.vector_load %arg7[%get3A_358, %get3A_359] {strides = array<i32>} : memref<400x64xf32, #tpu.memory_space<vmem>>, vector<1x16xf32>,
        %get3A_361 = vector.shape_cast %get3A_360 : vector<1x16xf32> to vector<16xf32>
        %mul3A_362 = arith.constant 8.000000e+00 : f32
        %mul3A_363 = vector.broadcast %mul3A_362 : f32 to vector<16xf32>
        %mul3A_364 = arith.mulf %get3A_361, %mul3A_363 : vector<16xf32>
        %swap3A_365 = arith.index_cast %add3A_321 : i32 to index
        %swap3A_366 = arith.constant 48 : index
        %swap3A_367 = tpu.vector_load %arg9[%swap3A_365, %swap3A_366] {strides = array<i32>} : memref<400x64xf32, #tpu.memory_space<vmem>>, vector<1x16xf32>,
        %swap3A_368 = vector.shape_cast %swap3A_367 : vector<1x16xf32> to vector<16xf32>
        %swap3A_369 = vector.shape_cast %mul3A_364 : vector<16xf32> to vector<1x16xf32>
        tpu.vector_store %arg9[%swap3A_365, %swap3A_366], %swap3A_369 {strides = array<i32>} : memref<400x64xf32, #tpu.memory_space<vmem>>, vector<1x16xf32>,
        %mul3A_370 = arith.constant 8 : i32
        %mul3A_371 = arith.muli %scan3A_163, %mul3A_370 : i32
        %add3A_372 = arith.constant 4 : i32
        %add3A_373 = arith.addi %mul3A_371, %add3A_372 : i32
        %get3A_374 = arith.index_cast %add3A_373 : i32 to index
        %get3A_375 = arith.constant 0 : index
        %get3A_376 = tpu.vector_load %arg7[%get3A_374, %get3A_375] {strides = array<i32>} : memref<400x64xf32, #tpu.memory_space<vmem>>, vector<1x16xf32>,
        %get3A_377 = vector.shape_cast %get3A_376 : vector<1x16xf32> to vector<16xf32>
        %mul3A_378 = arith.constant 8.000000e+00 : f32
        %mul3A_379 = vector.broadcast %mul3A_378 : f32 to vector<16xf32>
        %mul3A_380 = arith.mulf %get3A_377, %mul3A_379 : vector<16xf32>
        %swap3A_381 = arith.index_cast %add3A_373 : i32 to index
        %swap3A_382 = arith.constant 0 : index
        %swap3A_383 = tpu.vector_load %arg9[%swap3A_381, %swap3A_382] {strides = array<i32>} : memref<400x64xf32, #tpu.memory_space<vmem>>, vector<1x16xf32>,
        %swap3A_384 = vector.shape_cast %swap3A_383 : vector<1x16xf32> to vector<16xf32>
        %swap3A_385 = vector.shape_cast %mul3A_380 : vector<16xf32> to vector<1x16xf32>
        tpu.vector_store %arg9[%swap3A_381, %swap3A_382], %swap3A_385 {strides = array<i32>} : memref<400x64xf32, #tpu.memory_space<vmem>>, vector<1x16xf32>,
        %get3A_386 = arith.index_cast %add3A_373 : i32 to index
        %get3A_387 = arith.constant 16 : index
        %get3A_388 = tpu.vector_load %arg7[%get3A_386, %get3A_387] {strides = array<i32>} : memref<400x64xf32, #tpu.memory_space<vmem>>, vector<1x16xf32>,
        %get3A_389 = vector.shape_cast %get3A_388 : vector<1x16xf32> to vector<16xf32>
        %mul3A_390 = arith.constant 8.000000e+00 : f32
        %mul3A_391 = vector.broadcast %mul3A_390 : f32 to vector<16xf32>
        %mul3A_392 = arith.mulf %get3A_389, %mul3A_391 : vector<16xf32>
        %swap3A_393 = arith.index_cast %add3A_373 : i32 to index
        %swap3A_394 = arith.constant 16 : index
        %swap3A_395 = tpu.vector_load %arg9[%swap3A_393, %swap3A_394] {strides = array<i32>} : memref<400x64xf32, #tpu.memory_space<vmem>>, vector<1x16xf32>,
        %swap3A_396 = vector.shape_cast %swap3A_395 : vector<1x16xf32> to vector<16xf32>
        %swap3A_397 = vector.shape_cast %mul3A_392 : vector<16xf32> to vector<1x16xf32>
        tpu.vector_store %arg9[%swap3A_393, %swap3A_394], %swap3A_397 {strides = array<i32>} : memref<400x64xf32, #tpu.memory_space<vmem>>, vector<1x16xf32>,
        %get3A_398 = arith.index_cast %add3A_373 : i32 to index
        %get3A_399 = arith.constant 32 : index
        %get3A_400 = tpu.vector_load %arg7[%get3A_398, %get3A_399] {strides = array<i32>} : memref<400x64xf32, #tpu.memory_space<vmem>>, vector<1x16xf32>,
        %get3A_401 = vector.shape_cast %get3A_400 : vector<1x16xf32> to vector<16xf32>
        %mul3A_402 = arith.constant 8.000000e+00 : f32
        %mul3A_403 = vector.broadcast %mul3A_402 : f32 to vector<16xf32>
        %mul3A_404 = arith.mulf %get3A_401, %mul3A_403 : vector<16xf32>
        %swap3A_405 = arith.index_cast %add3A_373 : i32 to index
        %swap3A_406 = arith.constant 32 : index
        %swap3A_407 = tpu.vector_load %arg9[%swap3A_405, %swap3A_406] {strides = array<i32>} : memref<400x64xf32, #tpu.memory_space<vmem>>, vector<1x16xf32>,
        %swap3A_408 = vector.shape_cast %swap3A_407 : vector<1x16xf32> to vector<16xf32>
        %swap3A_409 = vector.shape_cast %mul3A_404 : vector<16xf32> to vector<1x16xf32>
        tpu.vector_store %arg9[%swap3A_405, %swap3A_406], %swap3A_409 {strides = array<i32>} : memref<400x64xf32, #tpu.memory_space<vmem>>, vector<1x16xf32>,
        %get3A_410 = arith.index_cast %add3A_373 : i32 to index
        %get3A_411 = arith.constant 48 : index
        %get3A_412 = tpu.vector_load %arg7[%get3A_410, %get3A_411] {strides = array<i32>} : memref<400x64xf32, #tpu.memory_space<vmem>>, vector<1x16xf32>,
        %get3A_413 = vector.shape_cast %get3A_412 : vector<1x16xf32> to vector<16xf32>
        %mul3A_414 = arith.constant 8.000000e+00 : f32
        %mul3A_415 = vector.broadcast %mul3A_414 : f32 to vector<16xf32>
        %mul3A_416 = arith.mulf %get3A_413, %mul3A_415 : vector<16xf32>
        %swap3A_417 = arith.index_cast %add3A_373 : i32 to index
        %swap3A_418 = arith.constant 48 : index
        %swap3A_419 = tpu.vector_load %arg9[%swap3A_417, %swap3A_418] {strides = array<i32>} : memref<400x64xf32, #tpu.memory_space<vmem>>, vector<1x16xf32>,
        %swap3A_420 = vector.shape_cast %swap3A_419 : vector<1x16xf32> to vector<16xf32>
        %swap3A_421 = vector.shape_cast %mul3A_416 : vector<16xf32> to vector<1x16xf32>
        tpu.vector_store %arg9[%swap3A_417, %swap3A_418], %swap3A_421 {strides = array<i32>} : memref<400x64xf32, #tpu.memory_space<vmem>>, vector<1x16xf32>,
        %mul3A_422 = arith.constant 8 : i32
        %mul3A_423 = arith.muli %scan3A_163, %mul3A_422 : i32
        %add3A_424 = arith.constant 5 : i32
        %add3A_425 = arith.addi %mul3A_423, %add3A_424 : i32
        %get3A_426 = arith.index_cast %add3A_425 : i32 to index
        %get3A_427 = arith.constant 0 : index
        %get3A_428 = tpu.vector_load %arg7[%get3A_426, %get3A_427] {strides = array<i32>} : memref<400x64xf32, #tpu.memory_space<vmem>>, vector<1x16xf32>,
        %get3A_429 = vector.shape_cast %get3A_428 : vector<1x16xf32> to vector<16xf32>
        %mul3A_430 = arith.constant 8.000000e+00 : f32
        %mul3A_431 = vector.broadcast %mul3A_430 : f32 to vector<16xf32>
        %mul3A_432 = arith.mulf %get3A_429, %mul3A_431 : vector<16xf32>
        %swap3A_433 = arith.index_cast %add3A_425 : i32 to index
        %swap3A_434 = arith.constant 0 : index
        %swap3A_435 = tpu.vector_load %arg9[%swap3A_433, %swap3A_434] {strides = array<i32>} : memref<400x64xf32, #tpu.memory_space<vmem>>, vector<1x16xf32>,
        %swap3A_436 = vector.shape_cast %swap3A_435 : vector<1x16xf32> to vector<16xf32>
        %swap3A_437 = vector.shape_cast %mul3A_432 : vector<16xf32> to vector<1x16xf32>
        tpu.vector_store %arg9[%swap3A_433, %swap3A_434], %swap3A_437 {strides = array<i32>} : memref<400x64xf32, #tpu.memory_space<vmem>>, vector<1x16xf32>,
        %get3A_438 = arith.index_cast %add3A_425 : i32 to index
        %get3A_439 = arith.constant 16 : index
        %get3A_440 = tpu.vector_load %arg7[%get3A_438, %get3A_439] {strides = array<i32>} : memref<400x64xf32, #tpu.memory_space<vmem>>, vector<1x16xf32>,
        %get3A_441 = vector.shape_cast %get3A_440 : vector<1x16xf32> to vector<16xf32>
        %mul3A_442 = arith.constant 8.000000e+00 : f32
        %mul3A_443 = vector.broadcast %mul3A_442 : f32 to vector<16xf32>
        %mul3A_444 = arith.mulf %get3A_441, %mul3A_443 : vector<16xf32>
        %swap3A_445 = arith.index_cast %add3A_425 : i32 to index
        %swap3A_446 = arith.constant 16 : index
        %swap3A_447 = tpu.vector_load %arg9[%swap3A_445, %swap3A_446] {strides = array<i32>} : memref<400x64xf32, #tpu.memory_space<vmem>>, vector<1x16xf32>,
        %swap3A_448 = vector.shape_cast %swap3A_447 : vector<1x16xf32> to vector<16xf32>
        %swap3A_449 = vector.shape_cast %mul3A_444 : vector<16xf32> to vector<1x16xf32>
        tpu.vector_store %arg9[%swap3A_445, %swap3A_446], %swap3A_449 {strides = array<i32>} : memref<400x64xf32, #tpu.memory_space<vmem>>, vector<1x16xf32>,
        %get3A_450 = arith.index_cast %add3A_425 : i32 to index
        %get3A_451 = arith.constant 32 : index
        %get3A_452 = tpu.vector_load %arg7[%get3A_450, %get3A_451] {strides = array<i32>} : memref<400x64xf32, #tpu.memory_space<vmem>>, vector<1x16xf32>,
        %get3A_453 = vector.shape_cast %get3A_452 : vector<1x16xf32> to vector<16xf32>
        %mul3A_454 = arith.constant 8.000000e+00 : f32
        %mul3A_455 = vector.broadcast %mul3A_454 : f32 to vector<16xf32>
        %mul3A_456 = arith.mulf %get3A_453, %mul3A_455 : vector<16xf32>
        %swap3A_457 = arith.index_cast %add3A_425 : i32 to index
        %swap3A_458 = arith.constant 32 : index
        %swap3A_459 = tpu.vector_load %arg9[%swap3A_457, %swap3A_458] {strides = array<i32>} : memref<400x64xf32, #tpu.memory_space<vmem>>, vector<1x16xf32>,
        %swap3A_460 = vector.shape_cast %swap3A_459 : vector<1x16xf32> to vector<16xf32>
        %swap3A_461 = vector.shape_cast %mul3A_456 : vector<16xf32> to vector<1x16xf32>
        tpu.vector_store %arg9[%swap3A_457, %swap3A_458], %swap3A_461 {strides = array<i32>} : memref<400x64xf32, #tpu.memory_space<vmem>>, vector<1x16xf32>,
        %get3A_462 = arith.index_cast %add3A_425 : i32 to index
        %get3A_463 = arith.constant 48 : index
        %get3A_464 = tpu.vector_load %arg7[%get3A_462, %get3A_463] {strides = array<i32>} : memref<400x64xf32, #tpu.memory_space<vmem>>, vector<1x16xf32>,
        %get3A_465 = vector.shape_cast %get3A_464 : vector<1x16xf32> to vector<16xf32>
        %mul3A_466 = arith.constant 8.000000e+00 : f32
        %mul3A_467 = vector.broadcast %mul3A_466 : f32 to vector<16xf32>
        %mul3A_468 = arith.mulf %get3A_465, %mul3A_467 : vector<16xf32>
        %swap3A_469 = arith.index_cast %add3A_425 : i32 to index
        %swap3A_470 = arith.constant 48 : index
        %swap3A_471 = tpu.vector_load %arg9[%swap3A_469, %swap3A_470] {strides = array<i32>} : memref<400x64xf32, #tpu.memory_space<vmem>>, vector<1x16xf32>,
        %swap3A_472 = vector.shape_cast %swap3A_471 : vector<1x16xf32> to vector<16xf32>
        %swap3A_473 = vector.shape_cast %mul3A_468 : vector<16xf32> to vector<1x16xf32>
        tpu.vector_store %arg9[%swap3A_469, %swap3A_470], %swap3A_473 {strides = array<i32>} : memref<400x64xf32, #tpu.memory_space<vmem>>, vector<1x16xf32>,
        %mul3A_474 = arith.constant 8 : i32
        %mul3A_475 = arith.muli %scan3A_163, %mul3A_474 : i32
        %add3A_476 = arith.constant 6 : i32
        %add3A_477 = arith.addi %mul3A_475, %add3A_476 : i32
        %get3A_478 = arith.index_cast %add3A_477 : i32 to index
        %get3A_479 = arith.constant 0 : index
        %get3A_480 = tpu.vector_load %arg7[%get3A_478, %get3A_479] {strides = array<i32>} : memref<400x64xf32, #tpu.memory_space<vmem>>, vector<1x16xf32>,
        %get3A_481 = vector.shape_cast %get3A_480 : vector<1x16xf32> to vector<16xf32>
        %mul3A_482 = arith.constant 8.000000e+00 : f32
        %mul3A_483 = vector.broadcast %mul3A_482 : f32 to vector<16xf32>
        %mul3A_484 = arith.mulf %get3A_481, %mul3A_483 : vector<16xf32>
        %swap3A_485 = arith.index_cast %add3A_477 : i32 to index
        %swap3A_486 = arith.constant 0 : index
        %swap3A_487 = tpu.vector_load %arg9[%swap3A_485, %swap3A_486] {strides = array<i32>} : memref<400x64xf32, #tpu.memory_space<vmem>>, vector<1x16xf32>,
        %swap3A_488 = vector.shape_cast %swap3A_487 : vector<1x16xf32> to vector<16xf32>
        %swap3A_489 = vector.shape_cast %mul3A_484 : vector<16xf32> to vector<1x16xf32>
        tpu.vector_store %arg9[%swap3A_485, %swap3A_486], %swap3A_489 {strides = array<i32>} : memref<400x64xf32, #tpu.memory_space<vmem>>, vector<1x16xf32>,
        %get3A_490 = arith.index_cast %add3A_477 : i32 to index
        %get3A_491 = arith.constant 16 : index
        %get3A_492 = tpu.vector_load %arg7[%get3A_490, %get3A_491] {strides = array<i32>} : memref<400x64xf32, #tpu.memory_space<vmem>>, vector<1x16xf32>,
        %get3A_493 = vector.shape_cast %get3A_492 : vector<1x16xf32> to vector<16xf32>
        %mul3A_494 = arith.constant 8.000000e+00 : f32
        %mul3A_495 = vector.broadcast %mul3A_494 : f32 to vector<16xf32>
        %mul3A_496 = arith.mulf %get3A_493, %mul3A_495 : vector<16xf32>
        %swap3A_497 = arith.index_cast %add3A_477 : i32 to index
        %swap3A_498 = arith.constant 16 : index
        %swap3A_499 = tpu.vector_load %arg9[%swap3A_497, %swap3A_498] {strides = array<i32>} : memref<400x64xf32, #tpu.memory_space<vmem>>, vector<1x16xf32>,
        %swap3A_500 = vector.shape_cast %swap3A_499 : vector<1x16xf32> to vector<16xf32>
        %swap3A_501 = vector.shape_cast %mul3A_496 : vector<16xf32> to vector<1x16xf32>
        tpu.vector_store %arg9[%swap3A_497, %swap3A_498], %swap3A_501 {strides = array<i32>} : memref<400x64xf32, #tpu.memory_space<vmem>>, vector<1x16xf32>,
        %get3A_502 = arith.index_cast %add3A_477 : i32 to index
        %get3A_503 = arith.constant 32 : index
        %get3A_504 = tpu.vector_load %arg7[%get3A_502, %get3A_503] {strides = array<i32>} : memref<400x64xf32, #tpu.memory_space<vmem>>, vector<1x16xf32>,
        %get3A_505 = vector.shape_cast %get3A_504 : vector<1x16xf32> to vector<16xf32>
        %mul3A_506 = arith.constant 8.000000e+00 : f32
        %mul3A_507 = vector.broadcast %mul3A_506 : f32 to vector<16xf32>
        %mul3A_508 = arith.mulf %get3A_505, %mul3A_507 : vector<16xf32>
        %swap3A_509 = arith.index_cast %add3A_477 : i32 to index
        %swap3A_510 = arith.constant 32 : index
        %swap3A_511 = tpu.vector_load %arg9[%swap3A_509, %swap3A_510] {strides = array<i32>} : memref<400x64xf32, #tpu.memory_space<vmem>>, vector<1x16xf32>,
        %swap3A_512 = vector.shape_cast %swap3A_511 : vector<1x16xf32> to vector<16xf32>
        %swap3A_513 = vector.shape_cast %mul3A_508 : vector<16xf32> to vector<1x16xf32>
        tpu.vector_store %arg9[%swap3A_509, %swap3A_510], %swap3A_513 {strides = array<i32>} : memref<400x64xf32, #tpu.memory_space<vmem>>, vector<1x16xf32>,
        %get3A_514 = arith.index_cast %add3A_477 : i32 to index
        %get3A_515 = arith.constant 48 : index
        %get3A_516 = tpu.vector_load %arg7[%get3A_514, %get3A_515] {strides = array<i32>} : memref<400x64xf32, #tpu.memory_space<vmem>>, vector<1x16xf32>,
        %get3A_517 = vector.shape_cast %get3A_516 : vector<1x16xf32> to vector<16xf32>
        %mul3A_518 = arith.constant 8.000000e+00 : f32
        %mul3A_519 = vector.broadcast %mul3A_518 : f32 to vector<16xf32>
        %mul3A_520 = arith.mulf %get3A_517, %mul3A_519 : vector<16xf32>
        %swap3A_521 = arith.index_cast %add3A_477 : i32 to index
        %swap3A_522 = arith.constant 48 : index
        %swap3A_523 = tpu.vector_load %arg9[%swap3A_521, %swap3A_522] {strides = array<i32>} : memref<400x64xf32, #tpu.memory_space<vmem>>, vector<1x16xf32>,
        %swap3A_524 = vector.shape_cast %swap3A_523 : vector<1x16xf32> to vector<16xf32>
        %swap3A_525 = vector.shape_cast %mul3A_520 : vector<16xf32> to vector<1x16xf32>
        tpu.vector_store %arg9[%swap3A_521, %swap3A_522], %swap3A_525 {strides = array<i32>} : memref<400x64xf32, #tpu.memory_space<vmem>>, vector<1x16xf32>,
        %mul3A_526 = arith.constant 8 : i32
        %mul3A_527 = arith.muli %scan3A_163, %mul3A_526 : i32
        %add3A_528 = arith.constant 7 : i32
        %add3A_529 = arith.addi %mul3A_527, %add3A_528 : i32
        %get3A_530 = arith.index_cast %add3A_529 : i32 to index
        %get3A_531 = arith.constant 0 : index
        %get3A_532 = tpu.vector_load %arg7[%get3A_530, %get3A_531] {strides = array<i32>} : memref<400x64xf32, #tpu.memory_space<vmem>>, vector<1x16xf32>,
        %get3A_533 = vector.shape_cast %get3A_532 : vector<1x16xf32> to vector<16xf32>
        %mul3A_534 = arith.constant 8.000000e+00 : f32
        %mul3A_535 = vector.broadcast %mul3A_534 : f32 to vector<16xf32>
        %mul3A_536 = arith.mulf %get3A_533, %mul3A_535 : vector<16xf32>
        %swap3A_537 = arith.index_cast %add3A_529 : i32 to index
        %swap3A_538 = arith.constant 0 : index
        %swap3A_539 = tpu.vector_load %arg9[%swap3A_537, %swap3A_538] {strides = array<i32>} : memref<400x64xf32, #tpu.memory_space<vmem>>, vector<1x16xf32>,
        %swap3A_540 = vector.shape_cast %swap3A_539 : vector<1x16xf32> to vector<16xf32>
        %swap3A_541 = vector.shape_cast %mul3A_536 : vector<16xf32> to vector<1x16xf32>
        tpu.vector_store %arg9[%swap3A_537, %swap3A_538], %swap3A_541 {strides = array<i32>} : memref<400x64xf32, #tpu.memory_space<vmem>>, vector<1x16xf32>,
        %get3A_542 = arith.index_cast %add3A_529 : i32 to index
        %get3A_543 = arith.constant 16 : index
        %get3A_544 = tpu.vector_load %arg7[%get3A_542, %get3A_543] {strides = array<i32>} : memref<400x64xf32, #tpu.memory_space<vmem>>, vector<1x16xf32>,
        %get3A_545 = vector.shape_cast %get3A_544 : vector<1x16xf32> to vector<16xf32>
        %mul3A_546 = arith.constant 8.000000e+00 : f32
        %mul3A_547 = vector.broadcast %mul3A_546 : f32 to vector<16xf32>
        %mul3A_548 = arith.mulf %get3A_545, %mul3A_547 : vector<16xf32>
        %swap3A_549 = arith.index_cast %add3A_529 : i32 to index
        %swap3A_550 = arith.constant 16 : index
        %swap3A_551 = tpu.vector_load %arg9[%swap3A_549, %swap3A_550] {strides = array<i32>} : memref<400x64xf32, #tpu.memory_space<vmem>>, vector<1x16xf32>,
        %swap3A_552 = vector.shape_cast %swap3A_551 : vector<1x16xf32> to vector<16xf32>
        %swap3A_553 = vector.shape_cast %mul3A_548 : vector<16xf32> to vector<1x16xf32>
        tpu.vector_store %arg9[%swap3A_549, %swap3A_550], %swap3A_553 {strides = array<i32>} : memref<400x64xf32, #tpu.memory_space<vmem>>, vector<1x16xf32>,
        %get3A_554 = arith.index_cast %add3A_529 : i32 to index
        %get3A_555 = arith.constant 32 : index
        %get3A_556 = tpu.vector_load %arg7[%get3A_554, %get3A_555] {strides = array<i32>} : memref<400x64xf32, #tpu.memory_space<vmem>>, vector<1x16xf32>,
        %get3A_557 = vector.shape_cast %get3A_556 : vector<1x16xf32> to vector<16xf32>
        %mul3A_558 = arith.constant 8.000000e+00 : f32
        %mul3A_559 = vector.broadcast %mul3A_558 : f32 to vector<16xf32>
        %mul3A_560 = arith.mulf %get3A_557, %mul3A_559 : vector<16xf32>
        %swap3A_561 = arith.index_cast %add3A_529 : i32 to index
        %swap3A_562 = arith.constant 32 : index
        %swap3A_563 = tpu.vector_load %arg9[%swap3A_561, %swap3A_562] {strides = array<i32>} : memref<400x64xf32, #tpu.memory_space<vmem>>, vector<1x16xf32>,
        %swap3A_564 = vector.shape_cast %swap3A_563 : vector<1x16xf32> to vector<16xf32>
        %swap3A_565 = vector.shape_cast %mul3A_560 : vector<16xf32> to vector<1x16xf32>
        tpu.vector_store %arg9[%swap3A_561, %swap3A_562], %swap3A_565 {strides = array<i32>} : memref<400x64xf32, #tpu.memory_space<vmem>>, vector<1x16xf32>,
        %get3A_566 = arith.index_cast %add3A_529 : i32 to index
        %get3A_567 = arith.constant 48 : index
        %get3A_568 = tpu.vector_load %arg7[%get3A_566, %get3A_567] {strides = array<i32>} : memref<400x64xf32, #tpu.memory_space<vmem>>, vector<1x16xf32>,
        %get3A_569 = vector.shape_cast %get3A_568 : vector<1x16xf32> to vector<16xf32>
        %mul3A_570 = arith.constant 8.000000e+00 : f32
        %mul3A_571 = vector.broadcast %mul3A_570 : f32 to vector<16xf32>
        %mul3A_572 = arith.mulf %get3A_569, %mul3A_571 : vector<16xf32>
        %swap3A_573 = arith.index_cast %add3A_529 : i32 to index
        %swap3A_574 = arith.constant 48 : index
        %swap3A_575 = tpu.vector_load %arg9[%swap3A_573, %swap3A_574] {strides = array<i32>} : memref<400x64xf32, #tpu.memory_space<vmem>>, vector<1x16xf32>,
        %swap3A_576 = vector.shape_cast %swap3A_575 : vector<1x16xf32> to vector<16xf32>
        %swap3A_577 = vector.shape_cast %mul3A_572 : vector<16xf32> to vector<1x16xf32>
        tpu.vector_store %arg9[%swap3A_573, %swap3A_574], %swap3A_577 {strides = array<i32>} : memref<400x64xf32, #tpu.memory_space<vmem>>, vector<1x16xf32>,
      }
      %scan3A_125 = arith.constant 50 : i32
      %mul3A_126 = arith.constant 400 : i32
      %mul3A_127 = arith.muli %mul3A_104, %mul3A_126 : i32
      %add3A_128 = arith.addi %mul3A_2, %mul3A_127 : i32
      %dma_start3A_129 = arith.constant 0 : i32
      %dma_start3A_130 = tpu.memref_slice %arg4[%add3A_128, %dma_start3A_129] : memref<819200x64xf32, #tpu.memory_space<hbm>> -> memref<400x64xf32, #tpu.memory_space<hbm>>
      %dma_start3A_131 = arith.constant 0 : i32
      %dma_start3A_132 = tpu.memref_slice %arg4[%add3A_128, %dma_start3A_131] : memref<819200x64xf32, #tpu.memory_space<hbm>> -> memref<400x64xf32, #tpu.memory_space<hbm>>
      tpu.enqueue_dma source(%arg9 : memref<400x64xf32, #tpu.memory_space<vmem>>) target(%dma_start3A_132 : memref<400x64xf32, #tpu.memory_space<hbm>>) target_semaphore(%arg13 : memref<!tpu.dma_semaphore, #tpu.memory_space<semaphore_mem>>)
      %add3A_133 = arith.constant 1 : i32
      %add3A_134 = arith.addi %mul3A_104, %add3A_133 : i32
      %add3A_135 = arith.constant 1 : i32
      %add3A_136 = arith.addi %add3A_134, %add3A_135 : i32
      %mul3A_137 = arith.constant 400 : i32
      %mul3A_138 = arith.muli %add3A_136, %mul3A_137 : i32
      %add3A_139 = arith.addi %mul3A_2, %mul3A_138 : i32
      "tpu.region"() ({
        %run_scoped3A = tpu.sem_alloc : memref<!tpu.dma_semaphore, #tpu.memory_space<semaphore_mem>>
        %dma_start3A_163 = tpu.memref_slice %arg2[%add3A_139] : memref<819200xi32, #tpu.memory_space<hbm>> -> memref<400xi32, #tpu.memory_space<hbm>>
        %dma_start3A_164 = tpu.memref_slice %arg2[%add3A_139] : memref<819200xi32, #tpu.memory_space<hbm>> -> memref<400xi32, #tpu.memory_space<hbm>>
        tpu.enqueue_dma source(%dma_start3A_164 : memref<400xi32, #tpu.memory_space<hbm>>) target(%arg5 : memref<400xi32, #tpu.memory_space<vmem>>) target_semaphore(%run_scoped3A : memref<!tpu.dma_semaphore, #tpu.memory_space<semaphore_mem>>)
        %dma_wait3A_165 = tpu.memref_slice %arg2[%add3A_139] : memref<819200xi32, #tpu.memory_space<hbm>> -> memref<400xi32, #tpu.memory_space<hbm>>
        %dma_wait3A_166 = tpu.memref_slice %arg2[%add3A_139] : memref<819200xi32, #tpu.memory_space<hbm>> -> memref<400xi32, #tpu.memory_space<hbm>>
        tpu.wait_dma2 semaphore(%run_scoped3A : memref<!tpu.dma_semaphore, #tpu.memory_space<semaphore_mem>>) src(%dma_wait3A_166 : memref<400xi32, #tpu.memory_space<hbm>>) dst(%arg5 : memref<400xi32, #tpu.memory_space<vmem>>)
        tpu.yield
      }) : () -> ()
      %dma_start3A_140 = arith.constant 0 : i32
      %dma_start3A_141 = arith.constant 0 : i32
      %dma_start3A_142 = tpu.memref_slice %arg3[%dma_start3A_140, %dma_start3A_141] : memref<1000000x64xf32, #tpu.memory_space<hbm>> -> memref<1000000x64xf32, #tpu.memory_space<hbm>>
      tpu.enqueue_indirect_dma source(%dma_start3A_142 : memref<1000000x64xf32, #tpu.memory_space<hbm>>) target(%arg7 : memref<400x64xf32, #tpu.memory_space<vmem>>) offsets(%arg5 : memref<400xi32, #tpu.memory_space<vmem>>) semaphore(%arg11 : memref<!tpu.dma_semaphore, #tpu.memory_space<semaphore_mem>>)
      %dma_wait3A_143 = arith.constant 0 : i32
      %dma_wait3A_144 = arith.constant 0 : i32
      %dma_wait3A_145 = tpu.memref_slice %arg3[%dma_wait3A_143, %dma_wait3A_144] : memref<1000000x64xf32, #tpu.memory_space<hbm>> -> memref<1000000x64xf32, #tpu.memory_space<hbm>>
      tpu.wait_indirect_dma semaphore(%arg12 : memref<!tpu.dma_semaphore, #tpu.memory_space<semaphore_mem>>) src(%dma_wait3A_145 : memref<1000000x64xf32, #tpu.memory_space<hbm>>) dst(%arg8 : memref<400x64xf32, #tpu.memory_space<vmem>>)
      %dma_wait3A_146 = arith.constant 0 : i32
      %dma_wait3A_147 = tpu.memref_slice %arg4[%mul3A_2, %dma_wait3A_146] : memref<819200x64xf32, #tpu.memory_space<hbm>> -> memref<400x64xf32, #tpu.memory_space<hbm>>
      %dma_wait3A_148 = arith.constant 0 : i32
      %dma_wait3A_149 = tpu.memref_slice %arg4[%mul3A_2, %dma_wait3A_148] : memref<819200x64xf32, #tpu.memory_space<hbm>> -> memref<400x64xf32, #tpu.memory_space<hbm>>
      tpu.wait_dma2 semaphore(%arg14 : memref<!tpu.dma_semaphore, #tpu.memory_space<semaphore_mem>>) src(%arg10 : memref<400x64xf32, #tpu.memory_space<vmem>>) dst(%dma_wait3A_149 : memref<400x64xf32, #tpu.memory_space<hbm>>)
      %scan3A_150 = arith.constant 0 : i32
      %scan3A_151 = arith.constant 0 : i32
      %scan3A_152 = arith.constant 50 : i32
      %scan3A_153 = arith.addi %scan3A_151, %scan3A_152 : i32
      %scan3A_154 = arith.constant 1 : i32
      scf.for %scan3A_163 = %scan3A_151 to %scan3A_153 step %scan3A_154  : i32 {
        %mul3A_164 = arith.constant 8 : i32
        %mul3A_165 = arith.muli %scan3A_163, %mul3A_164 : i32
        %add3A_166 = arith.constant 0 : i32
        %add3A_167 = arith.addi %mul3A_165, %add3A_166 : i32
        %get3A = arith.index_cast %add3A_167 : i32 to index
        %get3A_168 = arith.constant 0 : index
        %get3A_169 = tpu.vector_load %arg8[%get3A, %get3A_168] {strides = array<i32>} : memref<400x64xf32, #tpu.memory_space<vmem>>, vector<1x16xf32>,
        %get3A_170 = vector.shape_cast %get3A_169 : vector<1x16xf32> to vector<16xf32>
        %mul3A_171 = arith.constant 8.000000e+00 : f32
        %mul3A_172 = vector.broadcast %mul3A_171 : f32 to vector<16xf32>
        %mul3A_173 = arith.mulf %get3A_170, %mul3A_172 : vector<16xf32>
        %swap3A = arith.index_cast %add3A_167 : i32 to index
        %swap3A_174 = arith.constant 0 : index
        %swap3A_175 = tpu.vector_load %arg10[%swap3A, %swap3A_174] {strides = array<i32>} : memref<400x64xf32, #tpu.memory_space<vmem>>, vector<1x16xf32>,
        %swap3A_176 = vector.shape_cast %swap3A_175 : vector<1x16xf32> to vector<16xf32>
        %swap3A_177 = vector.shape_cast %mul3A_173 : vector<16xf32> to vector<1x16xf32>
        tpu.vector_store %arg10[%swap3A, %swap3A_174], %swap3A_177 {strides = array<i32>} : memref<400x64xf32, #tpu.memory_space<vmem>>, vector<1x16xf32>,
        %get3A_178 = arith.index_cast %add3A_167 : i32 to index
        %get3A_179 = arith.constant 16 : index
        %get3A_180 = tpu.vector_load %arg8[%get3A_178, %get3A_179] {strides = array<i32>} : memref<400x64xf32, #tpu.memory_space<vmem>>, vector<1x16xf32>,
        %get3A_181 = vector.shape_cast %get3A_180 : vector<1x16xf32> to vector<16xf32>
        %mul3A_182 = arith.constant 8.000000e+00 : f32
        %mul3A_183 = vector.broadcast %mul3A_182 : f32 to vector<16xf32>
        %mul3A_184 = arith.mulf %get3A_181, %mul3A_183 : vector<16xf32>
        %swap3A_185 = arith.index_cast %add3A_167 : i32 to index
        %swap3A_186 = arith.constant 16 : index
        %swap3A_187 = tpu.vector_load %arg10[%swap3A_185, %swap3A_186] {strides = array<i32>} : memref<400x64xf32, #tpu.memory_space<vmem>>, vector<1x16xf32>,
        %swap3A_188 = vector.shape_cast %swap3A_187 : vector<1x16xf32> to vector<16xf32>
        %swap3A_189 = vector.shape_cast %mul3A_184 : vector<16xf32> to vector<1x16xf32>
        tpu.vector_store %arg10[%swap3A_185, %swap3A_186], %swap3A_189 {strides = array<i32>} : memref<400x64xf32, #tpu.memory_space<vmem>>, vector<1x16xf32>,
        %get3A_190 = arith.index_cast %add3A_167 : i32 to index
        %get3A_191 = arith.constant 32 : index
        %get3A_192 = tpu.vector_load %arg8[%get3A_190, %get3A_191] {strides = array<i32>} : memref<400x64xf32, #tpu.memory_space<vmem>>, vector<1x16xf32>,
        %get3A_193 = vector.shape_cast %get3A_192 : vector<1x16xf32> to vector<16xf32>
        %mul3A_194 = arith.constant 8.000000e+00 : f32
        %mul3A_195 = vector.broadcast %mul3A_194 : f32 to vector<16xf32>
        %mul3A_196 = arith.mulf %get3A_193, %mul3A_195 : vector<16xf32>
        %swap3A_197 = arith.index_cast %add3A_167 : i32 to index
        %swap3A_198 = arith.constant 32 : index
        %swap3A_199 = tpu.vector_load %arg10[%swap3A_197, %swap3A_198] {strides = array<i32>} : memref<400x64xf32, #tpu.memory_space<vmem>>, vector<1x16xf32>,
        %swap3A_200 = vector.shape_cast %swap3A_199 : vector<1x16xf32> to vector<16xf32>
        %swap3A_201 = vector.shape_cast %mul3A_196 : vector<16xf32> to vector<1x16xf32>
        tpu.vector_store %arg10[%swap3A_197, %swap3A_198], %swap3A_201 {strides = array<i32>} : memref<400x64xf32, #tpu.memory_space<vmem>>, vector<1x16xf32>,
        %get3A_202 = arith.index_cast %add3A_167 : i32 to index
        %get3A_203 = arith.constant 48 : index
        %get3A_204 = tpu.vector_load %arg8[%get3A_202, %get3A_203] {strides = array<i32>} : memref<400x64xf32, #tpu.memory_space<vmem>>, vector<1x16xf32>,
        %get3A_205 = vector.shape_cast %get3A_204 : vector<1x16xf32> to vector<16xf32>
        %mul3A_206 = arith.constant 8.000000e+00 : f32
        %mul3A_207 = vector.broadcast %mul3A_206 : f32 to vector<16xf32>
        %mul3A_208 = arith.mulf %get3A_205, %mul3A_207 : vector<16xf32>
        %swap3A_209 = arith.index_cast %add3A_167 : i32 to index
        %swap3A_210 = arith.constant 48 : index
        %swap3A_211 = tpu.vector_load %arg10[%swap3A_209, %swap3A_210] {strides = array<i32>} : memref<400x64xf32, #tpu.memory_space<vmem>>, vector<1x16xf32>,
        %swap3A_212 = vector.shape_cast %swap3A_211 : vector<1x16xf32> to vector<16xf32>
        %swap3A_213 = vector.shape_cast %mul3A_208 : vector<16xf32> to vector<1x16xf32>
        tpu.vector_store %arg10[%swap3A_209, %swap3A_210], %swap3A_213 {strides = array<i32>} : memref<400x64xf32, #tpu.memory_space<vmem>>, vector<1x16xf32>,
        %mul3A_214 = arith.constant 8 : i32
        %mul3A_215 = arith.muli %scan3A_163, %mul3A_214 : i32
        %add3A_216 = arith.constant 1 : i32
        %add3A_217 = arith.addi %mul3A_215, %add3A_216 : i32
        %get3A_218 = arith.index_cast %add3A_217 : i32 to index
        %get3A_219 = arith.constant 0 : index
        %get3A_220 = tpu.vector_load %arg8[%get3A_218, %get3A_219] {strides = array<i32>} : memref<400x64xf32, #tpu.memory_space<vmem>>, vector<1x16xf32>,
        %get3A_221 = vector.shape_cast %get3A_220 : vector<1x16xf32> to vector<16xf32>
        %mul3A_222 = arith.constant 8.000000e+00 : f32
        %mul3A_223 = vector.broadcast %mul3A_222 : f32 to vector<16xf32>
        %mul3A_224 = arith.mulf %get3A_221, %mul3A_223 : vector<16xf32>
        %swap3A_225 = arith.index_cast %add3A_217 : i32 to index
        %swap3A_226 = arith.constant 0 : index
        %swap3A_227 = tpu.vector_load %arg10[%swap3A_225, %swap3A_226] {strides = array<i32>} : memref<400x64xf32, #tpu.memory_space<vmem>>, vector<1x16xf32>,
        %swap3A_228 = vector.shape_cast %swap3A_227 : vector<1x16xf32> to vector<16xf32>
        %swap3A_229 = vector.shape_cast %mul3A_224 : vector<16xf32> to vector<1x16xf32>
        tpu.vector_store %arg10[%swap3A_225, %swap3A_226], %swap3A_229 {strides = array<i32>} : memref<400x64xf32, #tpu.memory_space<vmem>>, vector<1x16xf32>,
        %get3A_230 = arith.index_cast %add3A_217 : i32 to index
        %get3A_231 = arith.constant 16 : index
        %get3A_232 = tpu.vector_load %arg8[%get3A_230, %get3A_231] {strides = array<i32>} : memref<400x64xf32, #tpu.memory_space<vmem>>, vector<1x16xf32>,
        %get3A_233 = vector.shape_cast %get3A_232 : vector<1x16xf32> to vector<16xf32>
        %mul3A_234 = arith.constant 8.000000e+00 : f32
        %mul3A_235 = vector.broadcast %mul3A_234 : f32 to vector<16xf32>
        %mul3A_236 = arith.mulf %get3A_233, %mul3A_235 : vector<16xf32>
        %swap3A_237 = arith.index_cast %add3A_217 : i32 to index
        %swap3A_238 = arith.constant 16 : index
        %swap3A_239 = tpu.vector_load %arg10[%swap3A_237, %swap3A_238] {strides = array<i32>} : memref<400x64xf32, #tpu.memory_space<vmem>>, vector<1x16xf32>,
        %swap3A_240 = vector.shape_cast %swap3A_239 : vector<1x16xf32> to vector<16xf32>
        %swap3A_241 = vector.shape_cast %mul3A_236 : vector<16xf32> to vector<1x16xf32>
        tpu.vector_store %arg10[%swap3A_237, %swap3A_238], %swap3A_241 {strides = array<i32>} : memref<400x64xf32, #tpu.memory_space<vmem>>, vector<1x16xf32>,
        %get3A_242 = arith.index_cast %add3A_217 : i32 to index
        %get3A_243 = arith.constant 32 : index
        %get3A_244 = tpu.vector_load %arg8[%get3A_242, %get3A_243] {strides = array<i32>} : memref<400x64xf32, #tpu.memory_space<vmem>>, vector<1x16xf32>,
        %get3A_245 = vector.shape_cast %get3A_244 : vector<1x16xf32> to vector<16xf32>
        %mul3A_246 = arith.constant 8.000000e+00 : f32
        %mul3A_247 = vector.broadcast %mul3A_246 : f32 to vector<16xf32>
        %mul3A_248 = arith.mulf %get3A_245, %mul3A_247 : vector<16xf32>
        %swap3A_249 = arith.index_cast %add3A_217 : i32 to index
        %swap3A_250 = arith.constant 32 : index
        %swap3A_251 = tpu.vector_load %arg10[%swap3A_249, %swap3A_250] {strides = array<i32>} : memref<400x64xf32, #tpu.memory_space<vmem>>, vector<1x16xf32>,
        %swap3A_252 = vector.shape_cast %swap3A_251 : vector<1x16xf32> to vector<16xf32>
        %swap3A_253 = vector.shape_cast %mul3A_248 : vector<16xf32> to vector<1x16xf32>
        tpu.vector_store %arg10[%swap3A_249, %swap3A_250], %swap3A_253 {strides = array<i32>} : memref<400x64xf32, #tpu.memory_space<vmem>>, vector<1x16xf32>,
        %get3A_254 = arith.index_cast %add3A_217 : i32 to index
        %get3A_255 = arith.constant 48 : index
        %get3A_256 = tpu.vector_load %arg8[%get3A_254, %get3A_255] {strides = array<i32>} : memref<400x64xf32, #tpu.memory_space<vmem>>, vector<1x16xf32>,
        %get3A_257 = vector.shape_cast %get3A_256 : vector<1x16xf32> to vector<16xf32>
        %mul3A_258 = arith.constant 8.000000e+00 : f32
        %mul3A_259 = vector.broadcast %mul3A_258 : f32 to vector<16xf32>
        %mul3A_260 = arith.mulf %get3A_257, %mul3A_259 : vector<16xf32>
        %swap3A_261 = arith.index_cast %add3A_217 : i32 to index
        %swap3A_262 = arith.constant 48 : index
        %swap3A_263 = tpu.vector_load %arg10[%swap3A_261, %swap3A_262] {strides = array<i32>} : memref<400x64xf32, #tpu.memory_space<vmem>>, vector<1x16xf32>,
        %swap3A_264 = vector.shape_cast %swap3A_263 : vector<1x16xf32> to vector<16xf32>
        %swap3A_265 = vector.shape_cast %mul3A_260 : vector<16xf32> to vector<1x16xf32>
        tpu.vector_store %arg10[%swap3A_261, %swap3A_262], %swap3A_265 {strides = array<i32>} : memref<400x64xf32, #tpu.memory_space<vmem>>, vector<1x16xf32>,
        %mul3A_266 = arith.constant 8 : i32
        %mul3A_267 = arith.muli %scan3A_163, %mul3A_266 : i32
        %add3A_268 = arith.constant 2 : i32
        %add3A_269 = arith.addi %mul3A_267, %add3A_268 : i32
        %get3A_270 = arith.index_cast %add3A_269 : i32 to index
        %get3A_271 = arith.constant 0 : index
        %get3A_272 = tpu.vector_load %arg8[%get3A_270, %get3A_271] {strides = array<i32>} : memref<400x64xf32, #tpu.memory_space<vmem>>, vector<1x16xf32>,
        %get3A_273 = vector.shape_cast %get3A_272 : vector<1x16xf32> to vector<16xf32>
        %mul3A_274 = arith.constant 8.000000e+00 : f32
        %mul3A_275 = vector.broadcast %mul3A_274 : f32 to vector<16xf32>
        %mul3A_276 = arith.mulf %get3A_273, %mul3A_275 : vector<16xf32>
        %swap3A_277 = arith.index_cast %add3A_269 : i32 to index
        %swap3A_278 = arith.constant 0 : index
        %swap3A_279 = tpu.vector_load %arg10[%swap3A_277, %swap3A_278] {strides = array<i32>} : memref<400x64xf32, #tpu.memory_space<vmem>>, vector<1x16xf32>,
        %swap3A_280 = vector.shape_cast %swap3A_279 : vector<1x16xf32> to vector<16xf32>
        %swap3A_281 = vector.shape_cast %mul3A_276 : vector<16xf32> to vector<1x16xf32>
        tpu.vector_store %arg10[%swap3A_277, %swap3A_278], %swap3A_281 {strides = array<i32>} : memref<400x64xf32, #tpu.memory_space<vmem>>, vector<1x16xf32>,
        %get3A_282 = arith.index_cast %add3A_269 : i32 to index
        %get3A_283 = arith.constant 16 : index
        %get3A_284 = tpu.vector_load %arg8[%get3A_282, %get3A_283] {strides = array<i32>} : memref<400x64xf32, #tpu.memory_space<vmem>>, vector<1x16xf32>,
        %get3A_285 = vector.shape_cast %get3A_284 : vector<1x16xf32> to vector<16xf32>
        %mul3A_286 = arith.constant 8.000000e+00 : f32
        %mul3A_287 = vector.broadcast %mul3A_286 : f32 to vector<16xf32>
        %mul3A_288 = arith.mulf %get3A_285, %mul3A_287 : vector<16xf32>
        %swap3A_289 = arith.index_cast %add3A_269 : i32 to index
        %swap3A_290 = arith.constant 16 : index
        %swap3A_291 = tpu.vector_load %arg10[%swap3A_289, %swap3A_290] {strides = array<i32>} : memref<400x64xf32, #tpu.memory_space<vmem>>, vector<1x16xf32>,
        %swap3A_292 = vector.shape_cast %swap3A_291 : vector<1x16xf32> to vector<16xf32>
        %swap3A_293 = vector.shape_cast %mul3A_288 : vector<16xf32> to vector<1x16xf32>
        tpu.vector_store %arg10[%swap3A_289, %swap3A_290], %swap3A_293 {strides = array<i32>} : memref<400x64xf32, #tpu.memory_space<vmem>>, vector<1x16xf32>,
        %get3A_294 = arith.index_cast %add3A_269 : i32 to index
        %get3A_295 = arith.constant 32 : index
        %get3A_296 = tpu.vector_load %arg8[%get3A_294, %get3A_295] {strides = array<i32>} : memref<400x64xf32, #tpu.memory_space<vmem>>, vector<1x16xf32>,
        %get3A_297 = vector.shape_cast %get3A_296 : vector<1x16xf32> to vector<16xf32>
        %mul3A_298 = arith.constant 8.000000e+00 : f32
        %mul3A_299 = vector.broadcast %mul3A_298 : f32 to vector<16xf32>
        %mul3A_300 = arith.mulf %get3A_297, %mul3A_299 : vector<16xf32>
        %swap3A_301 = arith.index_cast %add3A_269 : i32 to index
        %swap3A_302 = arith.constant 32 : index
        %swap3A_303 = tpu.vector_load %arg10[%swap3A_301, %swap3A_302] {strides = array<i32>} : memref<400x64xf32, #tpu.memory_space<vmem>>, vector<1x16xf32>,
        %swap3A_304 = vector.shape_cast %swap3A_303 : vector<1x16xf32> to vector<16xf32>
        %swap3A_305 = vector.shape_cast %mul3A_300 : vector<16xf32> to vector<1x16xf32>
        tpu.vector_store %arg10[%swap3A_301, %swap3A_302], %swap3A_305 {strides = array<i32>} : memref<400x64xf32, #tpu.memory_space<vmem>>, vector<1x16xf32>,
        %get3A_306 = arith.index_cast %add3A_269 : i32 to index
        %get3A_307 = arith.constant 48 : index
        %get3A_308 = tpu.vector_load %arg8[%get3A_306, %get3A_307] {strides = array<i32>} : memref<400x64xf32, #tpu.memory_space<vmem>>, vector<1x16xf32>,
        %get3A_309 = vector.shape_cast %get3A_308 : vector<1x16xf32> to vector<16xf32>
        %mul3A_310 = arith.constant 8.000000e+00 : f32
        %mul3A_311 = vector.broadcast %mul3A_310 : f32 to vector<16xf32>
        %mul3A_312 = arith.mulf %get3A_309, %mul3A_311 : vector<16xf32>
        %swap3A_313 = arith.index_cast %add3A_269 : i32 to index
        %swap3A_314 = arith.constant 48 : index
        %swap3A_315 = tpu.vector_load %arg10[%swap3A_313, %swap3A_314] {strides = array<i32>} : memref<400x64xf32, #tpu.memory_space<vmem>>, vector<1x16xf32>,
        %swap3A_316 = vector.shape_cast %swap3A_315 : vector<1x16xf32> to vector<16xf32>
        %swap3A_317 = vector.shape_cast %mul3A_312 : vector<16xf32> to vector<1x16xf32>
        tpu.vector_store %arg10[%swap3A_313, %swap3A_314], %swap3A_317 {strides = array<i32>} : memref<400x64xf32, #tpu.memory_space<vmem>>, vector<1x16xf32>,
        %mul3A_318 = arith.constant 8 : i32
        %mul3A_319 = arith.muli %scan3A_163, %mul3A_318 : i32
        %add3A_320 = arith.constant 3 : i32
        %add3A_321 = arith.addi %mul3A_319, %add3A_320 : i32
        %get3A_322 = arith.index_cast %add3A_321 : i32 to index
        %get3A_323 = arith.constant 0 : index
        %get3A_324 = tpu.vector_load %arg8[%get3A_322, %get3A_323] {strides = array<i32>} : memref<400x64xf32, #tpu.memory_space<vmem>>, vector<1x16xf32>,
        %get3A_325 = vector.shape_cast %get3A_324 : vector<1x16xf32> to vector<16xf32>
        %mul3A_326 = arith.constant 8.000000e+00 : f32
        %mul3A_327 = vector.broadcast %mul3A_326 : f32 to vector<16xf32>
        %mul3A_328 = arith.mulf %get3A_325, %mul3A_327 : vector<16xf32>
        %swap3A_329 = arith.index_cast %add3A_321 : i32 to index
        %swap3A_330 = arith.constant 0 : index
        %swap3A_331 = tpu.vector_load %arg10[%swap3A_329, %swap3A_330] {strides = array<i32>} : memref<400x64xf32, #tpu.memory_space<vmem>>, vector<1x16xf32>,
        %swap3A_332 = vector.shape_cast %swap3A_331 : vector<1x16xf32> to vector<16xf32>
        %swap3A_333 = vector.shape_cast %mul3A_328 : vector<16xf32> to vector<1x16xf32>
        tpu.vector_store %arg10[%swap3A_329, %swap3A_330], %swap3A_333 {strides = array<i32>} : memref<400x64xf32, #tpu.memory_space<vmem>>, vector<1x16xf32>,
        %get3A_334 = arith.index_cast %add3A_321 : i32 to index
        %get3A_335 = arith.constant 16 : index
        %get3A_336 = tpu.vector_load %arg8[%get3A_334, %get3A_335] {strides = array<i32>} : memref<400x64xf32, #tpu.memory_space<vmem>>, vector<1x16xf32>,
        %get3A_337 = vector.shape_cast %get3A_336 : vector<1x16xf32> to vector<16xf32>
        %mul3A_338 = arith.constant 8.000000e+00 : f32
        %mul3A_339 = vector.broadcast %mul3A_338 : f32 to vector<16xf32>
        %mul3A_340 = arith.mulf %get3A_337, %mul3A_339 : vector<16xf32>
        %swap3A_341 = arith.index_cast %add3A_321 : i32 to index
        %swap3A_342 = arith.constant 16 : index
        %swap3A_343 = tpu.vector_load %arg10[%swap3A_341, %swap3A_342] {strides = array<i32>} : memref<400x64xf32, #tpu.memory_space<vmem>>, vector<1x16xf32>,
        %swap3A_344 = vector.shape_cast %swap3A_343 : vector<1x16xf32> to vector<16xf32>
        %swap3A_345 = vector.shape_cast %mul3A_340 : vector<16xf32> to vector<1x16xf32>
        tpu.vector_store %arg10[%swap3A_341, %swap3A_342], %swap3A_345 {strides = array<i32>} : memref<400x64xf32, #tpu.memory_space<vmem>>, vector<1x16xf32>,
        %get3A_346 = arith.index_cast %add3A_321 : i32 to index
        %get3A_347 = arith.constant 32 : index
        %get3A_348 = tpu.vector_load %arg8[%get3A_346, %get3A_347] {strides = array<i32>} : memref<400x64xf32, #tpu.memory_space<vmem>>, vector<1x16xf32>,
        %get3A_349 = vector.shape_cast %get3A_348 : vector<1x16xf32> to vector<16xf32>
        %mul3A_350 = arith.constant 8.000000e+00 : f32
        %mul3A_351 = vector.broadcast %mul3A_350 : f32 to vector<16xf32>
        %mul3A_352 = arith.mulf %get3A_349, %mul3A_351 : vector<16xf32>
        %swap3A_353 = arith.index_cast %add3A_321 : i32 to index
        %swap3A_354 = arith.constant 32 : index
        %swap3A_355 = tpu.vector_load %arg10[%swap3A_353, %swap3A_354] {strides = array<i32>} : memref<400x64xf32, #tpu.memory_space<vmem>>, vector<1x16xf32>,
        %swap3A_356 = vector.shape_cast %swap3A_355 : vector<1x16xf32> to vector<16xf32>
        %swap3A_357 = vector.shape_cast %mul3A_352 : vector<16xf32> to vector<1x16xf32>
        tpu.vector_store %arg10[%swap3A_353, %swap3A_354], %swap3A_357 {strides = array<i32>} : memref<400x64xf32, #tpu.memory_space<vmem>>, vector<1x16xf32>,
        %get3A_358 = arith.index_cast %add3A_321 : i32 to index
        %get3A_359 = arith.constant 48 : index
        %get3A_360 = tpu.vector_load %arg8[%get3A_358, %get3A_359] {strides = array<i32>} : memref<400x64xf32, #tpu.memory_space<vmem>>, vector<1x16xf32>,
        %get3A_361 = vector.shape_cast %get3A_360 : vector<1x16xf32> to vector<16xf32>
        %mul3A_362 = arith.constant 8.000000e+00 : f32
        %mul3A_363 = vector.broadcast %mul3A_362 : f32 to vector<16xf32>
        %mul3A_364 = arith.mulf %get3A_361, %mul3A_363 : vector<16xf32>
        %swap3A_365 = arith.index_cast %add3A_321 : i32 to index
        %swap3A_366 = arith.constant 48 : index
        %swap3A_367 = tpu.vector_load %arg10[%swap3A_365, %swap3A_366] {strides = array<i32>} : memref<400x64xf32, #tpu.memory_space<vmem>>, vector<1x16xf32>,
        %swap3A_368 = vector.shape_cast %swap3A_367 : vector<1x16xf32> to vector<16xf32>
        %swap3A_369 = vector.shape_cast %mul3A_364 : vector<16xf32> to vector<1x16xf32>
        tpu.vector_store %arg10[%swap3A_365, %swap3A_366], %swap3A_369 {strides = array<i32>} : memref<400x64xf32, #tpu.memory_space<vmem>>, vector<1x16xf32>,
        %mul3A_370 = arith.constant 8 : i32
        %mul3A_371 = arith.muli %scan3A_163, %mul3A_370 : i32
        %add3A_372 = arith.constant 4 : i32
        %add3A_373 = arith.addi %mul3A_371, %add3A_372 : i32
        %get3A_374 = arith.index_cast %add3A_373 : i32 to index
        %get3A_375 = arith.constant 0 : index
        %get3A_376 = tpu.vector_load %arg8[%get3A_374, %get3A_375] {strides = array<i32>} : memref<400x64xf32, #tpu.memory_space<vmem>>, vector<1x16xf32>,
        %get3A_377 = vector.shape_cast %get3A_376 : vector<1x16xf32> to vector<16xf32>
        %mul3A_378 = arith.constant 8.000000e+00 : f32
        %mul3A_379 = vector.broadcast %mul3A_378 : f32 to vector<16xf32>
        %mul3A_380 = arith.mulf %get3A_377, %mul3A_379 : vector<16xf32>
        %swap3A_381 = arith.index_cast %add3A_373 : i32 to index
        %swap3A_382 = arith.constant 0 : index
        %swap3A_383 = tpu.vector_load %arg10[%swap3A_381, %swap3A_382] {strides = array<i32>} : memref<400x64xf32, #tpu.memory_space<vmem>>, vector<1x16xf32>,
        %swap3A_384 = vector.shape_cast %swap3A_383 : vector<1x16xf32> to vector<16xf32>
        %swap3A_385 = vector.shape_cast %mul3A_380 : vector<16xf32> to vector<1x16xf32>
        tpu.vector_store %arg10[%swap3A_381, %swap3A_382], %swap3A_385 {strides = array<i32>} : memref<400x64xf32, #tpu.memory_space<vmem>>, vector<1x16xf32>,
        %get3A_386 = arith.index_cast %add3A_373 : i32 to index
        %get3A_387 = arith.constant 16 : index
        %get3A_388 = tpu.vector_load %arg8[%get3A_386, %get3A_387] {strides = array<i32>} : memref<400x64xf32, #tpu.memory_space<vmem>>, vector<1x16xf32>,
        %get3A_389 = vector.shape_cast %get3A_388 : vector<1x16xf32> to vector<16xf32>
        %mul3A_390 = arith.constant 8.000000e+00 : f32
        %mul3A_391 = vector.broadcast %mul3A_390 : f32 to vector<16xf32>
        %mul3A_392 = arith.mulf %get3A_389, %mul3A_391 : vector<16xf32>
        %swap3A_393 = arith.index_cast %add3A_373 : i32 to index
        %swap3A_394 = arith.constant 16 : index
        %swap3A_395 = tpu.vector_load %arg10[%swap3A_393, %swap3A_394] {strides = array<i32>} : memref<400x64xf32, #tpu.memory_space<vmem>>, vector<1x16xf32>,
        %swap3A_396 = vector.shape_cast %swap3A_395 : vector<1x16xf32> to vector<16xf32>
        %swap3A_397 = vector.shape_cast %mul3A_392 : vector<16xf32> to vector<1x16xf32>
        tpu.vector_store %arg10[%swap3A_393, %swap3A_394], %swap3A_397 {strides = array<i32>} : memref<400x64xf32, #tpu.memory_space<vmem>>, vector<1x16xf32>,
        %get3A_398 = arith.index_cast %add3A_373 : i32 to index
        %get3A_399 = arith.constant 32 : index
        %get3A_400 = tpu.vector_load %arg8[%get3A_398, %get3A_399] {strides = array<i32>} : memref<400x64xf32, #tpu.memory_space<vmem>>, vector<1x16xf32>,
        %get3A_401 = vector.shape_cast %get3A_400 : vector<1x16xf32> to vector<16xf32>
        %mul3A_402 = arith.constant 8.000000e+00 : f32
        %mul3A_403 = vector.broadcast %mul3A_402 : f32 to vector<16xf32>
        %mul3A_404 = arith.mulf %get3A_401, %mul3A_403 : vector<16xf32>
        %swap3A_405 = arith.index_cast %add3A_373 : i32 to index
        %swap3A_406 = arith.constant 32 : index
        %swap3A_407 = tpu.vector_load %arg10[%swap3A_405, %swap3A_406] {strides = array<i32>} : memref<400x64xf32, #tpu.memory_space<vmem>>, vector<1x16xf32>,
        %swap3A_408 = vector.shape_cast %swap3A_407 : vector<1x16xf32> to vector<16xf32>
        %swap3A_409 = vector.shape_cast %mul3A_404 : vector<16xf32> to vector<1x16xf32>
        tpu.vector_store %arg10[%swap3A_405, %swap3A_406], %swap3A_409 {strides = array<i32>} : memref<400x64xf32, #tpu.memory_space<vmem>>, vector<1x16xf32>,
        %get3A_410 = arith.index_cast %add3A_373 : i32 to index
        %get3A_411 = arith.constant 48 : index
        %get3A_412 = tpu.vector_load %arg8[%get3A_410, %get3A_411] {strides = array<i32>} : memref<400x64xf32, #tpu.memory_space<vmem>>, vector<1x16xf32>,
        %get3A_413 = vector.shape_cast %get3A_412 : vector<1x16xf32> to vector<16xf32>
        %mul3A_414 = arith.constant 8.000000e+00 : f32
        %mul3A_415 = vector.broadcast %mul3A_414 : f32 to vector<16xf32>
        %mul3A_416 = arith.mulf %get3A_413, %mul3A_415 : vector<16xf32>
        %swap3A_417 = arith.index_cast %add3A_373 : i32 to index
        %swap3A_418 = arith.constant 48 : index
        %swap3A_419 = tpu.vector_load %arg10[%swap3A_417, %swap3A_418] {strides = array<i32>} : memref<400x64xf32, #tpu.memory_space<vmem>>, vector<1x16xf32>,
        %swap3A_420 = vector.shape_cast %swap3A_419 : vector<1x16xf32> to vector<16xf32>
        %swap3A_421 = vector.shape_cast %mul3A_416 : vector<16xf32> to vector<1x16xf32>
        tpu.vector_store %arg10[%swap3A_417, %swap3A_418], %swap3A_421 {strides = array<i32>} : memref<400x64xf32, #tpu.memory_space<vmem>>, vector<1x16xf32>,
        %mul3A_422 = arith.constant 8 : i32
        %mul3A_423 = arith.muli %scan3A_163, %mul3A_422 : i32
        %add3A_424 = arith.constant 5 : i32
        %add3A_425 = arith.addi %mul3A_423, %add3A_424 : i32
        %get3A_426 = arith.index_cast %add3A_425 : i32 to index
        %get3A_427 = arith.constant 0 : index
        %get3A_428 = tpu.vector_load %arg8[%get3A_426, %get3A_427] {strides = array<i32>} : memref<400x64xf32, #tpu.memory_space<vmem>>, vector<1x16xf32>,
        %get3A_429 = vector.shape_cast %get3A_428 : vector<1x16xf32> to vector<16xf32>
        %mul3A_430 = arith.constant 8.000000e+00 : f32
        %mul3A_431 = vector.broadcast %mul3A_430 : f32 to vector<16xf32>
        %mul3A_432 = arith.mulf %get3A_429, %mul3A_431 : vector<16xf32>
        %swap3A_433 = arith.index_cast %add3A_425 : i32 to index
        %swap3A_434 = arith.constant 0 : index
        %swap3A_435 = tpu.vector_load %arg10[%swap3A_433, %swap3A_434] {strides = array<i32>} : memref<400x64xf32, #tpu.memory_space<vmem>>, vector<1x16xf32>,
        %swap3A_436 = vector.shape_cast %swap3A_435 : vector<1x16xf32> to vector<16xf32>
        %swap3A_437 = vector.shape_cast %mul3A_432 : vector<16xf32> to vector<1x16xf32>
        tpu.vector_store %arg10[%swap3A_433, %swap3A_434], %swap3A_437 {strides = array<i32>} : memref<400x64xf32, #tpu.memory_space<vmem>>, vector<1x16xf32>,
        %get3A_438 = arith.index_cast %add3A_425 : i32 to index
        %get3A_439 = arith.constant 16 : index
        %get3A_440 = tpu.vector_load %arg8[%get3A_438, %get3A_439] {strides = array<i32>} : memref<400x64xf32, #tpu.memory_space<vmem>>, vector<1x16xf32>,
        %get3A_441 = vector.shape_cast %get3A_440 : vector<1x16xf32> to vector<16xf32>
        %mul3A_442 = arith.constant 8.000000e+00 : f32
        %mul3A_443 = vector.broadcast %mul3A_442 : f32 to vector<16xf32>
        %mul3A_444 = arith.mulf %get3A_441, %mul3A_443 : vector<16xf32>
        %swap3A_445 = arith.index_cast %add3A_425 : i32 to index
        %swap3A_446 = arith.constant 16 : index
        %swap3A_447 = tpu.vector_load %arg10[%swap3A_445, %swap3A_446] {strides = array<i32>} : memref<400x64xf32, #tpu.memory_space<vmem>>, vector<1x16xf32>,
        %swap3A_448 = vector.shape_cast %swap3A_447 : vector<1x16xf32> to vector<16xf32>
        %swap3A_449 = vector.shape_cast %mul3A_444 : vector<16xf32> to vector<1x16xf32>
        tpu.vector_store %arg10[%swap3A_445, %swap3A_446], %swap3A_449 {strides = array<i32>} : memref<400x64xf32, #tpu.memory_space<vmem>>, vector<1x16xf32>,
        %get3A_450 = arith.index_cast %add3A_425 : i32 to index
        %get3A_451 = arith.constant 32 : index
        %get3A_452 = tpu.vector_load %arg8[%get3A_450, %get3A_451] {strides = array<i32>} : memref<400x64xf32, #tpu.memory_space<vmem>>, vector<1x16xf32>,
        %get3A_453 = vector.shape_cast %get3A_452 : vector<1x16xf32> to vector<16xf32>
        %mul3A_454 = arith.constant 8.000000e+00 : f32
        %mul3A_455 = vector.broadcast %mul3A_454 : f32 to vector<16xf32>
        %mul3A_456 = arith.mulf %get3A_453, %mul3A_455 : vector<16xf32>
        %swap3A_457 = arith.index_cast %add3A_425 : i32 to index
        %swap3A_458 = arith.constant 32 : index
        %swap3A_459 = tpu.vector_load %arg10[%swap3A_457, %swap3A_458] {strides = array<i32>} : memref<400x64xf32, #tpu.memory_space<vmem>>, vector<1x16xf32>,
        %swap3A_460 = vector.shape_cast %swap3A_459 : vector<1x16xf32> to vector<16xf32>
        %swap3A_461 = vector.shape_cast %mul3A_456 : vector<16xf32> to vector<1x16xf32>
        tpu.vector_store %arg10[%swap3A_457, %swap3A_458], %swap3A_461 {strides = array<i32>} : memref<400x64xf32, #tpu.memory_space<vmem>>, vector<1x16xf32>,
        %get3A_462 = arith.index_cast %add3A_425 : i32 to index
        %get3A_463 = arith.constant 48 : index
        %get3A_464 = tpu.vector_load %arg8[%get3A_462, %get3A_463] {strides = array<i32>} : memref<400x64xf32, #tpu.memory_space<vmem>>, vector<1x16xf32>,
        %get3A_465 = vector.shape_cast %get3A_464 : vector<1x16xf32> to vector<16xf32>
        %mul3A_466 = arith.constant 8.000000e+00 : f32
        %mul3A_467 = vector.broadcast %mul3A_466 : f32 to vector<16xf32>
        %mul3A_468 = arith.mulf %get3A_465, %mul3A_467 : vector<16xf32>
        %swap3A_469 = arith.index_cast %add3A_425 : i32 to index
        %swap3A_470 = arith.constant 48 : index
        %swap3A_471 = tpu.vector_load %arg10[%swap3A_469, %swap3A_470] {strides = array<i32>} : memref<400x64xf32, #tpu.memory_space<vmem>>, vector<1x16xf32>,
        %swap3A_472 = vector.shape_cast %swap3A_471 : vector<1x16xf32> to vector<16xf32>
        %swap3A_473 = vector.shape_cast %mul3A_468 : vector<16xf32> to vector<1x16xf32>
        tpu.vector_store %arg10[%swap3A_469, %swap3A_470], %swap3A_473 {strides = array<i32>} : memref<400x64xf32, #tpu.memory_space<vmem>>, vector<1x16xf32>,
        %mul3A_474 = arith.constant 8 : i32
        %mul3A_475 = arith.muli %scan3A_163, %mul3A_474 : i32
        %add3A_476 = arith.constant 6 : i32
        %add3A_477 = arith.addi %mul3A_475, %add3A_476 : i32
        %get3A_478 = arith.index_cast %add3A_477 : i32 to index
        %get3A_479 = arith.constant 0 : index
        %get3A_480 = tpu.vector_load %arg8[%get3A_478, %get3A_479] {strides = array<i32>} : memref<400x64xf32, #tpu.memory_space<vmem>>, vector<1x16xf32>,
        %get3A_481 = vector.shape_cast %get3A_480 : vector<1x16xf32> to vector<16xf32>
        %mul3A_482 = arith.constant 8.000000e+00 : f32
        %mul3A_483 = vector.broadcast %mul3A_482 : f32 to vector<16xf32>
        %mul3A_484 = arith.mulf %get3A_481, %mul3A_483 : vector<16xf32>
        %swap3A_485 = arith.index_cast %add3A_477 : i32 to index
        %swap3A_486 = arith.constant 0 : index
        %swap3A_487 = tpu.vector_load %arg10[%swap3A_485, %swap3A_486] {strides = array<i32>} : memref<400x64xf32, #tpu.memory_space<vmem>>, vector<1x16xf32>,
        %swap3A_488 = vector.shape_cast %swap3A_487 : vector<1x16xf32> to vector<16xf32>
        %swap3A_489 = vector.shape_cast %mul3A_484 : vector<16xf32> to vector<1x16xf32>
        tpu.vector_store %arg10[%swap3A_485, %swap3A_486], %swap3A_489 {strides = array<i32>} : memref<400x64xf32, #tpu.memory_space<vmem>>, vector<1x16xf32>,
        %get3A_490 = arith.index_cast %add3A_477 : i32 to index
        %get3A_491 = arith.constant 16 : index
        %get3A_492 = tpu.vector_load %arg8[%get3A_490, %get3A_491] {strides = array<i32>} : memref<400x64xf32, #tpu.memory_space<vmem>>, vector<1x16xf32>,
        %get3A_493 = vector.shape_cast %get3A_492 : vector<1x16xf32> to vector<16xf32>
        %mul3A_494 = arith.constant 8.000000e+00 : f32
        %mul3A_495 = vector.broadcast %mul3A_494 : f32 to vector<16xf32>
        %mul3A_496 = arith.mulf %get3A_493, %mul3A_495 : vector<16xf32>
        %swap3A_497 = arith.index_cast %add3A_477 : i32 to index
        %swap3A_498 = arith.constant 16 : index
        %swap3A_499 = tpu.vector_load %arg10[%swap3A_497, %swap3A_498] {strides = array<i32>} : memref<400x64xf32, #tpu.memory_space<vmem>>, vector<1x16xf32>,
        %swap3A_500 = vector.shape_cast %swap3A_499 : vector<1x16xf32> to vector<16xf32>
        %swap3A_501 = vector.shape_cast %mul3A_496 : vector<16xf32> to vector<1x16xf32>
        tpu.vector_store %arg10[%swap3A_497, %swap3A_498], %swap3A_501 {strides = array<i32>} : memref<400x64xf32, #tpu.memory_space<vmem>>, vector<1x16xf32>,
        %get3A_502 = arith.index_cast %add3A_477 : i32 to index
        %get3A_503 = arith.constant 32 : index
        %get3A_504 = tpu.vector_load %arg8[%get3A_502, %get3A_503] {strides = array<i32>} : memref<400x64xf32, #tpu.memory_space<vmem>>, vector<1x16xf32>,
        %get3A_505 = vector.shape_cast %get3A_504 : vector<1x16xf32> to vector<16xf32>
        %mul3A_506 = arith.constant 8.000000e+00 : f32
        %mul3A_507 = vector.broadcast %mul3A_506 : f32 to vector<16xf32>
        %mul3A_508 = arith.mulf %get3A_505, %mul3A_507 : vector<16xf32>
        %swap3A_509 = arith.index_cast %add3A_477 : i32 to index
        %swap3A_510 = arith.constant 32 : index
        %swap3A_511 = tpu.vector_load %arg10[%swap3A_509, %swap3A_510] {strides = array<i32>} : memref<400x64xf32, #tpu.memory_space<vmem>>, vector<1x16xf32>,
        %swap3A_512 = vector.shape_cast %swap3A_511 : vector<1x16xf32> to vector<16xf32>
        %swap3A_513 = vector.shape_cast %mul3A_508 : vector<16xf32> to vector<1x16xf32>
        tpu.vector_store %arg10[%swap3A_509, %swap3A_510], %swap3A_513 {strides = array<i32>} : memref<400x64xf32, #tpu.memory_space<vmem>>, vector<1x16xf32>,
        %get3A_514 = arith.index_cast %add3A_477 : i32 to index
        %get3A_515 = arith.constant 48 : index
        %get3A_516 = tpu.vector_load %arg8[%get3A_514, %get3A_515] {strides = array<i32>} : memref<400x64xf32, #tpu.memory_space<vmem>>, vector<1x16xf32>,
        %get3A_517 = vector.shape_cast %get3A_516 : vector<1x16xf32> to vector<16xf32>
        %mul3A_518 = arith.constant 8.000000e+00 : f32
        %mul3A_519 = vector.broadcast %mul3A_518 : f32 to vector<16xf32>
        %mul3A_520 = arith.mulf %get3A_517, %mul3A_519 : vector<16xf32>
        %swap3A_521 = arith.index_cast %add3A_477 : i32 to index
        %swap3A_522 = arith.constant 48 : index
        %swap3A_523 = tpu.vector_load %arg10[%swap3A_521, %swap3A_522] {strides = array<i32>} : memref<400x64xf32, #tpu.memory_space<vmem>>, vector<1x16xf32>,
        %swap3A_524 = vector.shape_cast %swap3A_523 : vector<1x16xf32> to vector<16xf32>
        %swap3A_525 = vector.shape_cast %mul3A_520 : vector<16xf32> to vector<1x16xf32>
        tpu.vector_store %arg10[%swap3A_521, %swap3A_522], %swap3A_525 {strides = array<i32>} : memref<400x64xf32, #tpu.memory_space<vmem>>, vector<1x16xf32>,
        %mul3A_526 = arith.constant 8 : i32
        %mul3A_527 = arith.muli %scan3A_163, %mul3A_526 : i32
        %add3A_528 = arith.constant 7 : i32
        %add3A_529 = arith.addi %mul3A_527, %add3A_528 : i32
        %get3A_530 = arith.index_cast %add3A_529 : i32 to index
        %get3A_531 = arith.constant 0 : index
        %get3A_532 = tpu.vector_load %arg8[%get3A_530, %get3A_531] {strides = array<i32>} : memref<400x64xf32, #tpu.memory_space<vmem>>, vector<1x16xf32>,
        %get3A_533 = vector.shape_cast %get3A_532 : vector<1x16xf32> to vector<16xf32>
        %mul3A_534 = arith.constant 8.000000e+00 : f32
        %mul3A_535 = vector.broadcast %mul3A_534 : f32 to vector<16xf32>
        %mul3A_536 = arith.mulf %get3A_533, %mul3A_535 : vector<16xf32>
        %swap3A_537 = arith.index_cast %add3A_529 : i32 to index
        %swap3A_538 = arith.constant 0 : index
        %swap3A_539 = tpu.vector_load %arg10[%swap3A_537, %swap3A_538] {strides = array<i32>} : memref<400x64xf32, #tpu.memory_space<vmem>>, vector<1x16xf32>,
        %swap3A_540 = vector.shape_cast %swap3A_539 : vector<1x16xf32> to vector<16xf32>
        %swap3A_541 = vector.shape_cast %mul3A_536 : vector<16xf32> to vector<1x16xf32>
        tpu.vector_store %arg10[%swap3A_537, %swap3A_538], %swap3A_541 {strides = array<i32>} : memref<400x64xf32, #tpu.memory_space<vmem>>, vector<1x16xf32>,
        %get3A_542 = arith.index_cast %add3A_529 : i32 to index
        %get3A_543 = arith.constant 16 : index
        %get3A_544 = tpu.vector_load %arg8[%get3A_542, %get3A_543] {strides = array<i32>} : memref<400x64xf32, #tpu.memory_space<vmem>>, vector<1x16xf32>,
        %get3A_545 = vector.shape_cast %get3A_544 : vector<1x16xf32> to vector<16xf32>
        %mul3A_546 = arith.constant 8.000000e+00 : f32
        %mul3A_547 = vector.broadcast %mul3A_546 : f32 to vector<16xf32>
        %mul3A_548 = arith.mulf %get3A_545, %mul3A_547 : vector<16xf32>
        %swap3A_549 = arith.index_cast %add3A_529 : i32 to index
        %swap3A_550 = arith.constant 16 : index
        %swap3A_551 = tpu.vector_load %arg10[%swap3A_549, %swap3A_550] {strides = array<i32>} : memref<400x64xf32, #tpu.memory_space<vmem>>, vector<1x16xf32>,
        %swap3A_552 = vector.shape_cast %swap3A_551 : vector<1x16xf32> to vector<16xf32>
        %swap3A_553 = vector.shape_cast %mul3A_548 : vector<16xf32> to vector<1x16xf32>
        tpu.vector_store %arg10[%swap3A_549, %swap3A_550], %swap3A_553 {strides = array<i32>} : memref<400x64xf32, #tpu.memory_space<vmem>>, vector<1x16xf32>,
        %get3A_554 = arith.index_cast %add3A_529 : i32 to index
        %get3A_555 = arith.constant 32 : index
        %get3A_556 = tpu.vector_load %arg8[%get3A_554, %get3A_555] {strides = array<i32>} : memref<400x64xf32, #tpu.memory_space<vmem>>, vector<1x16xf32>,
        %get3A_557 = vector.shape_cast %get3A_556 : vector<1x16xf32> to vector<16xf32>
        %mul3A_558 = arith.constant 8.000000e+00 : f32
        %mul3A_559 = vector.broadcast %mul3A_558 : f32 to vector<16xf32>
        %mul3A_560 = arith.mulf %get3A_557, %mul3A_559 : vector<16xf32>
        %swap3A_561 = arith.index_cast %add3A_529 : i32 to index
        %swap3A_562 = arith.constant 32 : index
        %swap3A_563 = tpu.vector_load %arg10[%swap3A_561, %swap3A_562] {strides = array<i32>} : memref<400x64xf32, #tpu.memory_space<vmem>>, vector<1x16xf32>,
        %swap3A_564 = vector.shape_cast %swap3A_563 : vector<1x16xf32> to vector<16xf32>
        %swap3A_565 = vector.shape_cast %mul3A_560 : vector<16xf32> to vector<1x16xf32>
        tpu.vector_store %arg10[%swap3A_561, %swap3A_562], %swap3A_565 {strides = array<i32>} : memref<400x64xf32, #tpu.memory_space<vmem>>, vector<1x16xf32>,
        %get3A_566 = arith.index_cast %add3A_529 : i32 to index
        %get3A_567 = arith.constant 48 : index
        %get3A_568 = tpu.vector_load %arg8[%get3A_566, %get3A_567] {strides = array<i32>} : memref<400x64xf32, #tpu.memory_space<vmem>>, vector<1x16xf32>,
        %get3A_569 = vector.shape_cast %get3A_568 : vector<1x16xf32> to vector<16xf32>
        %mul3A_570 = arith.constant 8.000000e+00 : f32
        %mul3A_571 = vector.broadcast %mul3A_570 : f32 to vector<16xf32>
        %mul3A_572 = arith.mulf %get3A_569, %mul3A_571 : vector<16xf32>
        %swap3A_573 = arith.index_cast %add3A_529 : i32 to index
        %swap3A_574 = arith.constant 48 : index
        %swap3A_575 = tpu.vector_load %arg10[%swap3A_573, %swap3A_574] {strides = array<i32>} : memref<400x64xf32, #tpu.memory_space<vmem>>, vector<1x16xf32>,
        %swap3A_576 = vector.shape_cast %swap3A_575 : vector<1x16xf32> to vector<16xf32>
        %swap3A_577 = vector.shape_cast %mul3A_572 : vector<16xf32> to vector<1x16xf32>
        tpu.vector_store %arg10[%swap3A_573, %swap3A_574], %swap3A_577 {strides = array<i32>} : memref<400x64xf32, #tpu.memory_space<vmem>>, vector<1x16xf32>,
      }
      %scan3A_155 = arith.constant 50 : i32
      %mul3A_156 = arith.constant 400 : i32
      %mul3A_157 = arith.muli %add3A_134, %mul3A_156 : i32
      %add3A_158 = arith.addi %mul3A_2, %mul3A_157 : i32
      %dma_start3A_159 = arith.constant 0 : i32
      %dma_start3A_160 = tpu.memref_slice %arg4[%add3A_158, %dma_start3A_159] : memref<819200x64xf32, #tpu.memory_space<hbm>> -> memref<400x64xf32, #tpu.memory_space<hbm>>
      %dma_start3A_161 = arith.constant 0 : i32
      %dma_start3A_162 = tpu.memref_slice %arg4[%add3A_158, %dma_start3A_161] : memref<819200x64xf32, #tpu.memory_space<hbm>> -> memref<400x64xf32, #tpu.memory_space<hbm>>
      tpu.enqueue_dma source(%arg10 : memref<400x64xf32, #tpu.memory_space<vmem>>) target(%dma_start3A_162 : memref<400x64xf32, #tpu.memory_space<hbm>>) target_semaphore(%arg14 : memref<!tpu.dma_semaphore, #tpu.memory_space<semaphore_mem>>)
    }
    %scan3A_50 = arith.constant 30 : i32
    %add3A_51 = arith.constant 25200 : i32
    %add3A_52 = arith.addi %mul3A_2, %add3A_51 : i32
    "tpu.region"() ({
      %run_scoped3A = tpu.sem_alloc : memref<!tpu.dma_semaphore, #tpu.memory_space<semaphore_mem>>
      %dma_start3A_102 = tpu.memref_slice %arg2[%add3A_52] : memref<819200xi32, #tpu.memory_space<hbm>> -> memref<400xi32, #tpu.memory_space<hbm>>
      %dma_start3A_103 = tpu.memref_slice %arg2[%add3A_52] : memref<819200xi32, #tpu.memory_space<hbm>> -> memref<400xi32, #tpu.memory_space<hbm>>
      tpu.enqueue_dma source(%dma_start3A_103 : memref<400xi32, #tpu.memory_space<hbm>>) target(%arg6 : memref<400xi32, #tpu.memory_space<vmem>>) target_semaphore(%run_scoped3A : memref<!tpu.dma_semaphore, #tpu.memory_space<semaphore_mem>>)
      %dma_wait3A_104 = tpu.memref_slice %arg2[%add3A_52] : memref<819200xi32, #tpu.memory_space<hbm>> -> memref<400xi32, #tpu.memory_space<hbm>>
      %dma_wait3A_105 = tpu.memref_slice %arg2[%add3A_52] : memref<819200xi32, #tpu.memory_space<hbm>> -> memref<400xi32, #tpu.memory_space<hbm>>
      tpu.wait_dma2 semaphore(%run_scoped3A : memref<!tpu.dma_semaphore, #tpu.memory_space<semaphore_mem>>) src(%dma_wait3A_105 : memref<400xi32, #tpu.memory_space<hbm>>) dst(%arg6 : memref<400xi32, #tpu.memory_space<vmem>>)
      tpu.yield
    }) : () -> ()
    %dma_start3A_53 = arith.constant 0 : i32
    %dma_start3A_54 = arith.constant 0 : i32
    %dma_start3A_55 = tpu.memref_slice %arg3[%dma_start3A_53, %dma_start3A_54] : memref<1000000x64xf32, #tpu.memory_space<hbm>> -> memref<1000000x64xf32, #tpu.memory_space<hbm>>
    tpu.enqueue_indirect_dma source(%dma_start3A_55 : memref<1000000x64xf32, #tpu.memory_space<hbm>>) target(%arg8 : memref<400x64xf32, #tpu.memory_space<vmem>>) offsets(%arg6 : memref<400xi32, #tpu.memory_space<vmem>>) semaphore(%arg12 : memref<!tpu.dma_semaphore, #tpu.memory_space<semaphore_mem>>)
    %dma_wait3A_56 = arith.constant 0 : i32
    %dma_wait3A_57 = arith.constant 0 : i32
    %dma_wait3A_58 = tpu.memref_slice %arg3[%dma_wait3A_56, %dma_wait3A_57] : memref<1000000x64xf32, #tpu.memory_space<hbm>> -> memref<1000000x64xf32, #tpu.memory_space<hbm>>
    tpu.wait_indirect_dma semaphore(%arg11 : memref<!tpu.dma_semaphore, #tpu.memory_space<semaphore_mem>>) src(%dma_wait3A_58 : memref<1000000x64xf32, #tpu.memory_space<hbm>>) dst(%arg7 : memref<400x64xf32, #tpu.memory_space<vmem>>)
    %dma_wait3A_59 = arith.constant 0 : i32
    %dma_wait3A_60 = tpu.memref_slice %arg4[%mul3A_2, %dma_wait3A_59] : memref<819200x64xf32, #tpu.memory_space<hbm>> -> memref<400x64xf32, #tpu.memory_space<hbm>>
    %dma_wait3A_61 = arith.constant 0 : i32
    %dma_wait3A_62 = tpu.memref_slice %arg4[%mul3A_2, %dma_wait3A_61] : memref<819200x64xf32, #tpu.memory_space<hbm>> -> memref<400x64xf32, #tpu.memory_space<hbm>>
    tpu.wait_dma2 semaphore(%arg13 : memref<!tpu.dma_semaphore, #tpu.memory_space<semaphore_mem>>) src(%arg9 : memref<400x64xf32, #tpu.memory_space<vmem>>) dst(%dma_wait3A_62 : memref<400x64xf32, #tpu.memory_space<hbm>>)
    %scan3A_63 = arith.constant 0 : i32
    %scan3A_64 = arith.constant 0 : i32
    %scan3A_65 = arith.constant 50 : i32
    %scan3A_66 = arith.addi %scan3A_64, %scan3A_65 : i32
    %scan3A_67 = arith.constant 1 : i32
    scf.for %scan3A_102 = %scan3A_64 to %scan3A_66 step %scan3A_67  : i32 {
      %mul3A_103 = arith.constant 8 : i32
      %mul3A_104 = arith.muli %scan3A_102, %mul3A_103 : i32
      %add3A_105 = arith.constant 0 : i32
      %add3A_106 = arith.addi %mul3A_104, %add3A_105 : i32
      %get3A = arith.index_cast %add3A_106 : i32 to index
      %get3A_107 = arith.constant 0 : index
      %get3A_108 = tpu.vector_load %arg7[%get3A, %get3A_107] {strides = array<i32>} : memref<400x64xf32, #tpu.memory_space<vmem>>, vector<1x16xf32>,
      %get3A_109 = vector.shape_cast %get3A_108 : vector<1x16xf32> to vector<16xf32>
      %mul3A_110 = arith.constant 8.000000e+00 : f32
      %mul3A_111 = vector.broadcast %mul3A_110 : f32 to vector<16xf32>
      %mul3A_112 = arith.mulf %get3A_109, %mul3A_111 : vector<16xf32>
      %swap3A = arith.index_cast %add3A_106 : i32 to index
      %swap3A_113 = arith.constant 0 : index
      %swap3A_114 = tpu.vector_load %arg9[%swap3A, %swap3A_113] {strides = array<i32>} : memref<400x64xf32, #tpu.memory_space<vmem>>, vector<1x16xf32>,
      %swap3A_115 = vector.shape_cast %swap3A_114 : vector<1x16xf32> to vector<16xf32>
      %swap3A_116 = vector.shape_cast %mul3A_112 : vector<16xf32> to vector<1x16xf32>
      tpu.vector_store %arg9[%swap3A, %swap3A_113], %swap3A_116 {strides = array<i32>} : memref<400x64xf32, #tpu.memory_space<vmem>>, vector<1x16xf32>,
      %get3A_117 = arith.index_cast %add3A_106 : i32 to index
      %get3A_118 = arith.constant 16 : index
      %get3A_119 = tpu.vector_load %arg7[%get3A_117, %get3A_118] {strides = array<i32>} : memref<400x64xf32, #tpu.memory_space<vmem>>, vector<1x16xf32>,
      %get3A_120 = vector.shape_cast %get3A_119 : vector<1x16xf32> to vector<16xf32>
      %mul3A_121 = arith.constant 8.000000e+00 : f32
      %mul3A_122 = vector.broadcast %mul3A_121 : f32 to vector<16xf32>
      %mul3A_123 = arith.mulf %get3A_120, %mul3A_122 : vector<16xf32>
      %swap3A_124 = arith.index_cast %add3A_106 : i32 to index
      %swap3A_125 = arith.constant 16 : index
      %swap3A_126 = tpu.vector_load %arg9[%swap3A_124, %swap3A_125] {strides = array<i32>} : memref<400x64xf32, #tpu.memory_space<vmem>>, vector<1x16xf32>,
      %swap3A_127 = vector.shape_cast %swap3A_126 : vector<1x16xf32> to vector<16xf32>
      %swap3A_128 = vector.shape_cast %mul3A_123 : vector<16xf32> to vector<1x16xf32>
      tpu.vector_store %arg9[%swap3A_124, %swap3A_125], %swap3A_128 {strides = array<i32>} : memref<400x64xf32, #tpu.memory_space<vmem>>, vector<1x16xf32>,
      %get3A_129 = arith.index_cast %add3A_106 : i32 to index
      %get3A_130 = arith.constant 32 : index
      %get3A_131 = tpu.vector_load %arg7[%get3A_129, %get3A_130] {strides = array<i32>} : memref<400x64xf32, #tpu.memory_space<vmem>>, vector<1x16xf32>,
      %get3A_132 = vector.shape_cast %get3A_131 : vector<1x16xf32> to vector<16xf32>
      %mul3A_133 = arith.constant 8.000000e+00 : f32
      %mul3A_134 = vector.broadcast %mul3A_133 : f32 to vector<16xf32>
      %mul3A_135 = arith.mulf %get3A_132, %mul3A_134 : vector<16xf32>
      %swap3A_136 = arith.index_cast %add3A_106 : i32 to index
      %swap3A_137 = arith.constant 32 : index
      %swap3A_138 = tpu.vector_load %arg9[%swap3A_136, %swap3A_137] {strides = array<i32>} : memref<400x64xf32, #tpu.memory_space<vmem>>, vector<1x16xf32>,
      %swap3A_139 = vector.shape_cast %swap3A_138 : vector<1x16xf32> to vector<16xf32>
      %swap3A_140 = vector.shape_cast %mul3A_135 : vector<16xf32> to vector<1x16xf32>
      tpu.vector_store %arg9[%swap3A_136, %swap3A_137], %swap3A_140 {strides = array<i32>} : memref<400x64xf32, #tpu.memory_space<vmem>>, vector<1x16xf32>,
      %get3A_141 = arith.index_cast %add3A_106 : i32 to index
      %get3A_142 = arith.constant 48 : index
      %get3A_143 = tpu.vector_load %arg7[%get3A_141, %get3A_142] {strides = array<i32>} : memref<400x64xf32, #tpu.memory_space<vmem>>, vector<1x16xf32>,
      %get3A_144 = vector.shape_cast %get3A_143 : vector<1x16xf32> to vector<16xf32>
      %mul3A_145 = arith.constant 8.000000e+00 : f32
      %mul3A_146 = vector.broadcast %mul3A_145 : f32 to vector<16xf32>
      %mul3A_147 = arith.mulf %get3A_144, %mul3A_146 : vector<16xf32>
      %swap3A_148 = arith.index_cast %add3A_106 : i32 to index
      %swap3A_149 = arith.constant 48 : index
      %swap3A_150 = tpu.vector_load %arg9[%swap3A_148, %swap3A_149] {strides = array<i32>} : memref<400x64xf32, #tpu.memory_space<vmem>>, vector<1x16xf32>,
      %swap3A_151 = vector.shape_cast %swap3A_150 : vector<1x16xf32> to vector<16xf32>
      %swap3A_152 = vector.shape_cast %mul3A_147 : vector<16xf32> to vector<1x16xf32>
      tpu.vector_store %arg9[%swap3A_148, %swap3A_149], %swap3A_152 {strides = array<i32>} : memref<400x64xf32, #tpu.memory_space<vmem>>, vector<1x16xf32>,
      %mul3A_153 = arith.constant 8 : i32
      %mul3A_154 = arith.muli %scan3A_102, %mul3A_153 : i32
      %add3A_155 = arith.constant 1 : i32
      %add3A_156 = arith.addi %mul3A_154, %add3A_155 : i32
      %get3A_157 = arith.index_cast %add3A_156 : i32 to index
      %get3A_158 = arith.constant 0 : index
      %get3A_159 = tpu.vector_load %arg7[%get3A_157, %get3A_158] {strides = array<i32>} : memref<400x64xf32, #tpu.memory_space<vmem>>, vector<1x16xf32>,
      %get3A_160 = vector.shape_cast %get3A_159 : vector<1x16xf32> to vector<16xf32>
      %mul3A_161 = arith.constant 8.000000e+00 : f32
      %mul3A_162 = vector.broadcast %mul3A_161 : f32 to vector<16xf32>
      %mul3A_163 = arith.mulf %get3A_160, %mul3A_162 : vector<16xf32>
      %swap3A_164 = arith.index_cast %add3A_156 : i32 to index
      %swap3A_165 = arith.constant 0 : index
      %swap3A_166 = tpu.vector_load %arg9[%swap3A_164, %swap3A_165] {strides = array<i32>} : memref<400x64xf32, #tpu.memory_space<vmem>>, vector<1x16xf32>,
      %swap3A_167 = vector.shape_cast %swap3A_166 : vector<1x16xf32> to vector<16xf32>
      %swap3A_168 = vector.shape_cast %mul3A_163 : vector<16xf32> to vector<1x16xf32>
      tpu.vector_store %arg9[%swap3A_164, %swap3A_165], %swap3A_168 {strides = array<i32>} : memref<400x64xf32, #tpu.memory_space<vmem>>, vector<1x16xf32>,
      %get3A_169 = arith.index_cast %add3A_156 : i32 to index
      %get3A_170 = arith.constant 16 : index
      %get3A_171 = tpu.vector_load %arg7[%get3A_169, %get3A_170] {strides = array<i32>} : memref<400x64xf32, #tpu.memory_space<vmem>>, vector<1x16xf32>,
      %get3A_172 = vector.shape_cast %get3A_171 : vector<1x16xf32> to vector<16xf32>
      %mul3A_173 = arith.constant 8.000000e+00 : f32
      %mul3A_174 = vector.broadcast %mul3A_173 : f32 to vector<16xf32>
      %mul3A_175 = arith.mulf %get3A_172, %mul3A_174 : vector<16xf32>
      %swap3A_176 = arith.index_cast %add3A_156 : i32 to index
      %swap3A_177 = arith.constant 16 : index
      %swap3A_178 = tpu.vector_load %arg9[%swap3A_176, %swap3A_177] {strides = array<i32>} : memref<400x64xf32, #tpu.memory_space<vmem>>, vector<1x16xf32>,
      %swap3A_179 = vector.shape_cast %swap3A_178 : vector<1x16xf32> to vector<16xf32>
      %swap3A_180 = vector.shape_cast %mul3A_175 : vector<16xf32> to vector<1x16xf32>
      tpu.vector_store %arg9[%swap3A_176, %swap3A_177], %swap3A_180 {strides = array<i32>} : memref<400x64xf32, #tpu.memory_space<vmem>>, vector<1x16xf32>,
      %get3A_181 = arith.index_cast %add3A_156 : i32 to index
      %get3A_182 = arith.constant 32 : index
      %get3A_183 = tpu.vector_load %arg7[%get3A_181, %get3A_182] {strides = array<i32>} : memref<400x64xf32, #tpu.memory_space<vmem>>, vector<1x16xf32>,
      %get3A_184 = vector.shape_cast %get3A_183 : vector<1x16xf32> to vector<16xf32>
      %mul3A_185 = arith.constant 8.000000e+00 : f32
      %mul3A_186 = vector.broadcast %mul3A_185 : f32 to vector<16xf32>
      %mul3A_187 = arith.mulf %get3A_184, %mul3A_186 : vector<16xf32>
      %swap3A_188 = arith.index_cast %add3A_156 : i32 to index
      %swap3A_189 = arith.constant 32 : index
      %swap3A_190 = tpu.vector_load %arg9[%swap3A_188, %swap3A_189] {strides = array<i32>} : memref<400x64xf32, #tpu.memory_space<vmem>>, vector<1x16xf32>,
      %swap3A_191 = vector.shape_cast %swap3A_190 : vector<1x16xf32> to vector<16xf32>
      %swap3A_192 = vector.shape_cast %mul3A_187 : vector<16xf32> to vector<1x16xf32>
      tpu.vector_store %arg9[%swap3A_188, %swap3A_189], %swap3A_192 {strides = array<i32>} : memref<400x64xf32, #tpu.memory_space<vmem>>, vector<1x16xf32>,
      %get3A_193 = arith.index_cast %add3A_156 : i32 to index
      %get3A_194 = arith.constant 48 : index
      %get3A_195 = tpu.vector_load %arg7[%get3A_193, %get3A_194] {strides = array<i32>} : memref<400x64xf32, #tpu.memory_space<vmem>>, vector<1x16xf32>,
      %get3A_196 = vector.shape_cast %get3A_195 : vector<1x16xf32> to vector<16xf32>
      %mul3A_197 = arith.constant 8.000000e+00 : f32
      %mul3A_198 = vector.broadcast %mul3A_197 : f32 to vector<16xf32>
      %mul3A_199 = arith.mulf %get3A_196, %mul3A_198 : vector<16xf32>
      %swap3A_200 = arith.index_cast %add3A_156 : i32 to index
      %swap3A_201 = arith.constant 48 : index
      %swap3A_202 = tpu.vector_load %arg9[%swap3A_200, %swap3A_201] {strides = array<i32>} : memref<400x64xf32, #tpu.memory_space<vmem>>, vector<1x16xf32>,
      %swap3A_203 = vector.shape_cast %swap3A_202 : vector<1x16xf32> to vector<16xf32>
      %swap3A_204 = vector.shape_cast %mul3A_199 : vector<16xf32> to vector<1x16xf32>
      tpu.vector_store %arg9[%swap3A_200, %swap3A_201], %swap3A_204 {strides = array<i32>} : memref<400x64xf32, #tpu.memory_space<vmem>>, vector<1x16xf32>,
      %mul3A_205 = arith.constant 8 : i32
      %mul3A_206 = arith.muli %scan3A_102, %mul3A_205 : i32
      %add3A_207 = arith.constant 2 : i32
      %add3A_208 = arith.addi %mul3A_206, %add3A_207 : i32
      %get3A_209 = arith.index_cast %add3A_208 : i32 to index
      %get3A_210 = arith.constant 0 : index
      %get3A_211 = tpu.vector_load %arg7[%get3A_209, %get3A_210] {strides = array<i32>} : memref<400x64xf32, #tpu.memory_space<vmem>>, vector<1x16xf32>,
      %get3A_212 = vector.shape_cast %get3A_211 : vector<1x16xf32> to vector<16xf32>
      %mul3A_213 = arith.constant 8.000000e+00 : f32
      %mul3A_214 = vector.broadcast %mul3A_213 : f32 to vector<16xf32>
      %mul3A_215 = arith.mulf %get3A_212, %mul3A_214 : vector<16xf32>
      %swap3A_216 = arith.index_cast %add3A_208 : i32 to index
      %swap3A_217 = arith.constant 0 : index
      %swap3A_218 = tpu.vector_load %arg9[%swap3A_216, %swap3A_217] {strides = array<i32>} : memref<400x64xf32, #tpu.memory_space<vmem>>, vector<1x16xf32>,
      %swap3A_219 = vector.shape_cast %swap3A_218 : vector<1x16xf32> to vector<16xf32>
      %swap3A_220 = vector.shape_cast %mul3A_215 : vector<16xf32> to vector<1x16xf32>
      tpu.vector_store %arg9[%swap3A_216, %swap3A_217], %swap3A_220 {strides = array<i32>} : memref<400x64xf32, #tpu.memory_space<vmem>>, vector<1x16xf32>,
      %get3A_221 = arith.index_cast %add3A_208 : i32 to index
      %get3A_222 = arith.constant 16 : index
      %get3A_223 = tpu.vector_load %arg7[%get3A_221, %get3A_222] {strides = array<i32>} : memref<400x64xf32, #tpu.memory_space<vmem>>, vector<1x16xf32>,
      %get3A_224 = vector.shape_cast %get3A_223 : vector<1x16xf32> to vector<16xf32>
      %mul3A_225 = arith.constant 8.000000e+00 : f32
      %mul3A_226 = vector.broadcast %mul3A_225 : f32 to vector<16xf32>
      %mul3A_227 = arith.mulf %get3A_224, %mul3A_226 : vector<16xf32>
      %swap3A_228 = arith.index_cast %add3A_208 : i32 to index
      %swap3A_229 = arith.constant 16 : index
      %swap3A_230 = tpu.vector_load %arg9[%swap3A_228, %swap3A_229] {strides = array<i32>} : memref<400x64xf32, #tpu.memory_space<vmem>>, vector<1x16xf32>,
      %swap3A_231 = vector.shape_cast %swap3A_230 : vector<1x16xf32> to vector<16xf32>
      %swap3A_232 = vector.shape_cast %mul3A_227 : vector<16xf32> to vector<1x16xf32>
      tpu.vector_store %arg9[%swap3A_228, %swap3A_229], %swap3A_232 {strides = array<i32>} : memref<400x64xf32, #tpu.memory_space<vmem>>, vector<1x16xf32>,
      %get3A_233 = arith.index_cast %add3A_208 : i32 to index
      %get3A_234 = arith.constant 32 : index
      %get3A_235 = tpu.vector_load %arg7[%get3A_233, %get3A_234] {strides = array<i32>} : memref<400x64xf32, #tpu.memory_space<vmem>>, vector<1x16xf32>,
      %get3A_236 = vector.shape_cast %get3A_235 : vector<1x16xf32> to vector<16xf32>
      %mul3A_237 = arith.constant 8.000000e+00 : f32
      %mul3A_238 = vector.broadcast %mul3A_237 : f32 to vector<16xf32>
      %mul3A_239 = arith.mulf %get3A_236, %mul3A_238 : vector<16xf32>
      %swap3A_240 = arith.index_cast %add3A_208 : i32 to index
      %swap3A_241 = arith.constant 32 : index
      %swap3A_242 = tpu.vector_load %arg9[%swap3A_240, %swap3A_241] {strides = array<i32>} : memref<400x64xf32, #tpu.memory_space<vmem>>, vector<1x16xf32>,
      %swap3A_243 = vector.shape_cast %swap3A_242 : vector<1x16xf32> to vector<16xf32>
      %swap3A_244 = vector.shape_cast %mul3A_239 : vector<16xf32> to vector<1x16xf32>
      tpu.vector_store %arg9[%swap3A_240, %swap3A_241], %swap3A_244 {strides = array<i32>} : memref<400x64xf32, #tpu.memory_space<vmem>>, vector<1x16xf32>,
      %get3A_245 = arith.index_cast %add3A_208 : i32 to index
      %get3A_246 = arith.constant 48 : index
      %get3A_247 = tpu.vector_load %arg7[%get3A_245, %get3A_246] {strides = array<i32>} : memref<400x64xf32, #tpu.memory_space<vmem>>, vector<1x16xf32>,
      %get3A_248 = vector.shape_cast %get3A_247 : vector<1x16xf32> to vector<16xf32>
      %mul3A_249 = arith.constant 8.000000e+00 : f32
      %mul3A_250 = vector.broadcast %mul3A_249 : f32 to vector<16xf32>
      %mul3A_251 = arith.mulf %get3A_248, %mul3A_250 : vector<16xf32>
      %swap3A_252 = arith.index_cast %add3A_208 : i32 to index
      %swap3A_253 = arith.constant 48 : index
      %swap3A_254 = tpu.vector_load %arg9[%swap3A_252, %swap3A_253] {strides = array<i32>} : memref<400x64xf32, #tpu.memory_space<vmem>>, vector<1x16xf32>,
      %swap3A_255 = vector.shape_cast %swap3A_254 : vector<1x16xf32> to vector<16xf32>
      %swap3A_256 = vector.shape_cast %mul3A_251 : vector<16xf32> to vector<1x16xf32>
      tpu.vector_store %arg9[%swap3A_252, %swap3A_253], %swap3A_256 {strides = array<i32>} : memref<400x64xf32, #tpu.memory_space<vmem>>, vector<1x16xf32>,
      %mul3A_257 = arith.constant 8 : i32
      %mul3A_258 = arith.muli %scan3A_102, %mul3A_257 : i32
      %add3A_259 = arith.constant 3 : i32
      %add3A_260 = arith.addi %mul3A_258, %add3A_259 : i32
      %get3A_261 = arith.index_cast %add3A_260 : i32 to index
      %get3A_262 = arith.constant 0 : index
      %get3A_263 = tpu.vector_load %arg7[%get3A_261, %get3A_262] {strides = array<i32>} : memref<400x64xf32, #tpu.memory_space<vmem>>, vector<1x16xf32>,
      %get3A_264 = vector.shape_cast %get3A_263 : vector<1x16xf32> to vector<16xf32>
      %mul3A_265 = arith.constant 8.000000e+00 : f32
      %mul3A_266 = vector.broadcast %mul3A_265 : f32 to vector<16xf32>
      %mul3A_267 = arith.mulf %get3A_264, %mul3A_266 : vector<16xf32>
      %swap3A_268 = arith.index_cast %add3A_260 : i32 to index
      %swap3A_269 = arith.constant 0 : index
      %swap3A_270 = tpu.vector_load %arg9[%swap3A_268, %swap3A_269] {strides = array<i32>} : memref<400x64xf32, #tpu.memory_space<vmem>>, vector<1x16xf32>,
      %swap3A_271 = vector.shape_cast %swap3A_270 : vector<1x16xf32> to vector<16xf32>
      %swap3A_272 = vector.shape_cast %mul3A_267 : vector<16xf32> to vector<1x16xf32>
      tpu.vector_store %arg9[%swap3A_268, %swap3A_269], %swap3A_272 {strides = array<i32>} : memref<400x64xf32, #tpu.memory_space<vmem>>, vector<1x16xf32>,
      %get3A_273 = arith.index_cast %add3A_260 : i32 to index
      %get3A_274 = arith.constant 16 : index
      %get3A_275 = tpu.vector_load %arg7[%get3A_273, %get3A_274] {strides = array<i32>} : memref<400x64xf32, #tpu.memory_space<vmem>>, vector<1x16xf32>,
      %get3A_276 = vector.shape_cast %get3A_275 : vector<1x16xf32> to vector<16xf32>
      %mul3A_277 = arith.constant 8.000000e+00 : f32
      %mul3A_278 = vector.broadcast %mul3A_277 : f32 to vector<16xf32>
      %mul3A_279 = arith.mulf %get3A_276, %mul3A_278 : vector<16xf32>
      %swap3A_280 = arith.index_cast %add3A_260 : i32 to index
      %swap3A_281 = arith.constant 16 : index
      %swap3A_282 = tpu.vector_load %arg9[%swap3A_280, %swap3A_281] {strides = array<i32>} : memref<400x64xf32, #tpu.memory_space<vmem>>, vector<1x16xf32>,
      %swap3A_283 = vector.shape_cast %swap3A_282 : vector<1x16xf32> to vector<16xf32>
      %swap3A_284 = vector.shape_cast %mul3A_279 : vector<16xf32> to vector<1x16xf32>
      tpu.vector_store %arg9[%swap3A_280, %swap3A_281], %swap3A_284 {strides = array<i32>} : memref<400x64xf32, #tpu.memory_space<vmem>>, vector<1x16xf32>,
      %get3A_285 = arith.index_cast %add3A_260 : i32 to index
      %get3A_286 = arith.constant 32 : index
      %get3A_287 = tpu.vector_load %arg7[%get3A_285, %get3A_286] {strides = array<i32>} : memref<400x64xf32, #tpu.memory_space<vmem>>, vector<1x16xf32>,
      %get3A_288 = vector.shape_cast %get3A_287 : vector<1x16xf32> to vector<16xf32>
      %mul3A_289 = arith.constant 8.000000e+00 : f32
      %mul3A_290 = vector.broadcast %mul3A_289 : f32 to vector<16xf32>
      %mul3A_291 = arith.mulf %get3A_288, %mul3A_290 : vector<16xf32>
      %swap3A_292 = arith.index_cast %add3A_260 : i32 to index
      %swap3A_293 = arith.constant 32 : index
      %swap3A_294 = tpu.vector_load %arg9[%swap3A_292, %swap3A_293] {strides = array<i32>} : memref<400x64xf32, #tpu.memory_space<vmem>>, vector<1x16xf32>,
      %swap3A_295 = vector.shape_cast %swap3A_294 : vector<1x16xf32> to vector<16xf32>
      %swap3A_296 = vector.shape_cast %mul3A_291 : vector<16xf32> to vector<1x16xf32>
      tpu.vector_store %arg9[%swap3A_292, %swap3A_293], %swap3A_296 {strides = array<i32>} : memref<400x64xf32, #tpu.memory_space<vmem>>, vector<1x16xf32>,
      %get3A_297 = arith.index_cast %add3A_260 : i32 to index
      %get3A_298 = arith.constant 48 : index
      %get3A_299 = tpu.vector_load %arg7[%get3A_297, %get3A_298] {strides = array<i32>} : memref<400x64xf32, #tpu.memory_space<vmem>>, vector<1x16xf32>,
      %get3A_300 = vector.shape_cast %get3A_299 : vector<1x16xf32> to vector<16xf32>
      %mul3A_301 = arith.constant 8.000000e+00 : f32
      %mul3A_302 = vector.broadcast %mul3A_301 : f32 to vector<16xf32>
      %mul3A_303 = arith.mulf %get3A_300, %mul3A_302 : vector<16xf32>
      %swap3A_304 = arith.index_cast %add3A_260 : i32 to index
      %swap3A_305 = arith.constant 48 : index
      %swap3A_306 = tpu.vector_load %arg9[%swap3A_304, %swap3A_305] {strides = array<i32>} : memref<400x64xf32, #tpu.memory_space<vmem>>, vector<1x16xf32>,
      %swap3A_307 = vector.shape_cast %swap3A_306 : vector<1x16xf32> to vector<16xf32>
      %swap3A_308 = vector.shape_cast %mul3A_303 : vector<16xf32> to vector<1x16xf32>
      tpu.vector_store %arg9[%swap3A_304, %swap3A_305], %swap3A_308 {strides = array<i32>} : memref<400x64xf32, #tpu.memory_space<vmem>>, vector<1x16xf32>,
      %mul3A_309 = arith.constant 8 : i32
      %mul3A_310 = arith.muli %scan3A_102, %mul3A_309 : i32
      %add3A_311 = arith.constant 4 : i32
      %add3A_312 = arith.addi %mul3A_310, %add3A_311 : i32
      %get3A_313 = arith.index_cast %add3A_312 : i32 to index
      %get3A_314 = arith.constant 0 : index
      %get3A_315 = tpu.vector_load %arg7[%get3A_313, %get3A_314] {strides = array<i32>} : memref<400x64xf32, #tpu.memory_space<vmem>>, vector<1x16xf32>,
      %get3A_316 = vector.shape_cast %get3A_315 : vector<1x16xf32> to vector<16xf32>
      %mul3A_317 = arith.constant 8.000000e+00 : f32
      %mul3A_318 = vector.broadcast %mul3A_317 : f32 to vector<16xf32>
      %mul3A_319 = arith.mulf %get3A_316, %mul3A_318 : vector<16xf32>
      %swap3A_320 = arith.index_cast %add3A_312 : i32 to index
      %swap3A_321 = arith.constant 0 : index
      %swap3A_322 = tpu.vector_load %arg9[%swap3A_320, %swap3A_321] {strides = array<i32>} : memref<400x64xf32, #tpu.memory_space<vmem>>, vector<1x16xf32>,
      %swap3A_323 = vector.shape_cast %swap3A_322 : vector<1x16xf32> to vector<16xf32>
      %swap3A_324 = vector.shape_cast %mul3A_319 : vector<16xf32> to vector<1x16xf32>
      tpu.vector_store %arg9[%swap3A_320, %swap3A_321], %swap3A_324 {strides = array<i32>} : memref<400x64xf32, #tpu.memory_space<vmem>>, vector<1x16xf32>,
      %get3A_325 = arith.index_cast %add3A_312 : i32 to index
      %get3A_326 = arith.constant 16 : index
      %get3A_327 = tpu.vector_load %arg7[%get3A_325, %get3A_326] {strides = array<i32>} : memref<400x64xf32, #tpu.memory_space<vmem>>, vector<1x16xf32>,
      %get3A_328 = vector.shape_cast %get3A_327 : vector<1x16xf32> to vector<16xf32>
      %mul3A_329 = arith.constant 8.000000e+00 : f32
      %mul3A_330 = vector.broadcast %mul3A_329 : f32 to vector<16xf32>
      %mul3A_331 = arith.mulf %get3A_328, %mul3A_330 : vector<16xf32>
      %swap3A_332 = arith.index_cast %add3A_312 : i32 to index
      %swap3A_333 = arith.constant 16 : index
      %swap3A_334 = tpu.vector_load %arg9[%swap3A_332, %swap3A_333] {strides = array<i32>} : memref<400x64xf32, #tpu.memory_space<vmem>>, vector<1x16xf32>,
      %swap3A_335 = vector.shape_cast %swap3A_334 : vector<1x16xf32> to vector<16xf32>
      %swap3A_336 = vector.shape_cast %mul3A_331 : vector<16xf32> to vector<1x16xf32>
      tpu.vector_store %arg9[%swap3A_332, %swap3A_333], %swap3A_336 {strides = array<i32>} : memref<400x64xf32, #tpu.memory_space<vmem>>, vector<1x16xf32>,
      %get3A_337 = arith.index_cast %add3A_312 : i32 to index
      %get3A_338 = arith.constant 32 : index
      %get3A_339 = tpu.vector_load %arg7[%get3A_337, %get3A_338] {strides = array<i32>} : memref<400x64xf32, #tpu.memory_space<vmem>>, vector<1x16xf32>,
      %get3A_340 = vector.shape_cast %get3A_339 : vector<1x16xf32> to vector<16xf32>
      %mul3A_341 = arith.constant 8.000000e+00 : f32
      %mul3A_342 = vector.broadcast %mul3A_341 : f32 to vector<16xf32>
      %mul3A_343 = arith.mulf %get3A_340, %mul3A_342 : vector<16xf32>
      %swap3A_344 = arith.index_cast %add3A_312 : i32 to index
      %swap3A_345 = arith.constant 32 : index
      %swap3A_346 = tpu.vector_load %arg9[%swap3A_344, %swap3A_345] {strides = array<i32>} : memref<400x64xf32, #tpu.memory_space<vmem>>, vector<1x16xf32>,
      %swap3A_347 = vector.shape_cast %swap3A_346 : vector<1x16xf32> to vector<16xf32>
      %swap3A_348 = vector.shape_cast %mul3A_343 : vector<16xf32> to vector<1x16xf32>
      tpu.vector_store %arg9[%swap3A_344, %swap3A_345], %swap3A_348 {strides = array<i32>} : memref<400x64xf32, #tpu.memory_space<vmem>>, vector<1x16xf32>,
      %get3A_349 = arith.index_cast %add3A_312 : i32 to index
      %get3A_350 = arith.constant 48 : index
      %get3A_351 = tpu.vector_load %arg7[%get3A_349, %get3A_350] {strides = array<i32>} : memref<400x64xf32, #tpu.memory_space<vmem>>, vector<1x16xf32>,
      %get3A_352 = vector.shape_cast %get3A_351 : vector<1x16xf32> to vector<16xf32>
      %mul3A_353 = arith.constant 8.000000e+00 : f32
      %mul3A_354 = vector.broadcast %mul3A_353 : f32 to vector<16xf32>
      %mul3A_355 = arith.mulf %get3A_352, %mul3A_354 : vector<16xf32>
      %swap3A_356 = arith.index_cast %add3A_312 : i32 to index
      %swap3A_357 = arith.constant 48 : index
      %swap3A_358 = tpu.vector_load %arg9[%swap3A_356, %swap3A_357] {strides = array<i32>} : memref<400x64xf32, #tpu.memory_space<vmem>>, vector<1x16xf32>,
      %swap3A_359 = vector.shape_cast %swap3A_358 : vector<1x16xf32> to vector<16xf32>
      %swap3A_360 = vector.shape_cast %mul3A_355 : vector<16xf32> to vector<1x16xf32>
      tpu.vector_store %arg9[%swap3A_356, %swap3A_357], %swap3A_360 {strides = array<i32>} : memref<400x64xf32, #tpu.memory_space<vmem>>, vector<1x16xf32>,
      %mul3A_361 = arith.constant 8 : i32
      %mul3A_362 = arith.muli %scan3A_102, %mul3A_361 : i32
      %add3A_363 = arith.constant 5 : i32
      %add3A_364 = arith.addi %mul3A_362, %add3A_363 : i32
      %get3A_365 = arith.index_cast %add3A_364 : i32 to index
      %get3A_366 = arith.constant 0 : index
      %get3A_367 = tpu.vector_load %arg7[%get3A_365, %get3A_366] {strides = array<i32>} : memref<400x64xf32, #tpu.memory_space<vmem>>, vector<1x16xf32>,
      %get3A_368 = vector.shape_cast %get3A_367 : vector<1x16xf32> to vector<16xf32>
      %mul3A_369 = arith.constant 8.000000e+00 : f32
      %mul3A_370 = vector.broadcast %mul3A_369 : f32 to vector<16xf32>
      %mul3A_371 = arith.mulf %get3A_368, %mul3A_370 : vector<16xf32>
      %swap3A_372 = arith.index_cast %add3A_364 : i32 to index
      %swap3A_373 = arith.constant 0 : index
      %swap3A_374 = tpu.vector_load %arg9[%swap3A_372, %swap3A_373] {strides = array<i32>} : memref<400x64xf32, #tpu.memory_space<vmem>>, vector<1x16xf32>,
      %swap3A_375 = vector.shape_cast %swap3A_374 : vector<1x16xf32> to vector<16xf32>
      %swap3A_376 = vector.shape_cast %mul3A_371 : vector<16xf32> to vector<1x16xf32>
      tpu.vector_store %arg9[%swap3A_372, %swap3A_373], %swap3A_376 {strides = array<i32>} : memref<400x64xf32, #tpu.memory_space<vmem>>, vector<1x16xf32>,
      %get3A_377 = arith.index_cast %add3A_364 : i32 to index
      %get3A_378 = arith.constant 16 : index
      %get3A_379 = tpu.vector_load %arg7[%get3A_377, %get3A_378] {strides = array<i32>} : memref<400x64xf32, #tpu.memory_space<vmem>>, vector<1x16xf32>,
      %get3A_380 = vector.shape_cast %get3A_379 : vector<1x16xf32> to vector<16xf32>
      %mul3A_381 = arith.constant 8.000000e+00 : f32
      %mul3A_382 = vector.broadcast %mul3A_381 : f32 to vector<16xf32>
      %mul3A_383 = arith.mulf %get3A_380, %mul3A_382 : vector<16xf32>
      %swap3A_384 = arith.index_cast %add3A_364 : i32 to index
      %swap3A_385 = arith.constant 16 : index
      %swap3A_386 = tpu.vector_load %arg9[%swap3A_384, %swap3A_385] {strides = array<i32>} : memref<400x64xf32, #tpu.memory_space<vmem>>, vector<1x16xf32>,
      %swap3A_387 = vector.shape_cast %swap3A_386 : vector<1x16xf32> to vector<16xf32>
      %swap3A_388 = vector.shape_cast %mul3A_383 : vector<16xf32> to vector<1x16xf32>
      tpu.vector_store %arg9[%swap3A_384, %swap3A_385], %swap3A_388 {strides = array<i32>} : memref<400x64xf32, #tpu.memory_space<vmem>>, vector<1x16xf32>,
      %get3A_389 = arith.index_cast %add3A_364 : i32 to index
      %get3A_390 = arith.constant 32 : index
      %get3A_391 = tpu.vector_load %arg7[%get3A_389, %get3A_390] {strides = array<i32>} : memref<400x64xf32, #tpu.memory_space<vmem>>, vector<1x16xf32>,
      %get3A_392 = vector.shape_cast %get3A_391 : vector<1x16xf32> to vector<16xf32>
      %mul3A_393 = arith.constant 8.000000e+00 : f32
      %mul3A_394 = vector.broadcast %mul3A_393 : f32 to vector<16xf32>
      %mul3A_395 = arith.mulf %get3A_392, %mul3A_394 : vector<16xf32>
      %swap3A_396 = arith.index_cast %add3A_364 : i32 to index
      %swap3A_397 = arith.constant 32 : index
      %swap3A_398 = tpu.vector_load %arg9[%swap3A_396, %swap3A_397] {strides = array<i32>} : memref<400x64xf32, #tpu.memory_space<vmem>>, vector<1x16xf32>,
      %swap3A_399 = vector.shape_cast %swap3A_398 : vector<1x16xf32> to vector<16xf32>
      %swap3A_400 = vector.shape_cast %mul3A_395 : vector<16xf32> to vector<1x16xf32>
      tpu.vector_store %arg9[%swap3A_396, %swap3A_397], %swap3A_400 {strides = array<i32>} : memref<400x64xf32, #tpu.memory_space<vmem>>, vector<1x16xf32>,
      %get3A_401 = arith.index_cast %add3A_364 : i32 to index
      %get3A_402 = arith.constant 48 : index
      %get3A_403 = tpu.vector_load %arg7[%get3A_401, %get3A_402] {strides = array<i32>} : memref<400x64xf32, #tpu.memory_space<vmem>>, vector<1x16xf32>,
      %get3A_404 = vector.shape_cast %get3A_403 : vector<1x16xf32> to vector<16xf32>
      %mul3A_405 = arith.constant 8.000000e+00 : f32
      %mul3A_406 = vector.broadcast %mul3A_405 : f32 to vector<16xf32>
      %mul3A_407 = arith.mulf %get3A_404, %mul3A_406 : vector<16xf32>
      %swap3A_408 = arith.index_cast %add3A_364 : i32 to index
      %swap3A_409 = arith.constant 48 : index
      %swap3A_410 = tpu.vector_load %arg9[%swap3A_408, %swap3A_409] {strides = array<i32>} : memref<400x64xf32, #tpu.memory_space<vmem>>, vector<1x16xf32>,
      %swap3A_411 = vector.shape_cast %swap3A_410 : vector<1x16xf32> to vector<16xf32>
      %swap3A_412 = vector.shape_cast %mul3A_407 : vector<16xf32> to vector<1x16xf32>
      tpu.vector_store %arg9[%swap3A_408, %swap3A_409], %swap3A_412 {strides = array<i32>} : memref<400x64xf32, #tpu.memory_space<vmem>>, vector<1x16xf32>,
      %mul3A_413 = arith.constant 8 : i32
      %mul3A_414 = arith.muli %scan3A_102, %mul3A_413 : i32
      %add3A_415 = arith.constant 6 : i32
      %add3A_416 = arith.addi %mul3A_414, %add3A_415 : i32
      %get3A_417 = arith.index_cast %add3A_416 : i32 to index
      %get3A_418 = arith.constant 0 : index
      %get3A_419 = tpu.vector_load %arg7[%get3A_417, %get3A_418] {strides = array<i32>} : memref<400x64xf32, #tpu.memory_space<vmem>>, vector<1x16xf32>,
      %get3A_420 = vector.shape_cast %get3A_419 : vector<1x16xf32> to vector<16xf32>
      %mul3A_421 = arith.constant 8.000000e+00 : f32
      %mul3A_422 = vector.broadcast %mul3A_421 : f32 to vector<16xf32>
      %mul3A_423 = arith.mulf %get3A_420, %mul3A_422 : vector<16xf32>
      %swap3A_424 = arith.index_cast %add3A_416 : i32 to index
      %swap3A_425 = arith.constant 0 : index
      %swap3A_426 = tpu.vector_load %arg9[%swap3A_424, %swap3A_425] {strides = array<i32>} : memref<400x64xf32, #tpu.memory_space<vmem>>, vector<1x16xf32>,
      %swap3A_427 = vector.shape_cast %swap3A_426 : vector<1x16xf32> to vector<16xf32>
      %swap3A_428 = vector.shape_cast %mul3A_423 : vector<16xf32> to vector<1x16xf32>
      tpu.vector_store %arg9[%swap3A_424, %swap3A_425], %swap3A_428 {strides = array<i32>} : memref<400x64xf32, #tpu.memory_space<vmem>>, vector<1x16xf32>,
      %get3A_429 = arith.index_cast %add3A_416 : i32 to index
      %get3A_430 = arith.constant 16 : index
      %get3A_431 = tpu.vector_load %arg7[%get3A_429, %get3A_430] {strides = array<i32>} : memref<400x64xf32, #tpu.memory_space<vmem>>, vector<1x16xf32>,
      %get3A_432 = vector.shape_cast %get3A_431 : vector<1x16xf32> to vector<16xf32>
      %mul3A_433 = arith.constant 8.000000e+00 : f32
      %mul3A_434 = vector.broadcast %mul3A_433 : f32 to vector<16xf32>
      %mul3A_435 = arith.mulf %get3A_432, %mul3A_434 : vector<16xf32>
      %swap3A_436 = arith.index_cast %add3A_416 : i32 to index
      %swap3A_437 = arith.constant 16 : index
      %swap3A_438 = tpu.vector_load %arg9[%swap3A_436, %swap3A_437] {strides = array<i32>} : memref<400x64xf32, #tpu.memory_space<vmem>>, vector<1x16xf32>,
      %swap3A_439 = vector.shape_cast %swap3A_438 : vector<1x16xf32> to vector<16xf32>
      %swap3A_440 = vector.shape_cast %mul3A_435 : vector<16xf32> to vector<1x16xf32>
      tpu.vector_store %arg9[%swap3A_436, %swap3A_437], %swap3A_440 {strides = array<i32>} : memref<400x64xf32, #tpu.memory_space<vmem>>, vector<1x16xf32>,
      %get3A_441 = arith.index_cast %add3A_416 : i32 to index
      %get3A_442 = arith.constant 32 : index
      %get3A_443 = tpu.vector_load %arg7[%get3A_441, %get3A_442] {strides = array<i32>} : memref<400x64xf32, #tpu.memory_space<vmem>>, vector<1x16xf32>,
      %get3A_444 = vector.shape_cast %get3A_443 : vector<1x16xf32> to vector<16xf32>
      %mul3A_445 = arith.constant 8.000000e+00 : f32
      %mul3A_446 = vector.broadcast %mul3A_445 : f32 to vector<16xf32>
      %mul3A_447 = arith.mulf %get3A_444, %mul3A_446 : vector<16xf32>
      %swap3A_448 = arith.index_cast %add3A_416 : i32 to index
      %swap3A_449 = arith.constant 32 : index
      %swap3A_450 = tpu.vector_load %arg9[%swap3A_448, %swap3A_449] {strides = array<i32>} : memref<400x64xf32, #tpu.memory_space<vmem>>, vector<1x16xf32>,
      %swap3A_451 = vector.shape_cast %swap3A_450 : vector<1x16xf32> to vector<16xf32>
      %swap3A_452 = vector.shape_cast %mul3A_447 : vector<16xf32> to vector<1x16xf32>
      tpu.vector_store %arg9[%swap3A_448, %swap3A_449], %swap3A_452 {strides = array<i32>} : memref<400x64xf32, #tpu.memory_space<vmem>>, vector<1x16xf32>,
      %get3A_453 = arith.index_cast %add3A_416 : i32 to index
      %get3A_454 = arith.constant 48 : index
      %get3A_455 = tpu.vector_load %arg7[%get3A_453, %get3A_454] {strides = array<i32>} : memref<400x64xf32, #tpu.memory_space<vmem>>, vector<1x16xf32>,
      %get3A_456 = vector.shape_cast %get3A_455 : vector<1x16xf32> to vector<16xf32>
      %mul3A_457 = arith.constant 8.000000e+00 : f32
      %mul3A_458 = vector.broadcast %mul3A_457 : f32 to vector<16xf32>
      %mul3A_459 = arith.mulf %get3A_456, %mul3A_458 : vector<16xf32>
      %swap3A_460 = arith.index_cast %add3A_416 : i32 to index
      %swap3A_461 = arith.constant 48 : index
      %swap3A_462 = tpu.vector_load %arg9[%swap3A_460, %swap3A_461] {strides = array<i32>} : memref<400x64xf32, #tpu.memory_space<vmem>>, vector<1x16xf32>,
      %swap3A_463 = vector.shape_cast %swap3A_462 : vector<1x16xf32> to vector<16xf32>
      %swap3A_464 = vector.shape_cast %mul3A_459 : vector<16xf32> to vector<1x16xf32>
      tpu.vector_store %arg9[%swap3A_460, %swap3A_461], %swap3A_464 {strides = array<i32>} : memref<400x64xf32, #tpu.memory_space<vmem>>, vector<1x16xf32>,
      %mul3A_465 = arith.constant 8 : i32
      %mul3A_466 = arith.muli %scan3A_102, %mul3A_465 : i32
      %add3A_467 = arith.constant 7 : i32
      %add3A_468 = arith.addi %mul3A_466, %add3A_467 : i32
      %get3A_469 = arith.index_cast %add3A_468 : i32 to index
      %get3A_470 = arith.constant 0 : index
      %get3A_471 = tpu.vector_load %arg7[%get3A_469, %get3A_470] {strides = array<i32>} : memref<400x64xf32, #tpu.memory_space<vmem>>, vector<1x16xf32>,
      %get3A_472 = vector.shape_cast %get3A_471 : vector<1x16xf32> to vector<16xf32>
      %mul3A_473 = arith.constant 8.000000e+00 : f32
      %mul3A_474 = vector.broadcast %mul3A_473 : f32 to vector<16xf32>
      %mul3A_475 = arith.mulf %get3A_472, %mul3A_474 : vector<16xf32>
      %swap3A_476 = arith.index_cast %add3A_468 : i32 to index
      %swap3A_477 = arith.constant 0 : index
      %swap3A_478 = tpu.vector_load %arg9[%swap3A_476, %swap3A_477] {strides = array<i32>} : memref<400x64xf32, #tpu.memory_space<vmem>>, vector<1x16xf32>,
      %swap3A_479 = vector.shape_cast %swap3A_478 : vector<1x16xf32> to vector<16xf32>
      %swap3A_480 = vector.shape_cast %mul3A_475 : vector<16xf32> to vector<1x16xf32>
      tpu.vector_store %arg9[%swap3A_476, %swap3A_477], %swap3A_480 {strides = array<i32>} : memref<400x64xf32, #tpu.memory_space<vmem>>, vector<1x16xf32>,
      %get3A_481 = arith.index_cast %add3A_468 : i32 to index
      %get3A_482 = arith.constant 16 : index
      %get3A_483 = tpu.vector_load %arg7[%get3A_481, %get3A_482] {strides = array<i32>} : memref<400x64xf32, #tpu.memory_space<vmem>>, vector<1x16xf32>,
      %get3A_484 = vector.shape_cast %get3A_483 : vector<1x16xf32> to vector<16xf32>
      %mul3A_485 = arith.constant 8.000000e+00 : f32
      %mul3A_486 = vector.broadcast %mul3A_485 : f32 to vector<16xf32>
      %mul3A_487 = arith.mulf %get3A_484, %mul3A_486 : vector<16xf32>
      %swap3A_488 = arith.index_cast %add3A_468 : i32 to index
      %swap3A_489 = arith.constant 16 : index
      %swap3A_490 = tpu.vector_load %arg9[%swap3A_488, %swap3A_489] {strides = array<i32>} : memref<400x64xf32, #tpu.memory_space<vmem>>, vector<1x16xf32>,
      %swap3A_491 = vector.shape_cast %swap3A_490 : vector<1x16xf32> to vector<16xf32>
      %swap3A_492 = vector.shape_cast %mul3A_487 : vector<16xf32> to vector<1x16xf32>
      tpu.vector_store %arg9[%swap3A_488, %swap3A_489], %swap3A_492 {strides = array<i32>} : memref<400x64xf32, #tpu.memory_space<vmem>>, vector<1x16xf32>,
      %get3A_493 = arith.index_cast %add3A_468 : i32 to index
      %get3A_494 = arith.constant 32 : index
      %get3A_495 = tpu.vector_load %arg7[%get3A_493, %get3A_494] {strides = array<i32>} : memref<400x64xf32, #tpu.memory_space<vmem>>, vector<1x16xf32>,
      %get3A_496 = vector.shape_cast %get3A_495 : vector<1x16xf32> to vector<16xf32>
      %mul3A_497 = arith.constant 8.000000e+00 : f32
      %mul3A_498 = vector.broadcast %mul3A_497 : f32 to vector<16xf32>
      %mul3A_499 = arith.mulf %get3A_496, %mul3A_498 : vector<16xf32>
      %swap3A_500 = arith.index_cast %add3A_468 : i32 to index
      %swap3A_501 = arith.constant 32 : index
      %swap3A_502 = tpu.vector_load %arg9[%swap3A_500, %swap3A_501] {strides = array<i32>} : memref<400x64xf32, #tpu.memory_space<vmem>>, vector<1x16xf32>,
      %swap3A_503 = vector.shape_cast %swap3A_502 : vector<1x16xf32> to vector<16xf32>
      %swap3A_504 = vector.shape_cast %mul3A_499 : vector<16xf32> to vector<1x16xf32>
      tpu.vector_store %arg9[%swap3A_500, %swap3A_501], %swap3A_504 {strides = array<i32>} : memref<400x64xf32, #tpu.memory_space<vmem>>, vector<1x16xf32>,
      %get3A_505 = arith.index_cast %add3A_468 : i32 to index
      %get3A_506 = arith.constant 48 : index
      %get3A_507 = tpu.vector_load %arg7[%get3A_505, %get3A_506] {strides = array<i32>} : memref<400x64xf32, #tpu.memory_space<vmem>>, vector<1x16xf32>,
      %get3A_508 = vector.shape_cast %get3A_507 : vector<1x16xf32> to vector<16xf32>
      %mul3A_509 = arith.constant 8.000000e+00 : f32
      %mul3A_510 = vector.broadcast %mul3A_509 : f32 to vector<16xf32>
      %mul3A_511 = arith.mulf %get3A_508, %mul3A_510 : vector<16xf32>
      %swap3A_512 = arith.index_cast %add3A_468 : i32 to index
      %swap3A_513 = arith.constant 48 : index
      %swap3A_514 = tpu.vector_load %arg9[%swap3A_512, %swap3A_513] {strides = array<i32>} : memref<400x64xf32, #tpu.memory_space<vmem>>, vector<1x16xf32>,
      %swap3A_515 = vector.shape_cast %swap3A_514 : vector<1x16xf32> to vector<16xf32>
      %swap3A_516 = vector.shape_cast %mul3A_511 : vector<16xf32> to vector<1x16xf32>
      tpu.vector_store %arg9[%swap3A_512, %swap3A_513], %swap3A_516 {strides = array<i32>} : memref<400x64xf32, #tpu.memory_space<vmem>>, vector<1x16xf32>,
    }
    %scan3A_68 = arith.constant 50 : i32
    %add3A_69 = arith.constant 24800 : i32
    %add3A_70 = arith.addi %mul3A_2, %add3A_69 : i32
    %dma_start3A_71 = arith.constant 0 : i32
    %dma_start3A_72 = tpu.memref_slice %arg4[%add3A_70, %dma_start3A_71] : memref<819200x64xf32, #tpu.memory_space<hbm>> -> memref<400x64xf32, #tpu.memory_space<hbm>>
    %dma_start3A_73 = arith.constant 0 : i32
    %dma_start3A_74 = tpu.memref_slice %arg4[%add3A_70, %dma_start3A_73] : memref<819200x64xf32, #tpu.memory_space<hbm>> -> memref<400x64xf32, #tpu.memory_space<hbm>>
    tpu.enqueue_dma source(%arg9 : memref<400x64xf32, #tpu.memory_space<vmem>>) target(%dma_start3A_74 : memref<400x64xf32, #tpu.memory_space<hbm>>) target_semaphore(%arg13 : memref<!tpu.dma_semaphore, #tpu.memory_space<semaphore_mem>>)
    %dma_wait3A_75 = arith.constant 0 : i32
    %dma_wait3A_76 = arith.constant 0 : i32
    %dma_wait3A_77 = tpu.memref_slice %arg3[%dma_wait3A_75, %dma_wait3A_76] : memref<1000000x64xf32, #tpu.memory_space<hbm>> -> memref<1000000x64xf32, #tpu.memory_space<hbm>>
    tpu.wait_indirect_dma semaphore(%arg12 : memref<!tpu.dma_semaphore, #tpu.memory_space<semaphore_mem>>) src(%dma_wait3A_77 : memref<1000000x64xf32, #tpu.memory_space<hbm>>) dst(%arg8 : memref<400x64xf32, #tpu.memory_space<vmem>>)
    %dma_wait3A_78 = arith.constant 0 : i32
    %dma_wait3A_79 = tpu.memref_slice %arg4[%mul3A_2, %dma_wait3A_78] : memref<819200x64xf32, #tpu.memory_space<hbm>> -> memref<400x64xf32, #tpu.memory_space<hbm>>
    %dma_wait3A_80 = arith.constant 0 : i32
    %dma_wait3A_81 = tpu.memref_slice %arg4[%mul3A_2, %dma_wait3A_80] : memref<819200x64xf32, #tpu.memory_space<hbm>> -> memref<400x64xf32, #tpu.memory_space<hbm>>
    tpu.wait_dma2 semaphore(%arg14 : memref<!tpu.dma_semaphore, #tpu.memory_space<semaphore_mem>>) src(%arg10 : memref<400x64xf32, #tpu.memory_space<vmem>>) dst(%dma_wait3A_81 : memref<400x64xf32, #tpu.memory_space<hbm>>)
    %scan3A_82 = arith.constant 0 : i32
    %scan3A_83 = arith.constant 0 : i32
    %scan3A_84 = arith.constant 50 : i32
    %scan3A_85 = arith.addi %scan3A_83, %scan3A_84 : i32
    %scan3A_86 = arith.constant 1 : i32
    scf.for %scan3A_102 = %scan3A_83 to %scan3A_85 step %scan3A_86  : i32 {
      %mul3A_103 = arith.constant 8 : i32
      %mul3A_104 = arith.muli %scan3A_102, %mul3A_103 : i32
      %add3A_105 = arith.constant 0 : i32
      %add3A_106 = arith.addi %mul3A_104, %add3A_105 : i32
      %get3A = arith.index_cast %add3A_106 : i32 to index
      %get3A_107 = arith.constant 0 : index
      %get3A_108 = tpu.vector_load %arg8[%get3A, %get3A_107] {strides = array<i32>} : memref<400x64xf32, #tpu.memory_space<vmem>>, vector<1x16xf32>,
      %get3A_109 = vector.shape_cast %get3A_108 : vector<1x16xf32> to vector<16xf32>
      %mul3A_110 = arith.constant 8.000000e+00 : f32
      %mul3A_111 = vector.broadcast %mul3A_110 : f32 to vector<16xf32>
      %mul3A_112 = arith.mulf %get3A_109, %mul3A_111 : vector<16xf32>
      %swap3A = arith.index_cast %add3A_106 : i32 to index
      %swap3A_113 = arith.constant 0 : index
      %swap3A_114 = tpu.vector_load %arg10[%swap3A, %swap3A_113] {strides = array<i32>} : memref<400x64xf32, #tpu.memory_space<vmem>>, vector<1x16xf32>,
      %swap3A_115 = vector.shape_cast %swap3A_114 : vector<1x16xf32> to vector<16xf32>
      %swap3A_116 = vector.shape_cast %mul3A_112 : vector<16xf32> to vector<1x16xf32>
      tpu.vector_store %arg10[%swap3A, %swap3A_113], %swap3A_116 {strides = array<i32>} : memref<400x64xf32, #tpu.memory_space<vmem>>, vector<1x16xf32>,
      %get3A_117 = arith.index_cast %add3A_106 : i32 to index
      %get3A_118 = arith.constant 16 : index
      %get3A_119 = tpu.vector_load %arg8[%get3A_117, %get3A_118] {strides = array<i32>} : memref<400x64xf32, #tpu.memory_space<vmem>>, vector<1x16xf32>,
      %get3A_120 = vector.shape_cast %get3A_119 : vector<1x16xf32> to vector<16xf32>
      %mul3A_121 = arith.constant 8.000000e+00 : f32
      %mul3A_122 = vector.broadcast %mul3A_121 : f32 to vector<16xf32>
      %mul3A_123 = arith.mulf %get3A_120, %mul3A_122 : vector<16xf32>
      %swap3A_124 = arith.index_cast %add3A_106 : i32 to index
      %swap3A_125 = arith.constant 16 : index
      %swap3A_126 = tpu.vector_load %arg10[%swap3A_124, %swap3A_125] {strides = array<i32>} : memref<400x64xf32, #tpu.memory_space<vmem>>, vector<1x16xf32>,
      %swap3A_127 = vector.shape_cast %swap3A_126 : vector<1x16xf32> to vector<16xf32>
      %swap3A_128 = vector.shape_cast %mul3A_123 : vector<16xf32> to vector<1x16xf32>
      tpu.vector_store %arg10[%swap3A_124, %swap3A_125], %swap3A_128 {strides = array<i32>} : memref<400x64xf32, #tpu.memory_space<vmem>>, vector<1x16xf32>,
      %get3A_129 = arith.index_cast %add3A_106 : i32 to index
      %get3A_130 = arith.constant 32 : index
      %get3A_131 = tpu.vector_load %arg8[%get3A_129, %get3A_130] {strides = array<i32>} : memref<400x64xf32, #tpu.memory_space<vmem>>, vector<1x16xf32>,
      %get3A_132 = vector.shape_cast %get3A_131 : vector<1x16xf32> to vector<16xf32>
      %mul3A_133 = arith.constant 8.000000e+00 : f32
      %mul3A_134 = vector.broadcast %mul3A_133 : f32 to vector<16xf32>
      %mul3A_135 = arith.mulf %get3A_132, %mul3A_134 : vector<16xf32>
      %swap3A_136 = arith.index_cast %add3A_106 : i32 to index
      %swap3A_137 = arith.constant 32 : index
      %swap3A_138 = tpu.vector_load %arg10[%swap3A_136, %swap3A_137] {strides = array<i32>} : memref<400x64xf32, #tpu.memory_space<vmem>>, vector<1x16xf32>,
      %swap3A_139 = vector.shape_cast %swap3A_138 : vector<1x16xf32> to vector<16xf32>
      %swap3A_140 = vector.shape_cast %mul3A_135 : vector<16xf32> to vector<1x16xf32>
      tpu.vector_store %arg10[%swap3A_136, %swap3A_137], %swap3A_140 {strides = array<i32>} : memref<400x64xf32, #tpu.memory_space<vmem>>, vector<1x16xf32>,
      %get3A_141 = arith.index_cast %add3A_106 : i32 to index
      %get3A_142 = arith.constant 48 : index
      %get3A_143 = tpu.vector_load %arg8[%get3A_141, %get3A_142] {strides = array<i32>} : memref<400x64xf32, #tpu.memory_space<vmem>>, vector<1x16xf32>,
      %get3A_144 = vector.shape_cast %get3A_143 : vector<1x16xf32> to vector<16xf32>
      %mul3A_145 = arith.constant 8.000000e+00 : f32
      %mul3A_146 = vector.broadcast %mul3A_145 : f32 to vector<16xf32>
      %mul3A_147 = arith.mulf %get3A_144, %mul3A_146 : vector<16xf32>
      %swap3A_148 = arith.index_cast %add3A_106 : i32 to index
      %swap3A_149 = arith.constant 48 : index
      %swap3A_150 = tpu.vector_load %arg10[%swap3A_148, %swap3A_149] {strides = array<i32>} : memref<400x64xf32, #tpu.memory_space<vmem>>, vector<1x16xf32>,
      %swap3A_151 = vector.shape_cast %swap3A_150 : vector<1x16xf32> to vector<16xf32>
      %swap3A_152 = vector.shape_cast %mul3A_147 : vector<16xf32> to vector<1x16xf32>
      tpu.vector_store %arg10[%swap3A_148, %swap3A_149], %swap3A_152 {strides = array<i32>} : memref<400x64xf32, #tpu.memory_space<vmem>>, vector<1x16xf32>,
      %mul3A_153 = arith.constant 8 : i32
      %mul3A_154 = arith.muli %scan3A_102, %mul3A_153 : i32
      %add3A_155 = arith.constant 1 : i32
      %add3A_156 = arith.addi %mul3A_154, %add3A_155 : i32
      %get3A_157 = arith.index_cast %add3A_156 : i32 to index
      %get3A_158 = arith.constant 0 : index
      %get3A_159 = tpu.vector_load %arg8[%get3A_157, %get3A_158] {strides = array<i32>} : memref<400x64xf32, #tpu.memory_space<vmem>>, vector<1x16xf32>,
      %get3A_160 = vector.shape_cast %get3A_159 : vector<1x16xf32> to vector<16xf32>
      %mul3A_161 = arith.constant 8.000000e+00 : f32
      %mul3A_162 = vector.broadcast %mul3A_161 : f32 to vector<16xf32>
      %mul3A_163 = arith.mulf %get3A_160, %mul3A_162 : vector<16xf32>
      %swap3A_164 = arith.index_cast %add3A_156 : i32 to index
      %swap3A_165 = arith.constant 0 : index
      %swap3A_166 = tpu.vector_load %arg10[%swap3A_164, %swap3A_165] {strides = array<i32>} : memref<400x64xf32, #tpu.memory_space<vmem>>, vector<1x16xf32>,
      %swap3A_167 = vector.shape_cast %swap3A_166 : vector<1x16xf32> to vector<16xf32>
      %swap3A_168 = vector.shape_cast %mul3A_163 : vector<16xf32> to vector<1x16xf32>
      tpu.vector_store %arg10[%swap3A_164, %swap3A_165], %swap3A_168 {strides = array<i32>} : memref<400x64xf32, #tpu.memory_space<vmem>>, vector<1x16xf32>,
      %get3A_169 = arith.index_cast %add3A_156 : i32 to index
      %get3A_170 = arith.constant 16 : index
      %get3A_171 = tpu.vector_load %arg8[%get3A_169, %get3A_170] {strides = array<i32>} : memref<400x64xf32, #tpu.memory_space<vmem>>, vector<1x16xf32>,
      %get3A_172 = vector.shape_cast %get3A_171 : vector<1x16xf32> to vector<16xf32>
      %mul3A_173 = arith.constant 8.000000e+00 : f32
      %mul3A_174 = vector.broadcast %mul3A_173 : f32 to vector<16xf32>
      %mul3A_175 = arith.mulf %get3A_172, %mul3A_174 : vector<16xf32>
      %swap3A_176 = arith.index_cast %add3A_156 : i32 to index
      %swap3A_177 = arith.constant 16 : index
      %swap3A_178 = tpu.vector_load %arg10[%swap3A_176, %swap3A_177] {strides = array<i32>} : memref<400x64xf32, #tpu.memory_space<vmem>>, vector<1x16xf32>,
      %swap3A_179 = vector.shape_cast %swap3A_178 : vector<1x16xf32> to vector<16xf32>
      %swap3A_180 = vector.shape_cast %mul3A_175 : vector<16xf32> to vector<1x16xf32>
      tpu.vector_store %arg10[%swap3A_176, %swap3A_177], %swap3A_180 {strides = array<i32>} : memref<400x64xf32, #tpu.memory_space<vmem>>, vector<1x16xf32>,
      %get3A_181 = arith.index_cast %add3A_156 : i32 to index
      %get3A_182 = arith.constant 32 : index
      %get3A_183 = tpu.vector_load %arg8[%get3A_181, %get3A_182] {strides = array<i32>} : memref<400x64xf32, #tpu.memory_space<vmem>>, vector<1x16xf32>,
      %get3A_184 = vector.shape_cast %get3A_183 : vector<1x16xf32> to vector<16xf32>
      %mul3A_185 = arith.constant 8.000000e+00 : f32
      %mul3A_186 = vector.broadcast %mul3A_185 : f32 to vector<16xf32>
      %mul3A_187 = arith.mulf %get3A_184, %mul3A_186 : vector<16xf32>
      %swap3A_188 = arith.index_cast %add3A_156 : i32 to index
      %swap3A_189 = arith.constant 32 : index
      %swap3A_190 = tpu.vector_load %arg10[%swap3A_188, %swap3A_189] {strides = array<i32>} : memref<400x64xf32, #tpu.memory_space<vmem>>, vector<1x16xf32>,
      %swap3A_191 = vector.shape_cast %swap3A_190 : vector<1x16xf32> to vector<16xf32>
      %swap3A_192 = vector.shape_cast %mul3A_187 : vector<16xf32> to vector<1x16xf32>
      tpu.vector_store %arg10[%swap3A_188, %swap3A_189], %swap3A_192 {strides = array<i32>} : memref<400x64xf32, #tpu.memory_space<vmem>>, vector<1x16xf32>,
      %get3A_193 = arith.index_cast %add3A_156 : i32 to index
      %get3A_194 = arith.constant 48 : index
      %get3A_195 = tpu.vector_load %arg8[%get3A_193, %get3A_194] {strides = array<i32>} : memref<400x64xf32, #tpu.memory_space<vmem>>, vector<1x16xf32>,
      %get3A_196 = vector.shape_cast %get3A_195 : vector<1x16xf32> to vector<16xf32>
      %mul3A_197 = arith.constant 8.000000e+00 : f32
      %mul3A_198 = vector.broadcast %mul3A_197 : f32 to vector<16xf32>
      %mul3A_199 = arith.mulf %get3A_196, %mul3A_198 : vector<16xf32>
      %swap3A_200 = arith.index_cast %add3A_156 : i32 to index
      %swap3A_201 = arith.constant 48 : index
      %swap3A_202 = tpu.vector_load %arg10[%swap3A_200, %swap3A_201] {strides = array<i32>} : memref<400x64xf32, #tpu.memory_space<vmem>>, vector<1x16xf32>,
      %swap3A_203 = vector.shape_cast %swap3A_202 : vector<1x16xf32> to vector<16xf32>
      %swap3A_204 = vector.shape_cast %mul3A_199 : vector<16xf32> to vector<1x16xf32>
      tpu.vector_store %arg10[%swap3A_200, %swap3A_201], %swap3A_204 {strides = array<i32>} : memref<400x64xf32, #tpu.memory_space<vmem>>, vector<1x16xf32>,
      %mul3A_205 = arith.constant 8 : i32
      %mul3A_206 = arith.muli %scan3A_102, %mul3A_205 : i32
      %add3A_207 = arith.constant 2 : i32
      %add3A_208 = arith.addi %mul3A_206, %add3A_207 : i32
      %get3A_209 = arith.index_cast %add3A_208 : i32 to index
      %get3A_210 = arith.constant 0 : index
      %get3A_211 = tpu.vector_load %arg8[%get3A_209, %get3A_210] {strides = array<i32>} : memref<400x64xf32, #tpu.memory_space<vmem>>, vector<1x16xf32>,
      %get3A_212 = vector.shape_cast %get3A_211 : vector<1x16xf32> to vector<16xf32>
      %mul3A_213 = arith.constant 8.000000e+00 : f32
      %mul3A_214 = vector.broadcast %mul3A_213 : f32 to vector<16xf32>
      %mul3A_215 = arith.mulf %get3A_212, %mul3A_214 : vector<16xf32>
      %swap3A_216 = arith.index_cast %add3A_208 : i32 to index
      %swap3A_217 = arith.constant 0 : index
      %swap3A_218 = tpu.vector_load %arg10[%swap3A_216, %swap3A_217] {strides = array<i32>} : memref<400x64xf32, #tpu.memory_space<vmem>>, vector<1x16xf32>,
      %swap3A_219 = vector.shape_cast %swap3A_218 : vector<1x16xf32> to vector<16xf32>
      %swap3A_220 = vector.shape_cast %mul3A_215 : vector<16xf32> to vector<1x16xf32>
      tpu.vector_store %arg10[%swap3A_216, %swap3A_217], %swap3A_220 {strides = array<i32>} : memref<400x64xf32, #tpu.memory_space<vmem>>, vector<1x16xf32>,
      %get3A_221 = arith.index_cast %add3A_208 : i32 to index
      %get3A_222 = arith.constant 16 : index
      %get3A_223 = tpu.vector_load %arg8[%get3A_221, %get3A_222] {strides = array<i32>} : memref<400x64xf32, #tpu.memory_space<vmem>>, vector<1x16xf32>,
      %get3A_224 = vector.shape_cast %get3A_223 : vector<1x16xf32> to vector<16xf32>
      %mul3A_225 = arith.constant 8.000000e+00 : f32
      %mul3A_226 = vector.broadcast %mul3A_225 : f32 to vector<16xf32>
      %mul3A_227 = arith.mulf %get3A_224, %mul3A_226 : vector<16xf32>
      %swap3A_228 = arith.index_cast %add3A_208 : i32 to index
      %swap3A_229 = arith.constant 16 : index
      %swap3A_230 = tpu.vector_load %arg10[%swap3A_228, %swap3A_229] {strides = array<i32>} : memref<400x64xf32, #tpu.memory_space<vmem>>, vector<1x16xf32>,
      %swap3A_231 = vector.shape_cast %swap3A_230 : vector<1x16xf32> to vector<16xf32>
      %swap3A_232 = vector.shape_cast %mul3A_227 : vector<16xf32> to vector<1x16xf32>
      tpu.vector_store %arg10[%swap3A_228, %swap3A_229], %swap3A_232 {strides = array<i32>} : memref<400x64xf32, #tpu.memory_space<vmem>>, vector<1x16xf32>,
      %get3A_233 = arith.index_cast %add3A_208 : i32 to index
      %get3A_234 = arith.constant 32 : index
      %get3A_235 = tpu.vector_load %arg8[%get3A_233, %get3A_234] {strides = array<i32>} : memref<400x64xf32, #tpu.memory_space<vmem>>, vector<1x16xf32>,
      %get3A_236 = vector.shape_cast %get3A_235 : vector<1x16xf32> to vector<16xf32>
      %mul3A_237 = arith.constant 8.000000e+00 : f32
      %mul3A_238 = vector.broadcast %mul3A_237 : f32 to vector<16xf32>
      %mul3A_239 = arith.mulf %get3A_236, %mul3A_238 : vector<16xf32>
      %swap3A_240 = arith.index_cast %add3A_208 : i32 to index
      %swap3A_241 = arith.constant 32 : index
      %swap3A_242 = tpu.vector_load %arg10[%swap3A_240, %swap3A_241] {strides = array<i32>} : memref<400x64xf32, #tpu.memory_space<vmem>>, vector<1x16xf32>,
      %swap3A_243 = vector.shape_cast %swap3A_242 : vector<1x16xf32> to vector<16xf32>
      %swap3A_244 = vector.shape_cast %mul3A_239 : vector<16xf32> to vector<1x16xf32>
      tpu.vector_store %arg10[%swap3A_240, %swap3A_241], %swap3A_244 {strides = array<i32>} : memref<400x64xf32, #tpu.memory_space<vmem>>, vector<1x16xf32>,
      %get3A_245 = arith.index_cast %add3A_208 : i32 to index
      %get3A_246 = arith.constant 48 : index
      %get3A_247 = tpu.vector_load %arg8[%get3A_245, %get3A_246] {strides = array<i32>} : memref<400x64xf32, #tpu.memory_space<vmem>>, vector<1x16xf32>,
      %get3A_248 = vector.shape_cast %get3A_247 : vector<1x16xf32> to vector<16xf32>
      %mul3A_249 = arith.constant 8.000000e+00 : f32
      %mul3A_250 = vector.broadcast %mul3A_249 : f32 to vector<16xf32>
      %mul3A_251 = arith.mulf %get3A_248, %mul3A_250 : vector<16xf32>
      %swap3A_252 = arith.index_cast %add3A_208 : i32 to index
      %swap3A_253 = arith.constant 48 : index
      %swap3A_254 = tpu.vector_load %arg10[%swap3A_252, %swap3A_253] {strides = array<i32>} : memref<400x64xf32, #tpu.memory_space<vmem>>, vector<1x16xf32>,
      %swap3A_255 = vector.shape_cast %swap3A_254 : vector<1x16xf32> to vector<16xf32>
      %swap3A_256 = vector.shape_cast %mul3A_251 : vector<16xf32> to vector<1x16xf32>
      tpu.vector_store %arg10[%swap3A_252, %swap3A_253], %swap3A_256 {strides = array<i32>} : memref<400x64xf32, #tpu.memory_space<vmem>>, vector<1x16xf32>,
      %mul3A_257 = arith.constant 8 : i32
      %mul3A_258 = arith.muli %scan3A_102, %mul3A_257 : i32
      %add3A_259 = arith.constant 3 : i32
      %add3A_260 = arith.addi %mul3A_258, %add3A_259 : i32
      %get3A_261 = arith.index_cast %add3A_260 : i32 to index
      %get3A_262 = arith.constant 0 : index
      %get3A_263 = tpu.vector_load %arg8[%get3A_261, %get3A_262] {strides = array<i32>} : memref<400x64xf32, #tpu.memory_space<vmem>>, vector<1x16xf32>,
      %get3A_264 = vector.shape_cast %get3A_263 : vector<1x16xf32> to vector<16xf32>
      %mul3A_265 = arith.constant 8.000000e+00 : f32
      %mul3A_266 = vector.broadcast %mul3A_265 : f32 to vector<16xf32>
      %mul3A_267 = arith.mulf %get3A_264, %mul3A_266 : vector<16xf32>
      %swap3A_268 = arith.index_cast %add3A_260 : i32 to index
      %swap3A_269 = arith.constant 0 : index
      %swap3A_270 = tpu.vector_load %arg10[%swap3A_268, %swap3A_269] {strides = array<i32>} : memref<400x64xf32, #tpu.memory_space<vmem>>, vector<1x16xf32>,
      %swap3A_271 = vector.shape_cast %swap3A_270 : vector<1x16xf32> to vector<16xf32>
      %swap3A_272 = vector.shape_cast %mul3A_267 : vector<16xf32> to vector<1x16xf32>
      tpu.vector_store %arg10[%swap3A_268, %swap3A_269], %swap3A_272 {strides = array<i32>} : memref<400x64xf32, #tpu.memory_space<vmem>>, vector<1x16xf32>,
      %get3A_273 = arith.index_cast %add3A_260 : i32 to index
      %get3A_274 = arith.constant 16 : index
      %get3A_275 = tpu.vector_load %arg8[%get3A_273, %get3A_274] {strides = array<i32>} : memref<400x64xf32, #tpu.memory_space<vmem>>, vector<1x16xf32>,
      %get3A_276 = vector.shape_cast %get3A_275 : vector<1x16xf32> to vector<16xf32>
      %mul3A_277 = arith.constant 8.000000e+00 : f32
      %mul3A_278 = vector.broadcast %mul3A_277 : f32 to vector<16xf32>
      %mul3A_279 = arith.mulf %get3A_276, %mul3A_278 : vector<16xf32>
      %swap3A_280 = arith.index_cast %add3A_260 : i32 to index
      %swap3A_281 = arith.constant 16 : index
      %swap3A_282 = tpu.vector_load %arg10[%swap3A_280, %swap3A_281] {strides = array<i32>} : memref<400x64xf32, #tpu.memory_space<vmem>>, vector<1x16xf32>,
      %swap3A_283 = vector.shape_cast %swap3A_282 : vector<1x16xf32> to vector<16xf32>
      %swap3A_284 = vector.shape_cast %mul3A_279 : vector<16xf32> to vector<1x16xf32>
      tpu.vector_store %arg10[%swap3A_280, %swap3A_281], %swap3A_284 {strides = array<i32>} : memref<400x64xf32, #tpu.memory_space<vmem>>, vector<1x16xf32>,
      %get3A_285 = arith.index_cast %add3A_260 : i32 to index
      %get3A_286 = arith.constant 32 : index
      %get3A_287 = tpu.vector_load %arg8[%get3A_285, %get3A_286] {strides = array<i32>} : memref<400x64xf32, #tpu.memory_space<vmem>>, vector<1x16xf32>,
      %get3A_288 = vector.shape_cast %get3A_287 : vector<1x16xf32> to vector<16xf32>
      %mul3A_289 = arith.constant 8.000000e+00 : f32
      %mul3A_290 = vector.broadcast %mul3A_289 : f32 to vector<16xf32>
      %mul3A_291 = arith.mulf %get3A_288, %mul3A_290 : vector<16xf32>
      %swap3A_292 = arith.index_cast %add3A_260 : i32 to index
      %swap3A_293 = arith.constant 32 : index
      %swap3A_294 = tpu.vector_load %arg10[%swap3A_292, %swap3A_293] {strides = array<i32>} : memref<400x64xf32, #tpu.memory_space<vmem>>, vector<1x16xf32>,
      %swap3A_295 = vector.shape_cast %swap3A_294 : vector<1x16xf32> to vector<16xf32>
      %swap3A_296 = vector.shape_cast %mul3A_291 : vector<16xf32> to vector<1x16xf32>
      tpu.vector_store %arg10[%swap3A_292, %swap3A_293], %swap3A_296 {strides = array<i32>} : memref<400x64xf32, #tpu.memory_space<vmem>>, vector<1x16xf32>,
      %get3A_297 = arith.index_cast %add3A_260 : i32 to index
      %get3A_298 = arith.constant 48 : index
      %get3A_299 = tpu.vector_load %arg8[%get3A_297, %get3A_298] {strides = array<i32>} : memref<400x64xf32, #tpu.memory_space<vmem>>, vector<1x16xf32>,
      %get3A_300 = vector.shape_cast %get3A_299 : vector<1x16xf32> to vector<16xf32>
      %mul3A_301 = arith.constant 8.000000e+00 : f32
      %mul3A_302 = vector.broadcast %mul3A_301 : f32 to vector<16xf32>
      %mul3A_303 = arith.mulf %get3A_300, %mul3A_302 : vector<16xf32>
      %swap3A_304 = arith.index_cast %add3A_260 : i32 to index
      %swap3A_305 = arith.constant 48 : index
      %swap3A_306 = tpu.vector_load %arg10[%swap3A_304, %swap3A_305] {strides = array<i32>} : memref<400x64xf32, #tpu.memory_space<vmem>>, vector<1x16xf32>,
      %swap3A_307 = vector.shape_cast %swap3A_306 : vector<1x16xf32> to vector<16xf32>
      %swap3A_308 = vector.shape_cast %mul3A_303 : vector<16xf32> to vector<1x16xf32>
      tpu.vector_store %arg10[%swap3A_304, %swap3A_305], %swap3A_308 {strides = array<i32>} : memref<400x64xf32, #tpu.memory_space<vmem>>, vector<1x16xf32>,
      %mul3A_309 = arith.constant 8 : i32
      %mul3A_310 = arith.muli %scan3A_102, %mul3A_309 : i32
      %add3A_311 = arith.constant 4 : i32
      %add3A_312 = arith.addi %mul3A_310, %add3A_311 : i32
      %get3A_313 = arith.index_cast %add3A_312 : i32 to index
      %get3A_314 = arith.constant 0 : index
      %get3A_315 = tpu.vector_load %arg8[%get3A_313, %get3A_314] {strides = array<i32>} : memref<400x64xf32, #tpu.memory_space<vmem>>, vector<1x16xf32>,
      %get3A_316 = vector.shape_cast %get3A_315 : vector<1x16xf32> to vector<16xf32>
      %mul3A_317 = arith.constant 8.000000e+00 : f32
      %mul3A_318 = vector.broadcast %mul3A_317 : f32 to vector<16xf32>
      %mul3A_319 = arith.mulf %get3A_316, %mul3A_318 : vector<16xf32>
      %swap3A_320 = arith.index_cast %add3A_312 : i32 to index
      %swap3A_321 = arith.constant 0 : index
      %swap3A_322 = tpu.vector_load %arg10[%swap3A_320, %swap3A_321] {strides = array<i32>} : memref<400x64xf32, #tpu.memory_space<vmem>>, vector<1x16xf32>,
      %swap3A_323 = vector.shape_cast %swap3A_322 : vector<1x16xf32> to vector<16xf32>
      %swap3A_324 = vector.shape_cast %mul3A_319 : vector<16xf32> to vector<1x16xf32>
      tpu.vector_store %arg10[%swap3A_320, %swap3A_321], %swap3A_324 {strides = array<i32>} : memref<400x64xf32, #tpu.memory_space<vmem>>, vector<1x16xf32>,
      %get3A_325 = arith.index_cast %add3A_312 : i32 to index
      %get3A_326 = arith.constant 16 : index
      %get3A_327 = tpu.vector_load %arg8[%get3A_325, %get3A_326] {strides = array<i32>} : memref<400x64xf32, #tpu.memory_space<vmem>>, vector<1x16xf32>,
      %get3A_328 = vector.shape_cast %get3A_327 : vector<1x16xf32> to vector<16xf32>
      %mul3A_329 = arith.constant 8.000000e+00 : f32
      %mul3A_330 = vector.broadcast %mul3A_329 : f32 to vector<16xf32>
      %mul3A_331 = arith.mulf %get3A_328, %mul3A_330 : vector<16xf32>
      %swap3A_332 = arith.index_cast %add3A_312 : i32 to index
      %swap3A_333 = arith.constant 16 : index
      %swap3A_334 = tpu.vector_load %arg10[%swap3A_332, %swap3A_333] {strides = array<i32>} : memref<400x64xf32, #tpu.memory_space<vmem>>, vector<1x16xf32>,
      %swap3A_335 = vector.shape_cast %swap3A_334 : vector<1x16xf32> to vector<16xf32>
      %swap3A_336 = vector.shape_cast %mul3A_331 : vector<16xf32> to vector<1x16xf32>
      tpu.vector_store %arg10[%swap3A_332, %swap3A_333], %swap3A_336 {strides = array<i32>} : memref<400x64xf32, #tpu.memory_space<vmem>>, vector<1x16xf32>,
      %get3A_337 = arith.index_cast %add3A_312 : i32 to index
      %get3A_338 = arith.constant 32 : index
      %get3A_339 = tpu.vector_load %arg8[%get3A_337, %get3A_338] {strides = array<i32>} : memref<400x64xf32, #tpu.memory_space<vmem>>, vector<1x16xf32>,
      %get3A_340 = vector.shape_cast %get3A_339 : vector<1x16xf32> to vector<16xf32>
      %mul3A_341 = arith.constant 8.000000e+00 : f32
      %mul3A_342 = vector.broadcast %mul3A_341 : f32 to vector<16xf32>
      %mul3A_343 = arith.mulf %get3A_340, %mul3A_342 : vector<16xf32>
      %swap3A_344 = arith.index_cast %add3A_312 : i32 to index
      %swap3A_345 = arith.constant 32 : index
      %swap3A_346 = tpu.vector_load %arg10[%swap3A_344, %swap3A_345] {strides = array<i32>} : memref<400x64xf32, #tpu.memory_space<vmem>>, vector<1x16xf32>,
      %swap3A_347 = vector.shape_cast %swap3A_346 : vector<1x16xf32> to vector<16xf32>
      %swap3A_348 = vector.shape_cast %mul3A_343 : vector<16xf32> to vector<1x16xf32>
      tpu.vector_store %arg10[%swap3A_344, %swap3A_345], %swap3A_348 {strides = array<i32>} : memref<400x64xf32, #tpu.memory_space<vmem>>, vector<1x16xf32>,
      %get3A_349 = arith.index_cast %add3A_312 : i32 to index
      %get3A_350 = arith.constant 48 : index
      %get3A_351 = tpu.vector_load %arg8[%get3A_349, %get3A_350] {strides = array<i32>} : memref<400x64xf32, #tpu.memory_space<vmem>>, vector<1x16xf32>,
      %get3A_352 = vector.shape_cast %get3A_351 : vector<1x16xf32> to vector<16xf32>
      %mul3A_353 = arith.constant 8.000000e+00 : f32
      %mul3A_354 = vector.broadcast %mul3A_353 : f32 to vector<16xf32>
      %mul3A_355 = arith.mulf %get3A_352, %mul3A_354 : vector<16xf32>
      %swap3A_356 = arith.index_cast %add3A_312 : i32 to index
      %swap3A_357 = arith.constant 48 : index
      %swap3A_358 = tpu.vector_load %arg10[%swap3A_356, %swap3A_357] {strides = array<i32>} : memref<400x64xf32, #tpu.memory_space<vmem>>, vector<1x16xf32>,
      %swap3A_359 = vector.shape_cast %swap3A_358 : vector<1x16xf32> to vector<16xf32>
      %swap3A_360 = vector.shape_cast %mul3A_355 : vector<16xf32> to vector<1x16xf32>
      tpu.vector_store %arg10[%swap3A_356, %swap3A_357], %swap3A_360 {strides = array<i32>} : memref<400x64xf32, #tpu.memory_space<vmem>>, vector<1x16xf32>,
      %mul3A_361 = arith.constant 8 : i32
      %mul3A_362 = arith.muli %scan3A_102, %mul3A_361 : i32
      %add3A_363 = arith.constant 5 : i32
      %add3A_364 = arith.addi %mul3A_362, %add3A_363 : i32
      %get3A_365 = arith.index_cast %add3A_364 : i32 to index
      %get3A_366 = arith.constant 0 : index
      %get3A_367 = tpu.vector_load %arg8[%get3A_365, %get3A_366] {strides = array<i32>} : memref<400x64xf32, #tpu.memory_space<vmem>>, vector<1x16xf32>,
      %get3A_368 = vector.shape_cast %get3A_367 : vector<1x16xf32> to vector<16xf32>
      %mul3A_369 = arith.constant 8.000000e+00 : f32
      %mul3A_370 = vector.broadcast %mul3A_369 : f32 to vector<16xf32>
      %mul3A_371 = arith.mulf %get3A_368, %mul3A_370 : vector<16xf32>
      %swap3A_372 = arith.index_cast %add3A_364 : i32 to index
      %swap3A_373 = arith.constant 0 : index
      %swap3A_374 = tpu.vector_load %arg10[%swap3A_372, %swap3A_373] {strides = array<i32>} : memref<400x64xf32, #tpu.memory_space<vmem>>, vector<1x16xf32>,
      %swap3A_375 = vector.shape_cast %swap3A_374 : vector<1x16xf32> to vector<16xf32>
      %swap3A_376 = vector.shape_cast %mul3A_371 : vector<16xf32> to vector<1x16xf32>
      tpu.vector_store %arg10[%swap3A_372, %swap3A_373], %swap3A_376 {strides = array<i32>} : memref<400x64xf32, #tpu.memory_space<vmem>>, vector<1x16xf32>,
      %get3A_377 = arith.index_cast %add3A_364 : i32 to index
      %get3A_378 = arith.constant 16 : index
      %get3A_379 = tpu.vector_load %arg8[%get3A_377, %get3A_378] {strides = array<i32>} : memref<400x64xf32, #tpu.memory_space<vmem>>, vector<1x16xf32>,
      %get3A_380 = vector.shape_cast %get3A_379 : vector<1x16xf32> to vector<16xf32>
      %mul3A_381 = arith.constant 8.000000e+00 : f32
      %mul3A_382 = vector.broadcast %mul3A_381 : f32 to vector<16xf32>
      %mul3A_383 = arith.mulf %get3A_380, %mul3A_382 : vector<16xf32>
      %swap3A_384 = arith.index_cast %add3A_364 : i32 to index
      %swap3A_385 = arith.constant 16 : index
      %swap3A_386 = tpu.vector_load %arg10[%swap3A_384, %swap3A_385] {strides = array<i32>} : memref<400x64xf32, #tpu.memory_space<vmem>>, vector<1x16xf32>,
      %swap3A_387 = vector.shape_cast %swap3A_386 : vector<1x16xf32> to vector<16xf32>
      %swap3A_388 = vector.shape_cast %mul3A_383 : vector<16xf32> to vector<1x16xf32>
      tpu.vector_store %arg10[%swap3A_384, %swap3A_385], %swap3A_388 {strides = array<i32>} : memref<400x64xf32, #tpu.memory_space<vmem>>, vector<1x16xf32>,
      %get3A_389 = arith.index_cast %add3A_364 : i32 to index
      %get3A_390 = arith.constant 32 : index
      %get3A_391 = tpu.vector_load %arg8[%get3A_389, %get3A_390] {strides = array<i32>} : memref<400x64xf32, #tpu.memory_space<vmem>>, vector<1x16xf32>,
      %get3A_392 = vector.shape_cast %get3A_391 : vector<1x16xf32> to vector<16xf32>
      %mul3A_393 = arith.constant 8.000000e+00 : f32
      %mul3A_394 = vector.broadcast %mul3A_393 : f32 to vector<16xf32>
      %mul3A_395 = arith.mulf %get3A_392, %mul3A_394 : vector<16xf32>
      %swap3A_396 = arith.index_cast %add3A_364 : i32 to index
      %swap3A_397 = arith.constant 32 : index
      %swap3A_398 = tpu.vector_load %arg10[%swap3A_396, %swap3A_397] {strides = array<i32>} : memref<400x64xf32, #tpu.memory_space<vmem>>, vector<1x16xf32>,
      %swap3A_399 = vector.shape_cast %swap3A_398 : vector<1x16xf32> to vector<16xf32>
      %swap3A_400 = vector.shape_cast %mul3A_395 : vector<16xf32> to vector<1x16xf32>
      tpu.vector_store %arg10[%swap3A_396, %swap3A_397], %swap3A_400 {strides = array<i32>} : memref<400x64xf32, #tpu.memory_space<vmem>>, vector<1x16xf32>,
      %get3A_401 = arith.index_cast %add3A_364 : i32 to index
      %get3A_402 = arith.constant 48 : index
      %get3A_403 = tpu.vector_load %arg8[%get3A_401, %get3A_402] {strides = array<i32>} : memref<400x64xf32, #tpu.memory_space<vmem>>, vector<1x16xf32>,
      %get3A_404 = vector.shape_cast %get3A_403 : vector<1x16xf32> to vector<16xf32>
      %mul3A_405 = arith.constant 8.000000e+00 : f32
      %mul3A_406 = vector.broadcast %mul3A_405 : f32 to vector<16xf32>
      %mul3A_407 = arith.mulf %get3A_404, %mul3A_406 : vector<16xf32>
      %swap3A_408 = arith.index_cast %add3A_364 : i32 to index
      %swap3A_409 = arith.constant 48 : index
      %swap3A_410 = tpu.vector_load %arg10[%swap3A_408, %swap3A_409] {strides = array<i32>} : memref<400x64xf32, #tpu.memory_space<vmem>>, vector<1x16xf32>,
      %swap3A_411 = vector.shape_cast %swap3A_410 : vector<1x16xf32> to vector<16xf32>
      %swap3A_412 = vector.shape_cast %mul3A_407 : vector<16xf32> to vector<1x16xf32>
      tpu.vector_store %arg10[%swap3A_408, %swap3A_409], %swap3A_412 {strides = array<i32>} : memref<400x64xf32, #tpu.memory_space<vmem>>, vector<1x16xf32>,
      %mul3A_413 = arith.constant 8 : i32
      %mul3A_414 = arith.muli %scan3A_102, %mul3A_413 : i32
      %add3A_415 = arith.constant 6 : i32
      %add3A_416 = arith.addi %mul3A_414, %add3A_415 : i32
      %get3A_417 = arith.index_cast %add3A_416 : i32 to index
      %get3A_418 = arith.constant 0 : index
      %get3A_419 = tpu.vector_load %arg8[%get3A_417, %get3A_418] {strides = array<i32>} : memref<400x64xf32, #tpu.memory_space<vmem>>, vector<1x16xf32>,
      %get3A_420 = vector.shape_cast %get3A_419 : vector<1x16xf32> to vector<16xf32>
      %mul3A_421 = arith.constant 8.000000e+00 : f32
      %mul3A_422 = vector.broadcast %mul3A_421 : f32 to vector<16xf32>
      %mul3A_423 = arith.mulf %get3A_420, %mul3A_422 : vector<16xf32>
      %swap3A_424 = arith.index_cast %add3A_416 : i32 to index
      %swap3A_425 = arith.constant 0 : index
      %swap3A_426 = tpu.vector_load %arg10[%swap3A_424, %swap3A_425] {strides = array<i32>} : memref<400x64xf32, #tpu.memory_space<vmem>>, vector<1x16xf32>,
      %swap3A_427 = vector.shape_cast %swap3A_426 : vector<1x16xf32> to vector<16xf32>
      %swap3A_428 = vector.shape_cast %mul3A_423 : vector<16xf32> to vector<1x16xf32>
      tpu.vector_store %arg10[%swap3A_424, %swap3A_425], %swap3A_428 {strides = array<i32>} : memref<400x64xf32, #tpu.memory_space<vmem>>, vector<1x16xf32>,
      %get3A_429 = arith.index_cast %add3A_416 : i32 to index
      %get3A_430 = arith.constant 16 : index
      %get3A_431 = tpu.vector_load %arg8[%get3A_429, %get3A_430] {strides = array<i32>} : memref<400x64xf32, #tpu.memory_space<vmem>>, vector<1x16xf32>,
      %get3A_432 = vector.shape_cast %get3A_431 : vector<1x16xf32> to vector<16xf32>
      %mul3A_433 = arith.constant 8.000000e+00 : f32
      %mul3A_434 = vector.broadcast %mul3A_433 : f32 to vector<16xf32>
      %mul3A_435 = arith.mulf %get3A_432, %mul3A_434 : vector<16xf32>
      %swap3A_436 = arith.index_cast %add3A_416 : i32 to index
      %swap3A_437 = arith.constant 16 : index
      %swap3A_438 = tpu.vector_load %arg10[%swap3A_436, %swap3A_437] {strides = array<i32>} : memref<400x64xf32, #tpu.memory_space<vmem>>, vector<1x16xf32>,
      %swap3A_439 = vector.shape_cast %swap3A_438 : vector<1x16xf32> to vector<16xf32>
      %swap3A_440 = vector.shape_cast %mul3A_435 : vector<16xf32> to vector<1x16xf32>
      tpu.vector_store %arg10[%swap3A_436, %swap3A_437], %swap3A_440 {strides = array<i32>} : memref<400x64xf32, #tpu.memory_space<vmem>>, vector<1x16xf32>,
      %get3A_441 = arith.index_cast %add3A_416 : i32 to index
      %get3A_442 = arith.constant 32 : index
      %get3A_443 = tpu.vector_load %arg8[%get3A_441, %get3A_442] {strides = array<i32>} : memref<400x64xf32, #tpu.memory_space<vmem>>, vector<1x16xf32>,
      %get3A_444 = vector.shape_cast %get3A_443 : vector<1x16xf32> to vector<16xf32>
      %mul3A_445 = arith.constant 8.000000e+00 : f32
      %mul3A_446 = vector.broadcast %mul3A_445 : f32 to vector<16xf32>
      %mul3A_447 = arith.mulf %get3A_444, %mul3A_446 : vector<16xf32>
      %swap3A_448 = arith.index_cast %add3A_416 : i32 to index
      %swap3A_449 = arith.constant 32 : index
      %swap3A_450 = tpu.vector_load %arg10[%swap3A_448, %swap3A_449] {strides = array<i32>} : memref<400x64xf32, #tpu.memory_space<vmem>>, vector<1x16xf32>,
      %swap3A_451 = vector.shape_cast %swap3A_450 : vector<1x16xf32> to vector<16xf32>
      %swap3A_452 = vector.shape_cast %mul3A_447 : vector<16xf32> to vector<1x16xf32>
      tpu.vector_store %arg10[%swap3A_448, %swap3A_449], %swap3A_452 {strides = array<i32>} : memref<400x64xf32, #tpu.memory_space<vmem>>, vector<1x16xf32>,
      %get3A_453 = arith.index_cast %add3A_416 : i32 to index
      %get3A_454 = arith.constant 48 : index
      %get3A_455 = tpu.vector_load %arg8[%get3A_453, %get3A_454] {strides = array<i32>} : memref<400x64xf32, #tpu.memory_space<vmem>>, vector<1x16xf32>,
      %get3A_456 = vector.shape_cast %get3A_455 : vector<1x16xf32> to vector<16xf32>
      %mul3A_457 = arith.constant 8.000000e+00 : f32
      %mul3A_458 = vector.broadcast %mul3A_457 : f32 to vector<16xf32>
      %mul3A_459 = arith.mulf %get3A_456, %mul3A_458 : vector<16xf32>
      %swap3A_460 = arith.index_cast %add3A_416 : i32 to index
      %swap3A_461 = arith.constant 48 : index
      %swap3A_462 = tpu.vector_load %arg10[%swap3A_460, %swap3A_461] {strides = array<i32>} : memref<400x64xf32, #tpu.memory_space<vmem>>, vector<1x16xf32>,
      %swap3A_463 = vector.shape_cast %swap3A_462 : vector<1x16xf32> to vector<16xf32>
      %swap3A_464 = vector.shape_cast %mul3A_459 : vector<16xf32> to vector<1x16xf32>
      tpu.vector_store %arg10[%swap3A_460, %swap3A_461], %swap3A_464 {strides = array<i32>} : memref<400x64xf32, #tpu.memory_space<vmem>>, vector<1x16xf32>,
      %mul3A_465 = arith.constant 8 : i32
      %mul3A_466 = arith.muli %scan3A_102, %mul3A_465 : i32
      %add3A_467 = arith.constant 7 : i32
      %add3A_468 = arith.addi %mul3A_466, %add3A_467 : i32
      %get3A_469 = arith.index_cast %add3A_468 : i32 to index
      %get3A_470 = arith.constant 0 : index
      %get3A_471 = tpu.vector_load %arg8[%get3A_469, %get3A_470] {strides = array<i32>} : memref<400x64xf32, #tpu.memory_space<vmem>>, vector<1x16xf32>,
      %get3A_472 = vector.shape_cast %get3A_471 : vector<1x16xf32> to vector<16xf32>
      %mul3A_473 = arith.constant 8.000000e+00 : f32
      %mul3A_474 = vector.broadcast %mul3A_473 : f32 to vector<16xf32>
      %mul3A_475 = arith.mulf %get3A_472, %mul3A_474 : vector<16xf32>
      %swap3A_476 = arith.index_cast %add3A_468 : i32 to index
      %swap3A_477 = arith.constant 0 : index
      %swap3A_478 = tpu.vector_load %arg10[%swap3A_476, %swap3A_477] {strides = array<i32>} : memref<400x64xf32, #tpu.memory_space<vmem>>, vector<1x16xf32>,
      %swap3A_479 = vector.shape_cast %swap3A_478 : vector<1x16xf32> to vector<16xf32>
      %swap3A_480 = vector.shape_cast %mul3A_475 : vector<16xf32> to vector<1x16xf32>
      tpu.vector_store %arg10[%swap3A_476, %swap3A_477], %swap3A_480 {strides = array<i32>} : memref<400x64xf32, #tpu.memory_space<vmem>>, vector<1x16xf32>,
      %get3A_481 = arith.index_cast %add3A_468 : i32 to index
      %get3A_482 = arith.constant 16 : index
      %get3A_483 = tpu.vector_load %arg8[%get3A_481, %get3A_482] {strides = array<i32>} : memref<400x64xf32, #tpu.memory_space<vmem>>, vector<1x16xf32>,
      %get3A_484 = vector.shape_cast %get3A_483 : vector<1x16xf32> to vector<16xf32>
      %mul3A_485 = arith.constant 8.000000e+00 : f32
      %mul3A_486 = vector.broadcast %mul3A_485 : f32 to vector<16xf32>
      %mul3A_487 = arith.mulf %get3A_484, %mul3A_486 : vector<16xf32>
      %swap3A_488 = arith.index_cast %add3A_468 : i32 to index
      %swap3A_489 = arith.constant 16 : index
      %swap3A_490 = tpu.vector_load %arg10[%swap3A_488, %swap3A_489] {strides = array<i32>} : memref<400x64xf32, #tpu.memory_space<vmem>>, vector<1x16xf32>,
      %swap3A_491 = vector.shape_cast %swap3A_490 : vector<1x16xf32> to vector<16xf32>
      %swap3A_492 = vector.shape_cast %mul3A_487 : vector<16xf32> to vector<1x16xf32>
      tpu.vector_store %arg10[%swap3A_488, %swap3A_489], %swap3A_492 {strides = array<i32>} : memref<400x64xf32, #tpu.memory_space<vmem>>, vector<1x16xf32>,
      %get3A_493 = arith.index_cast %add3A_468 : i32 to index
      %get3A_494 = arith.constant 32 : index
      %get3A_495 = tpu.vector_load %arg8[%get3A_493, %get3A_494] {strides = array<i32>} : memref<400x64xf32, #tpu.memory_space<vmem>>, vector<1x16xf32>,
      %get3A_496 = vector.shape_cast %get3A_495 : vector<1x16xf32> to vector<16xf32>
      %mul3A_497 = arith.constant 8.000000e+00 : f32
      %mul3A_498 = vector.broadcast %mul3A_497 : f32 to vector<16xf32>
      %mul3A_499 = arith.mulf %get3A_496, %mul3A_498 : vector<16xf32>
      %swap3A_500 = arith.index_cast %add3A_468 : i32 to index
      %swap3A_501 = arith.constant 32 : index
      %swap3A_502 = tpu.vector_load %arg10[%swap3A_500, %swap3A_501] {strides = array<i32>} : memref<400x64xf32, #tpu.memory_space<vmem>>, vector<1x16xf32>,
      %swap3A_503 = vector.shape_cast %swap3A_502 : vector<1x16xf32> to vector<16xf32>
      %swap3A_504 = vector.shape_cast %mul3A_499 : vector<16xf32> to vector<1x16xf32>
      tpu.vector_store %arg10[%swap3A_500, %swap3A_501], %swap3A_504 {strides = array<i32>} : memref<400x64xf32, #tpu.memory_space<vmem>>, vector<1x16xf32>,
      %get3A_505 = arith.index_cast %add3A_468 : i32 to index
      %get3A_506 = arith.constant 48 : index
      %get3A_507 = tpu.vector_load %arg8[%get3A_505, %get3A_506] {strides = array<i32>} : memref<400x64xf32, #tpu.memory_space<vmem>>, vector<1x16xf32>,
      %get3A_508 = vector.shape_cast %get3A_507 : vector<1x16xf32> to vector<16xf32>
      %mul3A_509 = arith.constant 8.000000e+00 : f32
      %mul3A_510 = vector.broadcast %mul3A_509 : f32 to vector<16xf32>
      %mul3A_511 = arith.mulf %get3A_508, %mul3A_510 : vector<16xf32>
      %swap3A_512 = arith.index_cast %add3A_468 : i32 to index
      %swap3A_513 = arith.constant 48 : index
      %swap3A_514 = tpu.vector_load %arg10[%swap3A_512, %swap3A_513] {strides = array<i32>} : memref<400x64xf32, #tpu.memory_space<vmem>>, vector<1x16xf32>,
      %swap3A_515 = vector.shape_cast %swap3A_514 : vector<1x16xf32> to vector<16xf32>
      %swap3A_516 = vector.shape_cast %mul3A_511 : vector<16xf32> to vector<1x16xf32>
      tpu.vector_store %arg10[%swap3A_512, %swap3A_513], %swap3A_516 {strides = array<i32>} : memref<400x64xf32, #tpu.memory_space<vmem>>, vector<1x16xf32>,
    }
    %scan3A_87 = arith.constant 50 : i32
    %add3A_88 = arith.constant 25200 : i32
    %add3A_89 = arith.addi %mul3A_2, %add3A_88 : i32
    %dma_start3A_90 = arith.constant 0 : i32
    %dma_start3A_91 = tpu.memref_slice %arg4[%add3A_89, %dma_start3A_90] : memref<819200x64xf32, #tpu.memory_space<hbm>> -> memref<400x64xf32, #tpu.memory_space<hbm>>
    %dma_start3A_92 = arith.constant 0 : i32
    %dma_start3A_93 = tpu.memref_slice %arg4[%add3A_89, %dma_start3A_92] : memref<819200x64xf32, #tpu.memory_space<hbm>> -> memref<400x64xf32, #tpu.memory_space<hbm>>
    tpu.enqueue_dma source(%arg10 : memref<400x64xf32, #tpu.memory_space<vmem>>) target(%dma_start3A_93 : memref<400x64xf32, #tpu.memory_space<hbm>>) target_semaphore(%arg14 : memref<!tpu.dma_semaphore, #tpu.memory_space<semaphore_mem>>)
    %dma_wait3A_94 = arith.constant 0 : i32
    %dma_wait3A_95 = tpu.memref_slice %arg4[%mul3A_2, %dma_wait3A_94] : memref<819200x64xf32, #tpu.memory_space<hbm>> -> memref<400x64xf32, #tpu.memory_space<hbm>>
    %dma_wait3A_96 = arith.constant 0 : i32
    %dma_wait3A_97 = tpu.memref_slice %arg4[%mul3A_2, %dma_wait3A_96] : memref<819200x64xf32, #tpu.memory_space<hbm>> -> memref<400x64xf32, #tpu.memory_space<hbm>>
    tpu.wait_dma2 semaphore(%arg13 : memref<!tpu.dma_semaphore, #tpu.memory_space<semaphore_mem>>) src(%arg9 : memref<400x64xf32, #tpu.memory_space<vmem>>) dst(%dma_wait3A_97 : memref<400x64xf32, #tpu.memory_space<hbm>>)
    %dma_wait3A_98 = arith.constant 0 : i32
    %dma_wait3A_99 = tpu.memref_slice %arg4[%mul3A_2, %dma_wait3A_98] : memref<819200x64xf32, #tpu.memory_space<hbm>> -> memref<400x64xf32, #tpu.memory_space<hbm>>
    %dma_wait3A_100 = arith.constant 0 : i32
    %dma_wait3A_101 = tpu.memref_slice %arg4[%mul3A_2, %dma_wait3A_100] : memref<819200x64xf32, #tpu.memory_space<hbm>> -> memref<400x64xf32, #tpu.memory_space<hbm>>
    tpu.wait_dma2 semaphore(%arg14 : memref<!tpu.dma_semaphore, #tpu.memory_space<semaphore_mem>>) src(%arg10 : memref<400x64xf32, #tpu.memory_space<vmem>>) dst(%dma_wait3A_101 : memref<400x64xf32, #tpu.memory_space<hbm>>)
    return
  }
}

</mosaic_0001>

<sc_bundles>
// kernel: kernel.3.cloned.1.call-start
scs
__scs_entry_jumppad:
0x0: {  	(pc) =	sbr.rel $0x88, $3  }
0x1: {  	(tag) =	ssettag $0x0;
	lr =	simm.s32 $0x1  }
0x2: {  	[smem:$0x3F9F] =	sst lr;
	_ =	strace $0xD0000000  }
0x3: {  	_ = 	snop  }
0x4: {  	_ = 	snop  }
0x5: {  	_ = 	snop  }
0x6: {  	_ = 	snop  }
0x7: {  	_ = 	snop  }
__scs_overlays_trampoline_lowered:
0x8: {  	[smem:$0x3FAE] =	sst s0  }
0x9: {  	[smem:$0x3FAF] =	sst s1  }
0xa: {  	[smem:$0x3FB0] =	sst s2  }
0xb: {  	[smem:$0x3FB1] =	sst s3  }
0xc: {  	[smem:$0x3FB2] =	sst s4  }
0xd: {  	[smem:$0x3FB3] =	sst s5  }
0xe: {  	[smem:$0x3FB4] =	sst s6  }
0xf: {  	[smem:$0x3FB5] =	sst s7  }
0x10: {  	[smem:$0x3FB6] =	sst s8  }
0x11: {  	[smem:$0x3FB7] =	sst s9;
	s0 =	simm.s32 @!p0 $0x0  }
0x12: {  	s1 =	sld [smem:$0x3F9D];
	s0 =	simm.s32 @p0 $0x1  }
0x13: {  	[smem:$0x3FB8] =	sst s0;
	s0 =	simm.s32 @!p1 $0x0  }
0x14: {  	s2 =	sld [smem:$0x3F9C];
	s0 =	simm.s32 @p1 $0x1  }
0x15: {  	[smem:$0x3FB9] =	sst s0;
	s0 =	simm.s32 @!p2 $0x0  }
0x16: {  	s3 =	sld [smem:$0x3FDB];
	s0 =	simm.s32 @p2 $0x1  }
0x17: {  	s4 =	simm.s32 $0x1BF5;
	[smem:$0x3FBB] =	sst s0  }
0x18: {  	s0 =	sld [smem:$0x3F9E];
	_ =	swait.ge [sflag:s4], $0x0  }
0x19: {  	s7 =	sld [smem:$0x3F9F]  }
0x1a: {  	s8 =	sadd.s32 $0xFFFFE003, lr  }
0x1b: {  	s9 =	sadd.s32 $0xFFFFFEF7, lr;
	s5 =	simm.s32 $0xFFFFFFFF;
	p2 =	slt.u32 s8, $0xFFFFF086  }
0x1c: {  	p1 =	slt.u32 s9, $0xF7A;
	s5 =	simm.s32 @!p2 $0x0  }
0x1d: {  	s5 =	simm.s32 @p1 $0x1;
	p0 =	seq.s32 s7, s2  }
0x1e: {  	s7 =	smul.u32 @!p0 $0xF7A, s2;
	p2 =	seq.s32 @!p0 s5, $0x0  }
0x1f: {  	s9 =	smul.u32 $0xF7A, s1;
	s8 =	simm.s32 @!p0 $0x1BF5;
	p2 =	por !p2, p0  }
0x20: {  	[sflag:s8] =	ssyncset.s32 @!p0 $0xFFFFF086;
	s6 =	sadd.s32 @!p0 s3, s7;
	s7 =	simm.s32 @!p0 $0x108  }
0x21: {  	s3 =	sadd.s32 s3, s9;
	s6 =	sadd.s32 @!p0 $0x88, s6;
	s7 =	simm.s32 @p2 $0x1082  }
0x22: {  	[simem:s7], [sflag:s8] =	dma.local @!p0 [hbm:s6], $0xF7A  }
0x23: {  	s9 =	sor.u32 $0xD0000000, s2;
	s6 =	simm.s32 $0x108;
	_ =	swait.ge @!p0 [sflag:s8], $0x0  }
0x24: {  	s3 =	sadd.s32 $0x88, s3;
	s6 =	simm.s32 @!p1 $0x1082;
	[sflag:s4] =	ssyncset.s32 $0xFFFFF086  }
0x25: {  	[simem:s6], [sflag:s4] =	dma.local [hbm:s3], $0xF7A  }
0x26: {  	[smem:$0x3F9F] =	sst s1;
	(tag) =	ssettag s2;
	_ =	strace s9  }
0x27: {  	s1 =	sld [smem:$0x3FAF]  }
0x28: {  	s2 =	sld [smem:$0x3FB0]  }
0x29: {  	s4 =	sld [smem:$0x3FB2]  }
0x2a: {  	p0 =	seq.s32 s5, $0x0;
	s5 =	sld [smem:$0x3FB3]  }
0x2b: {  	s6 =	sld [smem:$0x3FB4]  }
0x2c: {  	s7 =	sld [smem:$0x3FB5]  }
0x2d: {  	s3 =	simm.s32 $0x108;
	s8 =	sld [smem:$0x3FB6]  }
0x2e: {  	s3 =	simm.s32 @!p0 $0x1082;
	s9 =	sld [smem:$0x3FB7]  }
0x2f: {  	lr =	sadd.s32 s0, s3;
	s0 =	sld [smem:$0x3FAE]  }
0x30: {  	s3 =	sld [smem:$0x3FB1]  }
0x31: {  	[smem:$0x3FBA] =	sst s10  }
0x32: {  	s10 =	sld [smem:$0x3FB8];
	_ =	sdelay $0x3  }
0x33: {  	p0 =	seq.s32 s10, $0x1;
	s10 =	sld [smem:$0x3FBA];
	_ =	sdelay $0x3  }
0x34: {  	[smem:$0x3FBA] =	sst s10  }
0x35: {  	s10 =	sld [smem:$0x3FB9];
	_ =	sdelay $0x3  }
0x36: {  	p1 =	seq.s32 s10, $0x1;
	s10 =	sld [smem:$0x3FBA];
	_ =	sdelay $0x3  }
0x37: {  	[smem:$0x3FBA] =	sst s10  }
0x38: {  	s10 =	sld [smem:$0x3FBB]  }
0x39: {  	_ = 	snop;
	(pc) =	sbr.ind lr, $3  }
0x3a: {  	_ = 	snop  }
0x3b: {  	_ = 	snop  }
0x3c: {  	p2 =	seq.s32 s10, $0x1;
	s10 =	sld [smem:$0x3FBA]  }
0x3d: {  	_ =	shalt  }
0x3e: {  	_ =	shalt  }
0x3f: {  	_ =	shalt  }
0x40: {  	_ =	shalt  }
0x41: {  	_ =	shalt  }
0x42: {  	_ =	shalt  }
0x43: {  	_ =	shalt  }
0x44: {  	_ =	shalt  }
0x45: {  	_ =	shalt  }
0x46: {  	_ =	shalt  }
0x47: {  	_ =	shalt  }
0x48: {  	_ =	shalt  }
0x49: {  	_ =	shalt  }
0x4a: {  	_ =	shalt  }
0x4b: {  	_ =	shalt  }
0x4c: {  	_ =	shalt  }
0x4d: {  	_ =	shalt  }
0x4e: {  	_ =	shalt  }
0x4f: {  	_ =	shalt  }
0x50: {  	_ =	shalt  }
0x51: {  	_ =	shalt  }
0x52: {  	_ =	shalt  }
0x53: {  	_ =	shalt  }
0x54: {  	_ =	shalt  }
0x55: {  	_ =	shalt  }
0x56: {  	_ =	shalt  }
0x57: {  	_ =	shalt  }
0x58: {  	_ =	shalt  }
0x59: {  	_ =	shalt  }
0x5a: {  	_ =	shalt  }
0x5b: {  	_ =	shalt  }
0x5c: {  	_ =	shalt  }
0x5d: {  	_ =	shalt  }
0x5e: {  	_ =	shalt  }
0x5f: {  	_ =	shalt  }
0x60: {  	_ =	shalt  }
0x61: {  	_ =	shalt  }
0x62: {  	_ =	shalt  }
0x63: {  	_ =	shalt  }
0x64: {  	_ =	shalt  }
0x65: {  	_ =	shalt  }
0x66: {  	_ =	shalt  }
0x67: {  	_ =	shalt  }
0x68: {  	_ =	shalt  }
0x69: {  	_ =	shalt  }
0x6a: {  	_ =	shalt  }
0x6b: {  	_ =	shalt  }
0x6c: {  	_ =	shalt  }
0x6d: {  	_ =	shalt  }
0x6e: {  	_ =	shalt  }
0x6f: {  	_ =	shalt  }
0x70: {  	_ =	shalt  }
0x71: {  	_ =	shalt  }
0x72: {  	_ =	shalt  }
0x73: {  	_ =	shalt  }
0x74: {  	_ =	shalt  }
0x75: {  	_ =	shalt  }
0x76: {  	_ =	shalt  }
0x77: {  	_ =	shalt  }
0x78: {  	_ =	shalt  }
0x79: {  	_ =	shalt  }
0x7a: {  	_ =	shalt  }
0x7b: {  	_ =	shalt  }
0x7c: {  	_ =	shalt  }
0x7d: {  	_ =	shalt  }
0x7e: {  	_ =	shalt  }
0x7f: {  	_ =	shalt  }
0x80: {  	_ =	shalt  }
0x81: {  	_ =	shalt  }
0x82: {  	_ =	shalt  }
0x83: {  	_ =	shalt  }
0x84: {  	_ =	shalt  }
0x85: {  	_ =	shalt  }
0x86: {  	_ =	shalt  }
0x87: {  	_ =	shalt  }
.Lfunc_end0:
.L_simem_size_0:
called_computation.1_lowered:
.L_overlay_start_0:
0x88: {  	s2 =	sld [smem:$0x3FD9]  }
0x89: {  	s3 =	sld [smem:$0x3FFE];
	_ =	sdelay $0x1  }
0x8a: {  	s1 =	srdreg.scid  }
0x8b: {  	s0 =	sand.u32 $0x1, s1  }
0x8c: {  	s17 =	sshll.u32 s0, $0xA;
	s2 =	sadd.s32 s3, s2  }
0x8d: {  	s2 =	sadd.s32 s2, s17  }
0x8e: {  	[smem:$0x3FC6] =	sst s2  }
0x8f: {  	_ = 	snop  }
0x90: {  	s2 =	sld [smem:$0x3FD0];
	(tm) =	ssettm $0x1  }
0x91: {  	s18 =	sld [smem:$0x3FFB];
	_ =	sdelay $0x3  }
0x92: {  	_ =	strace s18  }
0x93: {  	s3 =	sld [smem:$0x3FFC];
	_ =	sdelay $0x3  }
0x94: {  	_ =	strace s3  }
0x95: {  	s3 =	sld [smem:$0x3FFD];
	_ =	sdelay $0x3  }
0x96: {  	_ =	strace s3  }
0x97: {  	_ =	strace $0x8FFFFFFF  }
0x98: {  	s19 =	sld [smem:$0x3FDB];
	_ =	sdelay $0x1  }
0x99: {  	s4 =	simm.s32 $_scs_section_size  }
0x9a: {  	s5 =	simm.s32 $_size__tile_overlayer_lowered;
	s6 =	simm.s32 $_tile_overlayer_lowered  }
0x9b: {  	s22 =	simm.s32 $0x1BFF;
	s21 =	sshll.u32 s6, $0x1;
	s3 =	sadd.s32 s4, s19  }
0x9c: {  	s7 =	simm.s32 $0x0;
	s20 =	sshll.u32 s5, $0x1;
	s5 =	sadd.s32 s21, s3  }
0x9d: {  	[timem:s7], [sflag:s22] =	dma.local [hbm:s5], s20  }
0x9e: {  	_ =	swait.ge [sflag:s22], s20  }
0x9f: {  	s4 =	ssub.s32 $0x0, s20;
	[sflag:s22] =	ssyncset.done $0x0  }
0xa0: {  	[sflag:s22] =	ssyncadd.s32 s4;
	_ =	sdelay $0x1  }
0xa1: {  	s23 =	simm.s32 $0x1B8B  }
0xa2: {  	_ =	swait.ge [sflag:s23], $0x1  }
0xa3: {  	[sflag:s23] =	ssyncset.done $0x0  }
0xa4: {  	s25 =	simm.s32 $0x1B8E;
	s24 =	sld [smem:$0x3FFE];
	[sflag:s23] =	ssyncadd.s32 $0xFFFFFFFF  }
0xa5: {  	s26 =	simm.s32 $execute0_lowered;
	[smem:$0x3FD2] =	sst s25  }
0xa6: {  	s5 =	sshll.u32 s26, $0x1;
	_ =	strace $0x80000046;
	[dreg:$0x1] =	wrdreg $0xFFFFFFFF  }
0xa7: {  	s28 =	simm.s32 $_size_execute0_lowered;
	s3 =	sadd.s32 s3, s5;
	[dreg:$0x0] =	wrdreg $0x0  }
0xa8: {  	s5 =	sshll.u32 s28, $0x1;
	[dreg:$0x2] =	wrdreg s3  }
0xa9: {  	[dreg:$0x3] =	wrdreg s5  }
0xaa: {  	[dreg:$0x4] =	wrdreg $0xC0  }
0xab: {  	_ =	task [dreg:s7], $0x5FFFF  }
0xac: {  	[dreg:$0x1] =	wrdreg $0xFFFFFFFF  }
0xad: {  	[dreg:$0x0] =	wrdreg $0x60  }
0xae: {  	[dreg:$0x2] =	wrdreg s24  }
0xaf: {  	[dreg:$0x3] =	wrdreg s2  }
0xb0: {  	[dreg:$0x4] =	wrdreg $0x9  }
0xb1: {  	_ =	task.clear_ibuf [dreg:s7], $0x5FFFF;
	_ =	strace $0x90000046  }
0xb2: {  	s29 =	simm.s32 $0x9;
	_ =	strace $0x80000048  }
0xb3: {  	_ =	swait.ge [sflag:s29], $0x1  }
0xb4: {  	[sflag:s29] =	ssyncadd.s32 $0xFFFFFFFF  }
0xb5: {  	_ =	strace $0x90000048  }
0xb6: {  	_ =	sfence  }
0xb7: {  	s30 =	sld [smem:$0x0];
	_ =	sdelay $0x2  }
0xb8: {  	s31 =	sshll.u32 s1, $0xD;
	s1 =	sshrl.u32 s1, $0x2  }
0xb9: {  	s3 =	sand.u32 $0x4000, s31;
	s1 =	sadd.s32 s1, s30  }
0xba: {  	s0 =	sor.u32 s3, s0;
	s1 =	sshll.u32 s1, $0x11  }
0xbb: {  	s0 =	sor.u32 s1, s0  }
0xbc: {  	s0 =	sadd.s32 $0x8F2B, s0  }
0xbd: {  	[sflag:s0] =	ssyncadd.remote.s32 $0x1  }
0xbe: {  	_ =	sfence.sel $0xFFFF  }
0xbf: {  	[dreg:$0x0] =	wrdreg $0xFFFFFFFF;
	(pc) =	sbr.abs _section_cstart, $3  }
0xc0: {  	[dreg:$0x1] =	wrdreg $0xFFFFFFFF  }
0xc1: {  	_ =	task.clear_ibuf [dreg:s7], $0x2FFFF;
	_ =	strace $0x9FFFFFFF  }
0xc2: {  	(tm) =	ssettm $0x7FFFFFFF  }
0xc3: {  	_ =	shalt  }
tec
execute0_lowered:
.L_overlay_start_1:
0x0: {  	(tag) =	ssettag $0x1  }
0x1: {  	s0 =	rddreg [dreg:$0x0]  }
0x2: {  	s2 =	rddreg [dreg:$0x1]  }
0x3: {  	s1 =	srdreg.scid;
	s4 =	stileid.u32;
	s3 =	simm.s32 $0x0  }
0x4: {  	s18 =	simm.s32 $0x5;
	s19 =	simm.s32 $0x190;
	s20 =	simm.s32 $0x320  }
0x5: {  	s21 =	simm.s32 $0x6720;
	s22 =	simm.s32 $0x1;
	s28 =	simm.s32 $0x4  }
0x6: {  	s29 =	simm.s32 $0x0;
	s1 =	sand.u32 $0x1, s1;
	s4 =	sshll.u32 s4, $0x1  }
0x7: {  	[smem:$0x7FF] =	sst s3;
	s5 =	sadd.s32 $0xA00, s0;
	s9 =	sor.u32 s1, s4  }
0x8: {  	s6 =	sadd.s32 $0xF42E00, s0;
	s1 =	ssub.s32 $0x2, s1;
	s4 =	smul.u32 $0x6400, s9  }
0x9: {  	_ =	strace $0x80000047;
	s23 =	sshrl.u32 s1, $0x1;
	s10 =	smul.u32 $0x32000, s9  }
0xa: {  	s9 =	smul.u32 $0x190000, s9;
	s0 =	ssub.s32 s1, s23;
	s23 =	simm.s32 $0xCB20  }
0xb: {  	s24 =	sshrl.u32 s4, $0x3;
	s7 =	sor.u32 $0x190, s4;
	s10 =	sadd.s32 s2, s10  }
0xc: {  	s13 =	sor.u32 $0x320, s4;
	s30 =	sadd.s32 $0x6270, s4;
	s9 =	sshrl.u32 s9, $0x3  }
0xd: {  	s17 =	smax.u32 s0, $0x1;
	s8 =	sadd.s32 s5, s24;
	s25 =	sshrl.u32 s7, $0x3  }
0xe: {  	s26 =	sshll.u32 s7, $0x3;
	[dreg:$0x4] =	wrdreg s10;
	s31 =	sshrl.u32 s30, $0x3  }
0xf: {  	s9 =	sadd.s32 s2, s9;
	s24 =	simm.s32 $0x2;
	s1 =	sadd.s32 s5, s25  }
0x10: {  	s11 =	sadd.s32 $0x64, s8;
	s12 =	sadd.s32 s2, s26;
	s14 =	sadd.s32 s5, s31  }
0x11: {  	s15 =	sadd.s32 $0x30700, s9;
	[dreg:$0x3] =	wrdreg s1;
	s1 =	sshll.u32 s30, $0x3  }
0x12: {  	s25 =	simm.s32 $0x12F20;
	s26 =	simm.s32 $0x3;
	s16 =	sadd.s32 s2, s1  }
.LBB2_1:
0x13: {  	[tilespmem:s3], [sflag:$0x5] =	stream.linear.gather [hbm4b:s8+s3], $0x190, $0x38;
	[tilespmem:$0x19320] =	vst v63  }
0x14: {  	_ =	swait.ge [sflag:s18], $0x190  }
0x15: {  	[sflag:s18] =	ssyncset.done $0x0  }
0x16: {  	[sflag:s18] =	ssyncadd.s32 $0xFFFFFE70  }
0x17: {  	[tilespmem:s20], [sflag:$0x1] =	stream.indirect.gather [hbm4b:s6+s19], $0x40, s3, s19, $0xb8;
	[tilespmem:$0x19320] =	vst v63  }
0x18: {  	s0 =	rddreg [dreg:$0x3]  }
0x19: {  	[tilespmem:s19], [sflag:$0x5] =	stream.linear.gather [hbm4b:s0+s3], $0x190, $0x38;
	[tilespmem:$0x19320] =	vst v63  }
0x1a: {  	_ =	swait.ge [sflag:s18], $0x190  }
0x1b: {  	[sflag:s18] =	ssyncset.done $0x0  }
0x1c: {  	[sflag:s18] =	ssyncadd.s32 $0xFFFFFE70  }
0x1d: {  	[tilespmem:s21], [sflag:$0x2] =	stream.indirect.gather [hbm4b:s6+s19], $0x40, s19, s19, $0xb8;
	[tilespmem:$0x19320] =	vst v63  }
0x1e: {  	_ =	swait.ge [sflag:s22], $0x6400  }
0x1f: {  	[sflag:s22] =	ssyncset.done $0x0  }
0x20: {  	s0 =	simm.s32 $0x0;
	[sflag:s22] =	ssyncadd.s32 $0xFFFF9C00  }
0x21: {  	v0 =	vld [tilespmem:s0+$0x510]  }
0x22: {  	v1 =	vld [tilespmem:s0+$0x320];
	_ =	sdelay $0x1  }
0x23: {  	v2 =	vld [tilespmem:s0+$0x330]  }
0x24: {  	v3 =	vld [tilespmem:s0+$0x340]  }
0x25: {  	v4 =	vld [tilespmem:s0+$0x350];
	v0 =	vmul.f32 $8.000000000e+00, v0  }
0x26: {  	v5 =	vld [tilespmem:s0+$0x360];
	v1 =	vmul.f32 $8.000000000e+00, v1  }
0x27: {  	v6 =	vld [tilespmem:s0+$0x370];
	[tilespmem:s0+$0xCD10] =	vst v0  }
0x28: {  	v0 =	vmul.f32 $8.000000000e+00, v2;
	[tilespmem:s0+$0xCB20] =	vst v1;
	v1 =	vld [tilespmem:s0+$0x390]  }
0x29: {  	v7 =	vld [tilespmem:s0+$0x380];
	v2 =	vmul.f32 $8.000000000e+00, v3  }
0x2a: {  	v3 =	vmul.f32 $8.000000000e+00, v4;
	[tilespmem:s0+$0xCB30] =	vst v0;
	v0 =	vld [tilespmem:s0+$0x3A0]  }
0x2b: {  	v4 =	vmul.f32 $8.000000000e+00, v5;
	[tilespmem:s0+$0xCB40] =	vst v2;
	v2 =	vld [tilespmem:s0+$0x3B0]  }
0x2c: {  	v5 =	vmul.f32 $8.000000000e+00, v6;
	[tilespmem:s0+$0xCB50] =	vst v3;
	v3 =	vld [tilespmem:s0+$0x3C0]  }
0x2d: {  	[tilespmem:s0+$0xCB60] =	vst v4;
	v4 =	vld [tilespmem:s0+$0x3D0];
	v1 =	vmul.f32 $8.000000000e+00, v1  }
0x2e: {  	v6 =	vmul.f32 $8.000000000e+00, v7;
	[tilespmem:s0+$0xCB70] =	vst v5;
	v5 =	vld [tilespmem:s0+$0x3E0]  }
0x2f: {  	v0 =	vmul.f32 $8.000000000e+00, v0;
	[tilespmem:s0+$0xCB90] =	vst v1;
	v1 =	vld [tilespmem:s0+$0x400]  }
0x30: {  	[tilespmem:s0+$0xCB80] =	vst v6;
	v6 =	vld [tilespmem:s0+$0x3F0];
	v2 =	vmul.f32 $8.000000000e+00, v2  }
0x31: {  	v3 =	vmul.f32 $8.000000000e+00, v3;
	[tilespmem:s0+$0xCBA0] =	vst v0;
	v0 =	vld [tilespmem:s0+$0x410]  }
0x32: {  	v4 =	vmul.f32 $8.000000000e+00, v4;
	[tilespmem:s0+$0xCBB0] =	vst v2;
	v2 =	vld [tilespmem:s0+$0x420]  }
0x33: {  	v5 =	vmul.f32 $8.000000000e+00, v5;
	[tilespmem:s0+$0xCBC0] =	vst v3;
	v3 =	vld [tilespmem:s0+$0x430]  }
0x34: {  	[tilespmem:s0+$0xCBD0] =	vst v4;
	v4 =	vld [tilespmem:s0+$0x440];
	v1 =	vmul.f32 $8.000000000e+00, v1  }
0x35: {  	v6 =	vmul.f32 $8.000000000e+00, v6;
	[tilespmem:s0+$0xCBE0] =	vst v5;
	v5 =	vld [tilespmem:s0+$0x450]  }
0x36: {  	v0 =	vmul.f32 $8.000000000e+00, v0;
	[tilespmem:s0+$0xCC00] =	vst v1;
	v1 =	vld [tilespmem:s0+$0x470]  }
0x37: {  	[tilespmem:s0+$0xCBF0] =	vst v6;
	v6 =	vld [tilespmem:s0+$0x460];
	v2 =	vmul.f32 $8.000000000e+00, v2  }
0x38: {  	[tilespmem:s0+$0xCC10] =	vst v0;
	v0 =	vmul.f32 $8.000000000e+00, v3;
	v3 =	vld [tilespmem:s0+$0x490]  }
0x39: {  	v7 =	vld [tilespmem:s0+$0x480];
	[tilespmem:s0+$0xCC20] =	vst v2;
	v2 =	vmul.f32 $8.000000000e+00, v4  }
0x3a: {  	v4 =	vld [tilespmem:s0+$0x4A0];
	[tilespmem:s0+$0xCC30] =	vst v0;
	v0 =	vmul.f32 $8.000000000e+00, v5  }
0x3b: {  	v8 =	vld [tilespmem:s0+$0x4B0];
	[tilespmem:s0+$0xCC40] =	vst v2;
	v5 =	vmul.f32 $8.000000000e+00, v1  }
0x3c: {  	v2 =	vmul.f32 $8.000000000e+00, v6;
	[tilespmem:s0+$0xCC50] =	vst v0;
	v0 =	vld [tilespmem:s0+$0x4C0]  }
0x3d: {  	v1 =	vld [tilespmem:s0+$0x4D0];
	[tilespmem:s0+$0xCC70] =	vst v5;
	v5 =	vmul.f32 $8.000000000e+00, v3  }
0x3e: {  	v6 =	vmul.f32 $8.000000000e+00, v7;
	[tilespmem:s0+$0xCC60] =	vst v2;
	v2 =	vld [tilespmem:s0+$0x4E0]  }
0x3f: {  	v3 =	vld [tilespmem:s0+$0x4F0];
	[tilespmem:s0+$0xCC90] =	vst v5;
	v5 =	vmul.f32 $8.000000000e+00, v4  }
0x40: {  	s1 =	simm.s32 $0x200;
	s9 =	simm.s32 $0x1000;
	[tilespmem:s0+$0xCC80] =	vst v6;
	v6 =	vmul.f32 $8.000000000e+00, v8;
	v4 =	vld [tilespmem:s0+$0x500]  }
.LBB2_2:
0x41: {  	p0 =	sne.s32 s9, $0x18800;
	v7 =	vld [tilespmem:s1+$0x510];
	[tilespmem:s0+$0xCCA0] =	vst v5;
	v0 =	vmul.f32 $8.000000000e+00, v0  }
0x42: {  	v5 =	vld [tilespmem:s1+$0x320];
	[tilespmem:s0+$0xCCB0] =	vst v6;
	v1 =	vmul.f32 $8.000000000e+00, v1  }
0x43: {  	v6 =	vld [tilespmem:s1+$0x330];
	[tilespmem:s0+$0xCCC0] =	vst v0;
	v0 =	vmul.f32 $8.000000000e+00, v2  }
0x44: {  	v2 =	vld [tilespmem:s1+$0x340];
	[tilespmem:s0+$0xCCD0] =	vst v1;
	v1 =	vmul.f32 $8.000000000e+00, v3  }
0x45: {  	v3 =	vld [tilespmem:s1+$0x350];
	[tilespmem:s0+$0xCCE0] =	vst v0;
	v0 =	vmul.f32 $8.000000000e+00, v4  }
0x46: {  	v4 =	vld [tilespmem:s1+$0x360];
	v7 =	vmul.f32 $8.000000000e+00, v7;
	[tilespmem:s0+$0xCCF0] =	vst v1  }
0x47: {  	v1 =	vmul.f32 $8.000000000e+00, v5;
	v5 =	vld [tilespmem:s1+$0x370];
	[tilespmem:s0+$0xCD00] =	vst v0;
	s0 =	smov.u32 s1  }
0x48: {  	v0 =	vmul.f32 $8.000000000e+00, v6;
	v6 =	vld [tilespmem:s0+$0x380];
	[tilespmem:s0+$0xCD10] =	vst v7  }
0x49: {  	[tilespmem:s0+$0xCB20] =	vst v1;
	v1 =	vmul.f32 $8.000000000e+00, v2;
	v2 =	vld [tilespmem:s0+$0x390]  }
0x4a: {  	[tilespmem:s0+$0xCB30] =	vst v0;
	v0 =	vmul.f32 $8.000000000e+00, v3;
	v3 =	vld [tilespmem:s0+$0x3A0]  }
0x4b: {  	[tilespmem:s0+$0xCB40] =	vst v1;
	v1 =	vmul.f32 $8.000000000e+00, v4;
	v4 =	vld [tilespmem:s0+$0x3B0]  }
0x4c: {  	[tilespmem:s0+$0xCB50] =	vst v0;
	v0 =	vmul.f32 $8.000000000e+00, v5;
	v5 =	vld [tilespmem:s0+$0x3C0]  }
0x4d: {  	[tilespmem:s0+$0xCB60] =	vst v1;
	v1 =	vmul.f32 $8.000000000e+00, v6;
	v6 =	vld [tilespmem:s0+$0x3D0]  }
0x4e: {  	[tilespmem:s0+$0xCB70] =	vst v0;
	v0 =	vmul.f32 $8.000000000e+00, v2;
	v2 =	vld [tilespmem:s0+$0x3E0]  }
0x4f: {  	[tilespmem:s0+$0xCB80] =	vst v1;
	v1 =	vmul.f32 $8.000000000e+00, v3;
	v3 =	vld [tilespmem:s0+$0x3F0]  }
0x50: {  	[tilespmem:s0+$0xCB90] =	vst v0;
	v0 =	vmul.f32 $8.000000000e+00, v4;
	v4 =	vld [tilespmem:s0+$0x400]  }
0x51: {  	[tilespmem:s0+$0xCBA0] =	vst v1;
	v1 =	vmul.f32 $8.000000000e+00, v5;
	v5 =	vld [tilespmem:s0+$0x410]  }
0x52: {  	[tilespmem:s0+$0xCBB0] =	vst v0;
	v0 =	vmul.f32 $8.000000000e+00, v6;
	v6 =	vld [tilespmem:s0+$0x420]  }
0x53: {  	[tilespmem:s0+$0xCBC0] =	vst v1;
	v1 =	vmul.f32 $8.000000000e+00, v2;
	v2 =	vld [tilespmem:s0+$0x430]  }
0x54: {  	[tilespmem:s0+$0xCBD0] =	vst v0;
	v0 =	vmul.f32 $8.000000000e+00, v3;
	v3 =	vld [tilespmem:s0+$0x440]  }
0x55: {  	[tilespmem:s0+$0xCBE0] =	vst v1;
	v1 =	vmul.f32 $8.000000000e+00, v4;
	v4 =	vld [tilespmem:s0+$0x450]  }
0x56: {  	[tilespmem:s0+$0xCBF0] =	vst v0;
	v0 =	vmul.f32 $8.000000000e+00, v5;
	v5 =	vld [tilespmem:s0+$0x460]  }
0x57: {  	[tilespmem:s0+$0xCC00] =	vst v1;
	v1 =	vmul.f32 $8.000000000e+00, v6;
	v6 =	vld [tilespmem:s0+$0x470]  }
0x58: {  	[tilespmem:s0+$0xCC10] =	vst v0;
	v0 =	vmul.f32 $8.000000000e+00, v2;
	v2 =	vld [tilespmem:s0+$0x480]  }
0x59: {  	[tilespmem:s0+$0xCC20] =	vst v1;
	v1 =	vmul.f32 $8.000000000e+00, v3;
	v3 =	vld [tilespmem:s0+$0x490]  }
0x5a: {  	[tilespmem:s0+$0xCC30] =	vst v0;
	v0 =	vmul.f32 $8.000000000e+00, v4;
	v4 =	vld [tilespmem:s0+$0x4A0]  }
0x5b: {  	[tilespmem:s0+$0xCC40] =	vst v1;
	v1 =	vmul.f32 $8.000000000e+00, v5;
	v7 =	vld [tilespmem:s0+$0x4B0]  }
.Ltmp0:
0x5c: {  	[tilespmem:s0+$0xCC50] =	vst v0;
	v5 =	vmul.f32 $8.000000000e+00, v6;
	v0 =	vld [tilespmem:s0+$0x4C0];
	(pc) =	sbr.rel @p0 .LBB2_2-.Ltmp0, $4  }
0x5d: {  	[tilespmem:s0+$0xCC60] =	vst v1;
	v6 =	vmul.f32 $8.000000000e+00, v2;
	v1 =	vld [tilespmem:s0+$0x4D0]  }
0x5e: {  	[tilespmem:s0+$0xCC70] =	vst v5;
	v8 =	vmul.f32 $8.000000000e+00, v3;
	v2 =	vld [tilespmem:s0+$0x4E0]  }
0x5f: {  	[tilespmem:s0+$0xCC80] =	vst v6;
	v5 =	vmul.f32 $8.000000000e+00, v4;
	v3 =	vld [tilespmem:s0+$0x4F0]  }
0x60: {  	s1 =	sshra.s32 s9, $0x2;
	s9 =	sadd.s32 $0x800, s9;
	[tilespmem:s0+$0xCC90] =	vst v8;
	v6 =	vmul.f32 $8.000000000e+00, v7;
	v4 =	vld [tilespmem:s0+$0x500]  }
0x61: {  	v7 =	vld [tilespmem:s1+$0x510];
	[tilespmem:s0+$0xCCA0] =	vst v5;
	v0 =	vmul.f32 $8.000000000e+00, v0  }
0x62: {  	v5 =	vld [tilespmem:s1+$0x320];
	[tilespmem:s0+$0xCCB0] =	vst v6;
	v1 =	vmul.f32 $8.000000000e+00, v1  }
0x63: {  	v6 =	vld [tilespmem:s1+$0x330];
	[tilespmem:s0+$0xCCC0] =	vst v0;
	v2 =	vmul.f32 $8.000000000e+00, v2  }
0x64: {  	v0 =	vld [tilespmem:s1+$0x340];
	[tilespmem:s0+$0xCCD0] =	vst v1;
	v3 =	vmul.f32 $8.000000000e+00, v3  }
0x65: {  	v1 =	vld [tilespmem:s1+$0x350];
	[tilespmem:s0+$0xCCE0] =	vst v2;
	v4 =	vmul.f32 $8.000000000e+00, v4  }
0x66: {  	v2 =	vld [tilespmem:s1+$0x360];
	[tilespmem:s0+$0xCCF0] =	vst v3;
	v7 =	vmul.f32 $8.000000000e+00, v7  }
0x67: {  	v3 =	vld [tilespmem:s1+$0x370];
	[tilespmem:s0+$0xCD00] =	vst v4;
	v4 =	vmul.f32 $8.000000000e+00, v5  }
0x68: {  	v5 =	vld [tilespmem:s1+$0x380];
	[tilespmem:s1+$0xCD10] =	vst v7;
	v6 =	vmul.f32 $8.000000000e+00, v6  }
0x69: {  	[tilespmem:s1+$0xCB20] =	vst v4;
	v4 =	vld [tilespmem:s1+$0x390];
	v0 =	vmul.f32 $8.000000000e+00, v0  }
0x6a: {  	[tilespmem:s1+$0xCB30] =	vst v6;
	v6 =	vld [tilespmem:s1+$0x3A0];
	v1 =	vmul.f32 $8.000000000e+00, v1  }
0x6b: {  	[tilespmem:s1+$0xCB40] =	vst v0;
	v0 =	vld [tilespmem:s1+$0x3B0];
	v2 =	vmul.f32 $8.000000000e+00, v2  }
0x6c: {  	[tilespmem:s1+$0xCB50] =	vst v1;
	v1 =	vld [tilespmem:s1+$0x3C0];
	v3 =	vmul.f32 $8.000000000e+00, v3  }
0x6d: {  	[tilespmem:s1+$0xCB60] =	vst v2;
	v2 =	vld [tilespmem:s1+$0x3D0];
	v5 =	vmul.f32 $8.000000000e+00, v5  }
0x6e: {  	[tilespmem:s1+$0xCB70] =	vst v3;
	v3 =	vld [tilespmem:s1+$0x3E0];
	v4 =	vmul.f32 $8.000000000e+00, v4  }
0x6f: {  	[tilespmem:s1+$0xCB80] =	vst v5;
	v5 =	vld [tilespmem:s1+$0x3F0];
	v6 =	vmul.f32 $8.000000000e+00, v6  }
0x70: {  	[tilespmem:s1+$0xCB90] =	vst v4;
	v4 =	vld [tilespmem:s1+$0x400];
	v0 =	vmul.f32 $8.000000000e+00, v0  }
0x71: {  	[tilespmem:s1+$0xCBA0] =	vst v6;
	v6 =	vld [tilespmem:s1+$0x410];
	v1 =	vmul.f32 $8.000000000e+00, v1  }
0x72: {  	[tilespmem:s1+$0xCBB0] =	vst v0;
	v0 =	vld [tilespmem:s1+$0x420];
	v2 =	vmul.f32 $8.000000000e+00, v2  }
0x73: {  	[tilespmem:s1+$0xCBC0] =	vst v1;
	v1 =	vld [tilespmem:s1+$0x430];
	v3 =	vmul.f32 $8.000000000e+00, v3  }
0x74: {  	[tilespmem:s1+$0xCBD0] =	vst v2;
	v2 =	vld [tilespmem:s1+$0x440];
	v5 =	vmul.f32 $8.000000000e+00, v5  }
0x75: {  	[tilespmem:s1+$0xCBE0] =	vst v3;
	v3 =	vld [tilespmem:s1+$0x450];
	v4 =	vmul.f32 $8.000000000e+00, v4  }
0x76: {  	[tilespmem:s1+$0xCBF0] =	vst v5;
	v5 =	vld [tilespmem:s1+$0x460];
	v6 =	vmul.f32 $8.000000000e+00, v6  }
0x77: {  	[tilespmem:s1+$0xCC00] =	vst v4;
	v4 =	vld [tilespmem:s1+$0x470];
	v0 =	vmul.f32 $8.000000000e+00, v0  }
0x78: {  	[tilespmem:s1+$0xCC10] =	vst v6;
	v6 =	vld [tilespmem:s1+$0x480];
	v1 =	vmul.f32 $8.000000000e+00, v1  }
0x79: {  	[tilespmem:s1+$0xCC20] =	vst v0;
	v0 =	vld [tilespmem:s1+$0x490];
	v2 =	vmul.f32 $8.000000000e+00, v2  }
0x7a: {  	[tilespmem:s1+$0xCC30] =	vst v1;
	v1 =	vld [tilespmem:s1+$0x4A0];
	v3 =	vmul.f32 $8.000000000e+00, v3  }
0x7b: {  	[tilespmem:s1+$0xCC40] =	vst v2;
	v2 =	vld [tilespmem:s1+$0x4B0];
	v5 =	vmul.f32 $8.000000000e+00, v5  }
0x7c: {  	[tilespmem:s1+$0xCC50] =	vst v3;
	v3 =	vld [tilespmem:s1+$0x4C0];
	v4 =	vmul.f32 $8.000000000e+00, v4  }
0x7d: {  	[tilespmem:s1+$0xCC60] =	vst v5;
	v5 =	vld [tilespmem:s1+$0x4D0];
	v6 =	vmul.f32 $8.000000000e+00, v6  }
0x7e: {  	[tilespmem:s1+$0xCC70] =	vst v4;
	v4 =	vld [tilespmem:s1+$0x4E0];
	v0 =	vmul.f32 $8.000000000e+00, v0  }
0x7f: {  	[tilespmem:s1+$0xCC80] =	vst v6;
	v6 =	vld [tilespmem:s1+$0x4F0];
	v1 =	vmul.f32 $8.000000000e+00, v1  }
0x80: {  	[tilespmem:s1+$0xCC90] =	vst v0;
	v0 =	vmul.f32 $8.000000000e+00, v2;
	v2 =	vld [tilespmem:s1+$0x500]  }
0x81: {  	[tilespmem:s1+$0xCCA0] =	vst v1;
	v1 =	vmul.f32 $8.000000000e+00, v3  }
0x82: {  	[tilespmem:s1+$0xCCB0] =	vst v0;
	v0 =	vmul.f32 $8.000000000e+00, v5  }
0x83: {  	[tilespmem:s1+$0xCCC0] =	vst v1;
	v1 =	vmul.f32 $8.000000000e+00, v4  }
0x84: {  	[tilespmem:s1+$0xCCD0] =	vst v0;
	v0 =	vmul.f32 $8.000000000e+00, v6  }
0x85: {  	[tilespmem:s1+$0xCCE0] =	vst v1;
	v1 =	vmul.f32 $8.000000000e+00, v2  }
0x86: {  	[tilespmem:s1+$0xCCF0] =	vst v0  }
0x87: {  	s30 =	simm.s32 $0x0;
	s31 =	rddreg [dreg:$0x4];
	[tilespmem:s1+$0xCD00] =	vst v1  }
0x88: {  	[hbm4b:s31+s30] =	stream.linear.scatter [tilespmem:s23], [sflag:$0x3], $0x6400, $0x38;
	[tilespmem:$0x19320] =	vst v63  }
0x89: {  	_ = 	snop  }
0x8a: {  	[tilespmem:s30], [sflag:$0x5] =	stream.linear.gather [hbm4b:s11+s30], $0x190, $0x38;
	[tilespmem:$0x19320] =	vst v63  }
0x8b: {  	_ =	swait.ge [sflag:s18], $0x190  }
0x8c: {  	[sflag:s18] =	ssyncset.done $0x0  }
0x8d: {  	[sflag:s18] =	ssyncadd.s32 $0xFFFFFE70  }
0x8e: {  	[tilespmem:s20], [sflag:$0x1] =	stream.indirect.gather [hbm4b:s6+s19], $0x40, s30, s19, $0xb8;
	[tilespmem:$0x19320] =	vst v63  }
0x8f: {  	_ =	swait.ge [sflag:s24], $0x6400  }
0x90: {  	[sflag:s24] =	ssyncset.done $0x0  }
0x91: {  	s0 =	simm.s32 $0x0;
	[sflag:s24] =	ssyncadd.s32 $0xFFFF9C00  }
0x92: {  	v0 =	vld [tilespmem:s0+$0x6910]  }
0x93: {  	v1 =	vld [tilespmem:s0+$0x6720];
	_ =	sdelay $0x1  }
0x94: {  	v2 =	vld [tilespmem:s0+$0x6730]  }
0x95: {  	v3 =	vld [tilespmem:s0+$0x6740]  }
0x96: {  	v4 =	vld [tilespmem:s0+$0x6750];
	v0 =	vmul.f32 $8.000000000e+00, v0  }
0x97: {  	v5 =	vld [tilespmem:s0+$0x6760];
	v1 =	vmul.f32 $8.000000000e+00, v1  }
0x98: {  	v6 =	vld [tilespmem:s0+$0x6770];
	[tilespmem:s0+$0x13110] =	vst v0  }
0x99: {  	v0 =	vmul.f32 $8.000000000e+00, v2;
	[tilespmem:s0+$0x12F20] =	vst v1;
	v1 =	vld [tilespmem:s0+$0x6790]  }
0x9a: {  	v7 =	vld [tilespmem:s0+$0x6780];
	v2 =	vmul.f32 $8.000000000e+00, v3  }
0x9b: {  	v3 =	vmul.f32 $8.000000000e+00, v4;
	[tilespmem:s0+$0x12F30] =	vst v0;
	v0 =	vld [tilespmem:s0+$0x67A0]  }
0x9c: {  	v4 =	vmul.f32 $8.000000000e+00, v5;
	[tilespmem:s0+$0x12F40] =	vst v2;
	v2 =	vld [tilespmem:s0+$0x67B0]  }
0x9d: {  	v5 =	vmul.f32 $8.000000000e+00, v6;
	[tilespmem:s0+$0x12F50] =	vst v3;
	v3 =	vld [tilespmem:s0+$0x67C0]  }
0x9e: {  	[tilespmem:s0+$0x12F60] =	vst v4;
	v4 =	vld [tilespmem:s0+$0x67D0];
	v1 =	vmul.f32 $8.000000000e+00, v1  }
0x9f: {  	v6 =	vmul.f32 $8.000000000e+00, v7;
	[tilespmem:s0+$0x12F70] =	vst v5;
	v5 =	vld [tilespmem:s0+$0x67E0]  }
0xa0: {  	v0 =	vmul.f32 $8.000000000e+00, v0;
	[tilespmem:s0+$0x12F90] =	vst v1;
	v1 =	vld [tilespmem:s0+$0x6800]  }
0xa1: {  	[tilespmem:s0+$0x12F80] =	vst v6;
	v6 =	vld [tilespmem:s0+$0x67F0];
	v2 =	vmul.f32 $8.000000000e+00, v2  }
0xa2: {  	v3 =	vmul.f32 $8.000000000e+00, v3;
	[tilespmem:s0+$0x12FA0] =	vst v0;
	v0 =	vld [tilespmem:s0+$0x6810]  }
0xa3: {  	v4 =	vmul.f32 $8.000000000e+00, v4;
	[tilespmem:s0+$0x12FB0] =	vst v2;
	v2 =	vld [tilespmem:s0+$0x6820]  }
0xa4: {  	v5 =	vmul.f32 $8.000000000e+00, v5;
	[tilespmem:s0+$0x12FC0] =	vst v3;
	v3 =	vld [tilespmem:s0+$0x6830]  }
0xa5: {  	[tilespmem:s0+$0x12FD0] =	vst v4;
	v4 =	vld [tilespmem:s0+$0x6840];
	v1 =	vmul.f32 $8.000000000e+00, v1  }
0xa6: {  	v6 =	vmul.f32 $8.000000000e+00, v6;
	[tilespmem:s0+$0x12FE0] =	vst v5;
	v5 =	vld [tilespmem:s0+$0x6850]  }
0xa7: {  	v0 =	vmul.f32 $8.000000000e+00, v0;
	[tilespmem:s0+$0x13000] =	vst v1;
	v1 =	vld [tilespmem:s0+$0x6870]  }
0xa8: {  	[tilespmem:s0+$0x12FF0] =	vst v6;
	v6 =	vld [tilespmem:s0+$0x6860];
	v2 =	vmul.f32 $8.000000000e+00, v2  }
0xa9: {  	[tilespmem:s0+$0x13010] =	vst v0;
	v0 =	vmul.f32 $8.000000000e+00, v3;
	v3 =	vld [tilespmem:s0+$0x6890]  }
0xaa: {  	v7 =	vld [tilespmem:s0+$0x6880];
	[tilespmem:s0+$0x13020] =	vst v2;
	v2 =	vmul.f32 $8.000000000e+00, v4  }
0xab: {  	v4 =	vld [tilespmem:s0+$0x68A0];
	[tilespmem:s0+$0x13030] =	vst v0;
	v0 =	vmul.f32 $8.000000000e+00, v5  }
0xac: {  	v8 =	vld [tilespmem:s0+$0x68B0];
	[tilespmem:s0+$0x13040] =	vst v2;
	v5 =	vmul.f32 $8.000000000e+00, v1  }
0xad: {  	v2 =	vmul.f32 $8.000000000e+00, v6;
	[tilespmem:s0+$0x13050] =	vst v0;
	v0 =	vld [tilespmem:s0+$0x68C0]  }
0xae: {  	v1 =	vld [tilespmem:s0+$0x68D0];
	[tilespmem:s0+$0x13070] =	vst v5;
	v5 =	vmul.f32 $8.000000000e+00, v3  }
0xaf: {  	v6 =	vmul.f32 $8.000000000e+00, v7;
	[tilespmem:s0+$0x13060] =	vst v2;
	v2 =	vld [tilespmem:s0+$0x68E0]  }
0xb0: {  	v3 =	vld [tilespmem:s0+$0x68F0];
	[tilespmem:s0+$0x13090] =	vst v5;
	v5 =	vmul.f32 $8.000000000e+00, v4  }
0xb1: {  	s9 =	simm.s32 $0x1000;
	s1 =	simm.s32 $0x200;
	[tilespmem:s0+$0x13080] =	vst v6;
	v6 =	vmul.f32 $8.000000000e+00, v8;
	v4 =	vld [tilespmem:s0+$0x6900]  }
.LBB2_4:
0xb2: {  	p0 =	sne.s32 s9, $0x18800;
	v7 =	vld [tilespmem:s1+$0x6910];
	[tilespmem:s0+$0x130A0] =	vst v5;
	v0 =	vmul.f32 $8.000000000e+00, v0  }
0xb3: {  	v5 =	vld [tilespmem:s1+$0x6720];
	[tilespmem:s0+$0x130B0] =	vst v6;
	v1 =	vmul.f32 $8.000000000e+00, v1  }
0xb4: {  	v6 =	vld [tilespmem:s1+$0x6730];
	[tilespmem:s0+$0x130C0] =	vst v0;
	v0 =	vmul.f32 $8.000000000e+00, v2  }
0xb5: {  	v2 =	vld [tilespmem:s1+$0x6740];
	[tilespmem:s0+$0x130D0] =	vst v1;
	v1 =	vmul.f32 $8.000000000e+00, v3  }
0xb6: {  	v3 =	vld [tilespmem:s1+$0x6750];
	[tilespmem:s0+$0x130E0] =	vst v0;
	v0 =	vmul.f32 $8.000000000e+00, v4  }
0xb7: {  	v4 =	vld [tilespmem:s1+$0x6760];
	v7 =	vmul.f32 $8.000000000e+00, v7;
	[tilespmem:s0+$0x130F0] =	vst v1  }
0xb8: {  	v1 =	vmul.f32 $8.000000000e+00, v5;
	v5 =	vld [tilespmem:s1+$0x6770];
	[tilespmem:s0+$0x13100] =	vst v0;
	s0 =	smov.u32 s1  }
0xb9: {  	v0 =	vmul.f32 $8.000000000e+00, v6;
	v6 =	vld [tilespmem:s0+$0x6780];
	[tilespmem:s0+$0x13110] =	vst v7  }
0xba: {  	[tilespmem:s0+$0x12F20] =	vst v1;
	v1 =	vmul.f32 $8.000000000e+00, v2;
	v2 =	vld [tilespmem:s0+$0x6790]  }
0xbb: {  	[tilespmem:s0+$0x12F30] =	vst v0;
	v0 =	vmul.f32 $8.000000000e+00, v3;
	v3 =	vld [tilespmem:s0+$0x67A0]  }
0xbc: {  	[tilespmem:s0+$0x12F40] =	vst v1;
	v1 =	vmul.f32 $8.000000000e+00, v4;
	v4 =	vld [tilespmem:s0+$0x67B0]  }
0xbd: {  	[tilespmem:s0+$0x12F50] =	vst v0;
	v0 =	vmul.f32 $8.000000000e+00, v5;
	v5 =	vld [tilespmem:s0+$0x67C0]  }
0xbe: {  	[tilespmem:s0+$0x12F60] =	vst v1;
	v1 =	vmul.f32 $8.000000000e+00, v6;
	v6 =	vld [tilespmem:s0+$0x67D0]  }
0xbf: {  	[tilespmem:s0+$0x12F70] =	vst v0;
	v0 =	vmul.f32 $8.000000000e+00, v2;
	v2 =	vld [tilespmem:s0+$0x67E0]  }
0xc0: {  	[tilespmem:s0+$0x12F80] =	vst v1;
	v1 =	vmul.f32 $8.000000000e+00, v3;
	v3 =	vld [tilespmem:s0+$0x67F0]  }
0xc1: {  	[tilespmem:s0+$0x12F90] =	vst v0;
	v0 =	vmul.f32 $8.000000000e+00, v4;
	v4 =	vld [tilespmem:s0+$0x6800]  }
0xc2: {  	[tilespmem:s0+$0x12FA0] =	vst v1;
	v1 =	vmul.f32 $8.000000000e+00, v5;
	v5 =	vld [tilespmem:s0+$0x6810]  }
0xc3: {  	[tilespmem:s0+$0x12FB0] =	vst v0;
	v0 =	vmul.f32 $8.000000000e+00, v6;
	v6 =	vld [tilespmem:s0+$0x6820]  }
0xc4: {  	[tilespmem:s0+$0x12FC0] =	vst v1;
	v1 =	vmul.f32 $8.000000000e+00, v2;
	v2 =	vld [tilespmem:s0+$0x6830]  }
0xc5: {  	[tilespmem:s0+$0x12FD0] =	vst v0;
	v0 =	vmul.f32 $8.000000000e+00, v3;
	v3 =	vld [tilespmem:s0+$0x6840]  }
0xc6: {  	[tilespmem:s0+$0x12FE0] =	vst v1;
	v1 =	vmul.f32 $8.000000000e+00, v4;
	v4 =	vld [tilespmem:s0+$0x6850]  }
0xc7: {  	[tilespmem:s0+$0x12FF0] =	vst v0;
	v0 =	vmul.f32 $8.000000000e+00, v5;
	v5 =	vld [tilespmem:s0+$0x6860]  }
0xc8: {  	[tilespmem:s0+$0x13000] =	vst v1;
	v1 =	vmul.f32 $8.000000000e+00, v6;
	v6 =	vld [tilespmem:s0+$0x6870]  }
0xc9: {  	[tilespmem:s0+$0x13010] =	vst v0;
	v0 =	vmul.f32 $8.000000000e+00, v2;
	v2 =	vld [tilespmem:s0+$0x6880]  }
0xca: {  	[tilespmem:s0+$0x13020] =	vst v1;
	v1 =	vmul.f32 $8.000000000e+00, v3;
	v3 =	vld [tilespmem:s0+$0x6890]  }
0xcb: {  	[tilespmem:s0+$0x13030] =	vst v0;
	v0 =	vmul.f32 $8.000000000e+00, v4;
	v4 =	vld [tilespmem:s0+$0x68A0]  }
0xcc: {  	[tilespmem:s0+$0x13040] =	vst v1;
	v1 =	vmul.f32 $8.000000000e+00, v5;
	v7 =	vld [tilespmem:s0+$0x68B0]  }
.Ltmp1:
0xcd: {  	[tilespmem:s0+$0x13050] =	vst v0;
	v5 =	vmul.f32 $8.000000000e+00, v6;
	v0 =	vld [tilespmem:s0+$0x68C0];
	(pc) =	sbr.rel @p0 .LBB2_4-.Ltmp1, $4  }
0xce: {  	[tilespmem:s0+$0x13060] =	vst v1;
	v6 =	vmul.f32 $8.000000000e+00, v2;
	v1 =	vld [tilespmem:s0+$0x68D0]  }
0xcf: {  	[tilespmem:s0+$0x13070] =	vst v5;
	v8 =	vmul.f32 $8.000000000e+00, v3;
	v2 =	vld [tilespmem:s0+$0x68E0]  }
0xd0: {  	[tilespmem:s0+$0x13080] =	vst v6;
	v5 =	vmul.f32 $8.000000000e+00, v4;
	v3 =	vld [tilespmem:s0+$0x68F0]  }
0xd1: {  	s1 =	sshra.s32 s9, $0x2;
	s9 =	sadd.s32 $0x800, s9;
	[tilespmem:s0+$0x13090] =	vst v8;
	v6 =	vmul.f32 $8.000000000e+00, v7;
	v4 =	vld [tilespmem:s0+$0x6900]  }
0xd2: {  	v7 =	vld [tilespmem:s1+$0x6910];
	[tilespmem:s0+$0x130A0] =	vst v5;
	v0 =	vmul.f32 $8.000000000e+00, v0  }
0xd3: {  	v5 =	vld [tilespmem:s1+$0x6720];
	[tilespmem:s0+$0x130B0] =	vst v6;
	v1 =	vmul.f32 $8.000000000e+00, v1  }
0xd4: {  	v6 =	vld [tilespmem:s1+$0x6730];
	[tilespmem:s0+$0x130C0] =	vst v0;
	v2 =	vmul.f32 $8.000000000e+00, v2  }
0xd5: {  	v0 =	vld [tilespmem:s1+$0x6740];
	[tilespmem:s0+$0x130D0] =	vst v1;
	v3 =	vmul.f32 $8.000000000e+00, v3  }
0xd6: {  	v1 =	vld [tilespmem:s1+$0x6750];
	[tilespmem:s0+$0x130E0] =	vst v2;
	v4 =	vmul.f32 $8.000000000e+00, v4  }
0xd7: {  	v2 =	vld [tilespmem:s1+$0x6760];
	[tilespmem:s0+$0x130F0] =	vst v3;
	v7 =	vmul.f32 $8.000000000e+00, v7  }
0xd8: {  	v3 =	vld [tilespmem:s1+$0x6770];
	[tilespmem:s0+$0x13100] =	vst v4;
	v32 =	vmul.f32 $8.000000000e+00, v5  }
0xd9: {  	v33 =	vld [tilespmem:s1+$0x6780];
	[tilespmem:s1+$0x13110] =	vst v7;
	v6 =	vmul.f32 $8.000000000e+00, v6  }
0xda: {  	v34 =	vld [tilespmem:s1+$0x6790];
	[tilespmem:s1+$0x12F20] =	vst v32;
	v0 =	vmul.f32 $8.000000000e+00, v0  }
0xdb: {  	v35 =	vld [tilespmem:s1+$0x67A0];
	[tilespmem:s1+$0x12F30] =	vst v6;
	v1 =	vmul.f32 $8.000000000e+00, v1  }
0xdc: {  	v36 =	vld [tilespmem:s1+$0x67B0];
	[tilespmem:s1+$0x12F40] =	vst v0;
	v2 =	vmul.f32 $8.000000000e+00, v2  }
0xdd: {  	v37 =	vld [tilespmem:s1+$0x67C0];
	[tilespmem:s1+$0x12F50] =	vst v1;
	v3 =	vmul.f32 $8.000000000e+00, v3  }
0xde: {  	v38 =	vld [tilespmem:s1+$0x67D0];
	[tilespmem:s1+$0x12F60] =	vst v2;
	v5 =	vmul.f32 $8.000000000e+00, v33  }
0xdf: {  	v52 =	vld [tilespmem:s1+$0x68B0];
	v4 =	vmul.f32 $8.000000000e+00, v34;
	[tilespmem:s1+$0x12F70] =	vst v3  }
0xe0: {  	v53 =	vld [tilespmem:s1+$0x68C0];
	v6 =	vmul.f32 $8.000000000e+00, v35;
	[tilespmem:s1+$0x12F80] =	vst v5  }
0xe1: {  	v54 =	vld [tilespmem:s1+$0x68D0];
	v0 =	vmul.f32 $8.000000000e+00, v36;
	[tilespmem:s1+$0x12F90] =	vst v4  }
0xe2: {  	v55 =	vld [tilespmem:s1+$0x68E0];
	v1 =	vmul.f32 $8.000000000e+00, v37;
	[tilespmem:s1+$0x12FA0] =	vst v6  }
0xe3: {  	v56 =	vld [tilespmem:s1+$0x68F0];
	v2 =	vmul.f32 $8.000000000e+00, v38;
	[tilespmem:s1+$0x12FB0] =	vst v0  }
0xe4: {  	v58 =	vld [tilespmem:s1+$0x6900];
	v57 =	vmul.f32 $8.000000000e+00, v52;
	[tilespmem:s1+$0x12FC0] =	vst v1  }
0xe5: {  	v39 =	vld [tilespmem:s1+$0x67E0];
	v59 =	vmul.f32 $8.000000000e+00, v53;
	[tilespmem:s1+$0x12FD0] =	vst v2  }
0xe6: {  	v40 =	vld [tilespmem:s1+$0x67F0];
	v60 =	vmul.f32 $8.000000000e+00, v54;
	[tilespmem:s1+$0x130B0] =	vst v57  }
0xe7: {  	v41 =	vld [tilespmem:s1+$0x6800];
	v61 =	vmul.f32 $8.000000000e+00, v55;
	[tilespmem:s1+$0x130C0] =	vst v59  }
0xe8: {  	v42 =	vld [tilespmem:s1+$0x6810];
	v62 =	vmul.f32 $8.000000000e+00, v56;
	[tilespmem:s1+$0x130D0] =	vst v60  }
0xe9: {  	v43 =	vld [tilespmem:s1+$0x6820];
	v63 =	vmul.f32 $8.000000000e+00, v58;
	[tilespmem:s1+$0x130E0] =	vst v61  }
0xea: {  	v44 =	vld [tilespmem:s1+$0x6830];
	v3 =	vmul.f32 $8.000000000e+00, v39;
	[tilespmem:s1+$0x130F0] =	vst v62  }
0xeb: {  	v45 =	vld [tilespmem:s1+$0x6840];
	v5 =	vmul.f32 $8.000000000e+00, v40;
	[tilespmem:s1+$0x13100] =	vst v63  }
0xec: {  	v46 =	vld [tilespmem:s1+$0x6850];
	v4 =	vmul.f32 $8.000000000e+00, v41;
	[tilespmem:s1+$0x12FE0] =	vst v3  }
0xed: {  	v47 =	vld [tilespmem:s1+$0x6860];
	v6 =	vmul.f32 $8.000000000e+00, v42;
	[tilespmem:s1+$0x12FF0] =	vst v5  }
0xee: {  	v48 =	vld [tilespmem:s1+$0x6870];
	v0 =	vmul.f32 $8.000000000e+00, v43;
	[tilespmem:s1+$0x13000] =	vst v4  }
0xef: {  	v49 =	vld [tilespmem:s1+$0x6880];
	v1 =	vmul.f32 $8.000000000e+00, v44;
	[tilespmem:s1+$0x13010] =	vst v6  }
0xf0: {  	v50 =	vld [tilespmem:s1+$0x6890];
	v2 =	vmul.f32 $8.000000000e+00, v45;
	[tilespmem:s1+$0x13020] =	vst v0  }
0xf1: {  	v51 =	vld [tilespmem:s1+$0x68A0];
	v3 =	vmul.f32 $8.000000000e+00, v46;
	[tilespmem:s1+$0x13030] =	vst v1  }
0xf2: {  	[tilespmem:s1+$0x13040] =	vst v2;
	v5 =	vmul.f32 $8.000000000e+00, v47  }
0xf3: {  	v4 =	vmul.f32 $8.000000000e+00, v48;
	[tilespmem:s1+$0x13050] =	vst v3  }
0xf4: {  	v6 =	vmul.f32 $8.000000000e+00, v49;
	[tilespmem:s1+$0x13060] =	vst v5  }
0xf5: {  	v0 =	vmul.f32 $8.000000000e+00, v50;
	[tilespmem:s1+$0x13070] =	vst v4  }
0xf6: {  	v1 =	vmul.f32 $8.000000000e+00, v51;
	[tilespmem:s1+$0x13080] =	vst v6  }
0xf7: {  	[tilespmem:s1+$0x13090] =	vst v0  }
0xf8: {  	s30 =	simm.s32 $0x1;
	[tilespmem:s1+$0x130A0] =	vst v1  }
0xf9: {  	[hbm4b:s12+s3] =	stream.linear.scatter [tilespmem:s25], [sflag:$0x4], $0x6400, $0x38;
	[tilespmem:$0x19320] =	vst v63  }
.LBB2_6:
0xfa: {  	s0 =	smul.u32 $0x320, s30;
	_ =	sdelay $0x1  }
0xfb: {  	s31 =	sadd.s32 s0, s7  }
0xfc: {  	s1 =	sshrl.u32 s31, $0x3  }
0xfd: {  	s9 =	simm.s32 $0x0;
	s1 =	sadd.s32 s5, s1  }
0xfe: {  	[tilespmem:s19], [sflag:$0x5] =	stream.linear.gather [hbm4b:s1+s9], $0x190, $0x38;
	[tilespmem:$0x19320] =	vst v63  }
0xff: {  	_ =	swait.ge [sflag:s18], $0x190  }
0x100: {  	[sflag:s18] =	ssyncset.done $0x0  }
0x101: {  	[sflag:s18] =	ssyncadd.s32 $0xFFFFFE70  }
0x102: {  	[tilespmem:s21], [sflag:$0x2] =	stream.indirect.gather [hbm4b:s6+s19], $0x40, s19, s19, $0xb8;
	[tilespmem:$0x19320] =	vst v63  }
0x103: {  	_ =	swait.ge [sflag:s22], $0x6400  }
0x104: {  	[sflag:s22] =	ssyncset.done $0x0  }
0x105: {  	[sflag:s22] =	ssyncadd.s32 $0xFFFF9C00  }
0x106: {  	_ =	swait.ge [sflag:s26], $0x6400  }
0x107: {  	[sflag:s26] =	ssyncset.done $0x0  }
0x108: {  	s1 =	simm.s32 $0x0;
	[sflag:s26] =	ssyncadd.s32 $0xFFFF9C00  }
0x109: {  	v0 =	vld [tilespmem:s1+$0x510]  }
0x10a: {  	v1 =	vld [tilespmem:s1+$0x320];
	_ =	sdelay $0x1  }
0x10b: {  	v2 =	vld [tilespmem:s1+$0x330]  }
0x10c: {  	v3 =	vld [tilespmem:s1+$0x340]  }
0x10d: {  	v4 =	vld [tilespmem:s1+$0x350];
	v0 =	vmul.f32 $8.000000000e+00, v0  }
0x10e: {  	v5 =	vld [tilespmem:s1+$0x360];
	v1 =	vmul.f32 $8.000000000e+00, v1  }
0x10f: {  	v6 =	vld [tilespmem:s1+$0x370];
	[tilespmem:s1+$0xCD10] =	vst v0  }
0x110: {  	v0 =	vmul.f32 $8.000000000e+00, v2;
	[tilespmem:s1+$0xCB20] =	vst v1;
	v1 =	vld [tilespmem:s1+$0x390]  }
0x111: {  	v7 =	vld [tilespmem:s1+$0x380];
	v2 =	vmul.f32 $8.000000000e+00, v3  }
0x112: {  	v3 =	vmul.f32 $8.000000000e+00, v4;
	[tilespmem:s1+$0xCB30] =	vst v0;
	v0 =	vld [tilespmem:s1+$0x3A0]  }
0x113: {  	v4 =	vmul.f32 $8.000000000e+00, v5;
	[tilespmem:s1+$0xCB40] =	vst v2;
	v2 =	vld [tilespmem:s1+$0x3B0]  }
0x114: {  	v5 =	vmul.f32 $8.000000000e+00, v6;
	[tilespmem:s1+$0xCB50] =	vst v3;
	v3 =	vld [tilespmem:s1+$0x3C0]  }
0x115: {  	[tilespmem:s1+$0xCB60] =	vst v4;
	v4 =	vld [tilespmem:s1+$0x3D0];
	v1 =	vmul.f32 $8.000000000e+00, v1  }
0x116: {  	v6 =	vmul.f32 $8.000000000e+00, v7;
	[tilespmem:s1+$0xCB70] =	vst v5;
	v5 =	vld [tilespmem:s1+$0x3E0]  }
0x117: {  	v0 =	vmul.f32 $8.000000000e+00, v0;
	[tilespmem:s1+$0xCB90] =	vst v1;
	v1 =	vld [tilespmem:s1+$0x400]  }
0x118: {  	[tilespmem:s1+$0xCB80] =	vst v6;
	v6 =	vld [tilespmem:s1+$0x3F0];
	v2 =	vmul.f32 $8.000000000e+00, v2  }
0x119: {  	v3 =	vmul.f32 $8.000000000e+00, v3;
	[tilespmem:s1+$0xCBA0] =	vst v0;
	v0 =	vld [tilespmem:s1+$0x410]  }
0x11a: {  	v4 =	vmul.f32 $8.000000000e+00, v4;
	[tilespmem:s1+$0xCBB0] =	vst v2;
	v2 =	vld [tilespmem:s1+$0x420]  }
0x11b: {  	v5 =	vmul.f32 $8.000000000e+00, v5;
	[tilespmem:s1+$0xCBC0] =	vst v3;
	v3 =	vld [tilespmem:s1+$0x430]  }
0x11c: {  	[tilespmem:s1+$0xCBD0] =	vst v4;
	v4 =	vld [tilespmem:s1+$0x440];
	v1 =	vmul.f32 $8.000000000e+00, v1  }
0x11d: {  	v6 =	vmul.f32 $8.000000000e+00, v6;
	[tilespmem:s1+$0xCBE0] =	vst v5;
	v5 =	vld [tilespmem:s1+$0x450]  }
0x11e: {  	v0 =	vmul.f32 $8.000000000e+00, v0;
	[tilespmem:s1+$0xCC00] =	vst v1;
	v1 =	vld [tilespmem:s1+$0x470]  }
0x11f: {  	[tilespmem:s1+$0xCBF0] =	vst v6;
	v6 =	vld [tilespmem:s1+$0x460];
	v2 =	vmul.f32 $8.000000000e+00, v2  }
0x120: {  	[tilespmem:s1+$0xCC10] =	vst v0;
	v0 =	vmul.f32 $8.000000000e+00, v3;
	v3 =	vld [tilespmem:s1+$0x490]  }
0x121: {  	v7 =	vld [tilespmem:s1+$0x480];
	[tilespmem:s1+$0xCC20] =	vst v2;
	v2 =	vmul.f32 $8.000000000e+00, v4  }
0x122: {  	v4 =	vld [tilespmem:s1+$0x4A0];
	[tilespmem:s1+$0xCC30] =	vst v0;
	v0 =	vmul.f32 $8.000000000e+00, v5  }
0x123: {  	v8 =	vld [tilespmem:s1+$0x4B0];
	[tilespmem:s1+$0xCC40] =	vst v2;
	v5 =	vmul.f32 $8.000000000e+00, v1  }
0x124: {  	v2 =	vmul.f32 $8.000000000e+00, v6;
	[tilespmem:s1+$0xCC50] =	vst v0;
	v0 =	vld [tilespmem:s1+$0x4C0]  }
0x125: {  	v1 =	vld [tilespmem:s1+$0x4D0];
	[tilespmem:s1+$0xCC70] =	vst v5;
	v5 =	vmul.f32 $8.000000000e+00, v3  }
0x126: {  	v6 =	vmul.f32 $8.000000000e+00, v7;
	[tilespmem:s1+$0xCC60] =	vst v2;
	v2 =	vld [tilespmem:s1+$0x4E0]  }
0x127: {  	v3 =	vld [tilespmem:s1+$0x4F0];
	[tilespmem:s1+$0xCC90] =	vst v5;
	v5 =	vmul.f32 $8.000000000e+00, v4  }
0x128: {  	s10 =	simm.s32 $0x1000;
	s9 =	simm.s32 $0x200;
	[tilespmem:s1+$0xCC80] =	vst v6;
	v6 =	vmul.f32 $8.000000000e+00, v8;
	v4 =	vld [tilespmem:s1+$0x500]  }
.LBB2_7:
0x129: {  	p0 =	sne.s32 s10, $0x18800;
	v7 =	vld [tilespmem:s9+$0x510];
	[tilespmem:s1+$0xCCA0] =	vst v5;
	v0 =	vmul.f32 $8.000000000e+00, v0  }
0x12a: {  	v5 =	vld [tilespmem:s9+$0x320];
	[tilespmem:s1+$0xCCB0] =	vst v6;
	v1 =	vmul.f32 $8.000000000e+00, v1  }
0x12b: {  	v6 =	vld [tilespmem:s9+$0x330];
	[tilespmem:s1+$0xCCC0] =	vst v0;
	v0 =	vmul.f32 $8.000000000e+00, v2  }
0x12c: {  	v2 =	vld [tilespmem:s9+$0x340];
	[tilespmem:s1+$0xCCD0] =	vst v1;
	v1 =	vmul.f32 $8.000000000e+00, v3  }
0x12d: {  	v3 =	vld [tilespmem:s9+$0x350];
	[tilespmem:s1+$0xCCE0] =	vst v0;
	v0 =	vmul.f32 $8.000000000e+00, v4  }
0x12e: {  	v4 =	vld [tilespmem:s9+$0x360];
	v7 =	vmul.f32 $8.000000000e+00, v7;
	[tilespmem:s1+$0xCCF0] =	vst v1  }
0x12f: {  	v1 =	vmul.f32 $8.000000000e+00, v5;
	v5 =	vld [tilespmem:s9+$0x370];
	[tilespmem:s1+$0xCD00] =	vst v0;
	s1 =	smov.u32 s9  }
0x130: {  	v0 =	vmul.f32 $8.000000000e+00, v6;
	v6 =	vld [tilespmem:s1+$0x380];
	[tilespmem:s1+$0xCD10] =	vst v7  }
0x131: {  	[tilespmem:s1+$0xCB20] =	vst v1;
	v1 =	vmul.f32 $8.000000000e+00, v2;
	v2 =	vld [tilespmem:s1+$0x390]  }
0x132: {  	[tilespmem:s1+$0xCB30] =	vst v0;
	v0 =	vmul.f32 $8.000000000e+00, v3;
	v3 =	vld [tilespmem:s1+$0x3A0]  }
0x133: {  	[tilespmem:s1+$0xCB40] =	vst v1;
	v1 =	vmul.f32 $8.000000000e+00, v4;
	v4 =	vld [tilespmem:s1+$0x3B0]  }
0x134: {  	[tilespmem:s1+$0xCB50] =	vst v0;
	v0 =	vmul.f32 $8.000000000e+00, v5;
	v5 =	vld [tilespmem:s1+$0x3C0]  }
0x135: {  	[tilespmem:s1+$0xCB60] =	vst v1;
	v1 =	vmul.f32 $8.000000000e+00, v6;
	v6 =	vld [tilespmem:s1+$0x3D0]  }
0x136: {  	[tilespmem:s1+$0xCB70] =	vst v0;
	v0 =	vmul.f32 $8.000000000e+00, v2;
	v2 =	vld [tilespmem:s1+$0x3E0]  }
0x137: {  	[tilespmem:s1+$0xCB80] =	vst v1;
	v1 =	vmul.f32 $8.000000000e+00, v3;
	v3 =	vld [tilespmem:s1+$0x3F0]  }
0x138: {  	[tilespmem:s1+$0xCB90] =	vst v0;
	v0 =	vmul.f32 $8.000000000e+00, v4;
	v4 =	vld [tilespmem:s1+$0x400]  }
0x139: {  	[tilespmem:s1+$0xCBA0] =	vst v1;
	v1 =	vmul.f32 $8.000000000e+00, v5;
	v5 =	vld [tilespmem:s1+$0x410]  }
0x13a: {  	[tilespmem:s1+$0xCBB0] =	vst v0;
	v0 =	vmul.f32 $8.000000000e+00, v6;
	v6 =	vld [tilespmem:s1+$0x420]  }
0x13b: {  	[tilespmem:s1+$0xCBC0] =	vst v1;
	v1 =	vmul.f32 $8.000000000e+00, v2;
	v2 =	vld [tilespmem:s1+$0x430]  }
0x13c: {  	[tilespmem:s1+$0xCBD0] =	vst v0;
	v0 =	vmul.f32 $8.000000000e+00, v3;
	v3 =	vld [tilespmem:s1+$0x440]  }
0x13d: {  	[tilespmem:s1+$0xCBE0] =	vst v1;
	v1 =	vmul.f32 $8.000000000e+00, v4;
	v4 =	vld [tilespmem:s1+$0x450]  }
0x13e: {  	[tilespmem:s1+$0xCBF0] =	vst v0;
	v0 =	vmul.f32 $8.000000000e+00, v5;
	v5 =	vld [tilespmem:s1+$0x460]  }
0x13f: {  	[tilespmem:s1+$0xCC00] =	vst v1;
	v1 =	vmul.f32 $8.000000000e+00, v6;
	v6 =	vld [tilespmem:s1+$0x470]  }
0x140: {  	[tilespmem:s1+$0xCC10] =	vst v0;
	v0 =	vmul.f32 $8.000000000e+00, v2;
	v2 =	vld [tilespmem:s1+$0x480]  }
0x141: {  	[tilespmem:s1+$0xCC20] =	vst v1;
	v1 =	vmul.f32 $8.000000000e+00, v3;
	v3 =	vld [tilespmem:s1+$0x490]  }
0x142: {  	[tilespmem:s1+$0xCC30] =	vst v0;
	v0 =	vmul.f32 $8.000000000e+00, v4;
	v4 =	vld [tilespmem:s1+$0x4A0]  }
0x143: {  	[tilespmem:s1+$0xCC40] =	vst v1;
	v1 =	vmul.f32 $8.000000000e+00, v5;
	v7 =	vld [tilespmem:s1+$0x4B0]  }
.Ltmp2:
0x144: {  	[tilespmem:s1+$0xCC50] =	vst v0;
	v5 =	vmul.f32 $8.000000000e+00, v6;
	v0 =	vld [tilespmem:s1+$0x4C0];
	(pc) =	sbr.rel @p0 .LBB2_7-.Ltmp2, $4  }
0x145: {  	[tilespmem:s1+$0xCC60] =	vst v1;
	v6 =	vmul.f32 $8.000000000e+00, v2;
	v1 =	vld [tilespmem:s1+$0x4D0]  }
0x146: {  	[tilespmem:s1+$0xCC70] =	vst v5;
	v8 =	vmul.f32 $8.000000000e+00, v3;
	v2 =	vld [tilespmem:s1+$0x4E0]  }
0x147: {  	[tilespmem:s1+$0xCC80] =	vst v6;
	v5 =	vmul.f32 $8.000000000e+00, v4;
	v3 =	vld [tilespmem:s1+$0x4F0]  }
0x148: {  	s9 =	sshra.s32 s10, $0x2;
	s10 =	sadd.s32 $0x800, s10;
	[tilespmem:s1+$0xCC90] =	vst v8;
	v6 =	vmul.f32 $8.000000000e+00, v7;
	v4 =	vld [tilespmem:s1+$0x500]  }
0x149: {  	v7 =	vld [tilespmem:s9+$0x510];
	[tilespmem:s1+$0xCCA0] =	vst v5;
	v0 =	vmul.f32 $8.000000000e+00, v0  }
0x14a: {  	v5 =	vld [tilespmem:s9+$0x320];
	[tilespmem:s1+$0xCCB0] =	vst v6;
	v1 =	vmul.f32 $8.000000000e+00, v1  }
0x14b: {  	v6 =	vld [tilespmem:s9+$0x330];
	[tilespmem:s1+$0xCCC0] =	vst v0;
	v2 =	vmul.f32 $8.000000000e+00, v2  }
0x14c: {  	v0 =	vld [tilespmem:s9+$0x340];
	[tilespmem:s1+$0xCCD0] =	vst v1;
	v3 =	vmul.f32 $8.000000000e+00, v3  }
0x14d: {  	v1 =	vld [tilespmem:s9+$0x350];
	[tilespmem:s1+$0xCCE0] =	vst v2;
	v4 =	vmul.f32 $8.000000000e+00, v4  }
0x14e: {  	v2 =	vld [tilespmem:s9+$0x360];
	[tilespmem:s1+$0xCCF0] =	vst v3;
	v7 =	vmul.f32 $8.000000000e+00, v7  }
0x14f: {  	v3 =	vld [tilespmem:s9+$0x370];
	[tilespmem:s1+$0xCD00] =	vst v4;
	v4 =	vmul.f32 $8.000000000e+00, v5  }
0x150: {  	v5 =	vld [tilespmem:s9+$0x380];
	[tilespmem:s9+$0xCD10] =	vst v7;
	v6 =	vmul.f32 $8.000000000e+00, v6  }
0x151: {  	[tilespmem:s9+$0xCB20] =	vst v4;
	v4 =	vld [tilespmem:s9+$0x390];
	v0 =	vmul.f32 $8.000000000e+00, v0  }
0x152: {  	[tilespmem:s9+$0xCB30] =	vst v6;
	v6 =	vld [tilespmem:s9+$0x3A0];
	v1 =	vmul.f32 $8.000000000e+00, v1  }
0x153: {  	[tilespmem:s9+$0xCB40] =	vst v0;
	v0 =	vld [tilespmem:s9+$0x3B0];
	v2 =	vmul.f32 $8.000000000e+00, v2  }
0x154: {  	[tilespmem:s9+$0xCB50] =	vst v1;
	v1 =	vld [tilespmem:s9+$0x3C0];
	v3 =	vmul.f32 $8.000000000e+00, v3  }
0x155: {  	[tilespmem:s9+$0xCB60] =	vst v2;
	v2 =	vld [tilespmem:s9+$0x3D0];
	v5 =	vmul.f32 $8.000000000e+00, v5  }
0x156: {  	[tilespmem:s9+$0xCB70] =	vst v3;
	v3 =	vld [tilespmem:s9+$0x3E0];
	v4 =	vmul.f32 $8.000000000e+00, v4  }
0x157: {  	[tilespmem:s9+$0xCB80] =	vst v5;
	v5 =	vld [tilespmem:s9+$0x3F0];
	v6 =	vmul.f32 $8.000000000e+00, v6  }
0x158: {  	[tilespmem:s9+$0xCB90] =	vst v4;
	v4 =	vld [tilespmem:s9+$0x400];
	v0 =	vmul.f32 $8.000000000e+00, v0  }
0x159: {  	[tilespmem:s9+$0xCBA0] =	vst v6;
	v6 =	vld [tilespmem:s9+$0x410];
	v1 =	vmul.f32 $8.000000000e+00, v1  }
0x15a: {  	[tilespmem:s9+$0xCBB0] =	vst v0;
	v0 =	vld [tilespmem:s9+$0x420];
	v2 =	vmul.f32 $8.000000000e+00, v2  }
0x15b: {  	[tilespmem:s9+$0xCBC0] =	vst v1;
	v1 =	vld [tilespmem:s9+$0x430];
	v3 =	vmul.f32 $8.000000000e+00, v3  }
0x15c: {  	[tilespmem:s9+$0xCBD0] =	vst v2;
	v2 =	vld [tilespmem:s9+$0x440];
	v5 =	vmul.f32 $8.000000000e+00, v5  }
0x15d: {  	[tilespmem:s9+$0xCBE0] =	vst v3;
	v3 =	vld [tilespmem:s9+$0x450];
	v4 =	vmul.f32 $8.000000000e+00, v4  }
0x15e: {  	[tilespmem:s9+$0xCBF0] =	vst v5;
	v5 =	vld [tilespmem:s9+$0x460];
	v6 =	vmul.f32 $8.000000000e+00, v6  }
0x15f: {  	[tilespmem:s9+$0xCC00] =	vst v4;
	v4 =	vld [tilespmem:s9+$0x470];
	v0 =	vmul.f32 $8.000000000e+00, v0  }
0x160: {  	[tilespmem:s9+$0xCC10] =	vst v6;
	v6 =	vld [tilespmem:s9+$0x480];
	v1 =	vmul.f32 $8.000000000e+00, v1  }
0x161: {  	[tilespmem:s9+$0xCC20] =	vst v0;
	v0 =	vld [tilespmem:s9+$0x490];
	v2 =	vmul.f32 $8.000000000e+00, v2  }
0x162: {  	[tilespmem:s9+$0xCC30] =	vst v1;
	v1 =	vld [tilespmem:s9+$0x4A0];
	v3 =	vmul.f32 $8.000000000e+00, v3  }
0x163: {  	[tilespmem:s9+$0xCC40] =	vst v2;
	v2 =	vld [tilespmem:s9+$0x4B0];
	v5 =	vmul.f32 $8.000000000e+00, v5  }
0x164: {  	[tilespmem:s9+$0xCC50] =	vst v3;
	v3 =	vld [tilespmem:s9+$0x4C0];
	v4 =	vmul.f32 $8.000000000e+00, v4  }
0x165: {  	[tilespmem:s9+$0xCC60] =	vst v5;
	v5 =	vld [tilespmem:s9+$0x4D0];
	v6 =	vmul.f32 $8.000000000e+00, v6  }
0x166: {  	[tilespmem:s9+$0xCC70] =	vst v4;
	v4 =	vld [tilespmem:s9+$0x4E0];
	v0 =	vmul.f32 $8.000000000e+00, v0  }
0x167: {  	[tilespmem:s9+$0xCC80] =	vst v6;
	v6 =	vld [tilespmem:s9+$0x4F0];
	v1 =	vmul.f32 $8.000000000e+00, v1  }
0x168: {  	[tilespmem:s9+$0xCC90] =	vst v0;
	v0 =	vmul.f32 $8.000000000e+00, v2;
	v2 =	vld [tilespmem:s9+$0x500]  }
0x169: {  	[tilespmem:s9+$0xCCA0] =	vst v1;
	v1 =	vmul.f32 $8.000000000e+00, v3  }
0x16a: {  	[tilespmem:s9+$0xCCB0] =	vst v0;
	v0 =	vmul.f32 $8.000000000e+00, v5  }
0x16b: {  	[tilespmem:s9+$0xCCC0] =	vst v1;
	v1 =	vmul.f32 $8.000000000e+00, v4  }
0x16c: {  	s10 =	sadd.s32 s4, s0;
	[tilespmem:s9+$0xCCD0] =	vst v0;
	v0 =	vmul.f32 $8.000000000e+00, v6  }
0x16d: {  	s1 =	sshll.u32 s10, $0x3;
	[tilespmem:s9+$0xCCE0] =	vst v1;
	v1 =	vmul.f32 $8.000000000e+00, v2  }
0x16e: {  	s10 =	sadd.s32 s0, s13;
	s1 =	sand.u32 $0x1FFFFF00, s1;
	[tilespmem:s9+$0xCCF0] =	vst v0  }
0x16f: {  	s0 =	sshrl.u32 s10, $0x3;
	s1 =	sadd.s32 s2, s1;
	[tilespmem:s9+$0xCD00] =	vst v1;
	s9 =	simm.s32 $0x0  }
0x170: {  	[hbm4b:s1+s9] =	stream.linear.scatter [tilespmem:s23], [sflag:$0x3], $0x6400, $0x38;
	[tilespmem:$0x19320] =	vst v63  }
0x171: {  	s0 =	sadd.s32 s5, s0  }
0x172: {  	[tilespmem:s9], [sflag:$0x5] =	stream.linear.gather [hbm4b:s0+s9], $0x190, $0x38;
	[tilespmem:$0x19320] =	vst v63  }
0x173: {  	_ =	swait.ge [sflag:s18], $0x190  }
0x174: {  	[sflag:s18] =	ssyncset.done $0x0  }
0x175: {  	[sflag:s18] =	ssyncadd.s32 $0xFFFFFE70  }
0x176: {  	[tilespmem:s20], [sflag:$0x1] =	stream.indirect.gather [hbm4b:s6+s19], $0x40, s9, s19, $0xb8;
	[tilespmem:$0x19320] =	vst v63  }
0x177: {  	_ =	swait.ge [sflag:s24], $0x6400  }
0x178: {  	[sflag:s24] =	ssyncset.done $0x0  }
0x179: {  	[sflag:s24] =	ssyncadd.s32 $0xFFFF9C00  }
0x17a: {  	_ =	swait.ge [sflag:s28], $0x6400  }
0x17b: {  	[sflag:s28] =	ssyncset.done $0x0  }
0x17c: {  	s0 =	simm.s32 $0x0;
	[sflag:s28] =	ssyncadd.s32 $0xFFFF9C00  }
0x17d: {  	v0 =	vld [tilespmem:s0+$0x6910]  }
0x17e: {  	v1 =	vld [tilespmem:s0+$0x6720];
	_ =	sdelay $0x1  }
0x17f: {  	v2 =	vld [tilespmem:s0+$0x6730]  }
0x180: {  	v3 =	vld [tilespmem:s0+$0x6740]  }
0x181: {  	v4 =	vld [tilespmem:s0+$0x6750];
	v0 =	vmul.f32 $8.000000000e+00, v0  }
0x182: {  	v5 =	vld [tilespmem:s0+$0x6760];
	v1 =	vmul.f32 $8.000000000e+00, v1  }
0x183: {  	v6 =	vld [tilespmem:s0+$0x6770];
	[tilespmem:s0+$0x13110] =	vst v0  }
0x184: {  	v0 =	vmul.f32 $8.000000000e+00, v2;
	[tilespmem:s0+$0x12F20] =	vst v1;
	v1 =	vld [tilespmem:s0+$0x6790]  }
0x185: {  	v7 =	vld [tilespmem:s0+$0x6780];
	v2 =	vmul.f32 $8.000000000e+00, v3  }
0x186: {  	v3 =	vmul.f32 $8.000000000e+00, v4;
	[tilespmem:s0+$0x12F30] =	vst v0;
	v0 =	vld [tilespmem:s0+$0x67A0]  }
0x187: {  	v4 =	vmul.f32 $8.000000000e+00, v5;
	[tilespmem:s0+$0x12F40] =	vst v2;
	v2 =	vld [tilespmem:s0+$0x67B0]  }
0x188: {  	v5 =	vmul.f32 $8.000000000e+00, v6;
	[tilespmem:s0+$0x12F50] =	vst v3;
	v3 =	vld [tilespmem:s0+$0x67C0]  }
0x189: {  	[tilespmem:s0+$0x12F60] =	vst v4;
	v4 =	vld [tilespmem:s0+$0x67D0];
	v1 =	vmul.f32 $8.000000000e+00, v1  }
0x18a: {  	v6 =	vmul.f32 $8.000000000e+00, v7;
	[tilespmem:s0+$0x12F70] =	vst v5;
	v5 =	vld [tilespmem:s0+$0x67E0]  }
0x18b: {  	v0 =	vmul.f32 $8.000000000e+00, v0;
	[tilespmem:s0+$0x12F90] =	vst v1;
	v1 =	vld [tilespmem:s0+$0x6800]  }
0x18c: {  	[tilespmem:s0+$0x12F80] =	vst v6;
	v6 =	vld [tilespmem:s0+$0x67F0];
	v2 =	vmul.f32 $8.000000000e+00, v2  }
0x18d: {  	v3 =	vmul.f32 $8.000000000e+00, v3;
	[tilespmem:s0+$0x12FA0] =	vst v0;
	v0 =	vld [tilespmem:s0+$0x6810]  }
0x18e: {  	v4 =	vmul.f32 $8.000000000e+00, v4;
	[tilespmem:s0+$0x12FB0] =	vst v2;
	v2 =	vld [tilespmem:s0+$0x6820]  }
0x18f: {  	v5 =	vmul.f32 $8.000000000e+00, v5;
	[tilespmem:s0+$0x12FC0] =	vst v3;
	v3 =	vld [tilespmem:s0+$0x6830]  }
0x190: {  	[tilespmem:s0+$0x12FD0] =	vst v4;
	v4 =	vld [tilespmem:s0+$0x6840];
	v1 =	vmul.f32 $8.000000000e+00, v1  }
0x191: {  	v6 =	vmul.f32 $8.000000000e+00, v6;
	[tilespmem:s0+$0x12FE0] =	vst v5;
	v5 =	vld [tilespmem:s0+$0x6850]  }
0x192: {  	v0 =	vmul.f32 $8.000000000e+00, v0;
	[tilespmem:s0+$0x13000] =	vst v1;
	v1 =	vld [tilespmem:s0+$0x6870]  }
0x193: {  	[tilespmem:s0+$0x12FF0] =	vst v6;
	v6 =	vld [tilespmem:s0+$0x6860];
	v2 =	vmul.f32 $8.000000000e+00, v2  }
0x194: {  	[tilespmem:s0+$0x13010] =	vst v0;
	v0 =	vmul.f32 $8.000000000e+00, v3;
	v3 =	vld [tilespmem:s0+$0x6890]  }
0x195: {  	v7 =	vld [tilespmem:s0+$0x6880];
	[tilespmem:s0+$0x13020] =	vst v2;
	v2 =	vmul.f32 $8.000000000e+00, v4  }
0x196: {  	v4 =	vld [tilespmem:s0+$0x68A0];
	[tilespmem:s0+$0x13030] =	vst v0;
	v0 =	vmul.f32 $8.000000000e+00, v5  }
0x197: {  	v8 =	vld [tilespmem:s0+$0x68B0];
	[tilespmem:s0+$0x13040] =	vst v2;
	v5 =	vmul.f32 $8.000000000e+00, v1  }
0x198: {  	v2 =	vmul.f32 $8.000000000e+00, v6;
	[tilespmem:s0+$0x13050] =	vst v0;
	v0 =	vld [tilespmem:s0+$0x68C0]  }
0x199: {  	v1 =	vld [tilespmem:s0+$0x68D0];
	[tilespmem:s0+$0x13070] =	vst v5;
	v5 =	vmul.f32 $8.000000000e+00, v3  }
0x19a: {  	v6 =	vmul.f32 $8.000000000e+00, v7;
	[tilespmem:s0+$0x13060] =	vst v2;
	v2 =	vld [tilespmem:s0+$0x68E0]  }
0x19b: {  	v3 =	vld [tilespmem:s0+$0x68F0];
	[tilespmem:s0+$0x13090] =	vst v5;
	v5 =	vmul.f32 $8.000000000e+00, v4  }
0x19c: {  	s1 =	simm.s32 $0x200;
	s9 =	simm.s32 $0x1000;
	[tilespmem:s0+$0x13080] =	vst v6;
	v6 =	vmul.f32 $8.000000000e+00, v8;
	v4 =	vld [tilespmem:s0+$0x6900]  }
.LBB2_9:
0x19d: {  	p0 =	sne.s32 s9, $0x18800;
	v7 =	vld [tilespmem:s1+$0x6910];
	[tilespmem:s0+$0x130A0] =	vst v5;
	v0 =	vmul.f32 $8.000000000e+00, v0  }
0x19e: {  	v5 =	vld [tilespmem:s1+$0x6720];
	[tilespmem:s0+$0x130B0] =	vst v6;
	v1 =	vmul.f32 $8.000000000e+00, v1  }
0x19f: {  	v6 =	vld [tilespmem:s1+$0x6730];
	[tilespmem:s0+$0x130C0] =	vst v0;
	v0 =	vmul.f32 $8.000000000e+00, v2  }
0x1a0: {  	v2 =	vld [tilespmem:s1+$0x6740];
	[tilespmem:s0+$0x130D0] =	vst v1;
	v1 =	vmul.f32 $8.000000000e+00, v3  }
0x1a1: {  	v3 =	vld [tilespmem:s1+$0x6750];
	[tilespmem:s0+$0x130E0] =	vst v0;
	v0 =	vmul.f32 $8.000000000e+00, v4  }
0x1a2: {  	v4 =	vld [tilespmem:s1+$0x6760];
	v7 =	vmul.f32 $8.000000000e+00, v7;
	[tilespmem:s0+$0x130F0] =	vst v1  }
0x1a3: {  	v1 =	vmul.f32 $8.000000000e+00, v5;
	v5 =	vld [tilespmem:s1+$0x6770];
	[tilespmem:s0+$0x13100] =	vst v0;
	s0 =	smov.u32 s1  }
0x1a4: {  	v0 =	vmul.f32 $8.000000000e+00, v6;
	v6 =	vld [tilespmem:s0+$0x6780];
	[tilespmem:s0+$0x13110] =	vst v7  }
0x1a5: {  	[tilespmem:s0+$0x12F20] =	vst v1;
	v1 =	vmul.f32 $8.000000000e+00, v2;
	v2 =	vld [tilespmem:s0+$0x6790]  }
0x1a6: {  	[tilespmem:s0+$0x12F30] =	vst v0;
	v0 =	vmul.f32 $8.000000000e+00, v3;
	v3 =	vld [tilespmem:s0+$0x67A0]  }
0x1a7: {  	[tilespmem:s0+$0x12F40] =	vst v1;
	v1 =	vmul.f32 $8.000000000e+00, v4;
	v4 =	vld [tilespmem:s0+$0x67B0]  }
0x1a8: {  	[tilespmem:s0+$0x12F50] =	vst v0;
	v0 =	vmul.f32 $8.000000000e+00, v5;
	v5 =	vld [tilespmem:s0+$0x67C0]  }
0x1a9: {  	[tilespmem:s0+$0x12F60] =	vst v1;
	v1 =	vmul.f32 $8.000000000e+00, v6;
	v6 =	vld [tilespmem:s0+$0x67D0]  }
0x1aa: {  	[tilespmem:s0+$0x12F70] =	vst v0;
	v0 =	vmul.f32 $8.000000000e+00, v2;
	v2 =	vld [tilespmem:s0+$0x67E0]  }
0x1ab: {  	[tilespmem:s0+$0x12F80] =	vst v1;
	v1 =	vmul.f32 $8.000000000e+00, v3;
	v3 =	vld [tilespmem:s0+$0x67F0]  }
0x1ac: {  	[tilespmem:s0+$0x12F90] =	vst v0;
	v0 =	vmul.f32 $8.000000000e+00, v4;
	v4 =	vld [tilespmem:s0+$0x6800]  }
0x1ad: {  	[tilespmem:s0+$0x12FA0] =	vst v1;
	v1 =	vmul.f32 $8.000000000e+00, v5;
	v5 =	vld [tilespmem:s0+$0x6810]  }
0x1ae: {  	[tilespmem:s0+$0x12FB0] =	vst v0;
	v0 =	vmul.f32 $8.000000000e+00, v6;
	v6 =	vld [tilespmem:s0+$0x6820]  }
0x1af: {  	[tilespmem:s0+$0x12FC0] =	vst v1;
	v1 =	vmul.f32 $8.000000000e+00, v2;
	v2 =	vld [tilespmem:s0+$0x6830]  }
0x1b0: {  	[tilespmem:s0+$0x12FD0] =	vst v0;
	v0 =	vmul.f32 $8.000000000e+00, v3;
	v3 =	vld [tilespmem:s0+$0x6840]  }
0x1b1: {  	[tilespmem:s0+$0x12FE0] =	vst v1;
	v1 =	vmul.f32 $8.000000000e+00, v4;
	v4 =	vld [tilespmem:s0+$0x6850]  }
0x1b2: {  	[tilespmem:s0+$0x12FF0] =	vst v0;
	v0 =	vmul.f32 $8.000000000e+00, v5;
	v5 =	vld [tilespmem:s0+$0x6860]  }
0x1b3: {  	[tilespmem:s0+$0x13000] =	vst v1;
	v1 =	vmul.f32 $8.000000000e+00, v6;
	v6 =	vld [tilespmem:s0+$0x6870]  }
0x1b4: {  	[tilespmem:s0+$0x13010] =	vst v0;
	v0 =	vmul.f32 $8.000000000e+00, v2;
	v2 =	vld [tilespmem:s0+$0x6880]  }
0x1b5: {  	[tilespmem:s0+$0x13020] =	vst v1;
	v1 =	vmul.f32 $8.000000000e+00, v3;
	v3 =	vld [tilespmem:s0+$0x6890]  }
0x1b6: {  	[tilespmem:s0+$0x13030] =	vst v0;
	v0 =	vmul.f32 $8.000000000e+00, v4;
	v4 =	vld [tilespmem:s0+$0x68A0]  }
0x1b7: {  	[tilespmem:s0+$0x13040] =	vst v1;
	v1 =	vmul.f32 $8.000000000e+00, v5;
	v7 =	vld [tilespmem:s0+$0x68B0]  }
.Ltmp3:
0x1b8: {  	[tilespmem:s0+$0x13050] =	vst v0;
	v5 =	vmul.f32 $8.000000000e+00, v6;
	v0 =	vld [tilespmem:s0+$0x68C0];
	(pc) =	sbr.rel @p0 .LBB2_9-.Ltmp3, $4  }
0x1b9: {  	[tilespmem:s0+$0x13060] =	vst v1;
	v6 =	vmul.f32 $8.000000000e+00, v2;
	v1 =	vld [tilespmem:s0+$0x68D0]  }
0x1ba: {  	[tilespmem:s0+$0x13070] =	vst v5;
	v8 =	vmul.f32 $8.000000000e+00, v3;
	v2 =	vld [tilespmem:s0+$0x68E0]  }
0x1bb: {  	[tilespmem:s0+$0x13080] =	vst v6;
	v5 =	vmul.f32 $8.000000000e+00, v4;
	v3 =	vld [tilespmem:s0+$0x68F0]  }
0x1bc: {  	s1 =	sshra.s32 s9, $0x2;
	s9 =	sadd.s32 $0x800, s9;
	[tilespmem:s0+$0x13090] =	vst v8;
	v6 =	vmul.f32 $8.000000000e+00, v7;
	v4 =	vld [tilespmem:s0+$0x6900]  }
0x1bd: {  	v7 =	vld [tilespmem:s1+$0x6910];
	[tilespmem:s0+$0x130A0] =	vst v5;
	v0 =	vmul.f32 $8.000000000e+00, v0  }
0x1be: {  	v5 =	vld [tilespmem:s1+$0x6720];
	[tilespmem:s0+$0x130B0] =	vst v6;
	v1 =	vmul.f32 $8.000000000e+00, v1  }
0x1bf: {  	v6 =	vld [tilespmem:s1+$0x6730];
	[tilespmem:s0+$0x130C0] =	vst v0;
	v2 =	vmul.f32 $8.000000000e+00, v2  }
0x1c0: {  	v0 =	vld [tilespmem:s1+$0x6740];
	[tilespmem:s0+$0x130D0] =	vst v1;
	v3 =	vmul.f32 $8.000000000e+00, v3  }
0x1c1: {  	v1 =	vld [tilespmem:s1+$0x6750];
	[tilespmem:s0+$0x130E0] =	vst v2;
	v4 =	vmul.f32 $8.000000000e+00, v4  }
0x1c2: {  	v2 =	vld [tilespmem:s1+$0x6760];
	[tilespmem:s0+$0x130F0] =	vst v3;
	v7 =	vmul.f32 $8.000000000e+00, v7  }
0x1c3: {  	v3 =	vld [tilespmem:s1+$0x6770];
	[tilespmem:s0+$0x13100] =	vst v4;
	v32 =	vmul.f32 $8.000000000e+00, v5  }
0x1c4: {  	v33 =	vld [tilespmem:s1+$0x6780];
	[tilespmem:s1+$0x13110] =	vst v7;
	v6 =	vmul.f32 $8.000000000e+00, v6  }
0x1c5: {  	v34 =	vld [tilespmem:s1+$0x6790];
	[tilespmem:s1+$0x12F20] =	vst v32;
	v0 =	vmul.f32 $8.000000000e+00, v0  }
0x1c6: {  	v35 =	vld [tilespmem:s1+$0x67A0];
	[tilespmem:s1+$0x12F30] =	vst v6;
	v1 =	vmul.f32 $8.000000000e+00, v1  }
0x1c7: {  	v36 =	vld [tilespmem:s1+$0x67B0];
	[tilespmem:s1+$0x12F40] =	vst v0;
	v2 =	vmul.f32 $8.000000000e+00, v2  }
0x1c8: {  	v37 =	vld [tilespmem:s1+$0x67C0];
	[tilespmem:s1+$0x12F50] =	vst v1;
	v3 =	vmul.f32 $8.000000000e+00, v3  }
0x1c9: {  	v38 =	vld [tilespmem:s1+$0x67D0];
	[tilespmem:s1+$0x12F60] =	vst v2;
	v5 =	vmul.f32 $8.000000000e+00, v33  }
0x1ca: {  	v52 =	vld [tilespmem:s1+$0x68B0];
	v4 =	vmul.f32 $8.000000000e+00, v34;
	[tilespmem:s1+$0x12F70] =	vst v3  }
0x1cb: {  	v53 =	vld [tilespmem:s1+$0x68C0];
	v6 =	vmul.f32 $8.000000000e+00, v35;
	[tilespmem:s1+$0x12F80] =	vst v5  }
0x1cc: {  	v54 =	vld [tilespmem:s1+$0x68D0];
	v0 =	vmul.f32 $8.000000000e+00, v36;
	[tilespmem:s1+$0x12F90] =	vst v4  }
0x1cd: {  	v55 =	vld [tilespmem:s1+$0x68E0];
	v1 =	vmul.f32 $8.000000000e+00, v37;
	[tilespmem:s1+$0x12FA0] =	vst v6  }
0x1ce: {  	v56 =	vld [tilespmem:s1+$0x68F0];
	v2 =	vmul.f32 $8.000000000e+00, v38;
	[tilespmem:s1+$0x12FB0] =	vst v0  }
0x1cf: {  	v58 =	vld [tilespmem:s1+$0x6900];
	v57 =	vmul.f32 $8.000000000e+00, v52;
	[tilespmem:s1+$0x12FC0] =	vst v1  }
0x1d0: {  	v39 =	vld [tilespmem:s1+$0x67E0];
	v59 =	vmul.f32 $8.000000000e+00, v53;
	[tilespmem:s1+$0x12FD0] =	vst v2  }
0x1d1: {  	v40 =	vld [tilespmem:s1+$0x67F0];
	v60 =	vmul.f32 $8.000000000e+00, v54;
	[tilespmem:s1+$0x130B0] =	vst v57  }
0x1d2: {  	v41 =	vld [tilespmem:s1+$0x6800];
	v61 =	vmul.f32 $8.000000000e+00, v55;
	[tilespmem:s1+$0x130C0] =	vst v59  }
0x1d3: {  	v42 =	vld [tilespmem:s1+$0x6810];
	v62 =	vmul.f32 $8.000000000e+00, v56;
	[tilespmem:s1+$0x130D0] =	vst v60  }
0x1d4: {  	v43 =	vld [tilespmem:s1+$0x6820];
	v63 =	vmul.f32 $8.000000000e+00, v58;
	[tilespmem:s1+$0x130E0] =	vst v61  }
0x1d5: {  	v44 =	vld [tilespmem:s1+$0x6830];
	v3 =	vmul.f32 $8.000000000e+00, v39;
	[tilespmem:s1+$0x130F0] =	vst v62  }
0x1d6: {  	v45 =	vld [tilespmem:s1+$0x6840];
	v5 =	vmul.f32 $8.000000000e+00, v40;
	[tilespmem:s1+$0x13100] =	vst v63  }
0x1d7: {  	v46 =	vld [tilespmem:s1+$0x6850];
	v4 =	vmul.f32 $8.000000000e+00, v41;
	[tilespmem:s1+$0x12FE0] =	vst v3  }
0x1d8: {  	v47 =	vld [tilespmem:s1+$0x6860];
	v6 =	vmul.f32 $8.000000000e+00, v42;
	[tilespmem:s1+$0x12FF0] =	vst v5  }
0x1d9: {  	v48 =	vld [tilespmem:s1+$0x6870];
	v0 =	vmul.f32 $8.000000000e+00, v43;
	[tilespmem:s1+$0x13000] =	vst v4  }
0x1da: {  	v49 =	vld [tilespmem:s1+$0x6880];
	v1 =	vmul.f32 $8.000000000e+00, v44;
	[tilespmem:s1+$0x13010] =	vst v6  }
0x1db: {  	v50 =	vld [tilespmem:s1+$0x6890];
	v2 =	vmul.f32 $8.000000000e+00, v45;
	[tilespmem:s1+$0x13020] =	vst v0  }
0x1dc: {  	v51 =	vld [tilespmem:s1+$0x68A0];
	v3 =	vmul.f32 $8.000000000e+00, v46;
	[tilespmem:s1+$0x13030] =	vst v1  }
0x1dd: {  	[tilespmem:s1+$0x13040] =	vst v2;
	v5 =	vmul.f32 $8.000000000e+00, v47  }
0x1de: {  	s30 =	sadd.s32 $0x1, s30;
	v4 =	vmul.f32 $8.000000000e+00, v48;
	[tilespmem:s1+$0x13050] =	vst v3  }
0x1df: {  	p0 =	sne.s32 s30, $0x1F;
	v6 =	vmul.f32 $8.000000000e+00, v49;
	[tilespmem:s1+$0x13060] =	vst v5  }
.Ltmp4:
0x1e0: {  	v0 =	vmul.f32 $8.000000000e+00, v50;
	[tilespmem:s1+$0x13070] =	vst v4;
	(pc) =	sbr.rel @p0 .LBB2_6-.Ltmp4, $4  }
0x1e1: {  	s31 =	sshll.u32 s31, $0x3;
	v1 =	vmul.f32 $8.000000000e+00, v51;
	[tilespmem:s1+$0x13080] =	vst v6  }
0x1e2: {  	s0 =	sand.u32 $0x1FFFFF80, s31;
	[tilespmem:s1+$0x13090] =	vst v0  }
0x1e3: {  	s0 =	sadd.s32 s2, s0;
	[tilespmem:s1+$0x130A0] =	vst v1  }
0x1e4: {  	[hbm4b:s0+s3] =	stream.linear.scatter [tilespmem:s25], [sflag:$0x4], $0x6400, $0x38;
	[tilespmem:$0x19320] =	vst v63  }
0x1e5: {  	s0 =	simm.s32 $0x0  }
0x1e6: {  	[tilespmem:s19], [sflag:$0x5] =	stream.linear.gather [hbm4b:s14+s0], $0x190, $0x38;
	[tilespmem:$0x19320] =	vst v63  }
0x1e7: {  	_ =	swait.ge [sflag:s18], $0x190  }
0x1e8: {  	[sflag:s18] =	ssyncset.done $0x0  }
0x1e9: {  	[sflag:s18] =	ssyncadd.s32 $0xFFFFFE70  }
0x1ea: {  	[tilespmem:s21], [sflag:$0x2] =	stream.indirect.gather [hbm4b:s6+s19], $0x40, s19, s19, $0xb8;
	[tilespmem:$0x19320] =	vst v63  }
0x1eb: {  	_ =	swait.ge [sflag:s22], $0x6400  }
0x1ec: {  	[sflag:s22] =	ssyncset.done $0x0  }
0x1ed: {  	[sflag:s22] =	ssyncadd.s32 $0xFFFF9C00  }
0x1ee: {  	_ =	swait.ge [sflag:s26], $0x6400  }
0x1ef: {  	[sflag:s26] =	ssyncset.done $0x0  }
0x1f0: {  	s0 =	simm.s32 $0x0;
	[sflag:s26] =	ssyncadd.s32 $0xFFFF9C00  }
0x1f1: {  	v0 =	vld [tilespmem:s0+$0x510]  }
0x1f2: {  	v1 =	vld [tilespmem:s0+$0x320];
	_ =	sdelay $0x1  }
0x1f3: {  	v2 =	vld [tilespmem:s0+$0x330]  }
0x1f4: {  	v3 =	vld [tilespmem:s0+$0x340]  }
0x1f5: {  	v4 =	vld [tilespmem:s0+$0x350];
	v0 =	vmul.f32 $8.000000000e+00, v0  }
0x1f6: {  	v5 =	vld [tilespmem:s0+$0x360];
	v1 =	vmul.f32 $8.000000000e+00, v1  }
0x1f7: {  	v6 =	vld [tilespmem:s0+$0x370];
	[tilespmem:s0+$0xCD10] =	vst v0  }
0x1f8: {  	v0 =	vmul.f32 $8.000000000e+00, v2;
	[tilespmem:s0+$0xCB20] =	vst v1;
	v1 =	vld [tilespmem:s0+$0x390]  }
0x1f9: {  	v7 =	vld [tilespmem:s0+$0x380];
	v2 =	vmul.f32 $8.000000000e+00, v3  }
0x1fa: {  	v3 =	vmul.f32 $8.000000000e+00, v4;
	[tilespmem:s0+$0xCB30] =	vst v0;
	v0 =	vld [tilespmem:s0+$0x3A0]  }
0x1fb: {  	v4 =	vmul.f32 $8.000000000e+00, v5;
	[tilespmem:s0+$0xCB40] =	vst v2;
	v2 =	vld [tilespmem:s0+$0x3B0]  }
0x1fc: {  	v5 =	vmul.f32 $8.000000000e+00, v6;
	[tilespmem:s0+$0xCB50] =	vst v3;
	v3 =	vld [tilespmem:s0+$0x3C0]  }
0x1fd: {  	[tilespmem:s0+$0xCB60] =	vst v4;
	v4 =	vld [tilespmem:s0+$0x3D0];
	v1 =	vmul.f32 $8.000000000e+00, v1  }
0x1fe: {  	v6 =	vmul.f32 $8.000000000e+00, v7;
	[tilespmem:s0+$0xCB70] =	vst v5;
	v5 =	vld [tilespmem:s0+$0x3E0]  }
0x1ff: {  	v0 =	vmul.f32 $8.000000000e+00, v0;
	[tilespmem:s0+$0xCB90] =	vst v1;
	v1 =	vld [tilespmem:s0+$0x400]  }
0x200: {  	[tilespmem:s0+$0xCB80] =	vst v6;
	v6 =	vld [tilespmem:s0+$0x3F0];
	v2 =	vmul.f32 $8.000000000e+00, v2  }
0x201: {  	v3 =	vmul.f32 $8.000000000e+00, v3;
	[tilespmem:s0+$0xCBA0] =	vst v0;
	v0 =	vld [tilespmem:s0+$0x410]  }
0x202: {  	v4 =	vmul.f32 $8.000000000e+00, v4;
	[tilespmem:s0+$0xCBB0] =	vst v2;
	v2 =	vld [tilespmem:s0+$0x420]  }
0x203: {  	v5 =	vmul.f32 $8.000000000e+00, v5;
	[tilespmem:s0+$0xCBC0] =	vst v3;
	v3 =	vld [tilespmem:s0+$0x430]  }
0x204: {  	[tilespmem:s0+$0xCBD0] =	vst v4;
	v4 =	vld [tilespmem:s0+$0x440];
	v1 =	vmul.f32 $8.000000000e+00, v1  }
0x205: {  	v6 =	vmul.f32 $8.000000000e+00, v6;
	[tilespmem:s0+$0xCBE0] =	vst v5;
	v5 =	vld [tilespmem:s0+$0x450]  }
0x206: {  	v0 =	vmul.f32 $8.000000000e+00, v0;
	[tilespmem:s0+$0xCC00] =	vst v1;
	v1 =	vld [tilespmem:s0+$0x470]  }
0x207: {  	[tilespmem:s0+$0xCBF0] =	vst v6;
	v6 =	vld [tilespmem:s0+$0x460];
	v2 =	vmul.f32 $8.000000000e+00, v2  }
0x208: {  	[tilespmem:s0+$0xCC10] =	vst v0;
	v0 =	vmul.f32 $8.000000000e+00, v3;
	v3 =	vld [tilespmem:s0+$0x490]  }
0x209: {  	v7 =	vld [tilespmem:s0+$0x480];
	[tilespmem:s0+$0xCC20] =	vst v2;
	v2 =	vmul.f32 $8.000000000e+00, v4  }
0x20a: {  	v4 =	vld [tilespmem:s0+$0x4A0];
	[tilespmem:s0+$0xCC30] =	vst v0;
	v0 =	vmul.f32 $8.000000000e+00, v5  }
0x20b: {  	v8 =	vld [tilespmem:s0+$0x4B0];
	[tilespmem:s0+$0xCC40] =	vst v2;
	v5 =	vmul.f32 $8.000000000e+00, v1  }
0x20c: {  	v2 =	vmul.f32 $8.000000000e+00, v6;
	[tilespmem:s0+$0xCC50] =	vst v0;
	v0 =	vld [tilespmem:s0+$0x4C0]  }
0x20d: {  	v1 =	vld [tilespmem:s0+$0x4D0];
	[tilespmem:s0+$0xCC70] =	vst v5;
	v5 =	vmul.f32 $8.000000000e+00, v3  }
0x20e: {  	v6 =	vmul.f32 $8.000000000e+00, v7;
	[tilespmem:s0+$0xCC60] =	vst v2;
	v2 =	vld [tilespmem:s0+$0x4E0]  }
0x20f: {  	v3 =	vld [tilespmem:s0+$0x4F0];
	[tilespmem:s0+$0xCC90] =	vst v5;
	v5 =	vmul.f32 $8.000000000e+00, v4  }
0x210: {  	s1 =	simm.s32 $0x200;
	s9 =	simm.s32 $0x1000;
	[tilespmem:s0+$0xCC80] =	vst v6;
	v6 =	vmul.f32 $8.000000000e+00, v8;
	v4 =	vld [tilespmem:s0+$0x500]  }
.LBB2_12:
0x211: {  	p0 =	sne.s32 s9, $0x18800;
	v7 =	vld [tilespmem:s1+$0x510];
	[tilespmem:s0+$0xCCA0] =	vst v5;
	v0 =	vmul.f32 $8.000000000e+00, v0  }
0x212: {  	v5 =	vld [tilespmem:s1+$0x320];
	[tilespmem:s0+$0xCCB0] =	vst v6;
	v1 =	vmul.f32 $8.000000000e+00, v1  }
0x213: {  	v6 =	vld [tilespmem:s1+$0x330];
	[tilespmem:s0+$0xCCC0] =	vst v0;
	v0 =	vmul.f32 $8.000000000e+00, v2  }
0x214: {  	v2 =	vld [tilespmem:s1+$0x340];
	[tilespmem:s0+$0xCCD0] =	vst v1;
	v1 =	vmul.f32 $8.000000000e+00, v3  }
0x215: {  	v3 =	vld [tilespmem:s1+$0x350];
	[tilespmem:s0+$0xCCE0] =	vst v0;
	v0 =	vmul.f32 $8.000000000e+00, v4  }
0x216: {  	v4 =	vld [tilespmem:s1+$0x360];
	v7 =	vmul.f32 $8.000000000e+00, v7;
	[tilespmem:s0+$0xCCF0] =	vst v1  }
0x217: {  	v1 =	vmul.f32 $8.000000000e+00, v5;
	v5 =	vld [tilespmem:s1+$0x370];
	[tilespmem:s0+$0xCD00] =	vst v0;
	s0 =	smov.u32 s1  }
0x218: {  	v0 =	vmul.f32 $8.000000000e+00, v6;
	v6 =	vld [tilespmem:s0+$0x380];
	[tilespmem:s0+$0xCD10] =	vst v7  }
0x219: {  	[tilespmem:s0+$0xCB20] =	vst v1;
	v1 =	vmul.f32 $8.000000000e+00, v2;
	v2 =	vld [tilespmem:s0+$0x390]  }
0x21a: {  	[tilespmem:s0+$0xCB30] =	vst v0;
	v0 =	vmul.f32 $8.000000000e+00, v3;
	v3 =	vld [tilespmem:s0+$0x3A0]  }
0x21b: {  	[tilespmem:s0+$0xCB40] =	vst v1;
	v1 =	vmul.f32 $8.000000000e+00, v4;
	v4 =	vld [tilespmem:s0+$0x3B0]  }
0x21c: {  	[tilespmem:s0+$0xCB50] =	vst v0;
	v0 =	vmul.f32 $8.000000000e+00, v5;
	v5 =	vld [tilespmem:s0+$0x3C0]  }
0x21d: {  	[tilespmem:s0+$0xCB60] =	vst v1;
	v1 =	vmul.f32 $8.000000000e+00, v6;
	v6 =	vld [tilespmem:s0+$0x3D0]  }
0x21e: {  	[tilespmem:s0+$0xCB70] =	vst v0;
	v0 =	vmul.f32 $8.000000000e+00, v2;
	v2 =	vld [tilespmem:s0+$0x3E0]  }
0x21f: {  	[tilespmem:s0+$0xCB80] =	vst v1;
	v1 =	vmul.f32 $8.000000000e+00, v3;
	v3 =	vld [tilespmem:s0+$0x3F0]  }
0x220: {  	[tilespmem:s0+$0xCB90] =	vst v0;
	v0 =	vmul.f32 $8.000000000e+00, v4;
	v4 =	vld [tilespmem:s0+$0x400]  }
0x221: {  	[tilespmem:s0+$0xCBA0] =	vst v1;
	v1 =	vmul.f32 $8.000000000e+00, v5;
	v5 =	vld [tilespmem:s0+$0x410]  }
0x222: {  	[tilespmem:s0+$0xCBB0] =	vst v0;
	v0 =	vmul.f32 $8.000000000e+00, v6;
	v6 =	vld [tilespmem:s0+$0x420]  }
0x223: {  	[tilespmem:s0+$0xCBC0] =	vst v1;
	v1 =	vmul.f32 $8.000000000e+00, v2;
	v2 =	vld [tilespmem:s0+$0x430]  }
0x224: {  	[tilespmem:s0+$0xCBD0] =	vst v0;
	v0 =	vmul.f32 $8.000000000e+00, v3;
	v3 =	vld [tilespmem:s0+$0x440]  }
0x225: {  	[tilespmem:s0+$0xCBE0] =	vst v1;
	v1 =	vmul.f32 $8.000000000e+00, v4;
	v4 =	vld [tilespmem:s0+$0x450]  }
0x226: {  	[tilespmem:s0+$0xCBF0] =	vst v0;
	v0 =	vmul.f32 $8.000000000e+00, v5;
	v5 =	vld [tilespmem:s0+$0x460]  }
0x227: {  	[tilespmem:s0+$0xCC00] =	vst v1;
	v1 =	vmul.f32 $8.000000000e+00, v6;
	v6 =	vld [tilespmem:s0+$0x470]  }
0x228: {  	[tilespmem:s0+$0xCC10] =	vst v0;
	v0 =	vmul.f32 $8.000000000e+00, v2;
	v2 =	vld [tilespmem:s0+$0x480]  }
0x229: {  	[tilespmem:s0+$0xCC20] =	vst v1;
	v1 =	vmul.f32 $8.000000000e+00, v3;
	v3 =	vld [tilespmem:s0+$0x490]  }
0x22a: {  	[tilespmem:s0+$0xCC30] =	vst v0;
	v0 =	vmul.f32 $8.000000000e+00, v4;
	v4 =	vld [tilespmem:s0+$0x4A0]  }
0x22b: {  	[tilespmem:s0+$0xCC40] =	vst v1;
	v1 =	vmul.f32 $8.000000000e+00, v5;
	v7 =	vld [tilespmem:s0+$0x4B0]  }
.Ltmp5:
0x22c: {  	[tilespmem:s0+$0xCC50] =	vst v0;
	v5 =	vmul.f32 $8.000000000e+00, v6;
	v0 =	vld [tilespmem:s0+$0x4C0];
	(pc) =	sbr.rel @p0 .LBB2_12-.Ltmp5, $4  }
0x22d: {  	[tilespmem:s0+$0xCC60] =	vst v1;
	v6 =	vmul.f32 $8.000000000e+00, v2;
	v1 =	vld [tilespmem:s0+$0x4D0]  }
0x22e: {  	[tilespmem:s0+$0xCC70] =	vst v5;
	v8 =	vmul.f32 $8.000000000e+00, v3;
	v2 =	vld [tilespmem:s0+$0x4E0]  }
0x22f: {  	[tilespmem:s0+$0xCC80] =	vst v6;
	v5 =	vmul.f32 $8.000000000e+00, v4;
	v3 =	vld [tilespmem:s0+$0x4F0]  }
0x230: {  	s1 =	sshra.s32 s9, $0x2;
	s9 =	sadd.s32 $0x800, s9;
	[tilespmem:s0+$0xCC90] =	vst v8;
	v6 =	vmul.f32 $8.000000000e+00, v7;
	v4 =	vld [tilespmem:s0+$0x500]  }
0x231: {  	v7 =	vld [tilespmem:s1+$0x510];
	[tilespmem:s0+$0xCCA0] =	vst v5;
	v0 =	vmul.f32 $8.000000000e+00, v0  }
0x232: {  	v5 =	vld [tilespmem:s1+$0x320];
	[tilespmem:s0+$0xCCB0] =	vst v6;
	v1 =	vmul.f32 $8.000000000e+00, v1  }
0x233: {  	v6 =	vld [tilespmem:s1+$0x330];
	[tilespmem:s0+$0xCCC0] =	vst v0;
	v2 =	vmul.f32 $8.000000000e+00, v2  }
0x234: {  	v0 =	vld [tilespmem:s1+$0x340];
	[tilespmem:s0+$0xCCD0] =	vst v1;
	v3 =	vmul.f32 $8.000000000e+00, v3  }
0x235: {  	v1 =	vld [tilespmem:s1+$0x350];
	[tilespmem:s0+$0xCCE0] =	vst v2;
	v4 =	vmul.f32 $8.000000000e+00, v4  }
0x236: {  	v2 =	vld [tilespmem:s1+$0x360];
	[tilespmem:s0+$0xCCF0] =	vst v3;
	v7 =	vmul.f32 $8.000000000e+00, v7  }
0x237: {  	v3 =	vld [tilespmem:s1+$0x370];
	[tilespmem:s0+$0xCD00] =	vst v4;
	v4 =	vmul.f32 $8.000000000e+00, v5  }
0x238: {  	v5 =	vld [tilespmem:s1+$0x380];
	[tilespmem:s1+$0xCD10] =	vst v7;
	v6 =	vmul.f32 $8.000000000e+00, v6  }
0x239: {  	[tilespmem:s1+$0xCB20] =	vst v4;
	v4 =	vld [tilespmem:s1+$0x390];
	v0 =	vmul.f32 $8.000000000e+00, v0  }
0x23a: {  	[tilespmem:s1+$0xCB30] =	vst v6;
	v6 =	vld [tilespmem:s1+$0x3A0];
	v1 =	vmul.f32 $8.000000000e+00, v1  }
0x23b: {  	[tilespmem:s1+$0xCB40] =	vst v0;
	v0 =	vld [tilespmem:s1+$0x3B0];
	v2 =	vmul.f32 $8.000000000e+00, v2  }
0x23c: {  	[tilespmem:s1+$0xCB50] =	vst v1;
	v1 =	vld [tilespmem:s1+$0x3C0];
	v3 =	vmul.f32 $8.000000000e+00, v3  }
0x23d: {  	[tilespmem:s1+$0xCB60] =	vst v2;
	v2 =	vld [tilespmem:s1+$0x3D0];
	v5 =	vmul.f32 $8.000000000e+00, v5  }
0x23e: {  	[tilespmem:s1+$0xCB70] =	vst v3;
	v3 =	vld [tilespmem:s1+$0x3E0];
	v4 =	vmul.f32 $8.000000000e+00, v4  }
0x23f: {  	[tilespmem:s1+$0xCB80] =	vst v5;
	v5 =	vld [tilespmem:s1+$0x3F0];
	v6 =	vmul.f32 $8.000000000e+00, v6  }
0x240: {  	[tilespmem:s1+$0xCB90] =	vst v4;
	v4 =	vld [tilespmem:s1+$0x400];
	v0 =	vmul.f32 $8.000000000e+00, v0  }
0x241: {  	[tilespmem:s1+$0xCBA0] =	vst v6;
	v6 =	vld [tilespmem:s1+$0x410];
	v1 =	vmul.f32 $8.000000000e+00, v1  }
0x242: {  	[tilespmem:s1+$0xCBB0] =	vst v0;
	v0 =	vld [tilespmem:s1+$0x420];
	v2 =	vmul.f32 $8.000000000e+00, v2  }
0x243: {  	[tilespmem:s1+$0xCBC0] =	vst v1;
	v1 =	vld [tilespmem:s1+$0x430];
	v3 =	vmul.f32 $8.000000000e+00, v3  }
0x244: {  	[tilespmem:s1+$0xCBD0] =	vst v2;
	v2 =	vld [tilespmem:s1+$0x440];
	v5 =	vmul.f32 $8.000000000e+00, v5  }
0x245: {  	[tilespmem:s1+$0xCBE0] =	vst v3;
	v3 =	vld [tilespmem:s1+$0x450];
	v4 =	vmul.f32 $8.000000000e+00, v4  }
0x246: {  	[tilespmem:s1+$0xCBF0] =	vst v5;
	v5 =	vld [tilespmem:s1+$0x460];
	v6 =	vmul.f32 $8.000000000e+00, v6  }
0x247: {  	[tilespmem:s1+$0xCC00] =	vst v4;
	v4 =	vld [tilespmem:s1+$0x470];
	v0 =	vmul.f32 $8.000000000e+00, v0  }
0x248: {  	[tilespmem:s1+$0xCC10] =	vst v6;
	v6 =	vld [tilespmem:s1+$0x480];
	v1 =	vmul.f32 $8.000000000e+00, v1  }
0x249: {  	[tilespmem:s1+$0xCC20] =	vst v0;
	v0 =	vld [tilespmem:s1+$0x490];
	v2 =	vmul.f32 $8.000000000e+00, v2  }
0x24a: {  	[tilespmem:s1+$0xCC30] =	vst v1;
	v1 =	vld [tilespmem:s1+$0x4A0];
	v3 =	vmul.f32 $8.000000000e+00, v3  }
0x24b: {  	[tilespmem:s1+$0xCC40] =	vst v2;
	v2 =	vld [tilespmem:s1+$0x4B0];
	v5 =	vmul.f32 $8.000000000e+00, v5  }
0x24c: {  	[tilespmem:s1+$0xCC50] =	vst v3;
	v3 =	vld [tilespmem:s1+$0x4C0];
	v4 =	vmul.f32 $8.000000000e+00, v4  }
0x24d: {  	[tilespmem:s1+$0xCC60] =	vst v5;
	v5 =	vld [tilespmem:s1+$0x4D0];
	v6 =	vmul.f32 $8.000000000e+00, v6  }
0x24e: {  	[tilespmem:s1+$0xCC70] =	vst v4;
	v4 =	vld [tilespmem:s1+$0x4E0];
	v0 =	vmul.f32 $8.000000000e+00, v0  }
0x24f: {  	[tilespmem:s1+$0xCC80] =	vst v6;
	v6 =	vld [tilespmem:s1+$0x4F0];
	v1 =	vmul.f32 $8.000000000e+00, v1  }
0x250: {  	[tilespmem:s1+$0xCC90] =	vst v0;
	v0 =	vmul.f32 $8.000000000e+00, v2;
	v2 =	vld [tilespmem:s1+$0x500]  }
0x251: {  	[tilespmem:s1+$0xCCA0] =	vst v1;
	v1 =	vmul.f32 $8.000000000e+00, v3  }
0x252: {  	[tilespmem:s1+$0xCCB0] =	vst v0;
	v0 =	vmul.f32 $8.000000000e+00, v5  }
0x253: {  	[tilespmem:s1+$0xCCC0] =	vst v1;
	v1 =	vmul.f32 $8.000000000e+00, v4  }
0x254: {  	[tilespmem:s1+$0xCCD0] =	vst v0;
	v0 =	vmul.f32 $8.000000000e+00, v6  }
0x255: {  	[tilespmem:s1+$0xCCE0] =	vst v1;
	v1 =	vmul.f32 $8.000000000e+00, v2  }
0x256: {  	[tilespmem:s1+$0xCCF0] =	vst v0  }
0x257: {  	s31 =	simm.s32 $0x0;
	[tilespmem:s1+$0xCD00] =	vst v1  }
0x258: {  	[hbm4b:s15+s31] =	stream.linear.scatter [tilespmem:s23], [sflag:$0x3], $0x6400, $0x38;
	[tilespmem:$0x19320] =	vst v63  }
0x259: {  	_ =	swait.ge [sflag:s24], $0x6400  }
0x25a: {  	[sflag:s24] =	ssyncset.done $0x0  }
0x25b: {  	[sflag:s24] =	ssyncadd.s32 $0xFFFF9C00  }
0x25c: {  	_ =	swait.ge [sflag:s28], $0x6400  }
0x25d: {  	[sflag:s28] =	ssyncset.done $0x0  }
0x25e: {  	s0 =	simm.s32 $0x0;
	[sflag:s28] =	ssyncadd.s32 $0xFFFF9C00  }
0x25f: {  	v0 =	vld [tilespmem:s0+$0x6910]  }
0x260: {  	v1 =	vld [tilespmem:s0+$0x6720];
	_ =	sdelay $0x1  }
0x261: {  	v2 =	vld [tilespmem:s0+$0x6730]  }
0x262: {  	v3 =	vld [tilespmem:s0+$0x6740]  }
0x263: {  	v4 =	vld [tilespmem:s0+$0x6750];
	v0 =	vmul.f32 $8.000000000e+00, v0  }
0x264: {  	v5 =	vld [tilespmem:s0+$0x6760];
	v1 =	vmul.f32 $8.000000000e+00, v1  }
0x265: {  	v6 =	vld [tilespmem:s0+$0x6770];
	[tilespmem:s0+$0x13110] =	vst v0  }
0x266: {  	v0 =	vmul.f32 $8.000000000e+00, v2;
	[tilespmem:s0+$0x12F20] =	vst v1;
	v1 =	vld [tilespmem:s0+$0x6790]  }
0x267: {  	v7 =	vld [tilespmem:s0+$0x6780];
	v2 =	vmul.f32 $8.000000000e+00, v3  }
0x268: {  	v3 =	vmul.f32 $8.000000000e+00, v4;
	[tilespmem:s0+$0x12F30] =	vst v0;
	v0 =	vld [tilespmem:s0+$0x67A0]  }
0x269: {  	v4 =	vmul.f32 $8.000000000e+00, v5;
	[tilespmem:s0+$0x12F40] =	vst v2;
	v2 =	vld [tilespmem:s0+$0x67B0]  }
0x26a: {  	v5 =	vmul.f32 $8.000000000e+00, v6;
	[tilespmem:s0+$0x12F50] =	vst v3;
	v3 =	vld [tilespmem:s0+$0x67C0]  }
0x26b: {  	[tilespmem:s0+$0x12F60] =	vst v4;
	v4 =	vld [tilespmem:s0+$0x67D0];
	v1 =	vmul.f32 $8.000000000e+00, v1  }
0x26c: {  	v6 =	vmul.f32 $8.000000000e+00, v7;
	[tilespmem:s0+$0x12F70] =	vst v5;
	v5 =	vld [tilespmem:s0+$0x67E0]  }
0x26d: {  	v0 =	vmul.f32 $8.000000000e+00, v0;
	[tilespmem:s0+$0x12F90] =	vst v1;
	v1 =	vld [tilespmem:s0+$0x6800]  }
0x26e: {  	[tilespmem:s0+$0x12F80] =	vst v6;
	v6 =	vld [tilespmem:s0+$0x67F0];
	v2 =	vmul.f32 $8.000000000e+00, v2  }
0x26f: {  	v3 =	vmul.f32 $8.000000000e+00, v3;
	[tilespmem:s0+$0x12FA0] =	vst v0;
	v0 =	vld [tilespmem:s0+$0x6810]  }
0x270: {  	v4 =	vmul.f32 $8.000000000e+00, v4;
	[tilespmem:s0+$0x12FB0] =	vst v2;
	v2 =	vld [tilespmem:s0+$0x6820]  }
0x271: {  	v5 =	vmul.f32 $8.000000000e+00, v5;
	[tilespmem:s0+$0x12FC0] =	vst v3;
	v3 =	vld [tilespmem:s0+$0x6830]  }
0x272: {  	[tilespmem:s0+$0x12FD0] =	vst v4;
	v4 =	vld [tilespmem:s0+$0x6840];
	v1 =	vmul.f32 $8.000000000e+00, v1  }
0x273: {  	v6 =	vmul.f32 $8.000000000e+00, v6;
	[tilespmem:s0+$0x12FE0] =	vst v5;
	v5 =	vld [tilespmem:s0+$0x6850]  }
0x274: {  	v0 =	vmul.f32 $8.000000000e+00, v0;
	[tilespmem:s0+$0x13000] =	vst v1;
	v1 =	vld [tilespmem:s0+$0x6870]  }
0x275: {  	[tilespmem:s0+$0x12FF0] =	vst v6;
	v6 =	vld [tilespmem:s0+$0x6860];
	v2 =	vmul.f32 $8.000000000e+00, v2  }
0x276: {  	[tilespmem:s0+$0x13010] =	vst v0;
	v0 =	vmul.f32 $8.000000000e+00, v3;
	v3 =	vld [tilespmem:s0+$0x6890]  }
0x277: {  	v7 =	vld [tilespmem:s0+$0x6880];
	[tilespmem:s0+$0x13020] =	vst v2;
	v2 =	vmul.f32 $8.000000000e+00, v4  }
0x278: {  	v4 =	vld [tilespmem:s0+$0x68A0];
	[tilespmem:s0+$0x13030] =	vst v0;
	v0 =	vmul.f32 $8.000000000e+00, v5  }
0x279: {  	v8 =	vld [tilespmem:s0+$0x68B0];
	[tilespmem:s0+$0x13040] =	vst v2;
	v5 =	vmul.f32 $8.000000000e+00, v1  }
0x27a: {  	v2 =	vmul.f32 $8.000000000e+00, v6;
	[tilespmem:s0+$0x13050] =	vst v0;
	v0 =	vld [tilespmem:s0+$0x68C0]  }
0x27b: {  	v1 =	vld [tilespmem:s0+$0x68D0];
	[tilespmem:s0+$0x13070] =	vst v5;
	v5 =	vmul.f32 $8.000000000e+00, v3  }
0x27c: {  	v6 =	vmul.f32 $8.000000000e+00, v7;
	[tilespmem:s0+$0x13060] =	vst v2;
	v2 =	vld [tilespmem:s0+$0x68E0]  }
0x27d: {  	v3 =	vld [tilespmem:s0+$0x68F0];
	[tilespmem:s0+$0x13090] =	vst v5;
	v5 =	vmul.f32 $8.000000000e+00, v4  }
0x27e: {  	s9 =	simm.s32 $0x1000;
	s1 =	simm.s32 $0x200;
	[tilespmem:s0+$0x13080] =	vst v6;
	v6 =	vmul.f32 $8.000000000e+00, v8;
	v4 =	vld [tilespmem:s0+$0x6900]  }
.LBB2_14:
0x27f: {  	p0 =	sne.s32 s9, $0x18800;
	v7 =	vld [tilespmem:s1+$0x6910];
	[tilespmem:s0+$0x130A0] =	vst v5;
	v0 =	vmul.f32 $8.000000000e+00, v0  }
0x280: {  	v5 =	vld [tilespmem:s1+$0x6720];
	[tilespmem:s0+$0x130B0] =	vst v6;
	v1 =	vmul.f32 $8.000000000e+00, v1  }
0x281: {  	v6 =	vld [tilespmem:s1+$0x6730];
	[tilespmem:s0+$0x130C0] =	vst v0;
	v0 =	vmul.f32 $8.000000000e+00, v2  }
0x282: {  	v2 =	vld [tilespmem:s1+$0x6740];
	[tilespmem:s0+$0x130D0] =	vst v1;
	v1 =	vmul.f32 $8.000000000e+00, v3  }
0x283: {  	v3 =	vld [tilespmem:s1+$0x6750];
	[tilespmem:s0+$0x130E0] =	vst v0;
	v0 =	vmul.f32 $8.000000000e+00, v4  }
0x284: {  	v4 =	vld [tilespmem:s1+$0x6760];
	v7 =	vmul.f32 $8.000000000e+00, v7;
	[tilespmem:s0+$0x130F0] =	vst v1  }
0x285: {  	v1 =	vmul.f32 $8.000000000e+00, v5;
	v5 =	vld [tilespmem:s1+$0x6770];
	[tilespmem:s0+$0x13100] =	vst v0;
	s0 =	smov.u32 s1  }
0x286: {  	v0 =	vmul.f32 $8.000000000e+00, v6;
	v6 =	vld [tilespmem:s0+$0x6780];
	[tilespmem:s0+$0x13110] =	vst v7  }
0x287: {  	[tilespmem:s0+$0x12F20] =	vst v1;
	v1 =	vmul.f32 $8.000000000e+00, v2;
	v2 =	vld [tilespmem:s0+$0x6790]  }
0x288: {  	[tilespmem:s0+$0x12F30] =	vst v0;
	v0 =	vmul.f32 $8.000000000e+00, v3;
	v3 =	vld [tilespmem:s0+$0x67A0]  }
0x289: {  	[tilespmem:s0+$0x12F40] =	vst v1;
	v1 =	vmul.f32 $8.000000000e+00, v4;
	v4 =	vld [tilespmem:s0+$0x67B0]  }
0x28a: {  	[tilespmem:s0+$0x12F50] =	vst v0;
	v0 =	vmul.f32 $8.000000000e+00, v5;
	v5 =	vld [tilespmem:s0+$0x67C0]  }
0x28b: {  	[tilespmem:s0+$0x12F60] =	vst v1;
	v1 =	vmul.f32 $8.000000000e+00, v6;
	v6 =	vld [tilespmem:s0+$0x67D0]  }
0x28c: {  	[tilespmem:s0+$0x12F70] =	vst v0;
	v0 =	vmul.f32 $8.000000000e+00, v2;
	v2 =	vld [tilespmem:s0+$0x67E0]  }
0x28d: {  	[tilespmem:s0+$0x12F80] =	vst v1;
	v1 =	vmul.f32 $8.000000000e+00, v3;
	v3 =	vld [tilespmem:s0+$0x67F0]  }
0x28e: {  	[tilespmem:s0+$0x12F90] =	vst v0;
	v0 =	vmul.f32 $8.000000000e+00, v4;
	v4 =	vld [tilespmem:s0+$0x6800]  }
0x28f: {  	[tilespmem:s0+$0x12FA0] =	vst v1;
	v1 =	vmul.f32 $8.000000000e+00, v5;
	v5 =	vld [tilespmem:s0+$0x6810]  }
0x290: {  	[tilespmem:s0+$0x12FB0] =	vst v0;
	v0 =	vmul.f32 $8.000000000e+00, v6;
	v6 =	vld [tilespmem:s0+$0x6820]  }
0x291: {  	[tilespmem:s0+$0x12FC0] =	vst v1;
	v1 =	vmul.f32 $8.000000000e+00, v2;
	v2 =	vld [tilespmem:s0+$0x6830]  }
0x292: {  	[tilespmem:s0+$0x12FD0] =	vst v0;
	v0 =	vmul.f32 $8.000000000e+00, v3;
	v3 =	vld [tilespmem:s0+$0x6840]  }
0x293: {  	[tilespmem:s0+$0x12FE0] =	vst v1;
	v1 =	vmul.f32 $8.000000000e+00, v4;
	v4 =	vld [tilespmem:s0+$0x6850]  }
0x294: {  	[tilespmem:s0+$0x12FF0] =	vst v0;
	v0 =	vmul.f32 $8.000000000e+00, v5;
	v5 =	vld [tilespmem:s0+$0x6860]  }
0x295: {  	[tilespmem:s0+$0x13000] =	vst v1;
	v1 =	vmul.f32 $8.000000000e+00, v6;
	v6 =	vld [tilespmem:s0+$0x6870]  }
0x296: {  	[tilespmem:s0+$0x13010] =	vst v0;
	v0 =	vmul.f32 $8.000000000e+00, v2;
	v2 =	vld [tilespmem:s0+$0x6880]  }
0x297: {  	[tilespmem:s0+$0x13020] =	vst v1;
	v1 =	vmul.f32 $8.000000000e+00, v3;
	v3 =	vld [tilespmem:s0+$0x6890]  }
0x298: {  	[tilespmem:s0+$0x13030] =	vst v0;
	v0 =	vmul.f32 $8.000000000e+00, v4;
	v4 =	vld [tilespmem:s0+$0x68A0]  }
0x299: {  	[tilespmem:s0+$0x13040] =	vst v1;
	v1 =	vmul.f32 $8.000000000e+00, v5;
	v7 =	vld [tilespmem:s0+$0x68B0]  }
.Ltmp6:
0x29a: {  	[tilespmem:s0+$0x13050] =	vst v0;
	v5 =	vmul.f32 $8.000000000e+00, v6;
	v0 =	vld [tilespmem:s0+$0x68C0];
	(pc) =	sbr.rel @p0 .LBB2_14-.Ltmp6, $4  }
0x29b: {  	[tilespmem:s0+$0x13060] =	vst v1;
	v6 =	vmul.f32 $8.000000000e+00, v2;
	v1 =	vld [tilespmem:s0+$0x68D0]  }
0x29c: {  	[tilespmem:s0+$0x13070] =	vst v5;
	v8 =	vmul.f32 $8.000000000e+00, v3;
	v2 =	vld [tilespmem:s0+$0x68E0]  }
0x29d: {  	[tilespmem:s0+$0x13080] =	vst v6;
	v5 =	vmul.f32 $8.000000000e+00, v4;
	v3 =	vld [tilespmem:s0+$0x68F0]  }
0x29e: {  	s1 =	sshra.s32 s9, $0x2;
	s9 =	sadd.s32 $0x800, s9;
	[tilespmem:s0+$0x13090] =	vst v8;
	v6 =	vmul.f32 $8.000000000e+00, v7;
	v4 =	vld [tilespmem:s0+$0x6900]  }
0x29f: {  	v7 =	vld [tilespmem:s1+$0x6910];
	[tilespmem:s0+$0x130A0] =	vst v5;
	v0 =	vmul.f32 $8.000000000e+00, v0  }
0x2a0: {  	v5 =	vld [tilespmem:s1+$0x6720];
	[tilespmem:s0+$0x130B0] =	vst v6;
	v1 =	vmul.f32 $8.000000000e+00, v1  }
0x2a1: {  	v6 =	vld [tilespmem:s1+$0x6730];
	[tilespmem:s0+$0x130C0] =	vst v0;
	v2 =	vmul.f32 $8.000000000e+00, v2  }
0x2a2: {  	v0 =	vld [tilespmem:s1+$0x6740];
	[tilespmem:s0+$0x130D0] =	vst v1;
	v3 =	vmul.f32 $8.000000000e+00, v3  }
0x2a3: {  	v1 =	vld [tilespmem:s1+$0x6750];
	[tilespmem:s0+$0x130E0] =	vst v2;
	v4 =	vmul.f32 $8.000000000e+00, v4  }
0x2a4: {  	v2 =	vld [tilespmem:s1+$0x6760];
	[tilespmem:s0+$0x130F0] =	vst v3;
	v7 =	vmul.f32 $8.000000000e+00, v7  }
0x2a5: {  	v3 =	vld [tilespmem:s1+$0x6770];
	[tilespmem:s0+$0x13100] =	vst v4;
	v32 =	vmul.f32 $8.000000000e+00, v5  }
0x2a6: {  	v33 =	vld [tilespmem:s1+$0x6780];
	[tilespmem:s1+$0x13110] =	vst v7;
	v6 =	vmul.f32 $8.000000000e+00, v6  }
0x2a7: {  	v34 =	vld [tilespmem:s1+$0x6790];
	[tilespmem:s1+$0x12F20] =	vst v32;
	v0 =	vmul.f32 $8.000000000e+00, v0  }
0x2a8: {  	v35 =	vld [tilespmem:s1+$0x67A0];
	[tilespmem:s1+$0x12F30] =	vst v6;
	v1 =	vmul.f32 $8.000000000e+00, v1  }
0x2a9: {  	v36 =	vld [tilespmem:s1+$0x67B0];
	[tilespmem:s1+$0x12F40] =	vst v0;
	v2 =	vmul.f32 $8.000000000e+00, v2  }
0x2aa: {  	v37 =	vld [tilespmem:s1+$0x67C0];
	[tilespmem:s1+$0x12F50] =	vst v1;
	v3 =	vmul.f32 $8.000000000e+00, v3  }
0x2ab: {  	v38 =	vld [tilespmem:s1+$0x67D0];
	[tilespmem:s1+$0x12F60] =	vst v2;
	v5 =	vmul.f32 $8.000000000e+00, v33  }
0x2ac: {  	v52 =	vld [tilespmem:s1+$0x68B0];
	v4 =	vmul.f32 $8.000000000e+00, v34;
	[tilespmem:s1+$0x12F70] =	vst v3  }
0x2ad: {  	v53 =	vld [tilespmem:s1+$0x68C0];
	v6 =	vmul.f32 $8.000000000e+00, v35;
	[tilespmem:s1+$0x12F80] =	vst v5  }
0x2ae: {  	v54 =	vld [tilespmem:s1+$0x68D0];
	v0 =	vmul.f32 $8.000000000e+00, v36;
	[tilespmem:s1+$0x12F90] =	vst v4  }
0x2af: {  	v55 =	vld [tilespmem:s1+$0x68E0];
	v1 =	vmul.f32 $8.000000000e+00, v37;
	[tilespmem:s1+$0x12FA0] =	vst v6  }
0x2b0: {  	v56 =	vld [tilespmem:s1+$0x68F0];
	v2 =	vmul.f32 $8.000000000e+00, v38;
	[tilespmem:s1+$0x12FB0] =	vst v0  }
0x2b1: {  	v58 =	vld [tilespmem:s1+$0x6900];
	v57 =	vmul.f32 $8.000000000e+00, v52;
	[tilespmem:s1+$0x12FC0] =	vst v1  }
0x2b2: {  	v39 =	vld [tilespmem:s1+$0x67E0];
	v59 =	vmul.f32 $8.000000000e+00, v53;
	[tilespmem:s1+$0x12FD0] =	vst v2  }
0x2b3: {  	v40 =	vld [tilespmem:s1+$0x67F0];
	v60 =	vmul.f32 $8.000000000e+00, v54;
	[tilespmem:s1+$0x130B0] =	vst v57  }
0x2b4: {  	v41 =	vld [tilespmem:s1+$0x6800];
	v61 =	vmul.f32 $8.000000000e+00, v55;
	[tilespmem:s1+$0x130C0] =	vst v59  }
0x2b5: {  	v42 =	vld [tilespmem:s1+$0x6810];
	v62 =	vmul.f32 $8.000000000e+00, v56;
	[tilespmem:s1+$0x130D0] =	vst v60  }
0x2b6: {  	v43 =	vld [tilespmem:s1+$0x6820];
	v63 =	vmul.f32 $8.000000000e+00, v58;
	[tilespmem:s1+$0x130E0] =	vst v61  }
0x2b7: {  	v44 =	vld [tilespmem:s1+$0x6830];
	v3 =	vmul.f32 $8.000000000e+00, v39;
	[tilespmem:s1+$0x130F0] =	vst v62  }
0x2b8: {  	v45 =	vld [tilespmem:s1+$0x6840];
	v5 =	vmul.f32 $8.000000000e+00, v40;
	[tilespmem:s1+$0x13100] =	vst v63  }
0x2b9: {  	v46 =	vld [tilespmem:s1+$0x6850];
	v4 =	vmul.f32 $8.000000000e+00, v41;
	[tilespmem:s1+$0x12FE0] =	vst v3  }
0x2ba: {  	v47 =	vld [tilespmem:s1+$0x6860];
	v6 =	vmul.f32 $8.000000000e+00, v42;
	[tilespmem:s1+$0x12FF0] =	vst v5  }
0x2bb: {  	v48 =	vld [tilespmem:s1+$0x6870];
	v0 =	vmul.f32 $8.000000000e+00, v43;
	[tilespmem:s1+$0x13000] =	vst v4  }
0x2bc: {  	v49 =	vld [tilespmem:s1+$0x6880];
	v1 =	vmul.f32 $8.000000000e+00, v44;
	[tilespmem:s1+$0x13010] =	vst v6  }
0x2bd: {  	v50 =	vld [tilespmem:s1+$0x6890];
	v2 =	vmul.f32 $8.000000000e+00, v45;
	[tilespmem:s1+$0x13020] =	vst v0  }
0x2be: {  	v51 =	vld [tilespmem:s1+$0x68A0];
	v3 =	vmul.f32 $8.000000000e+00, v46;
	[tilespmem:s1+$0x13030] =	vst v1  }
0x2bf: {  	[tilespmem:s1+$0x13040] =	vst v2;
	v5 =	vmul.f32 $8.000000000e+00, v47  }
0x2c0: {  	v4 =	vmul.f32 $8.000000000e+00, v48;
	[tilespmem:s1+$0x13050] =	vst v3  }
0x2c1: {  	v6 =	vmul.f32 $8.000000000e+00, v49;
	[tilespmem:s1+$0x13060] =	vst v5  }
0x2c2: {  	v0 =	vmul.f32 $8.000000000e+00, v50;
	[tilespmem:s1+$0x13070] =	vst v4  }
0x2c3: {  	v1 =	vmul.f32 $8.000000000e+00, v51;
	[tilespmem:s1+$0x13080] =	vst v6  }
0x2c4: {  	[tilespmem:s1+$0x13090] =	vst v0  }
0x2c5: {  	s29 =	sadd.s32 $0x1, s29;
	[tilespmem:s1+$0x130A0] =	vst v1  }
0x2c6: {  	[hbm4b:s16+s3] =	stream.linear.scatter [tilespmem:s25], [sflag:$0x4], $0x6400, $0x38;
	[tilespmem:$0x19320] =	vst v63  }
0x2c7: {  	p0 =	sne.s32 s29, s17;
	_ =	swait.ge [sflag:s26], $0x6400  }
.Ltmp7:
0x2c8: {  	[sflag:s26] =	ssyncset.done $0x0;
	(pc) =	sbr.rel @p0 .LBB2_1-.Ltmp7, $4  }
0x2c9: {  	[sflag:s26] =	ssyncadd.s32 $0xFFFF9C00  }
0x2ca: {  	_ =	swait.ge [sflag:s28], $0x6400  }
0x2cb: {  	[sflag:s28] =	ssyncset.done $0x0  }
0x2cc: {  	[sflag:s28] =	ssyncadd.s32 $0xFFFF9C00  }
0x2cd: {  	_ =	sfence.sel $0x180000  }
0x2ce: {  	[bflag:$0x0] =	sbarrier.arrive $0xFFFF  }
0x2cf: {  	_ =	strace $0x90000047  }
0x2d0: {  	s0 =	stileid.u32;
	[bflag:$0x2] =	sbarrier.arrive $0xFFFF  }
0x2d1: {  	p0 =	sne.s32 s0, $0x0;
	s0 =	rddreg [dreg:$0x2]  }
0x2d2: {  	s0 =	sadd.s32 @!p0 $0x100000, s0  }
0x2d3: {  	[sflag:s0] =	ssyncadd.tile.s32 @!p0 $0x1;
	_ =	shalt  }
.Lfunc_end2:
_tile_overlayer_lowered:
.L_overlay_start_2:
0x2d4: {  	(tag) =	ssettag $0x2  }
0x2d5: {  	s0 =	rddreg [dreg:$0x0];
	s2 =	stileid.u32  }
0x2d6: {  	s1 =	rddreg [dreg:$0x1];
	p0 =	sne.s32 s2, $0x0  }
0x2d7: {  	s3 =	rddreg [dreg:$0x2];
	[bflag:$0x3] =	sbarrier.arrive $0xFFFF;
	s2 =	simm.s32 @!p0 $0x1C05  }
0x2d8: {  	[timem:s3], [sflag:s2] =	dma.local @!p0 [hbm:s0], s1  }
0x2d9: {  	s0 =	simm.s32 @!p0 $0x5  }
0x2da: {  	_ =	swait.ge @!p0 [sflag:s0], s1  }
0x2db: {  	s1 =	ssub.s32 @!p0 $0x0, s1;
	[sflag:s0] =	ssyncset.done @!p0 $0x0  }
0x2dc: {  	[sflag:s0] =	ssyncadd.s32 @!p0 s1  }
0x2dd: {  	[bflag:$0x3] =	sbarrier.arrive $0xFFFF  }
0x2de: {  	_ =	shalt  }

// kernel: sparse-core-data-format-call.cloned.1.call-start
scs
called_computation_lowered:
.L_overlay_start_0:
0x0: {  	s2 =	sld [smem:$0x3FD9]  }
0x1: {  	s3 =	sld [smem:$0x3FFE];
	_ =	sdelay $0x1  }
0x2: {  	s1 =	srdreg.scid  }
0x3: {  	s0 =	sand.u32 $0x1, s1  }
0x4: {  	s18 =	sshll.u32 s0, $0xA;
	s2 =	sadd.s32 s3, s2  }
0x5: {  	s2 =	sadd.s32 s2, s18  }
0x6: {  	[smem:$0x3FC6] =	sst s2  }
0x7: {  	_ = 	snop  }
0x8: {  	s2 =	sld [smem:$0x3FD0];
	(tm) =	ssettm $0x1  }
0x9: {  	s19 =	sld [smem:$0x3FFB];
	_ =	sdelay $0x3  }
0xa: {  	_ =	strace s19  }
0xb: {  	s3 =	sld [smem:$0x3FFC];
	_ =	sdelay $0x3  }
0xc: {  	_ =	strace s3  }
0xd: {  	s3 =	sld [smem:$0x3FFD];
	_ =	sdelay $0x3  }
0xe: {  	_ =	strace s3  }
0xf: {  	_ =	strace $0x8FFFFFFF  }
0x10: {  	s20 =	sld [smem:$0x3FDB];
	_ =	sdelay $0x1  }
0x11: {  	s4 =	simm.s32 $_scs_section_size  }
0x12: {  	s5 =	simm.s32 $_size__tile_overlayer_lowered;
	s6 =	simm.s32 $_tile_overlayer_lowered  }
0x13: {  	s23 =	simm.s32 $0x1BFF;
	s22 =	sshll.u32 s6, $0x1;
	s3 =	sadd.s32 s4, s20  }
0x14: {  	s7 =	simm.s32 $0x0;
	s21 =	sshll.u32 s5, $0x1;
	s5 =	sadd.s32 s22, s3  }
0x15: {  	[timem:s7], [sflag:s23] =	dma.local [hbm:s5], s21  }
0x16: {  	_ =	swait.ge [sflag:s23], s21  }
0x17: {  	s4 =	ssub.s32 $0x0, s21;
	[sflag:s23] =	ssyncset.done $0x0  }
0x18: {  	[sflag:s23] =	ssyncadd.s32 s4;
	_ =	sdelay $0x1  }
0x19: {  	s24 =	simm.s32 $0x1B8B  }
0x1a: {  	_ =	swait.ge [sflag:s24], $0x1  }
0x1b: {  	[sflag:s24] =	ssyncset.done $0x0  }
0x1c: {  	s26 =	simm.s32 $0x1B8E;
	s25 =	sld [smem:$0x3FFE];
	[sflag:s24] =	ssyncadd.s32 $0xFFFFFFFF  }
0x1d: {  	s27 =	simm.s32 $execute0_lowered;
	[smem:$0x3FD2] =	sst s26  }
0x1e: {  	s5 =	sshll.u32 s27, $0x1;
	_ =	strace $0x80000049;
	[dreg:$0x1] =	wrdreg $0xFFFFFFFF  }
0x1f: {  	s28 =	simm.s32 $_size_execute0_lowered;
	s3 =	sadd.s32 s3, s5;
	[dreg:$0x0] =	wrdreg $0x0  }
0x20: {  	s5 =	sshll.u32 s28, $0x1;
	[dreg:$0x2] =	wrdreg s3  }
0x21: {  	[dreg:$0x3] =	wrdreg s5  }
0x22: {  	[dreg:$0x4] =	wrdreg $0xC0  }
0x23: {  	_ =	task [dreg:s7], $0x5FFFF  }
0x24: {  	[dreg:$0x1] =	wrdreg $0xFFFFFFFF  }
0x25: {  	[dreg:$0x0] =	wrdreg $0x60  }
0x26: {  	[dreg:$0x2] =	wrdreg s25  }
0x27: {  	[dreg:$0x3] =	wrdreg s2  }
0x28: {  	[dreg:$0x4] =	wrdreg $0x9  }
0x29: {  	_ =	task.clear_ibuf [dreg:s7], $0x5FFFF;
	_ =	strace $0x90000049  }
0x2a: {  	s29 =	simm.s32 $0x9;
	_ =	strace $0x8000004B  }
0x2b: {  	_ =	swait.ge [sflag:s29], $0x1  }
0x2c: {  	[sflag:s29] =	ssyncadd.s32 $0xFFFFFFFF  }
0x2d: {  	_ =	strace $0x9000004B  }
0x2e: {  	_ =	sfence  }
0x2f: {  	s30 =	sld [smem:$0x0];
	_ =	sdelay $0x2  }
0x30: {  	s31 =	sshll.u32 s1, $0xD;
	s1 =	sshrl.u32 s1, $0x2  }
0x31: {  	s3 =	sand.u32 $0x4000, s31;
	s1 =	sadd.s32 s1, s30  }
0x32: {  	s0 =	sor.u32 s3, s0;
	s1 =	sshll.u32 s1, $0x11  }
0x33: {  	s0 =	sor.u32 s1, s0  }
0x34: {  	s0 =	sadd.s32 $0x8F2B, s0  }
0x35: {  	[sflag:s0] =	ssyncadd.remote.s32 $0x1  }
0x36: {  	_ =	sfence.sel $0xFFFF  }
0x37: {  	[dreg:$0x0] =	wrdreg $0xFFFFFFFF;
	(pc) =	sbr.abs _section_cstart, $3  }
0x38: {  	[dreg:$0x1] =	wrdreg $0xFFFFFFFF  }
0x39: {  	_ =	task.clear_ibuf [dreg:s7], $0x2FFFF;
	_ =	strace $0x9FFFFFFF  }
0x3a: {  	(tm) =	ssettm $0x7FFFFFFF  }
0x3b: {  	_ =	shalt  }
tec
execute0_lowered:
.L_overlay_start_1:
0x0: {  	(tag) =	ssettag $0x1  }
0x1: {  	s0 =	srdreg.scid  }
0x2: {  	s1 =	sshll.u32 s0, $0x4  }
0x3: {  	s0 =	stileid.u32;
	s1 =	sand.u32 $0x10, s1  }
0x4: {  	s1 =	sor.u32 s0, s1  }
0x5: {  	s6 =	rddreg [dreg:$0x0];
	s4 =	simm.s32 $0x1;
	s2 =	sshll.u32 s1, $0x7  }
0x6: {  	s7 =	simm.s32 $0x2;
	s12 =	simm.s32 $0x0;
	s1 =	ssub.s32 $0x1000, s2  }
0x7: {  	s8 =	simm.s32 $0x8000;
	s13 =	simm.s32 $0x0;
	s3 =	sand.u32 $0xF80, s1  }
0x8: {  	s9 =	simm.s32 $0x0;
	s5 =	sshrl.u32 s1, $0xC;
	p0 =	sne.s32 s3, $0x0  }
.Ltmp0:
0x9: {  	s1 =	rddreg [dreg:$0x2];
	s4 =	simm.s32 @!p0 $0x0;
	(pc) =	sbr.rel .LBB1_1-.Ltmp0, $4  }
0xa: {  	s11 =	simm.s32 $0x0;
	s3 =	rddreg [dreg:$0x1];
	s5 =	sadd.s32 s4, s5  }
0xb: {  	_ =	strace $0x8000004A;
	s4 =	simm.s32 $0x1;
	s5 =	smul.u32 $0xC8, s5  }
0xc: {  	s6 =	sadd.s32 $0xA00, s6;
	s10 =	smov.u32 s2;
	[sflag:s4] =	ssyncpa.u1 $0x0  }
0xd: {  	p0 =	por $0x0, $0x0;
	[sflag:s7] =	ssyncpa.u1 $0x0;
	s7 =	sor.u32 $0x1, s5  }
.LBB1_4:
0xe: {  	s16 =	sshll.u32 s13, $0x3;
	s17 =	sand.u32 $0x78, s13  }
0xf: {  	s30 =	sand.u32 $0x7E00, s13;
	s12 =	sshll.u32 s12, $0xF;
	s16 =	sand.u32 $0xC00, s16  }
0x10: {  	[tilespmem:s15+$0x810 ss:$0x81] =	vst.msk $0xffff, v2;
	s31 =	sand.u32 $0x7, s13;
	s16 =	sor.u32 s17, s16;
	s17 =	sadd.s32 s3, s30  }
0x11: {  	[tilespmem:s15+$0x1020 ss:$0x81] =	vst.msk $0xffff, v0;
	s13 =	sshll.u32 s31, $0x12;
	s12 =	sadd.s32 s12, s17;
	s16 =	sshrl.u32 s16, $0x3  }
0x12: {  	[tilespmem:s15+$0x0 ss:$0x81] =	vst.msk $0xffff, v1;
	s13 =	sor.u32 $0x400, s13;
	s12 =	sadd.s32 s16, s12  }
0x13: {  	[hbm4b:s12+s13] =	stream.strided.scatter [tilespmem:s14], [sflag:$0x2], $0x2000, s8, s13, $0x20;
	[tilespmem:$0x8080] =	vst v63  }
.LBB1_5:
0x14: {  	s14 =	sadd.s32 $0x1, s9  }
0x15: {  	s12 =	sadd.s32 $0x1000, s10;
	s16 =	smov.u32 s10;
	p2 =	sgt.s32 s14, $0xC7  }
0x16: {  	s16 =	smov.u32 @p2 s12  }
0x17: {  	s14 =	simm.s32 @p2 $0x0;
	p2 =	sgt.s32 s16, $0xFFF  }
0x18: {  	s16 =	smov.u32 @p2 s2;
	p2 =	sne.s32 s11, s7  }
.Ltmp1:
0x19: {  	p1 =	slt.u32 s11, $0x2;
	(pc) =	sbr.rel @!p2 .LBB1_6-.Ltmp1, $4  }
0x1a: {  	s15 =	simm.s32 @!p1 $0x2  }
0x1b: {  	s13 =	smov.u32 s10;
	p0 =	por !p0, !p0;
	_ =	swait.ge @!p1 [sflag:s15], $0x2000  }
0x1c: {  	s12 =	smov.u32 s9;
	[sflag:s15] =	ssyncset.done @!p1 $0x0;
	s9 =	smov.u32 s14  }
0x1d: {  	s11 =	sadd.s32 $0x1, s11;
	[sflag:s15] =	ssyncadd.s32 @!p1 $0xFFFFE000;
	s10 =	smov.u32 s16  }
.LBB1_1:
0x1e: {  	p1 =	sge.u32 s11, s5  }
0x1f: {  	s14 =	sand.u32 @!p1 $0x1FFFFFF, s9  }
0x20: {  	s15 =	smulhi.u32 @!p1 $0x147AE15, s14;
	_ =	sdelay $0x1  }
0x21: {  	s15 =	smul.u32 @!p1 $0xC8, s15  }
0x22: {  	s16 =	sxor.u32 @!p1 $0xFFFFFFFF, s11;
	s17 =	smul.u32 @!p1 $0xC80, s10  }
0x23: {  	s31 =	sadd.s32 $0xFFFFFFFF, s11;
	s16 =	sshll.u32 @!p1 s16, $0xD;
	s14 =	ssub.s32 @!p1 s14, s15  }
0x24: {  	s15 =	sand.u32 @!p1 $0x2000, s16;
	s16 =	sadd.s32 @!p1 s6, s17;
	s14 =	sshll.u32 @!p1 s14, $0x4  }
0x25: {  	s17 =	simm.s32 @!p1 $0x6400;
	s14 =	sadd.s32 @!p1 s14, s16;
	s16 =	simm.s32 @!p1 $0x40  }
0x26: {  	[tilespmem:s15], [sflag:$0x1] =	stream.strided.gather @!p1 [hbm4b:s14+s16], $0x2000, s17, s16, $0x38;
	[tilespmem:$0x8080] =	vst v63  }
0x27: {  	p1 =	sge.u32 s31, s5  }
.Ltmp2:
0x28: {  	_ = 	snop;
	(pc) =	sbr.rel @p1 .LBB1_5-.Ltmp2, $1  }
0x29: {  	_ =	sdelay $0x3  }
0x2a: {  	s14 =	simm.s32 $0x1  }
0x2b: {  	_ =	swait.ge [sflag:s4], $0x2000;
	s14 =	simm.s32 @!p0 $0x0  }
0x2c: {  	[sflag:s4] =	ssyncset.done $0x0;
	s15 =	sshll.u32 s14, $0xD  }
0x2d: {  	[sflag:s4] =	ssyncadd.s32 $0xFFFFE000;
	s18 =	sor.u32 $0x20, s15  }
0x2e: {  	s14 =	smul.u32 $0x8100, s14;
	v3 =	vld [tilespmem:s18+$0x10]  }
0x2f: {  	s30 =	sand.u32 $0x1, s11;
	v2 =	vld [tilespmem:s18+$0xFFFFFFF0]  }
0x30: {  	s15 =	smul.u32 $0x8100, s30;
	s14 =	sshrl.u32 s14, $0x2;
	v0 =	vld [tilespmem:s18+$0x0]  }
0x31: {  	v1 =	vld [tilespmem:s18+$0xFFFFFFE0];
	s16 =	sor.u32 $0x4000, s14  }
0x32: {  	s31 =	sshrl.u32 s15, $0x2;
	s15 =	sadd.s32 $0x0, s16  }
0x33: {  	s17 =	simm.s32 $0x4;
	s18 =	sadd.s32 $0x40, s18;
	s14 =	sor.u32 $0x4000, s31;
	[tilespmem:s15+$0x1830 ss:$0x81] =	vst.msk $0xffff, v3  }
.LBB1_3:
0x34: {  	v3 =	vld [tilespmem:s18+$0x10];
	p1 =	sne.s32 s17, $0x1FC;
	[tilespmem:s15+$0x810 ss:$0x81] =	vst.msk $0xffff, v2;
	s19 =	smov.u32 s17;
	s17 =	sadd.s32 $0x4, s17  }
.Ltmp3:
0x35: {  	v2 =	vld [tilespmem:s18+$0xFFFFFFF0];
	[tilespmem:s15+$0x1020 ss:$0x81] =	vst.msk $0xffff, v0;
	(pc) =	sbr.rel @p1 .LBB1_3-.Ltmp3, $4  }
0x36: {  	v0 =	vld [tilespmem:s18+$0x0];
	[tilespmem:s15+$0x0 ss:$0x81] =	vst.msk $0xffff, v1  }
0x37: {  	s15 =	sshra.s32 s19, $0x2;
	v1 =	vld [tilespmem:s18+$0xFFFFFFE0]  }
0x38: {  	s15 =	sadd.s32 s15, s16  }
0x39: {  	s18 =	sadd.s32 $0x40, s18;
	[tilespmem:s15+$0x1830 ss:$0x81] =	vst.msk $0xffff, v3  }
.Ltmp4:
0x3a: {  	_ = 	snop;
	(pc) =	sbr.rel .LBB1_4-.Ltmp4, $1  }
0x3b: {  	_ =	sdelay $0x3  }
.LBB1_6:
0x3c: {  	_ =	sfence.sel $0x180000  }
0x3d: {  	s2 =	simm.s32 $0x1;
	[bflag:$0x0] =	sbarrier.arrive $0xFFFF  }
0x3e: {  	s31 =	simm.s32 $0x2;
	[sflag:s2] =	ssyncpa.u1 $0x1  }
0x3f: {  	[sflag:s31] =	ssyncpa.u1 $0x1  }
0x40: {  	p0 =	sne.s32 s0, $0x0;
	_ =	strace $0x9000004A  }
0x41: {  	s0 =	sadd.s32 @!p0 $0x100000, s1;
	[bflag:$0x2] =	sbarrier.arrive $0xFFFF  }
0x42: {  	[sflag:s0] =	ssyncadd.tile.s32 @!p0 $0x1;
	_ =	shalt  }
.Lfunc_end1:
_tile_overlayer_lowered:
.L_overlay_start_2:
0x43: {  	(tag) =	ssettag $0x2  }
0x44: {  	s0 =	rddreg [dreg:$0x0];
	s2 =	stileid.u32  }
0x45: {  	s1 =	rddreg [dreg:$0x1];
	p0 =	sne.s32 s2, $0x0  }
0x46: {  	s3 =	rddreg [dreg:$0x2];
	[bflag:$0x3] =	sbarrier.arrive $0xFFFF;
	s2 =	simm.s32 @!p0 $0x1C01  }
0x47: {  	[timem:s3], [sflag:s2] =	dma.local @!p0 [hbm:s0], s1  }
0x48: {  	s0 =	simm.s32 @!p0 $0x1  }
0x49: {  	_ =	swait.ge @!p0 [sflag:s0], s1  }
0x4a: {  	s1 =	ssub.s32 @!p0 $0x0, s1;
	[sflag:s0] =	ssyncset.done @!p0 $0x0  }
0x4b: {  	[sflag:s0] =	ssyncadd.s32 @!p0 s1  }
0x4c: {  	[bflag:$0x3] =	sbarrier.arrive $0xFFFF  }
0x4d: {  	_ =	shalt  }

</sc_bundles>
